<compile_context>
chip_gen: v7x
topology: tpu7x:2x2x1
jax: 0.10.2.dev20260603
libtpu: 0.0.44.dev20260713+nightly
codegen_flags: <defaults>
</compile_context>

<pallas_src>
import functools

import jax
import jax.numpy as jnp
from jax import lax
from jax.experimental import pallas as pl
from jax.experimental.pallas import tpu as pltpu
from jax.experimental.pallas import tpu_sc as plsc

VOCAB = 1000000
EMB = 32
OUT = 100
B = 16384
L = 50

NC = 2
NS = 16
NW = NC * NS
SENT_PER_W = B // NW
SENT_PER_CHUNK = 2
IDX_PER_CHUNK = SENT_PER_CHUNK * L
CHUNKS_PER_W = SENT_PER_W // SENT_PER_CHUNK
K = 8
NBUF = 2 * K
NPAIR = CHUNKS_PER_W // NBUF
INV_L = 1.0 / L

@functools.cache
def _build_sc_pool():
    mesh = plsc.VectorSubcoreMesh(core_axis_name="c", subcore_axis_name="s")
    return functools.partial(
        pl.kernel,
        out_type=jax.ShapeDtypeStruct((B, EMB), jnp.float32),
        mesh=mesh,
        scratch_types=[
            pltpu.VMEM((CHUNKS_PER_W, IDX_PER_CHUNK), jnp.int32),
            pltpu.VMEM((NBUF, IDX_PER_CHUNK, EMB), jnp.float32),
            pltpu.VMEM((SENT_PER_W, EMB), jnp.float32),
            pltpu.SemaphoreType.DMA,
            pltpu.SemaphoreType.DMA,
        ],
        compiler_params=pltpu.CompilerParams(use_tc_tiling_on_sc=False),
    )(_sc_pool_body)


def _sc_pool_body(idx_hbm, table_hbm, out_hbm, idx_v, rows_v, out_v, sem0, sem1):
    wid = lax.axis_index("s") * NC + lax.axis_index("c")

    pltpu.sync_copy(idx_hbm.at[wid], idx_v)

    def fire(j, buf, sem):
        pltpu.make_async_copy(
            table_hbm.at[idx_v.at[j]], rows_v.at[buf], sem).start()

    def drain(buf, sem):
        pltpu.make_async_copy(
            table_hbm.at[idx_v.at[0]], rows_v.at[buf], sem).wait()

    def process(buf, sent_base):
        def acc_body(l, carry):
            a0, a1, b0, b1 = carry
            r = 5 * l
            for u in range(5):
                a0 = a0 + rows_v[buf, r + u, pl.ds(0, 16)]
                a1 = a1 + rows_v[buf, r + u, pl.ds(16, 16)]
                b0 = b0 + rows_v[buf, L + r + u, pl.ds(0, 16)]
                b1 = b1 + rows_v[buf, L + r + u, pl.ds(16, 16)]
            return a0, a1, b0, b1

        z = jnp.zeros((16,), jnp.float32)
        a0, a1, b0, b1 = lax.fori_loop(0, L // 5, acc_body, (z, z, z, z))
        out_v[sent_base, pl.ds(0, 16)] = a0 * INV_L
        out_v[sent_base, pl.ds(16, 16)] = a1 * INV_L
        out_v[sent_base + 1, pl.ds(0, 16)] = b0 * INV_L
        out_v[sent_base + 1, pl.ds(16, 16)] = b1 * INV_L

    for b in range(K):
        fire(b, b, sem0)

    def pair_body(pair, _):
        base = pair * NBUF
        for b in range(K):
            fire(base + K + b, K + b, sem1)
        for b in range(K):
            drain(b, sem0)
        for b in range(K):
            process(b, (base + b) * SENT_PER_CHUNK)

        @pl.when(pair < NPAIR - 1)
        def _():
            for b in range(K):
                fire(base + NBUF + b, b, sem0)

        for b in range(K):
            drain(K + b, sem1)
        for b in range(K):
            process(K + b, (base + K + b) * SENT_PER_CHUNK)
        return 0

    lax.fori_loop(0, NPAIR, pair_body, 0)

    pltpu.sync_copy(out_v, out_hbm.at[pl.ds(wid * SENT_PER_W, SENT_PER_W)])


SGRP = 262144
VOCAB_PAD = 4 * SGRP
TBLK = 8192
TGRID = SGRP // TBLK


def _tc_transpose_body(x0, x1, x2, x3, out_ref):
    x = jnp.concatenate([x0[...], x1[...], x2[...], x3[...]], axis=0)
    eye = jnp.eye(4 * EMB, dtype=jnp.float32)
    out_ref[...] = jax.lax.dot_general(
        x, eye, (((0,), (0,)), ((), ())),
        preferred_element_type=jnp.float32)


def _tc_transpose(table_t):
    maxb = VOCAB // TBLK
    specs = [
        pl.BlockSpec(
            (EMB, TBLK),
            lambda j, a=a: (0, jnp.minimum(TGRID * a + j, maxb)))
        for a in range(4)
    ]
    return pl.pallas_call(
        _tc_transpose_body,
        grid=(TGRID,),
        in_specs=specs,
        out_specs=pl.BlockSpec((TBLK, 4 * EMB), lambda j: (j, 0)),
        out_shape=jax.ShapeDtypeStruct((SGRP, 4 * EMB), jnp.float32),
    )(table_t, table_t, table_t, table_t)


BT = 2048
OUT_PAD = 128
NEG = -1e30


def _tc_loss_body(enc_ref, w_ref, b_ref, y_ref, out_ref):
    i = pl.program_id(0)
    enc = enc_ref[...]
    w = w_ref[...]
    logits = lax.dot_general(
        enc, w, (((1,), (1,)), ((), ())),
        preferred_element_type=jnp.float32) + b_ref[...]
    m = jnp.max(logits, axis=1, keepdims=True)
    lse = m[:, 0] + jnp.log(jnp.sum(jnp.exp(logits - m), axis=1))
    cols = lax.broadcasted_iota(jnp.int32, (BT, OUT_PAD), 1)
    picked = jnp.sum(jnp.where(cols == y_ref[...], logits, 0.0), axis=1)
    part = jnp.sum(lse - picked) * (1.0 / B)

    @pl.when(i == 0)
    def _():
        out_ref[0, 0] = 0.0

    out_ref[0, 0] += part


def _tc_loss(enc, w_pad, b_pad, y2d):
    out = pl.pallas_call(
        _tc_loss_body,
        grid=(B // BT,),
        in_specs=[
            pl.BlockSpec((BT, EMB), lambda i: (i, 0)),
            pl.BlockSpec((OUT_PAD, EMB), lambda i: (0, 0)),
            pl.BlockSpec((1, OUT_PAD), lambda i: (0, 0)),
            pl.BlockSpec((BT, 1), lambda i: (i, 0)),
        ],
        out_specs=pl.BlockSpec((1, 1), lambda i: (0, 0),
                               memory_space=pltpu.SMEM),
        out_shape=jax.ShapeDtypeStruct((1, 1), jnp.float32),
    )(enc, w_pad, b_pad, y2d)
    return out[0, 0]


def kernel(input_x, input_y, table, W, b):
    t32 = input_x.astype(jnp.int32)
    idx = (4 * (t32 & (SGRP - 1)) + (t32 >> 18)).reshape(
        NW, CHUNKS_PER_W, IDX_PER_CHUNK)
    tbl_lin = _tc_transpose(table.T).reshape(VOCAB_PAD, EMB)
    enc = _build_sc_pool()(idx, tbl_lin)
    w_pad = jnp.zeros((OUT_PAD, EMB), jnp.float32).at[:OUT, :].set(W)
    b_pad = jnp.full((1, OUT_PAD), NEG, jnp.float32).at[0, :OUT].set(b)
    y2d = input_y.astype(jnp.int32).reshape(B, 1)
    return _tc_loss(enc, w_pad, b_pad, y2d)

# --- scband reference (transcript-rebuilt; emitter-appended) ---
"""Pipeline reference for scband-sum-model-30245159699078 (READ-ONLY COPY).

The authoritative reference and input builder live on the scoring server;
editing this copy changes nothing except your own understanding.
"""

import jax, jax.numpy as jnp
import numpy as np

VOCAB = 1000000
EMB = 32
OUT = 100
B = 16384
L = 50

def setup_inputs(seed: int = 0) -> dict:
    key = jax.random.key(seed)
    k1, k2, k3, k4, k5 = jax.random.split(key, 5)
    input_x = jax.random.randint(k1, (B, L), 0, VOCAB, dtype=jnp.int64)
    input_y = jax.random.randint(k2, (B,), 0, OUT, dtype=jnp.int64)
    table = jax.random.normal(k3, (VOCAB, EMB), dtype=jnp.float32)
    W = jax.random.normal(k4, (OUT, EMB), dtype=jnp.float32) * (1.0 / np.sqrt(EMB))
    b = jax.random.normal(k5, (OUT,), dtype=jnp.float32) * 0.01
    return {"input_x": input_x, "input_y": input_y, "table": table, "W": W, "b": b}

def reference(input_x, input_y, table, W, b):
    # Embedding lookup (gather)
    embed = jnp.take(table, input_x, axis=0)            # [B, L, EMB]
    # Original loops over batch taking mean over sentence_lens[index]; here all
    # sentences are full length L, so this is a mean over axis 1.
    encoder_outputs = jnp.mean(embed, axis=1)           # [B, EMB]
    predict = encoder_outputs @ W.T + b                 # [B, OUT]
    logp = jax.nn.log_softmax(predict, axis=-1)
    # NLLLoss with mean reduction
    nll = -jnp.take_along_axis(logp, input_y[:, None], axis=1)[:, 0]
    loss = jnp.mean(nll)
    return loss

if __name__ == "__main__":
    import jax
    _d = setup_inputs()
    print(jax.jit(kernel)(*tuple(_d.values())))

</pallas_src>

<mosaic_0001>
#map = affine_map<(d0, d1) -> (0, 0, 0)>
#map1 = affine_map<(d0, d1) -> (0, 0)>
module attributes {stable_mosaic.version = 14 : i64} {
  func.func @_sc_pool_body(%arg0: i32, %arg1: i32, %arg2: memref<32x256x100xi32, #tpu.memory_space<hbm>>, %arg3: memref<1048576x32xf32, #tpu.memory_space<hbm>>, %arg4: memref<16384x32xf32, #tpu.memory_space<hbm>>, %arg5: memref<256x100xi32, #tpu.memory_space<vmem>>, %arg6: memref<16x100x32xf32, #tpu.memory_space<vmem>>, %arg7: memref<512x32xf32, #tpu.memory_space<vmem>>, %arg8: memref<!tpu.dma_semaphore, #tpu.memory_space<semaphore_mem>>, %arg9: memref<!tpu.dma_semaphore, #tpu.memory_space<semaphore_mem>>) attributes {dimension_semantics = [#tpu.dimension_semantics<core_parallel>, #tpu.dimension_semantics<subcore_parallel>], iteration_bounds = array<i64: 2, 16>, scalar_prefetch = 0 : i64, scratch_operands = 5 : i64, tpu.core_type = #tpu.core_type<sc_vector_subcore>, window_params = [{transform_indices = #map}, {transform_indices = #map1}, {transform_indices = #map1}]} {
    %mul3A = arith.constant 2 : i32
    %mul3A_0 = arith.muli %arg1, %mul3A : i32
    %add3A = arith.addi %mul3A_0, %arg0 : i32
    "tpu.region"() ({
      %run_scoped3A = tpu.sem_alloc : memref<!tpu.dma_semaphore, #tpu.memory_space<semaphore_mem>>
      %dma_start3A_104 = arith.constant 0 : i32
      %dma_start3A_105 = arith.constant 0 : i32
      %dma_start3A_106 = tpu.memref_slice %arg2[%add3A, %dma_start3A_104, %dma_start3A_105] : memref<32x256x100xi32, #tpu.memory_space<hbm>> -> memref<1x256x100xi32, #tpu.memory_space<hbm>>
      %dma_start3A_107 = tpu.memref_squeeze %dma_start3A_106 : memref<1x256x100xi32, #tpu.memory_space<hbm>> -> memref<256x100xi32, #tpu.memory_space<hbm>>
      %dma_start3A_108 = arith.constant 0 : i32
      %dma_start3A_109 = arith.constant 0 : i32
      %dma_start3A_110 = tpu.memref_slice %arg2[%add3A, %dma_start3A_108, %dma_start3A_109] : memref<32x256x100xi32, #tpu.memory_space<hbm>> -> memref<1x256x100xi32, #tpu.memory_space<hbm>>
      %dma_start3A_111 = tpu.memref_squeeze %dma_start3A_110 : memref<1x256x100xi32, #tpu.memory_space<hbm>> -> memref<256x100xi32, #tpu.memory_space<hbm>>
      tpu.enqueue_dma source(%dma_start3A_111 : memref<256x100xi32, #tpu.memory_space<hbm>>) target(%arg5 : memref<256x100xi32, #tpu.memory_space<vmem>>) target_semaphore(%run_scoped3A : memref<!tpu.dma_semaphore, #tpu.memory_space<semaphore_mem>>)
      %dma_wait3A = arith.constant 0 : i32
      %dma_wait3A_112 = arith.constant 0 : i32
      %dma_wait3A_113 = tpu.memref_slice %arg2[%add3A, %dma_wait3A, %dma_wait3A_112] : memref<32x256x100xi32, #tpu.memory_space<hbm>> -> memref<1x256x100xi32, #tpu.memory_space<hbm>>
      %dma_wait3A_114 = tpu.memref_squeeze %dma_wait3A_113 : memref<1x256x100xi32, #tpu.memory_space<hbm>> -> memref<256x100xi32, #tpu.memory_space<hbm>>
      %dma_wait3A_115 = arith.constant 0 : i32
      %dma_wait3A_116 = arith.constant 0 : i32
      %dma_wait3A_117 = tpu.memref_slice %arg2[%add3A, %dma_wait3A_115, %dma_wait3A_116] : memref<32x256x100xi32, #tpu.memory_space<hbm>> -> memref<1x256x100xi32, #tpu.memory_space<hbm>>
      %dma_wait3A_118 = tpu.memref_squeeze %dma_wait3A_117 : memref<1x256x100xi32, #tpu.memory_space<hbm>> -> memref<256x100xi32, #tpu.memory_space<hbm>>
      tpu.wait_dma2 semaphore(%run_scoped3A : memref<!tpu.dma_semaphore, #tpu.memory_space<semaphore_mem>>) src(%dma_wait3A_118 : memref<256x100xi32, #tpu.memory_space<hbm>>) dst(%arg5 : memref<256x100xi32, #tpu.memory_space<vmem>>)
      tpu.yield
    }) : () -> ()
    %dma_start3A = arith.constant 0 : i32
    %dma_start3A_1 = arith.constant 0 : i32
    %dma_start3A_2 = arith.constant 0 : i32
    %dma_start3A_3 = arith.constant 0 : i32
    %dma_start3A_4 = tpu.memref_slice %arg6[%dma_start3A_1, %dma_start3A_2, %dma_start3A_3] : memref<16x100x32xf32, #tpu.memory_space<vmem>> -> memref<1x100x32xf32, #tpu.memory_space<vmem>>
    %dma_start3A_5 = tpu.memref_squeeze %dma_start3A_4 : memref<1x100x32xf32, #tpu.memory_space<vmem>> -> memref<100x32xf32, #tpu.memory_space<vmem>>
    %dma_start3A_6 = arith.constant 0 : i32
    %dma_start3A_7 = tpu.memref_slice %arg5[%dma_start3A, %dma_start3A_6] : memref<256x100xi32, #tpu.memory_space<vmem>> -> memref<1x100xi32, #tpu.memory_space<vmem>>
    %dma_start3A_8 = tpu.memref_squeeze %dma_start3A_7 : memref<1x100xi32, #tpu.memory_space<vmem>> -> memref<100xi32, #tpu.memory_space<vmem>>
    %dma_start3A_9 = arith.constant 0 : i32
    %dma_start3A_10 = arith.constant 0 : i32
    %dma_start3A_11 = tpu.memref_slice %arg3[%dma_start3A_9, %dma_start3A_10] : memref<1048576x32xf32, #tpu.memory_space<hbm>> -> memref<1048576x32xf32, #tpu.memory_space<hbm>>
    tpu.enqueue_indirect_dma source(%dma_start3A_11 : memref<1048576x32xf32, #tpu.memory_space<hbm>>) target(%dma_start3A_5 : memref<100x32xf32, #tpu.memory_space<vmem>>) offsets(%dma_start3A_8 : memref<100xi32, #tpu.memory_space<vmem>>) semaphore(%arg8 : memref<!tpu.dma_semaphore, #tpu.memory_space<semaphore_mem>>)
    %dma_start3A_12 = arith.constant 1 : i32
    %dma_start3A_13 = arith.constant 1 : i32
    %dma_start3A_14 = arith.constant 0 : i32
    %dma_start3A_15 = arith.constant 0 : i32
    %dma_start3A_16 = tpu.memref_slice %arg6[%dma_start3A_13, %dma_start3A_14, %dma_start3A_15] : memref<16x100x32xf32, #tpu.memory_space<vmem>> -> memref<1x100x32xf32, #tpu.memory_space<vmem>>
    %dma_start3A_17 = tpu.memref_squeeze %dma_start3A_16 : memref<1x100x32xf32, #tpu.memory_space<vmem>> -> memref<100x32xf32, #tpu.memory_space<vmem>>
    %dma_start3A_18 = arith.constant 0 : i32
    %dma_start3A_19 = tpu.memref_slice %arg5[%dma_start3A_12, %dma_start3A_18] : memref<256x100xi32, #tpu.memory_space<vmem>> -> memref<1x100xi32, #tpu.memory_space<vmem>>
    %dma_start3A_20 = tpu.memref_squeeze %dma_start3A_19 : memref<1x100xi32, #tpu.memory_space<vmem>> -> memref<100xi32, #tpu.memory_space<vmem>>
    %dma_start3A_21 = arith.constant 0 : i32
    %dma_start3A_22 = arith.constant 0 : i32
    %dma_start3A_23 = tpu.memref_slice %arg3[%dma_start3A_21, %dma_start3A_22] : memref<1048576x32xf32, #tpu.memory_space<hbm>> -> memref<1048576x32xf32, #tpu.memory_space<hbm>>
    tpu.enqueue_indirect_dma source(%dma_start3A_23 : memref<1048576x32xf32, #tpu.memory_space<hbm>>) target(%dma_start3A_17 : memref<100x32xf32, #tpu.memory_space<vmem>>) offsets(%dma_start3A_20 : memref<100xi32, #tpu.memory_space<vmem>>) semaphore(%arg8 : memref<!tpu.dma_semaphore, #tpu.memory_space<semaphore_mem>>)
    %dma_start3A_24 = arith.constant 2 : i32
    %dma_start3A_25 = arith.constant 2 : i32
    %dma_start3A_26 = arith.constant 0 : i32
    %dma_start3A_27 = arith.constant 0 : i32
    %dma_start3A_28 = tpu.memref_slice %arg6[%dma_start3A_25, %dma_start3A_26, %dma_start3A_27] : memref<16x100x32xf32, #tpu.memory_space<vmem>> -> memref<1x100x32xf32, #tpu.memory_space<vmem>>
    %dma_start3A_29 = tpu.memref_squeeze %dma_start3A_28 : memref<1x100x32xf32, #tpu.memory_space<vmem>> -> memref<100x32xf32, #tpu.memory_space<vmem>>
    %dma_start3A_30 = arith.constant 0 : i32
    %dma_start3A_31 = tpu.memref_slice %arg5[%dma_start3A_24, %dma_start3A_30] : memref<256x100xi32, #tpu.memory_space<vmem>> -> memref<1x100xi32, #tpu.memory_space<vmem>>
    %dma_start3A_32 = tpu.memref_squeeze %dma_start3A_31 : memref<1x100xi32, #tpu.memory_space<vmem>> -> memref<100xi32, #tpu.memory_space<vmem>>
    %dma_start3A_33 = arith.constant 0 : i32
    %dma_start3A_34 = arith.constant 0 : i32
    %dma_start3A_35 = tpu.memref_slice %arg3[%dma_start3A_33, %dma_start3A_34] : memref<1048576x32xf32, #tpu.memory_space<hbm>> -> memref<1048576x32xf32, #tpu.memory_space<hbm>>
    tpu.enqueue_indirect_dma source(%dma_start3A_35 : memref<1048576x32xf32, #tpu.memory_space<hbm>>) target(%dma_start3A_29 : memref<100x32xf32, #tpu.memory_space<vmem>>) offsets(%dma_start3A_32 : memref<100xi32, #tpu.memory_space<vmem>>) semaphore(%arg8 : memref<!tpu.dma_semaphore, #tpu.memory_space<semaphore_mem>>)
    %dma_start3A_36 = arith.constant 3 : i32
    %dma_start3A_37 = arith.constant 3 : i32
    %dma_start3A_38 = arith.constant 0 : i32
    %dma_start3A_39 = arith.constant 0 : i32
    %dma_start3A_40 = tpu.memref_slice %arg6[%dma_start3A_37, %dma_start3A_38, %dma_start3A_39] : memref<16x100x32xf32, #tpu.memory_space<vmem>> -> memref<1x100x32xf32, #tpu.memory_space<vmem>>
    %dma_start3A_41 = tpu.memref_squeeze %dma_start3A_40 : memref<1x100x32xf32, #tpu.memory_space<vmem>> -> memref<100x32xf32, #tpu.memory_space<vmem>>
    %dma_start3A_42 = arith.constant 0 : i32
    %dma_start3A_43 = tpu.memref_slice %arg5[%dma_start3A_36, %dma_start3A_42] : memref<256x100xi32, #tpu.memory_space<vmem>> -> memref<1x100xi32, #tpu.memory_space<vmem>>
    %dma_start3A_44 = tpu.memref_squeeze %dma_start3A_43 : memref<1x100xi32, #tpu.memory_space<vmem>> -> memref<100xi32, #tpu.memory_space<vmem>>
    %dma_start3A_45 = arith.constant 0 : i32
    %dma_start3A_46 = arith.constant 0 : i32
    %dma_start3A_47 = tpu.memref_slice %arg3[%dma_start3A_45, %dma_start3A_46] : memref<1048576x32xf32, #tpu.memory_space<hbm>> -> memref<1048576x32xf32, #tpu.memory_space<hbm>>
    tpu.enqueue_indirect_dma source(%dma_start3A_47 : memref<1048576x32xf32, #tpu.memory_space<hbm>>) target(%dma_start3A_41 : memref<100x32xf32, #tpu.memory_space<vmem>>) offsets(%dma_start3A_44 : memref<100xi32, #tpu.memory_space<vmem>>) semaphore(%arg8 : memref<!tpu.dma_semaphore, #tpu.memory_space<semaphore_mem>>)
    %dma_start3A_48 = arith.constant 4 : i32
    %dma_start3A_49 = arith.constant 4 : i32
    %dma_start3A_50 = arith.constant 0 : i32
    %dma_start3A_51 = arith.constant 0 : i32
    %dma_start3A_52 = tpu.memref_slice %arg6[%dma_start3A_49, %dma_start3A_50, %dma_start3A_51] : memref<16x100x32xf32, #tpu.memory_space<vmem>> -> memref<1x100x32xf32, #tpu.memory_space<vmem>>
    %dma_start3A_53 = tpu.memref_squeeze %dma_start3A_52 : memref<1x100x32xf32, #tpu.memory_space<vmem>> -> memref<100x32xf32, #tpu.memory_space<vmem>>
    %dma_start3A_54 = arith.constant 0 : i32
    %dma_start3A_55 = tpu.memref_slice %arg5[%dma_start3A_48, %dma_start3A_54] : memref<256x100xi32, #tpu.memory_space<vmem>> -> memref<1x100xi32, #tpu.memory_space<vmem>>
    %dma_start3A_56 = tpu.memref_squeeze %dma_start3A_55 : memref<1x100xi32, #tpu.memory_space<vmem>> -> memref<100xi32, #tpu.memory_space<vmem>>
    %dma_start3A_57 = arith.constant 0 : i32
    %dma_start3A_58 = arith.constant 0 : i32
    %dma_start3A_59 = tpu.memref_slice %arg3[%dma_start3A_57, %dma_start3A_58] : memref<1048576x32xf32, #tpu.memory_space<hbm>> -> memref<1048576x32xf32, #tpu.memory_space<hbm>>
    tpu.enqueue_indirect_dma source(%dma_start3A_59 : memref<1048576x32xf32, #tpu.memory_space<hbm>>) target(%dma_start3A_53 : memref<100x32xf32, #tpu.memory_space<vmem>>) offsets(%dma_start3A_56 : memref<100xi32, #tpu.memory_space<vmem>>) semaphore(%arg8 : memref<!tpu.dma_semaphore, #tpu.memory_space<semaphore_mem>>)
    %dma_start3A_60 = arith.constant 5 : i32
    %dma_start3A_61 = arith.constant 5 : i32
    %dma_start3A_62 = arith.constant 0 : i32
    %dma_start3A_63 = arith.constant 0 : i32
    %dma_start3A_64 = tpu.memref_slice %arg6[%dma_start3A_61, %dma_start3A_62, %dma_start3A_63] : memref<16x100x32xf32, #tpu.memory_space<vmem>> -> memref<1x100x32xf32, #tpu.memory_space<vmem>>
    %dma_start3A_65 = tpu.memref_squeeze %dma_start3A_64 : memref<1x100x32xf32, #tpu.memory_space<vmem>> -> memref<100x32xf32, #tpu.memory_space<vmem>>
    %dma_start3A_66 = arith.constant 0 : i32
    %dma_start3A_67 = tpu.memref_slice %arg5[%dma_start3A_60, %dma_start3A_66] : memref<256x100xi32, #tpu.memory_space<vmem>> -> memref<1x100xi32, #tpu.memory_space<vmem>>
    %dma_start3A_68 = tpu.memref_squeeze %dma_start3A_67 : memref<1x100xi32, #tpu.memory_space<vmem>> -> memref<100xi32, #tpu.memory_space<vmem>>
    %dma_start3A_69 = arith.constant 0 : i32
    %dma_start3A_70 = arith.constant 0 : i32
    %dma_start3A_71 = tpu.memref_slice %arg3[%dma_start3A_69, %dma_start3A_70] : memref<1048576x32xf32, #tpu.memory_space<hbm>> -> memref<1048576x32xf32, #tpu.memory_space<hbm>>
    tpu.enqueue_indirect_dma source(%dma_start3A_71 : memref<1048576x32xf32, #tpu.memory_space<hbm>>) target(%dma_start3A_65 : memref<100x32xf32, #tpu.memory_space<vmem>>) offsets(%dma_start3A_68 : memref<100xi32, #tpu.memory_space<vmem>>) semaphore(%arg8 : memref<!tpu.dma_semaphore, #tpu.memory_space<semaphore_mem>>)
    %dma_start3A_72 = arith.constant 6 : i32
    %dma_start3A_73 = arith.constant 6 : i32
    %dma_start3A_74 = arith.constant 0 : i32
    %dma_start3A_75 = arith.constant 0 : i32
    %dma_start3A_76 = tpu.memref_slice %arg6[%dma_start3A_73, %dma_start3A_74, %dma_start3A_75] : memref<16x100x32xf32, #tpu.memory_space<vmem>> -> memref<1x100x32xf32, #tpu.memory_space<vmem>>
    %dma_start3A_77 = tpu.memref_squeeze %dma_start3A_76 : memref<1x100x32xf32, #tpu.memory_space<vmem>> -> memref<100x32xf32, #tpu.memory_space<vmem>>
    %dma_start3A_78 = arith.constant 0 : i32
    %dma_start3A_79 = tpu.memref_slice %arg5[%dma_start3A_72, %dma_start3A_78] : memref<256x100xi32, #tpu.memory_space<vmem>> -> memref<1x100xi32, #tpu.memory_space<vmem>>
    %dma_start3A_80 = tpu.memref_squeeze %dma_start3A_79 : memref<1x100xi32, #tpu.memory_space<vmem>> -> memref<100xi32, #tpu.memory_space<vmem>>
    %dma_start3A_81 = arith.constant 0 : i32
    %dma_start3A_82 = arith.constant 0 : i32
    %dma_start3A_83 = tpu.memref_slice %arg3[%dma_start3A_81, %dma_start3A_82] : memref<1048576x32xf32, #tpu.memory_space<hbm>> -> memref<1048576x32xf32, #tpu.memory_space<hbm>>
    tpu.enqueue_indirect_dma source(%dma_start3A_83 : memref<1048576x32xf32, #tpu.memory_space<hbm>>) target(%dma_start3A_77 : memref<100x32xf32, #tpu.memory_space<vmem>>) offsets(%dma_start3A_80 : memref<100xi32, #tpu.memory_space<vmem>>) semaphore(%arg8 : memref<!tpu.dma_semaphore, #tpu.memory_space<semaphore_mem>>)
    %dma_start3A_84 = arith.constant 7 : i32
    %dma_start3A_85 = arith.constant 7 : i32
    %dma_start3A_86 = arith.constant 0 : i32
    %dma_start3A_87 = arith.constant 0 : i32
    %dma_start3A_88 = tpu.memref_slice %arg6[%dma_start3A_85, %dma_start3A_86, %dma_start3A_87] : memref<16x100x32xf32, #tpu.memory_space<vmem>> -> memref<1x100x32xf32, #tpu.memory_space<vmem>>
    %dma_start3A_89 = tpu.memref_squeeze %dma_start3A_88 : memref<1x100x32xf32, #tpu.memory_space<vmem>> -> memref<100x32xf32, #tpu.memory_space<vmem>>
    %dma_start3A_90 = arith.constant 0 : i32
    %dma_start3A_91 = tpu.memref_slice %arg5[%dma_start3A_84, %dma_start3A_90] : memref<256x100xi32, #tpu.memory_space<vmem>> -> memref<1x100xi32, #tpu.memory_space<vmem>>
    %dma_start3A_92 = tpu.memref_squeeze %dma_start3A_91 : memref<1x100xi32, #tpu.memory_space<vmem>> -> memref<100xi32, #tpu.memory_space<vmem>>
    %dma_start3A_93 = arith.constant 0 : i32
    %dma_start3A_94 = arith.constant 0 : i32
    %dma_start3A_95 = tpu.memref_slice %arg3[%dma_start3A_93, %dma_start3A_94] : memref<1048576x32xf32, #tpu.memory_space<hbm>> -> memref<1048576x32xf32, #tpu.memory_space<hbm>>
    tpu.enqueue_indirect_dma source(%dma_start3A_95 : memref<1048576x32xf32, #tpu.memory_space<hbm>>) target(%dma_start3A_89 : memref<100x32xf32, #tpu.memory_space<vmem>>) offsets(%dma_start3A_92 : memref<100xi32, #tpu.memory_space<vmem>>) semaphore(%arg8 : memref<!tpu.dma_semaphore, #tpu.memory_space<semaphore_mem>>)
    %scan3A = arith.constant 0 : i32
    %scan3A_96 = arith.constant 0 : i32
    %scan3A_97 = arith.constant 16 : i32
    %scan3A_98 = arith.addi %scan3A_96, %scan3A_97 : i32
    %scan3A_99 = arith.constant 1 : i32
    %scan3A_100 = scf.for %scan3A_104 = %scan3A_96 to %scan3A_98 step %scan3A_99 iter_args(%scan3A_105 = %scan3A) -> (i32)  : i32 {
      %mul3A_106 = arith.constant 16 : i32
      %mul3A_107 = arith.muli %scan3A_104, %mul3A_106 : i32
      %add3A_108 = arith.constant 8 : i32
      %add3A_109 = arith.addi %mul3A_107, %add3A_108 : i32
      %add3A_110 = arith.constant 0 : i32
      %add3A_111 = arith.addi %add3A_109, %add3A_110 : i32
      %dma_start3A_112 = arith.constant 8 : i32
      %dma_start3A_113 = arith.constant 0 : i32
      %dma_start3A_114 = arith.constant 0 : i32
      %dma_start3A_115 = tpu.memref_slice %arg6[%dma_start3A_112, %dma_start3A_113, %dma_start3A_114] : memref<16x100x32xf32, #tpu.memory_space<vmem>> -> memref<1x100x32xf32, #tpu.memory_space<vmem>>
      %dma_start3A_116 = tpu.memref_squeeze %dma_start3A_115 : memref<1x100x32xf32, #tpu.memory_space<vmem>> -> memref<100x32xf32, #tpu.memory_space<vmem>>
      %dma_start3A_117 = arith.constant 0 : i32
      %dma_start3A_118 = tpu.memref_slice %arg5[%add3A_111, %dma_start3A_117] : memref<256x100xi32, #tpu.memory_space<vmem>> -> memref<1x100xi32, #tpu.memory_space<vmem>>
      %dma_start3A_119 = tpu.memref_squeeze %dma_start3A_118 : memref<1x100xi32, #tpu.memory_space<vmem>> -> memref<100xi32, #tpu.memory_space<vmem>>
      %dma_start3A_120 = arith.constant 0 : i32
      %dma_start3A_121 = arith.constant 0 : i32
      %dma_start3A_122 = tpu.memref_slice %arg3[%dma_start3A_120, %dma_start3A_121] : memref<1048576x32xf32, #tpu.memory_space<hbm>> -> memref<1048576x32xf32, #tpu.memory_space<hbm>>
      tpu.enqueue_indirect_dma source(%dma_start3A_122 : memref<1048576x32xf32, #tpu.memory_space<hbm>>) target(%dma_start3A_116 : memref<100x32xf32, #tpu.memory_space<vmem>>) offsets(%dma_start3A_119 : memref<100xi32, #tpu.memory_space<vmem>>) semaphore(%arg9 : memref<!tpu.dma_semaphore, #tpu.memory_space<semaphore_mem>>)
      %add3A_123 = arith.constant 8 : i32
      %add3A_124 = arith.addi %mul3A_107, %add3A_123 : i32
      %add3A_125 = arith.constant 1 : i32
      %add3A_126 = arith.addi %add3A_124, %add3A_125 : i32
      %dma_start3A_127 = arith.constant 9 : i32
      %dma_start3A_128 = arith.constant 0 : i32
      %dma_start3A_129 = arith.constant 0 : i32
      %dma_start3A_130 = tpu.memref_slice %arg6[%dma_start3A_127, %dma_start3A_128, %dma_start3A_129] : memref<16x100x32xf32, #tpu.memory_space<vmem>> -> memref<1x100x32xf32, #tpu.memory_space<vmem>>
      %dma_start3A_131 = tpu.memref_squeeze %dma_start3A_130 : memref<1x100x32xf32, #tpu.memory_space<vmem>> -> memref<100x32xf32, #tpu.memory_space<vmem>>
      %dma_start3A_132 = arith.constant 0 : i32
      %dma_start3A_133 = tpu.memref_slice %arg5[%add3A_126, %dma_start3A_132] : memref<256x100xi32, #tpu.memory_space<vmem>> -> memref<1x100xi32, #tpu.memory_space<vmem>>
      %dma_start3A_134 = tpu.memref_squeeze %dma_start3A_133 : memref<1x100xi32, #tpu.memory_space<vmem>> -> memref<100xi32, #tpu.memory_space<vmem>>
      %dma_start3A_135 = arith.constant 0 : i32
      %dma_start3A_136 = arith.constant 0 : i32
      %dma_start3A_137 = tpu.memref_slice %arg3[%dma_start3A_135, %dma_start3A_136] : memref<1048576x32xf32, #tpu.memory_space<hbm>> -> memref<1048576x32xf32, #tpu.memory_space<hbm>>
      tpu.enqueue_indirect_dma source(%dma_start3A_137 : memref<1048576x32xf32, #tpu.memory_space<hbm>>) target(%dma_start3A_131 : memref<100x32xf32, #tpu.memory_space<vmem>>) offsets(%dma_start3A_134 : memref<100xi32, #tpu.memory_space<vmem>>) semaphore(%arg9 : memref<!tpu.dma_semaphore, #tpu.memory_space<semaphore_mem>>)
      %add3A_138 = arith.constant 8 : i32
      %add3A_139 = arith.addi %mul3A_107, %add3A_138 : i32
      %add3A_140 = arith.constant 2 : i32
      %add3A_141 = arith.addi %add3A_139, %add3A_140 : i32
      %dma_start3A_142 = arith.constant 10 : i32
      %dma_start3A_143 = arith.constant 0 : i32
      %dma_start3A_144 = arith.constant 0 : i32
      %dma_start3A_145 = tpu.memref_slice %arg6[%dma_start3A_142, %dma_start3A_143, %dma_start3A_144] : memref<16x100x32xf32, #tpu.memory_space<vmem>> -> memref<1x100x32xf32, #tpu.memory_space<vmem>>
      %dma_start3A_146 = tpu.memref_squeeze %dma_start3A_145 : memref<1x100x32xf32, #tpu.memory_space<vmem>> -> memref<100x32xf32, #tpu.memory_space<vmem>>
      %dma_start3A_147 = arith.constant 0 : i32
      %dma_start3A_148 = tpu.memref_slice %arg5[%add3A_141, %dma_start3A_147] : memref<256x100xi32, #tpu.memory_space<vmem>> -> memref<1x100xi32, #tpu.memory_space<vmem>>
      %dma_start3A_149 = tpu.memref_squeeze %dma_start3A_148 : memref<1x100xi32, #tpu.memory_space<vmem>> -> memref<100xi32, #tpu.memory_space<vmem>>
      %dma_start3A_150 = arith.constant 0 : i32
      %dma_start3A_151 = arith.constant 0 : i32
      %dma_start3A_152 = tpu.memref_slice %arg3[%dma_start3A_150, %dma_start3A_151] : memref<1048576x32xf32, #tpu.memory_space<hbm>> -> memref<1048576x32xf32, #tpu.memory_space<hbm>>
      tpu.enqueue_indirect_dma source(%dma_start3A_152 : memref<1048576x32xf32, #tpu.memory_space<hbm>>) target(%dma_start3A_146 : memref<100x32xf32, #tpu.memory_space<vmem>>) offsets(%dma_start3A_149 : memref<100xi32, #tpu.memory_space<vmem>>) semaphore(%arg9 : memref<!tpu.dma_semaphore, #tpu.memory_space<semaphore_mem>>)
      %add3A_153 = arith.constant 8 : i32
      %add3A_154 = arith.addi %mul3A_107, %add3A_153 : i32
      %add3A_155 = arith.constant 3 : i32
      %add3A_156 = arith.addi %add3A_154, %add3A_155 : i32
      %dma_start3A_157 = arith.constant 11 : i32
      %dma_start3A_158 = arith.constant 0 : i32
      %dma_start3A_159 = arith.constant 0 : i32
      %dma_start3A_160 = tpu.memref_slice %arg6[%dma_start3A_157, %dma_start3A_158, %dma_start3A_159] : memref<16x100x32xf32, #tpu.memory_space<vmem>> -> memref<1x100x32xf32, #tpu.memory_space<vmem>>
      %dma_start3A_161 = tpu.memref_squeeze %dma_start3A_160 : memref<1x100x32xf32, #tpu.memory_space<vmem>> -> memref<100x32xf32, #tpu.memory_space<vmem>>
      %dma_start3A_162 = arith.constant 0 : i32
      %dma_start3A_163 = tpu.memref_slice %arg5[%add3A_156, %dma_start3A_162] : memref<256x100xi32, #tpu.memory_space<vmem>> -> memref<1x100xi32, #tpu.memory_space<vmem>>
      %dma_start3A_164 = tpu.memref_squeeze %dma_start3A_163 : memref<1x100xi32, #tpu.memory_space<vmem>> -> memref<100xi32, #tpu.memory_space<vmem>>
      %dma_start3A_165 = arith.constant 0 : i32
      %dma_start3A_166 = arith.constant 0 : i32
      %dma_start3A_167 = tpu.memref_slice %arg3[%dma_start3A_165, %dma_start3A_166] : memref<1048576x32xf32, #tpu.memory_space<hbm>> -> memref<1048576x32xf32, #tpu.memory_space<hbm>>
      tpu.enqueue_indirect_dma source(%dma_start3A_167 : memref<1048576x32xf32, #tpu.memory_space<hbm>>) target(%dma_start3A_161 : memref<100x32xf32, #tpu.memory_space<vmem>>) offsets(%dma_start3A_164 : memref<100xi32, #tpu.memory_space<vmem>>) semaphore(%arg9 : memref<!tpu.dma_semaphore, #tpu.memory_space<semaphore_mem>>)
      %add3A_168 = arith.constant 8 : i32
      %add3A_169 = arith.addi %mul3A_107, %add3A_168 : i32
      %add3A_170 = arith.constant 4 : i32
      %add3A_171 = arith.addi %add3A_169, %add3A_170 : i32
      %dma_start3A_172 = arith.constant 12 : i32
      %dma_start3A_173 = arith.constant 0 : i32
      %dma_start3A_174 = arith.constant 0 : i32
      %dma_start3A_175 = tpu.memref_slice %arg6[%dma_start3A_172, %dma_start3A_173, %dma_start3A_174] : memref<16x100x32xf32, #tpu.memory_space<vmem>> -> memref<1x100x32xf32, #tpu.memory_space<vmem>>
      %dma_start3A_176 = tpu.memref_squeeze %dma_start3A_175 : memref<1x100x32xf32, #tpu.memory_space<vmem>> -> memref<100x32xf32, #tpu.memory_space<vmem>>
      %dma_start3A_177 = arith.constant 0 : i32
      %dma_start3A_178 = tpu.memref_slice %arg5[%add3A_171, %dma_start3A_177] : memref<256x100xi32, #tpu.memory_space<vmem>> -> memref<1x100xi32, #tpu.memory_space<vmem>>
      %dma_start3A_179 = tpu.memref_squeeze %dma_start3A_178 : memref<1x100xi32, #tpu.memory_space<vmem>> -> memref<100xi32, #tpu.memory_space<vmem>>
      %dma_start3A_180 = arith.constant 0 : i32
      %dma_start3A_181 = arith.constant 0 : i32
      %dma_start3A_182 = tpu.memref_slice %arg3[%dma_start3A_180, %dma_start3A_181] : memref<1048576x32xf32, #tpu.memory_space<hbm>> -> memref<1048576x32xf32, #tpu.memory_space<hbm>>
      tpu.enqueue_indirect_dma source(%dma_start3A_182 : memref<1048576x32xf32, #tpu.memory_space<hbm>>) target(%dma_start3A_176 : memref<100x32xf32, #tpu.memory_space<vmem>>) offsets(%dma_start3A_179 : memref<100xi32, #tpu.memory_space<vmem>>) semaphore(%arg9 : memref<!tpu.dma_semaphore, #tpu.memory_space<semaphore_mem>>)
      %add3A_183 = arith.constant 8 : i32
      %add3A_184 = arith.addi %mul3A_107, %add3A_183 : i32
      %add3A_185 = arith.constant 5 : i32
      %add3A_186 = arith.addi %add3A_184, %add3A_185 : i32
      %dma_start3A_187 = arith.constant 13 : i32
      %dma_start3A_188 = arith.constant 0 : i32
      %dma_start3A_189 = arith.constant 0 : i32
      %dma_start3A_190 = tpu.memref_slice %arg6[%dma_start3A_187, %dma_start3A_188, %dma_start3A_189] : memref<16x100x32xf32, #tpu.memory_space<vmem>> -> memref<1x100x32xf32, #tpu.memory_space<vmem>>
      %dma_start3A_191 = tpu.memref_squeeze %dma_start3A_190 : memref<1x100x32xf32, #tpu.memory_space<vmem>> -> memref<100x32xf32, #tpu.memory_space<vmem>>
      %dma_start3A_192 = arith.constant 0 : i32
      %dma_start3A_193 = tpu.memref_slice %arg5[%add3A_186, %dma_start3A_192] : memref<256x100xi32, #tpu.memory_space<vmem>> -> memref<1x100xi32, #tpu.memory_space<vmem>>
      %dma_start3A_194 = tpu.memref_squeeze %dma_start3A_193 : memref<1x100xi32, #tpu.memory_space<vmem>> -> memref<100xi32, #tpu.memory_space<vmem>>
      %dma_start3A_195 = arith.constant 0 : i32
      %dma_start3A_196 = arith.constant 0 : i32
      %dma_start3A_197 = tpu.memref_slice %arg3[%dma_start3A_195, %dma_start3A_196] : memref<1048576x32xf32, #tpu.memory_space<hbm>> -> memref<1048576x32xf32, #tpu.memory_space<hbm>>
      tpu.enqueue_indirect_dma source(%dma_start3A_197 : memref<1048576x32xf32, #tpu.memory_space<hbm>>) target(%dma_start3A_191 : memref<100x32xf32, #tpu.memory_space<vmem>>) offsets(%dma_start3A_194 : memref<100xi32, #tpu.memory_space<vmem>>) semaphore(%arg9 : memref<!tpu.dma_semaphore, #tpu.memory_space<semaphore_mem>>)
      %add3A_198 = arith.constant 8 : i32
      %add3A_199 = arith.addi %mul3A_107, %add3A_198 : i32
      %add3A_200 = arith.constant 6 : i32
      %add3A_201 = arith.addi %add3A_199, %add3A_200 : i32
      %dma_start3A_202 = arith.constant 14 : i32
      %dma_start3A_203 = arith.constant 0 : i32
      %dma_start3A_204 = arith.constant 0 : i32
      %dma_start3A_205 = tpu.memref_slice %arg6[%dma_start3A_202, %dma_start3A_203, %dma_start3A_204] : memref<16x100x32xf32, #tpu.memory_space<vmem>> -> memref<1x100x32xf32, #tpu.memory_space<vmem>>
      %dma_start3A_206 = tpu.memref_squeeze %dma_start3A_205 : memref<1x100x32xf32, #tpu.memory_space<vmem>> -> memref<100x32xf32, #tpu.memory_space<vmem>>
      %dma_start3A_207 = arith.constant 0 : i32
      %dma_start3A_208 = tpu.memref_slice %arg5[%add3A_201, %dma_start3A_207] : memref<256x100xi32, #tpu.memory_space<vmem>> -> memref<1x100xi32, #tpu.memory_space<vmem>>
      %dma_start3A_209 = tpu.memref_squeeze %dma_start3A_208 : memref<1x100xi32, #tpu.memory_space<vmem>> -> memref<100xi32, #tpu.memory_space<vmem>>
      %dma_start3A_210 = arith.constant 0 : i32
      %dma_start3A_211 = arith.constant 0 : i32
      %dma_start3A_212 = tpu.memref_slice %arg3[%dma_start3A_210, %dma_start3A_211] : memref<1048576x32xf32, #tpu.memory_space<hbm>> -> memref<1048576x32xf32, #tpu.memory_space<hbm>>
      tpu.enqueue_indirect_dma source(%dma_start3A_212 : memref<1048576x32xf32, #tpu.memory_space<hbm>>) target(%dma_start3A_206 : memref<100x32xf32, #tpu.memory_space<vmem>>) offsets(%dma_start3A_209 : memref<100xi32, #tpu.memory_space<vmem>>) semaphore(%arg9 : memref<!tpu.dma_semaphore, #tpu.memory_space<semaphore_mem>>)
      %add3A_213 = arith.constant 8 : i32
      %add3A_214 = arith.addi %mul3A_107, %add3A_213 : i32
      %add3A_215 = arith.constant 7 : i32
      %add3A_216 = arith.addi %add3A_214, %add3A_215 : i32
      %dma_start3A_217 = arith.constant 15 : i32
      %dma_start3A_218 = arith.constant 0 : i32
      %dma_start3A_219 = arith.constant 0 : i32
      %dma_start3A_220 = tpu.memref_slice %arg6[%dma_start3A_217, %dma_start3A_218, %dma_start3A_219] : memref<16x100x32xf32, #tpu.memory_space<vmem>> -> memref<1x100x32xf32, #tpu.memory_space<vmem>>
      %dma_start3A_221 = tpu.memref_squeeze %dma_start3A_220 : memref<1x100x32xf32, #tpu.memory_space<vmem>> -> memref<100x32xf32, #tpu.memory_space<vmem>>
      %dma_start3A_222 = arith.constant 0 : i32
      %dma_start3A_223 = tpu.memref_slice %arg5[%add3A_216, %dma_start3A_222] : memref<256x100xi32, #tpu.memory_space<vmem>> -> memref<1x100xi32, #tpu.memory_space<vmem>>
      %dma_start3A_224 = tpu.memref_squeeze %dma_start3A_223 : memref<1x100xi32, #tpu.memory_space<vmem>> -> memref<100xi32, #tpu.memory_space<vmem>>
      %dma_start3A_225 = arith.constant 0 : i32
      %dma_start3A_226 = arith.constant 0 : i32
      %dma_start3A_227 = tpu.memref_slice %arg3[%dma_start3A_225, %dma_start3A_226] : memref<1048576x32xf32, #tpu.memory_space<hbm>> -> memref<1048576x32xf32, #tpu.memory_space<hbm>>
      tpu.enqueue_indirect_dma source(%dma_start3A_227 : memref<1048576x32xf32, #tpu.memory_space<hbm>>) target(%dma_start3A_221 : memref<100x32xf32, #tpu.memory_space<vmem>>) offsets(%dma_start3A_224 : memref<100xi32, #tpu.memory_space<vmem>>) semaphore(%arg9 : memref<!tpu.dma_semaphore, #tpu.memory_space<semaphore_mem>>)
      %dma_wait3A = arith.constant 0 : i32
      %dma_wait3A_228 = arith.constant 0 : i32
      %dma_wait3A_229 = arith.constant 0 : i32
      %dma_wait3A_230 = arith.constant 0 : i32
      %dma_wait3A_231 = tpu.memref_slice %arg6[%dma_wait3A_228, %dma_wait3A_229, %dma_wait3A_230] : memref<16x100x32xf32, #tpu.memory_space<vmem>> -> memref<1x100x32xf32, #tpu.memory_space<vmem>>
      %dma_wait3A_232 = tpu.memref_squeeze %dma_wait3A_231 : memref<1x100x32xf32, #tpu.memory_space<vmem>> -> memref<100x32xf32, #tpu.memory_space<vmem>>
      %dma_wait3A_233 = arith.constant 0 : i32
      %dma_wait3A_234 = tpu.memref_slice %arg5[%dma_wait3A, %dma_wait3A_233] : memref<256x100xi32, #tpu.memory_space<vmem>> -> memref<1x100xi32, #tpu.memory_space<vmem>>
      %dma_wait3A_235 = tpu.memref_squeeze %dma_wait3A_234 : memref<1x100xi32, #tpu.memory_space<vmem>> -> memref<100xi32, #tpu.memory_space<vmem>>
      %dma_wait3A_236 = arith.constant 0 : i32
      %dma_wait3A_237 = arith.constant 0 : i32
      %dma_wait3A_238 = tpu.memref_slice %arg3[%dma_wait3A_236, %dma_wait3A_237] : memref<1048576x32xf32, #tpu.memory_space<hbm>> -> memref<1048576x32xf32, #tpu.memory_space<hbm>>
      tpu.wait_indirect_dma semaphore(%arg8 : memref<!tpu.dma_semaphore, #tpu.memory_space<semaphore_mem>>) src(%dma_wait3A_238 : memref<1048576x32xf32, #tpu.memory_space<hbm>>) dst(%dma_wait3A_232 : memref<100x32xf32, #tpu.memory_space<vmem>>)
      %dma_wait3A_239 = arith.constant 0 : i32
      %dma_wait3A_240 = arith.constant 1 : i32
      %dma_wait3A_241 = arith.constant 0 : i32
      %dma_wait3A_242 = arith.constant 0 : i32
      %dma_wait3A_243 = tpu.memref_slice %arg6[%dma_wait3A_240, %dma_wait3A_241, %dma_wait3A_242] : memref<16x100x32xf32, #tpu.memory_space<vmem>> -> memref<1x100x32xf32, #tpu.memory_space<vmem>>
      %dma_wait3A_244 = tpu.memref_squeeze %dma_wait3A_243 : memref<1x100x32xf32, #tpu.memory_space<vmem>> -> memref<100x32xf32, #tpu.memory_space<vmem>>
      %dma_wait3A_245 = arith.constant 0 : i32
      %dma_wait3A_246 = tpu.memref_slice %arg5[%dma_wait3A_239, %dma_wait3A_245] : memref<256x100xi32, #tpu.memory_space<vmem>> -> memref<1x100xi32, #tpu.memory_space<vmem>>
      %dma_wait3A_247 = tpu.memref_squeeze %dma_wait3A_246 : memref<1x100xi32, #tpu.memory_space<vmem>> -> memref<100xi32, #tpu.memory_space<vmem>>
      %dma_wait3A_248 = arith.constant 0 : i32
      %dma_wait3A_249 = arith.constant 0 : i32
      %dma_wait3A_250 = tpu.memref_slice %arg3[%dma_wait3A_248, %dma_wait3A_249] : memref<1048576x32xf32, #tpu.memory_space<hbm>> -> memref<1048576x32xf32, #tpu.memory_space<hbm>>
      tpu.wait_indirect_dma semaphore(%arg8 : memref<!tpu.dma_semaphore, #tpu.memory_space<semaphore_mem>>) src(%dma_wait3A_250 : memref<1048576x32xf32, #tpu.memory_space<hbm>>) dst(%dma_wait3A_244 : memref<100x32xf32, #tpu.memory_space<vmem>>)
      %dma_wait3A_251 = arith.constant 0 : i32
      %dma_wait3A_252 = arith.constant 2 : i32
      %dma_wait3A_253 = arith.constant 0 : i32
      %dma_wait3A_254 = arith.constant 0 : i32
      %dma_wait3A_255 = tpu.memref_slice %arg6[%dma_wait3A_252, %dma_wait3A_253, %dma_wait3A_254] : memref<16x100x32xf32, #tpu.memory_space<vmem>> -> memref<1x100x32xf32, #tpu.memory_space<vmem>>
      %dma_wait3A_256 = tpu.memref_squeeze %dma_wait3A_255 : memref<1x100x32xf32, #tpu.memory_space<vmem>> -> memref<100x32xf32, #tpu.memory_space<vmem>>
      %dma_wait3A_257 = arith.constant 0 : i32
      %dma_wait3A_258 = tpu.memref_slice %arg5[%dma_wait3A_251, %dma_wait3A_257] : memref<256x100xi32, #tpu.memory_space<vmem>> -> memref<1x100xi32, #tpu.memory_space<vmem>>
      %dma_wait3A_259 = tpu.memref_squeeze %dma_wait3A_258 : memref<1x100xi32, #tpu.memory_space<vmem>> -> memref<100xi32, #tpu.memory_space<vmem>>
      %dma_wait3A_260 = arith.constant 0 : i32
      %dma_wait3A_261 = arith.constant 0 : i32
      %dma_wait3A_262 = tpu.memref_slice %arg3[%dma_wait3A_260, %dma_wait3A_261] : memref<1048576x32xf32, #tpu.memory_space<hbm>> -> memref<1048576x32xf32, #tpu.memory_space<hbm>>
      tpu.wait_indirect_dma semaphore(%arg8 : memref<!tpu.dma_semaphore, #tpu.memory_space<semaphore_mem>>) src(%dma_wait3A_262 : memref<1048576x32xf32, #tpu.memory_space<hbm>>) dst(%dma_wait3A_256 : memref<100x32xf32, #tpu.memory_space<vmem>>)
      %dma_wait3A_263 = arith.constant 0 : i32
      %dma_wait3A_264 = arith.constant 3 : i32
      %dma_wait3A_265 = arith.constant 0 : i32
      %dma_wait3A_266 = arith.constant 0 : i32
      %dma_wait3A_267 = tpu.memref_slice %arg6[%dma_wait3A_264, %dma_wait3A_265, %dma_wait3A_266] : memref<16x100x32xf32, #tpu.memory_space<vmem>> -> memref<1x100x32xf32, #tpu.memory_space<vmem>>
      %dma_wait3A_268 = tpu.memref_squeeze %dma_wait3A_267 : memref<1x100x32xf32, #tpu.memory_space<vmem>> -> memref<100x32xf32, #tpu.memory_space<vmem>>
      %dma_wait3A_269 = arith.constant 0 : i32
      %dma_wait3A_270 = tpu.memref_slice %arg5[%dma_wait3A_263, %dma_wait3A_269] : memref<256x100xi32, #tpu.memory_space<vmem>> -> memref<1x100xi32, #tpu.memory_space<vmem>>
      %dma_wait3A_271 = tpu.memref_squeeze %dma_wait3A_270 : memref<1x100xi32, #tpu.memory_space<vmem>> -> memref<100xi32, #tpu.memory_space<vmem>>
      %dma_wait3A_272 = arith.constant 0 : i32
      %dma_wait3A_273 = arith.constant 0 : i32
      %dma_wait3A_274 = tpu.memref_slice %arg3[%dma_wait3A_272, %dma_wait3A_273] : memref<1048576x32xf32, #tpu.memory_space<hbm>> -> memref<1048576x32xf32, #tpu.memory_space<hbm>>
      tpu.wait_indirect_dma semaphore(%arg8 : memref<!tpu.dma_semaphore, #tpu.memory_space<semaphore_mem>>) src(%dma_wait3A_274 : memref<1048576x32xf32, #tpu.memory_space<hbm>>) dst(%dma_wait3A_268 : memref<100x32xf32, #tpu.memory_space<vmem>>)
      %dma_wait3A_275 = arith.constant 0 : i32
      %dma_wait3A_276 = arith.constant 4 : i32
      %dma_wait3A_277 = arith.constant 0 : i32
      %dma_wait3A_278 = arith.constant 0 : i32
      %dma_wait3A_279 = tpu.memref_slice %arg6[%dma_wait3A_276, %dma_wait3A_277, %dma_wait3A_278] : memref<16x100x32xf32, #tpu.memory_space<vmem>> -> memref<1x100x32xf32, #tpu.memory_space<vmem>>
      %dma_wait3A_280 = tpu.memref_squeeze %dma_wait3A_279 : memref<1x100x32xf32, #tpu.memory_space<vmem>> -> memref<100x32xf32, #tpu.memory_space<vmem>>
      %dma_wait3A_281 = arith.constant 0 : i32
      %dma_wait3A_282 = tpu.memref_slice %arg5[%dma_wait3A_275, %dma_wait3A_281] : memref<256x100xi32, #tpu.memory_space<vmem>> -> memref<1x100xi32, #tpu.memory_space<vmem>>
      %dma_wait3A_283 = tpu.memref_squeeze %dma_wait3A_282 : memref<1x100xi32, #tpu.memory_space<vmem>> -> memref<100xi32, #tpu.memory_space<vmem>>
      %dma_wait3A_284 = arith.constant 0 : i32
      %dma_wait3A_285 = arith.constant 0 : i32
      %dma_wait3A_286 = tpu.memref_slice %arg3[%dma_wait3A_284, %dma_wait3A_285] : memref<1048576x32xf32, #tpu.memory_space<hbm>> -> memref<1048576x32xf32, #tpu.memory_space<hbm>>
      tpu.wait_indirect_dma semaphore(%arg8 : memref<!tpu.dma_semaphore, #tpu.memory_space<semaphore_mem>>) src(%dma_wait3A_286 : memref<1048576x32xf32, #tpu.memory_space<hbm>>) dst(%dma_wait3A_280 : memref<100x32xf32, #tpu.memory_space<vmem>>)
      %dma_wait3A_287 = arith.constant 0 : i32
      %dma_wait3A_288 = arith.constant 5 : i32
      %dma_wait3A_289 = arith.constant 0 : i32
      %dma_wait3A_290 = arith.constant 0 : i32
      %dma_wait3A_291 = tpu.memref_slice %arg6[%dma_wait3A_288, %dma_wait3A_289, %dma_wait3A_290] : memref<16x100x32xf32, #tpu.memory_space<vmem>> -> memref<1x100x32xf32, #tpu.memory_space<vmem>>
      %dma_wait3A_292 = tpu.memref_squeeze %dma_wait3A_291 : memref<1x100x32xf32, #tpu.memory_space<vmem>> -> memref<100x32xf32, #tpu.memory_space<vmem>>
      %dma_wait3A_293 = arith.constant 0 : i32
      %dma_wait3A_294 = tpu.memref_slice %arg5[%dma_wait3A_287, %dma_wait3A_293] : memref<256x100xi32, #tpu.memory_space<vmem>> -> memref<1x100xi32, #tpu.memory_space<vmem>>
      %dma_wait3A_295 = tpu.memref_squeeze %dma_wait3A_294 : memref<1x100xi32, #tpu.memory_space<vmem>> -> memref<100xi32, #tpu.memory_space<vmem>>
      %dma_wait3A_296 = arith.constant 0 : i32
      %dma_wait3A_297 = arith.constant 0 : i32
      %dma_wait3A_298 = tpu.memref_slice %arg3[%dma_wait3A_296, %dma_wait3A_297] : memref<1048576x32xf32, #tpu.memory_space<hbm>> -> memref<1048576x32xf32, #tpu.memory_space<hbm>>
      tpu.wait_indirect_dma semaphore(%arg8 : memref<!tpu.dma_semaphore, #tpu.memory_space<semaphore_mem>>) src(%dma_wait3A_298 : memref<1048576x32xf32, #tpu.memory_space<hbm>>) dst(%dma_wait3A_292 : memref<100x32xf32, #tpu.memory_space<vmem>>)
      %dma_wait3A_299 = arith.constant 0 : i32
      %dma_wait3A_300 = arith.constant 6 : i32
      %dma_wait3A_301 = arith.constant 0 : i32
      %dma_wait3A_302 = arith.constant 0 : i32
      %dma_wait3A_303 = tpu.memref_slice %arg6[%dma_wait3A_300, %dma_wait3A_301, %dma_wait3A_302] : memref<16x100x32xf32, #tpu.memory_space<vmem>> -> memref<1x100x32xf32, #tpu.memory_space<vmem>>
      %dma_wait3A_304 = tpu.memref_squeeze %dma_wait3A_303 : memref<1x100x32xf32, #tpu.memory_space<vmem>> -> memref<100x32xf32, #tpu.memory_space<vmem>>
      %dma_wait3A_305 = arith.constant 0 : i32
      %dma_wait3A_306 = tpu.memref_slice %arg5[%dma_wait3A_299, %dma_wait3A_305] : memref<256x100xi32, #tpu.memory_space<vmem>> -> memref<1x100xi32, #tpu.memory_space<vmem>>
      %dma_wait3A_307 = tpu.memref_squeeze %dma_wait3A_306 : memref<1x100xi32, #tpu.memory_space<vmem>> -> memref<100xi32, #tpu.memory_space<vmem>>
      %dma_wait3A_308 = arith.constant 0 : i32
      %dma_wait3A_309 = arith.constant 0 : i32
      %dma_wait3A_310 = tpu.memref_slice %arg3[%dma_wait3A_308, %dma_wait3A_309] : memref<1048576x32xf32, #tpu.memory_space<hbm>> -> memref<1048576x32xf32, #tpu.memory_space<hbm>>
      tpu.wait_indirect_dma semaphore(%arg8 : memref<!tpu.dma_semaphore, #tpu.memory_space<semaphore_mem>>) src(%dma_wait3A_310 : memref<1048576x32xf32, #tpu.memory_space<hbm>>) dst(%dma_wait3A_304 : memref<100x32xf32, #tpu.memory_space<vmem>>)
      %dma_wait3A_311 = arith.constant 0 : i32
      %dma_wait3A_312 = arith.constant 7 : i32
      %dma_wait3A_313 = arith.constant 0 : i32
      %dma_wait3A_314 = arith.constant 0 : i32
      %dma_wait3A_315 = tpu.memref_slice %arg6[%dma_wait3A_312, %dma_wait3A_313, %dma_wait3A_314] : memref<16x100x32xf32, #tpu.memory_space<vmem>> -> memref<1x100x32xf32, #tpu.memory_space<vmem>>
      %dma_wait3A_316 = tpu.memref_squeeze %dma_wait3A_315 : memref<1x100x32xf32, #tpu.memory_space<vmem>> -> memref<100x32xf32, #tpu.memory_space<vmem>>
      %dma_wait3A_317 = arith.constant 0 : i32
      %dma_wait3A_318 = tpu.memref_slice %arg5[%dma_wait3A_311, %dma_wait3A_317] : memref<256x100xi32, #tpu.memory_space<vmem>> -> memref<1x100xi32, #tpu.memory_space<vmem>>
      %dma_wait3A_319 = tpu.memref_squeeze %dma_wait3A_318 : memref<1x100xi32, #tpu.memory_space<vmem>> -> memref<100xi32, #tpu.memory_space<vmem>>
      %dma_wait3A_320 = arith.constant 0 : i32
      %dma_wait3A_321 = arith.constant 0 : i32
      %dma_wait3A_322 = tpu.memref_slice %arg3[%dma_wait3A_320, %dma_wait3A_321] : memref<1048576x32xf32, #tpu.memory_space<hbm>> -> memref<1048576x32xf32, #tpu.memory_space<hbm>>
      tpu.wait_indirect_dma semaphore(%arg8 : memref<!tpu.dma_semaphore, #tpu.memory_space<semaphore_mem>>) src(%dma_wait3A_322 : memref<1048576x32xf32, #tpu.memory_space<hbm>>) dst(%dma_wait3A_316 : memref<100x32xf32, #tpu.memory_space<vmem>>)
      %add3A_323 = arith.constant 0 : i32
      %add3A_324 = arith.addi %mul3A_107, %add3A_323 : i32
      %mul3A_325 = arith.constant 2 : i32
      %mul3A_326 = arith.muli %add3A_324, %mul3A_325 : i32
      %broadcast_in_dim3A = arith.constant 0.000000e+00 : f32
      %broadcast_in_dim3A_327 = vector.broadcast %broadcast_in_dim3A : f32 to vector<16xf32>
      %scan3A_328 = arith.constant 0 : i32
      %scan3A_329 = arith.constant 10 : i32
      %scan3A_330 = arith.addi %scan3A_328, %scan3A_329 : i32
      %scan3A_331 = arith.constant 1 : i32
      %scan3A_332:4 = scf.for %scan3A_1204 = %scan3A_328 to %scan3A_330 step %scan3A_331 iter_args(%scan3A_1205 = %broadcast_in_dim3A_327, %scan3A_1206 = %broadcast_in_dim3A_327, %scan3A_1207 = %broadcast_in_dim3A_327, %scan3A_1208 = %broadcast_in_dim3A_327) -> (vector<16xf32>, vector<16xf32>, vector<16xf32>, vector<16xf32>)  : i32 {
        %mul3A_1209 = arith.constant 5 : i32
        %mul3A_1210 = arith.muli %mul3A_1209, %scan3A_1204 : i32
        %add3A_1211 = arith.constant 0 : i32
        %add3A_1212 = arith.addi %mul3A_1210, %add3A_1211 : i32
        %get3A = arith.constant 0 : i32
        %get3A_1213 = arith.index_cast %get3A : i32 to index
        %get3A_1214 = arith.index_cast %add3A_1212 : i32 to index
        %get3A_1215 = arith.constant 0 : index
        %get3A_1216 = tpu.vector_load %arg6[%get3A_1213, %get3A_1214, %get3A_1215] {strides = array<i32>} : memref<16x100x32xf32, #tpu.memory_space<vmem>>, vector<1x1x16xf32>,
        %get3A_1217 = vector.shape_cast %get3A_1216 : vector<1x1x16xf32> to vector<16xf32>
        %add3A_1218 = arith.addf %scan3A_1205, %get3A_1217 : vector<16xf32>
        %add3A_1219 = arith.constant 0 : i32
        %add3A_1220 = arith.addi %mul3A_1210, %add3A_1219 : i32
        %get3A_1221 = arith.constant 0 : i32
        %get3A_1222 = arith.index_cast %get3A_1221 : i32 to index
        %get3A_1223 = arith.index_cast %add3A_1220 : i32 to index
        %get3A_1224 = arith.constant 16 : index
        %get3A_1225 = tpu.vector_load %arg6[%get3A_1222, %get3A_1223, %get3A_1224] {strides = array<i32>} : memref<16x100x32xf32, #tpu.memory_space<vmem>>, vector<1x1x16xf32>,
        %get3A_1226 = vector.shape_cast %get3A_1225 : vector<1x1x16xf32> to vector<16xf32>
        %add3A_1227 = arith.addf %scan3A_1206, %get3A_1226 : vector<16xf32>
        %add3A_1228 = arith.constant 50 : i32
        %add3A_1229 = arith.addi %add3A_1228, %mul3A_1210 : i32
        %add3A_1230 = arith.constant 0 : i32
        %add3A_1231 = arith.addi %add3A_1229, %add3A_1230 : i32
        %get3A_1232 = arith.constant 0 : i32
        %get3A_1233 = arith.index_cast %get3A_1232 : i32 to index
        %get3A_1234 = arith.index_cast %add3A_1231 : i32 to index
        %get3A_1235 = arith.constant 0 : index
        %get3A_1236 = tpu.vector_load %arg6[%get3A_1233, %get3A_1234, %get3A_1235] {strides = array<i32>} : memref<16x100x32xf32, #tpu.memory_space<vmem>>, vector<1x1x16xf32>,
        %get3A_1237 = vector.shape_cast %get3A_1236 : vector<1x1x16xf32> to vector<16xf32>
        %add3A_1238 = arith.addf %scan3A_1207, %get3A_1237 : vector<16xf32>
        %add3A_1239 = arith.constant 50 : i32
        %add3A_1240 = arith.addi %add3A_1239, %mul3A_1210 : i32
        %add3A_1241 = arith.constant 0 : i32
        %add3A_1242 = arith.addi %add3A_1240, %add3A_1241 : i32
        %get3A_1243 = arith.constant 0 : i32
        %get3A_1244 = arith.index_cast %get3A_1243 : i32 to index
        %get3A_1245 = arith.index_cast %add3A_1242 : i32 to index
        %get3A_1246 = arith.constant 16 : index
        %get3A_1247 = tpu.vector_load %arg6[%get3A_1244, %get3A_1245, %get3A_1246] {strides = array<i32>} : memref<16x100x32xf32, #tpu.memory_space<vmem>>, vector<1x1x16xf32>,
        %get3A_1248 = vector.shape_cast %get3A_1247 : vector<1x1x16xf32> to vector<16xf32>
        %add3A_1249 = arith.addf %scan3A_1208, %get3A_1248 : vector<16xf32>
        %add3A_1250 = arith.constant 1 : i32
        %add3A_1251 = arith.addi %mul3A_1210, %add3A_1250 : i32
        %get3A_1252 = arith.constant 0 : i32
        %get3A_1253 = arith.index_cast %get3A_1252 : i32 to index
        %get3A_1254 = arith.index_cast %add3A_1251 : i32 to index
        %get3A_1255 = arith.constant 0 : index
        %get3A_1256 = tpu.vector_load %arg6[%get3A_1253, %get3A_1254, %get3A_1255] {strides = array<i32>} : memref<16x100x32xf32, #tpu.memory_space<vmem>>, vector<1x1x16xf32>,
        %get3A_1257 = vector.shape_cast %get3A_1256 : vector<1x1x16xf32> to vector<16xf32>
        %add3A_1258 = arith.addf %add3A_1218, %get3A_1257 : vector<16xf32>
        %add3A_1259 = arith.constant 1 : i32
        %add3A_1260 = arith.addi %mul3A_1210, %add3A_1259 : i32
        %get3A_1261 = arith.constant 0 : i32
        %get3A_1262 = arith.index_cast %get3A_1261 : i32 to index
        %get3A_1263 = arith.index_cast %add3A_1260 : i32 to index
        %get3A_1264 = arith.constant 16 : index
        %get3A_1265 = tpu.vector_load %arg6[%get3A_1262, %get3A_1263, %get3A_1264] {strides = array<i32>} : memref<16x100x32xf32, #tpu.memory_space<vmem>>, vector<1x1x16xf32>,
        %get3A_1266 = vector.shape_cast %get3A_1265 : vector<1x1x16xf32> to vector<16xf32>
        %add3A_1267 = arith.addf %add3A_1227, %get3A_1266 : vector<16xf32>
        %add3A_1268 = arith.constant 50 : i32
        %add3A_1269 = arith.addi %add3A_1268, %mul3A_1210 : i32
        %add3A_1270 = arith.constant 1 : i32
        %add3A_1271 = arith.addi %add3A_1269, %add3A_1270 : i32
        %get3A_1272 = arith.constant 0 : i32
        %get3A_1273 = arith.index_cast %get3A_1272 : i32 to index
        %get3A_1274 = arith.index_cast %add3A_1271 : i32 to index
        %get3A_1275 = arith.constant 0 : index
        %get3A_1276 = tpu.vector_load %arg6[%get3A_1273, %get3A_1274, %get3A_1275] {strides = array<i32>} : memref<16x100x32xf32, #tpu.memory_space<vmem>>, vector<1x1x16xf32>,
        %get3A_1277 = vector.shape_cast %get3A_1276 : vector<1x1x16xf32> to vector<16xf32>
        %add3A_1278 = arith.addf %add3A_1238, %get3A_1277 : vector<16xf32>
        %add3A_1279 = arith.constant 50 : i32
        %add3A_1280 = arith.addi %add3A_1279, %mul3A_1210 : i32
        %add3A_1281 = arith.constant 1 : i32
        %add3A_1282 = arith.addi %add3A_1280, %add3A_1281 : i32
        %get3A_1283 = arith.constant 0 : i32
        %get3A_1284 = arith.index_cast %get3A_1283 : i32 to index
        %get3A_1285 = arith.index_cast %add3A_1282 : i32 to index
        %get3A_1286 = arith.constant 16 : index
        %get3A_1287 = tpu.vector_load %arg6[%get3A_1284, %get3A_1285, %get3A_1286] {strides = array<i32>} : memref<16x100x32xf32, #tpu.memory_space<vmem>>, vector<1x1x16xf32>,
        %get3A_1288 = vector.shape_cast %get3A_1287 : vector<1x1x16xf32> to vector<16xf32>
        %add3A_1289 = arith.addf %add3A_1249, %get3A_1288 : vector<16xf32>
        %add3A_1290 = arith.constant 2 : i32
        %add3A_1291 = arith.addi %mul3A_1210, %add3A_1290 : i32
        %get3A_1292 = arith.constant 0 : i32
        %get3A_1293 = arith.index_cast %get3A_1292 : i32 to index
        %get3A_1294 = arith.index_cast %add3A_1291 : i32 to index
        %get3A_1295 = arith.constant 0 : index
        %get3A_1296 = tpu.vector_load %arg6[%get3A_1293, %get3A_1294, %get3A_1295] {strides = array<i32>} : memref<16x100x32xf32, #tpu.memory_space<vmem>>, vector<1x1x16xf32>,
        %get3A_1297 = vector.shape_cast %get3A_1296 : vector<1x1x16xf32> to vector<16xf32>
        %add3A_1298 = arith.addf %add3A_1258, %get3A_1297 : vector<16xf32>
        %add3A_1299 = arith.constant 2 : i32
        %add3A_1300 = arith.addi %mul3A_1210, %add3A_1299 : i32
        %get3A_1301 = arith.constant 0 : i32
        %get3A_1302 = arith.index_cast %get3A_1301 : i32 to index
        %get3A_1303 = arith.index_cast %add3A_1300 : i32 to index
        %get3A_1304 = arith.constant 16 : index
        %get3A_1305 = tpu.vector_load %arg6[%get3A_1302, %get3A_1303, %get3A_1304] {strides = array<i32>} : memref<16x100x32xf32, #tpu.memory_space<vmem>>, vector<1x1x16xf32>,
        %get3A_1306 = vector.shape_cast %get3A_1305 : vector<1x1x16xf32> to vector<16xf32>
        %add3A_1307 = arith.addf %add3A_1267, %get3A_1306 : vector<16xf32>
        %add3A_1308 = arith.constant 50 : i32
        %add3A_1309 = arith.addi %add3A_1308, %mul3A_1210 : i32
        %add3A_1310 = arith.constant 2 : i32
        %add3A_1311 = arith.addi %add3A_1309, %add3A_1310 : i32
        %get3A_1312 = arith.constant 0 : i32
        %get3A_1313 = arith.index_cast %get3A_1312 : i32 to index
        %get3A_1314 = arith.index_cast %add3A_1311 : i32 to index
        %get3A_1315 = arith.constant 0 : index
        %get3A_1316 = tpu.vector_load %arg6[%get3A_1313, %get3A_1314, %get3A_1315] {strides = array<i32>} : memref<16x100x32xf32, #tpu.memory_space<vmem>>, vector<1x1x16xf32>,
        %get3A_1317 = vector.shape_cast %get3A_1316 : vector<1x1x16xf32> to vector<16xf32>
        %add3A_1318 = arith.addf %add3A_1278, %get3A_1317 : vector<16xf32>
        %add3A_1319 = arith.constant 50 : i32
        %add3A_1320 = arith.addi %add3A_1319, %mul3A_1210 : i32
        %add3A_1321 = arith.constant 2 : i32
        %add3A_1322 = arith.addi %add3A_1320, %add3A_1321 : i32
        %get3A_1323 = arith.constant 0 : i32
        %get3A_1324 = arith.index_cast %get3A_1323 : i32 to index
        %get3A_1325 = arith.index_cast %add3A_1322 : i32 to index
        %get3A_1326 = arith.constant 16 : index
        %get3A_1327 = tpu.vector_load %arg6[%get3A_1324, %get3A_1325, %get3A_1326] {strides = array<i32>} : memref<16x100x32xf32, #tpu.memory_space<vmem>>, vector<1x1x16xf32>,
        %get3A_1328 = vector.shape_cast %get3A_1327 : vector<1x1x16xf32> to vector<16xf32>
        %add3A_1329 = arith.addf %add3A_1289, %get3A_1328 : vector<16xf32>
        %add3A_1330 = arith.constant 3 : i32
        %add3A_1331 = arith.addi %mul3A_1210, %add3A_1330 : i32
        %get3A_1332 = arith.constant 0 : i32
        %get3A_1333 = arith.index_cast %get3A_1332 : i32 to index
        %get3A_1334 = arith.index_cast %add3A_1331 : i32 to index
        %get3A_1335 = arith.constant 0 : index
        %get3A_1336 = tpu.vector_load %arg6[%get3A_1333, %get3A_1334, %get3A_1335] {strides = array<i32>} : memref<16x100x32xf32, #tpu.memory_space<vmem>>, vector<1x1x16xf32>,
        %get3A_1337 = vector.shape_cast %get3A_1336 : vector<1x1x16xf32> to vector<16xf32>
        %add3A_1338 = arith.addf %add3A_1298, %get3A_1337 : vector<16xf32>
        %add3A_1339 = arith.constant 3 : i32
        %add3A_1340 = arith.addi %mul3A_1210, %add3A_1339 : i32
        %get3A_1341 = arith.constant 0 : i32
        %get3A_1342 = arith.index_cast %get3A_1341 : i32 to index
        %get3A_1343 = arith.index_cast %add3A_1340 : i32 to index
        %get3A_1344 = arith.constant 16 : index
        %get3A_1345 = tpu.vector_load %arg6[%get3A_1342, %get3A_1343, %get3A_1344] {strides = array<i32>} : memref<16x100x32xf32, #tpu.memory_space<vmem>>, vector<1x1x16xf32>,
        %get3A_1346 = vector.shape_cast %get3A_1345 : vector<1x1x16xf32> to vector<16xf32>
        %add3A_1347 = arith.addf %add3A_1307, %get3A_1346 : vector<16xf32>
        %add3A_1348 = arith.constant 50 : i32
        %add3A_1349 = arith.addi %add3A_1348, %mul3A_1210 : i32
        %add3A_1350 = arith.constant 3 : i32
        %add3A_1351 = arith.addi %add3A_1349, %add3A_1350 : i32
        %get3A_1352 = arith.constant 0 : i32
        %get3A_1353 = arith.index_cast %get3A_1352 : i32 to index
        %get3A_1354 = arith.index_cast %add3A_1351 : i32 to index
        %get3A_1355 = arith.constant 0 : index
        %get3A_1356 = tpu.vector_load %arg6[%get3A_1353, %get3A_1354, %get3A_1355] {strides = array<i32>} : memref<16x100x32xf32, #tpu.memory_space<vmem>>, vector<1x1x16xf32>,
        %get3A_1357 = vector.shape_cast %get3A_1356 : vector<1x1x16xf32> to vector<16xf32>
        %add3A_1358 = arith.addf %add3A_1318, %get3A_1357 : vector<16xf32>
        %add3A_1359 = arith.constant 50 : i32
        %add3A_1360 = arith.addi %add3A_1359, %mul3A_1210 : i32
        %add3A_1361 = arith.constant 3 : i32
        %add3A_1362 = arith.addi %add3A_1360, %add3A_1361 : i32
        %get3A_1363 = arith.constant 0 : i32
        %get3A_1364 = arith.index_cast %get3A_1363 : i32 to index
        %get3A_1365 = arith.index_cast %add3A_1362 : i32 to index
        %get3A_1366 = arith.constant 16 : index
        %get3A_1367 = tpu.vector_load %arg6[%get3A_1364, %get3A_1365, %get3A_1366] {strides = array<i32>} : memref<16x100x32xf32, #tpu.memory_space<vmem>>, vector<1x1x16xf32>,
        %get3A_1368 = vector.shape_cast %get3A_1367 : vector<1x1x16xf32> to vector<16xf32>
        %add3A_1369 = arith.addf %add3A_1329, %get3A_1368 : vector<16xf32>
        %add3A_1370 = arith.constant 4 : i32
        %add3A_1371 = arith.addi %mul3A_1210, %add3A_1370 : i32
        %get3A_1372 = arith.constant 0 : i32
        %get3A_1373 = arith.index_cast %get3A_1372 : i32 to index
        %get3A_1374 = arith.index_cast %add3A_1371 : i32 to index
        %get3A_1375 = arith.constant 0 : index
        %get3A_1376 = tpu.vector_load %arg6[%get3A_1373, %get3A_1374, %get3A_1375] {strides = array<i32>} : memref<16x100x32xf32, #tpu.memory_space<vmem>>, vector<1x1x16xf32>,
        %get3A_1377 = vector.shape_cast %get3A_1376 : vector<1x1x16xf32> to vector<16xf32>
        %add3A_1378 = arith.addf %add3A_1338, %get3A_1377 : vector<16xf32>
        %add3A_1379 = arith.constant 4 : i32
        %add3A_1380 = arith.addi %mul3A_1210, %add3A_1379 : i32
        %get3A_1381 = arith.constant 0 : i32
        %get3A_1382 = arith.index_cast %get3A_1381 : i32 to index
        %get3A_1383 = arith.index_cast %add3A_1380 : i32 to index
        %get3A_1384 = arith.constant 16 : index
        %get3A_1385 = tpu.vector_load %arg6[%get3A_1382, %get3A_1383, %get3A_1384] {strides = array<i32>} : memref<16x100x32xf32, #tpu.memory_space<vmem>>, vector<1x1x16xf32>,
        %get3A_1386 = vector.shape_cast %get3A_1385 : vector<1x1x16xf32> to vector<16xf32>
        %add3A_1387 = arith.addf %add3A_1347, %get3A_1386 : vector<16xf32>
        %add3A_1388 = arith.constant 50 : i32
        %add3A_1389 = arith.addi %add3A_1388, %mul3A_1210 : i32
        %add3A_1390 = arith.constant 4 : i32
        %add3A_1391 = arith.addi %add3A_1389, %add3A_1390 : i32
        %get3A_1392 = arith.constant 0 : i32
        %get3A_1393 = arith.index_cast %get3A_1392 : i32 to index
        %get3A_1394 = arith.index_cast %add3A_1391 : i32 to index
        %get3A_1395 = arith.constant 0 : index
        %get3A_1396 = tpu.vector_load %arg6[%get3A_1393, %get3A_1394, %get3A_1395] {strides = array<i32>} : memref<16x100x32xf32, #tpu.memory_space<vmem>>, vector<1x1x16xf32>,
        %get3A_1397 = vector.shape_cast %get3A_1396 : vector<1x1x16xf32> to vector<16xf32>
        %add3A_1398 = arith.addf %add3A_1358, %get3A_1397 : vector<16xf32>
        %add3A_1399 = arith.constant 50 : i32
        %add3A_1400 = arith.addi %add3A_1399, %mul3A_1210 : i32
        %add3A_1401 = arith.constant 4 : i32
        %add3A_1402 = arith.addi %add3A_1400, %add3A_1401 : i32
        %get3A_1403 = arith.constant 0 : i32
        %get3A_1404 = arith.index_cast %get3A_1403 : i32 to index
        %get3A_1405 = arith.index_cast %add3A_1402 : i32 to index
        %get3A_1406 = arith.constant 16 : index
        %get3A_1407 = tpu.vector_load %arg6[%get3A_1404, %get3A_1405, %get3A_1406] {strides = array<i32>} : memref<16x100x32xf32, #tpu.memory_space<vmem>>, vector<1x1x16xf32>,
        %get3A_1408 = vector.shape_cast %get3A_1407 : vector<1x1x16xf32> to vector<16xf32>
        %add3A_1409 = arith.addf %add3A_1369, %get3A_1408 : vector<16xf32>
        scf.yield %add3A_1378, %add3A_1387, %add3A_1398, %add3A_1409 : vector<16xf32>, vector<16xf32>, vector<16xf32>, vector<16xf32>
      }
      %scan3A_333 = arith.constant 10 : i32
      %mul3A_334 = arith.constant 2.000000e-02 : f32
      %mul3A_335 = vector.broadcast %mul3A_334 : f32 to vector<16xf32>
      %mul3A_336 = arith.mulf %scan3A_332#0, %mul3A_335 : vector<16xf32>
      %swap3A = arith.index_cast %mul3A_326 : i32 to index
      %swap3A_337 = arith.constant 0 : index
      %swap3A_338 = tpu.vector_load %arg7[%swap3A, %swap3A_337] {strides = array<i32>} : memref<512x32xf32, #tpu.memory_space<vmem>>, vector<1x16xf32>,
      %swap3A_339 = vector.shape_cast %swap3A_338 : vector<1x16xf32> to vector<16xf32>
      %swap3A_340 = vector.shape_cast %mul3A_336 : vector<16xf32> to vector<1x16xf32>
      tpu.vector_store %arg7[%swap3A, %swap3A_337], %swap3A_340 {strides = array<i32>} : memref<512x32xf32, #tpu.memory_space<vmem>>, vector<1x16xf32>,
      %mul3A_341 = arith.constant 2.000000e-02 : f32
      %mul3A_342 = vector.broadcast %mul3A_341 : f32 to vector<16xf32>
      %mul3A_343 = arith.mulf %scan3A_332#1, %mul3A_342 : vector<16xf32>
      %swap3A_344 = arith.index_cast %mul3A_326 : i32 to index
      %swap3A_345 = arith.constant 16 : index
      %swap3A_346 = tpu.vector_load %arg7[%swap3A_344, %swap3A_345] {strides = array<i32>} : memref<512x32xf32, #tpu.memory_space<vmem>>, vector<1x16xf32>,
      %swap3A_347 = vector.shape_cast %swap3A_346 : vector<1x16xf32> to vector<16xf32>
      %swap3A_348 = vector.shape_cast %mul3A_343 : vector<16xf32> to vector<1x16xf32>
      tpu.vector_store %arg7[%swap3A_344, %swap3A_345], %swap3A_348 {strides = array<i32>} : memref<512x32xf32, #tpu.memory_space<vmem>>, vector<1x16xf32>,
      %mul3A_349 = arith.constant 2.000000e-02 : f32
      %mul3A_350 = vector.broadcast %mul3A_349 : f32 to vector<16xf32>
      %mul3A_351 = arith.mulf %scan3A_332#2, %mul3A_350 : vector<16xf32>
      %add3A_352 = arith.constant 1 : i32
      %add3A_353 = arith.addi %mul3A_326, %add3A_352 : i32
      %swap3A_354 = arith.index_cast %add3A_353 : i32 to index
      %swap3A_355 = arith.constant 0 : index
      %swap3A_356 = tpu.vector_load %arg7[%swap3A_354, %swap3A_355] {strides = array<i32>} : memref<512x32xf32, #tpu.memory_space<vmem>>, vector<1x16xf32>,
      %swap3A_357 = vector.shape_cast %swap3A_356 : vector<1x16xf32> to vector<16xf32>
      %swap3A_358 = vector.shape_cast %mul3A_351 : vector<16xf32> to vector<1x16xf32>
      tpu.vector_store %arg7[%swap3A_354, %swap3A_355], %swap3A_358 {strides = array<i32>} : memref<512x32xf32, #tpu.memory_space<vmem>>, vector<1x16xf32>,
      %mul3A_359 = arith.constant 2.000000e-02 : f32
      %mul3A_360 = vector.broadcast %mul3A_359 : f32 to vector<16xf32>
      %mul3A_361 = arith.mulf %scan3A_332#3, %mul3A_360 : vector<16xf32>
      %add3A_362 = arith.constant 1 : i32
      %add3A_363 = arith.addi %mul3A_326, %add3A_362 : i32
      %swap3A_364 = arith.index_cast %add3A_363 : i32 to index
      %swap3A_365 = arith.constant 16 : index
      %swap3A_366 = tpu.vector_load %arg7[%swap3A_364, %swap3A_365] {strides = array<i32>} : memref<512x32xf32, #tpu.memory_space<vmem>>, vector<1x16xf32>,
      %swap3A_367 = vector.shape_cast %swap3A_366 : vector<1x16xf32> to vector<16xf32>
      %swap3A_368 = vector.shape_cast %mul3A_361 : vector<16xf32> to vector<1x16xf32>
      tpu.vector_store %arg7[%swap3A_364, %swap3A_365], %swap3A_368 {strides = array<i32>} : memref<512x32xf32, #tpu.memory_space<vmem>>, vector<1x16xf32>,
      %add3A_369 = arith.constant 1 : i32
      %add3A_370 = arith.addi %mul3A_107, %add3A_369 : i32
      %mul3A_371 = arith.constant 2 : i32
      %mul3A_372 = arith.muli %add3A_370, %mul3A_371 : i32
      %broadcast_in_dim3A_373 = arith.constant 0.000000e+00 : f32
      %broadcast_in_dim3A_374 = vector.broadcast %broadcast_in_dim3A_373 : f32 to vector<16xf32>
      %scan3A_375 = arith.constant 0 : i32
      %scan3A_376 = arith.constant 10 : i32
      %scan3A_377 = arith.addi %scan3A_375, %scan3A_376 : i32
      %scan3A_378 = arith.constant 1 : i32
      %scan3A_379:4 = scf.for %scan3A_1204 = %scan3A_375 to %scan3A_377 step %scan3A_378 iter_args(%scan3A_1205 = %broadcast_in_dim3A_374, %scan3A_1206 = %broadcast_in_dim3A_374, %scan3A_1207 = %broadcast_in_dim3A_374, %scan3A_1208 = %broadcast_in_dim3A_374) -> (vector<16xf32>, vector<16xf32>, vector<16xf32>, vector<16xf32>)  : i32 {
        %mul3A_1209 = arith.constant 5 : i32
        %mul3A_1210 = arith.muli %mul3A_1209, %scan3A_1204 : i32
        %add3A_1211 = arith.constant 0 : i32
        %add3A_1212 = arith.addi %mul3A_1210, %add3A_1211 : i32
        %get3A = arith.constant 1 : i32
        %get3A_1213 = arith.index_cast %get3A : i32 to index
        %get3A_1214 = arith.index_cast %add3A_1212 : i32 to index
        %get3A_1215 = arith.constant 0 : index
        %get3A_1216 = tpu.vector_load %arg6[%get3A_1213, %get3A_1214, %get3A_1215] {strides = array<i32>} : memref<16x100x32xf32, #tpu.memory_space<vmem>>, vector<1x1x16xf32>,
        %get3A_1217 = vector.shape_cast %get3A_1216 : vector<1x1x16xf32> to vector<16xf32>
        %add3A_1218 = arith.addf %scan3A_1205, %get3A_1217 : vector<16xf32>
        %add3A_1219 = arith.constant 0 : i32
        %add3A_1220 = arith.addi %mul3A_1210, %add3A_1219 : i32
        %get3A_1221 = arith.constant 1 : i32
        %get3A_1222 = arith.index_cast %get3A_1221 : i32 to index
        %get3A_1223 = arith.index_cast %add3A_1220 : i32 to index
        %get3A_1224 = arith.constant 16 : index
        %get3A_1225 = tpu.vector_load %arg6[%get3A_1222, %get3A_1223, %get3A_1224] {strides = array<i32>} : memref<16x100x32xf32, #tpu.memory_space<vmem>>, vector<1x1x16xf32>,
        %get3A_1226 = vector.shape_cast %get3A_1225 : vector<1x1x16xf32> to vector<16xf32>
        %add3A_1227 = arith.addf %scan3A_1206, %get3A_1226 : vector<16xf32>
        %add3A_1228 = arith.constant 50 : i32
        %add3A_1229 = arith.addi %add3A_1228, %mul3A_1210 : i32
        %add3A_1230 = arith.constant 0 : i32
        %add3A_1231 = arith.addi %add3A_1229, %add3A_1230 : i32
        %get3A_1232 = arith.constant 1 : i32
        %get3A_1233 = arith.index_cast %get3A_1232 : i32 to index
        %get3A_1234 = arith.index_cast %add3A_1231 : i32 to index
        %get3A_1235 = arith.constant 0 : index
        %get3A_1236 = tpu.vector_load %arg6[%get3A_1233, %get3A_1234, %get3A_1235] {strides = array<i32>} : memref<16x100x32xf32, #tpu.memory_space<vmem>>, vector<1x1x16xf32>,
        %get3A_1237 = vector.shape_cast %get3A_1236 : vector<1x1x16xf32> to vector<16xf32>
        %add3A_1238 = arith.addf %scan3A_1207, %get3A_1237 : vector<16xf32>
        %add3A_1239 = arith.constant 50 : i32
        %add3A_1240 = arith.addi %add3A_1239, %mul3A_1210 : i32
        %add3A_1241 = arith.constant 0 : i32
        %add3A_1242 = arith.addi %add3A_1240, %add3A_1241 : i32
        %get3A_1243 = arith.constant 1 : i32
        %get3A_1244 = arith.index_cast %get3A_1243 : i32 to index
        %get3A_1245 = arith.index_cast %add3A_1242 : i32 to index
        %get3A_1246 = arith.constant 16 : index
        %get3A_1247 = tpu.vector_load %arg6[%get3A_1244, %get3A_1245, %get3A_1246] {strides = array<i32>} : memref<16x100x32xf32, #tpu.memory_space<vmem>>, vector<1x1x16xf32>,
        %get3A_1248 = vector.shape_cast %get3A_1247 : vector<1x1x16xf32> to vector<16xf32>
        %add3A_1249 = arith.addf %scan3A_1208, %get3A_1248 : vector<16xf32>
        %add3A_1250 = arith.constant 1 : i32
        %add3A_1251 = arith.addi %mul3A_1210, %add3A_1250 : i32
        %get3A_1252 = arith.constant 1 : i32
        %get3A_1253 = arith.index_cast %get3A_1252 : i32 to index
        %get3A_1254 = arith.index_cast %add3A_1251 : i32 to index
        %get3A_1255 = arith.constant 0 : index
        %get3A_1256 = tpu.vector_load %arg6[%get3A_1253, %get3A_1254, %get3A_1255] {strides = array<i32>} : memref<16x100x32xf32, #tpu.memory_space<vmem>>, vector<1x1x16xf32>,
        %get3A_1257 = vector.shape_cast %get3A_1256 : vector<1x1x16xf32> to vector<16xf32>
        %add3A_1258 = arith.addf %add3A_1218, %get3A_1257 : vector<16xf32>
        %add3A_1259 = arith.constant 1 : i32
        %add3A_1260 = arith.addi %mul3A_1210, %add3A_1259 : i32
        %get3A_1261 = arith.constant 1 : i32
        %get3A_1262 = arith.index_cast %get3A_1261 : i32 to index
        %get3A_1263 = arith.index_cast %add3A_1260 : i32 to index
        %get3A_1264 = arith.constant 16 : index
        %get3A_1265 = tpu.vector_load %arg6[%get3A_1262, %get3A_1263, %get3A_1264] {strides = array<i32>} : memref<16x100x32xf32, #tpu.memory_space<vmem>>, vector<1x1x16xf32>,
        %get3A_1266 = vector.shape_cast %get3A_1265 : vector<1x1x16xf32> to vector<16xf32>
        %add3A_1267 = arith.addf %add3A_1227, %get3A_1266 : vector<16xf32>
        %add3A_1268 = arith.constant 50 : i32
        %add3A_1269 = arith.addi %add3A_1268, %mul3A_1210 : i32
        %add3A_1270 = arith.constant 1 : i32
        %add3A_1271 = arith.addi %add3A_1269, %add3A_1270 : i32
        %get3A_1272 = arith.constant 1 : i32
        %get3A_1273 = arith.index_cast %get3A_1272 : i32 to index
        %get3A_1274 = arith.index_cast %add3A_1271 : i32 to index
        %get3A_1275 = arith.constant 0 : index
        %get3A_1276 = tpu.vector_load %arg6[%get3A_1273, %get3A_1274, %get3A_1275] {strides = array<i32>} : memref<16x100x32xf32, #tpu.memory_space<vmem>>, vector<1x1x16xf32>,
        %get3A_1277 = vector.shape_cast %get3A_1276 : vector<1x1x16xf32> to vector<16xf32>
        %add3A_1278 = arith.addf %add3A_1238, %get3A_1277 : vector<16xf32>
        %add3A_1279 = arith.constant 50 : i32
        %add3A_1280 = arith.addi %add3A_1279, %mul3A_1210 : i32
        %add3A_1281 = arith.constant 1 : i32
        %add3A_1282 = arith.addi %add3A_1280, %add3A_1281 : i32
        %get3A_1283 = arith.constant 1 : i32
        %get3A_1284 = arith.index_cast %get3A_1283 : i32 to index
        %get3A_1285 = arith.index_cast %add3A_1282 : i32 to index
        %get3A_1286 = arith.constant 16 : index
        %get3A_1287 = tpu.vector_load %arg6[%get3A_1284, %get3A_1285, %get3A_1286] {strides = array<i32>} : memref<16x100x32xf32, #tpu.memory_space<vmem>>, vector<1x1x16xf32>,
        %get3A_1288 = vector.shape_cast %get3A_1287 : vector<1x1x16xf32> to vector<16xf32>
        %add3A_1289 = arith.addf %add3A_1249, %get3A_1288 : vector<16xf32>
        %add3A_1290 = arith.constant 2 : i32
        %add3A_1291 = arith.addi %mul3A_1210, %add3A_1290 : i32
        %get3A_1292 = arith.constant 1 : i32
        %get3A_1293 = arith.index_cast %get3A_1292 : i32 to index
        %get3A_1294 = arith.index_cast %add3A_1291 : i32 to index
        %get3A_1295 = arith.constant 0 : index
        %get3A_1296 = tpu.vector_load %arg6[%get3A_1293, %get3A_1294, %get3A_1295] {strides = array<i32>} : memref<16x100x32xf32, #tpu.memory_space<vmem>>, vector<1x1x16xf32>,
        %get3A_1297 = vector.shape_cast %get3A_1296 : vector<1x1x16xf32> to vector<16xf32>
        %add3A_1298 = arith.addf %add3A_1258, %get3A_1297 : vector<16xf32>
        %add3A_1299 = arith.constant 2 : i32
        %add3A_1300 = arith.addi %mul3A_1210, %add3A_1299 : i32
        %get3A_1301 = arith.constant 1 : i32
        %get3A_1302 = arith.index_cast %get3A_1301 : i32 to index
        %get3A_1303 = arith.index_cast %add3A_1300 : i32 to index
        %get3A_1304 = arith.constant 16 : index
        %get3A_1305 = tpu.vector_load %arg6[%get3A_1302, %get3A_1303, %get3A_1304] {strides = array<i32>} : memref<16x100x32xf32, #tpu.memory_space<vmem>>, vector<1x1x16xf32>,
        %get3A_1306 = vector.shape_cast %get3A_1305 : vector<1x1x16xf32> to vector<16xf32>
        %add3A_1307 = arith.addf %add3A_1267, %get3A_1306 : vector<16xf32>
        %add3A_1308 = arith.constant 50 : i32
        %add3A_1309 = arith.addi %add3A_1308, %mul3A_1210 : i32
        %add3A_1310 = arith.constant 2 : i32
        %add3A_1311 = arith.addi %add3A_1309, %add3A_1310 : i32
        %get3A_1312 = arith.constant 1 : i32
        %get3A_1313 = arith.index_cast %get3A_1312 : i32 to index
        %get3A_1314 = arith.index_cast %add3A_1311 : i32 to index
        %get3A_1315 = arith.constant 0 : index
        %get3A_1316 = tpu.vector_load %arg6[%get3A_1313, %get3A_1314, %get3A_1315] {strides = array<i32>} : memref<16x100x32xf32, #tpu.memory_space<vmem>>, vector<1x1x16xf32>,
        %get3A_1317 = vector.shape_cast %get3A_1316 : vector<1x1x16xf32> to vector<16xf32>
        %add3A_1318 = arith.addf %add3A_1278, %get3A_1317 : vector<16xf32>
        %add3A_1319 = arith.constant 50 : i32
        %add3A_1320 = arith.addi %add3A_1319, %mul3A_1210 : i32
        %add3A_1321 = arith.constant 2 : i32
        %add3A_1322 = arith.addi %add3A_1320, %add3A_1321 : i32
        %get3A_1323 = arith.constant 1 : i32
        %get3A_1324 = arith.index_cast %get3A_1323 : i32 to index
        %get3A_1325 = arith.index_cast %add3A_1322 : i32 to index
        %get3A_1326 = arith.constant 16 : index
        %get3A_1327 = tpu.vector_load %arg6[%get3A_1324, %get3A_1325, %get3A_1326] {strides = array<i32>} : memref<16x100x32xf32, #tpu.memory_space<vmem>>, vector<1x1x16xf32>,
        %get3A_1328 = vector.shape_cast %get3A_1327 : vector<1x1x16xf32> to vector<16xf32>
        %add3A_1329 = arith.addf %add3A_1289, %get3A_1328 : vector<16xf32>
        %add3A_1330 = arith.constant 3 : i32
        %add3A_1331 = arith.addi %mul3A_1210, %add3A_1330 : i32
        %get3A_1332 = arith.constant 1 : i32
        %get3A_1333 = arith.index_cast %get3A_1332 : i32 to index
        %get3A_1334 = arith.index_cast %add3A_1331 : i32 to index
        %get3A_1335 = arith.constant 0 : index
        %get3A_1336 = tpu.vector_load %arg6[%get3A_1333, %get3A_1334, %get3A_1335] {strides = array<i32>} : memref<16x100x32xf32, #tpu.memory_space<vmem>>, vector<1x1x16xf32>,
        %get3A_1337 = vector.shape_cast %get3A_1336 : vector<1x1x16xf32> to vector<16xf32>
        %add3A_1338 = arith.addf %add3A_1298, %get3A_1337 : vector<16xf32>
        %add3A_1339 = arith.constant 3 : i32
        %add3A_1340 = arith.addi %mul3A_1210, %add3A_1339 : i32
        %get3A_1341 = arith.constant 1 : i32
        %get3A_1342 = arith.index_cast %get3A_1341 : i32 to index
        %get3A_1343 = arith.index_cast %add3A_1340 : i32 to index
        %get3A_1344 = arith.constant 16 : index
        %get3A_1345 = tpu.vector_load %arg6[%get3A_1342, %get3A_1343, %get3A_1344] {strides = array<i32>} : memref<16x100x32xf32, #tpu.memory_space<vmem>>, vector<1x1x16xf32>,
        %get3A_1346 = vector.shape_cast %get3A_1345 : vector<1x1x16xf32> to vector<16xf32>
        %add3A_1347 = arith.addf %add3A_1307, %get3A_1346 : vector<16xf32>
        %add3A_1348 = arith.constant 50 : i32
        %add3A_1349 = arith.addi %add3A_1348, %mul3A_1210 : i32
        %add3A_1350 = arith.constant 3 : i32
        %add3A_1351 = arith.addi %add3A_1349, %add3A_1350 : i32
        %get3A_1352 = arith.constant 1 : i32
        %get3A_1353 = arith.index_cast %get3A_1352 : i32 to index
        %get3A_1354 = arith.index_cast %add3A_1351 : i32 to index
        %get3A_1355 = arith.constant 0 : index
        %get3A_1356 = tpu.vector_load %arg6[%get3A_1353, %get3A_1354, %get3A_1355] {strides = array<i32>} : memref<16x100x32xf32, #tpu.memory_space<vmem>>, vector<1x1x16xf32>,
        %get3A_1357 = vector.shape_cast %get3A_1356 : vector<1x1x16xf32> to vector<16xf32>
        %add3A_1358 = arith.addf %add3A_1318, %get3A_1357 : vector<16xf32>
        %add3A_1359 = arith.constant 50 : i32
        %add3A_1360 = arith.addi %add3A_1359, %mul3A_1210 : i32
        %add3A_1361 = arith.constant 3 : i32
        %add3A_1362 = arith.addi %add3A_1360, %add3A_1361 : i32
        %get3A_1363 = arith.constant 1 : i32
        %get3A_1364 = arith.index_cast %get3A_1363 : i32 to index
        %get3A_1365 = arith.index_cast %add3A_1362 : i32 to index
        %get3A_1366 = arith.constant 16 : index
        %get3A_1367 = tpu.vector_load %arg6[%get3A_1364, %get3A_1365, %get3A_1366] {strides = array<i32>} : memref<16x100x32xf32, #tpu.memory_space<vmem>>, vector<1x1x16xf32>,
        %get3A_1368 = vector.shape_cast %get3A_1367 : vector<1x1x16xf32> to vector<16xf32>
        %add3A_1369 = arith.addf %add3A_1329, %get3A_1368 : vector<16xf32>
        %add3A_1370 = arith.constant 4 : i32
        %add3A_1371 = arith.addi %mul3A_1210, %add3A_1370 : i32
        %get3A_1372 = arith.constant 1 : i32
        %get3A_1373 = arith.index_cast %get3A_1372 : i32 to index
        %get3A_1374 = arith.index_cast %add3A_1371 : i32 to index
        %get3A_1375 = arith.constant 0 : index
        %get3A_1376 = tpu.vector_load %arg6[%get3A_1373, %get3A_1374, %get3A_1375] {strides = array<i32>} : memref<16x100x32xf32, #tpu.memory_space<vmem>>, vector<1x1x16xf32>,
        %get3A_1377 = vector.shape_cast %get3A_1376 : vector<1x1x16xf32> to vector<16xf32>
        %add3A_1378 = arith.addf %add3A_1338, %get3A_1377 : vector<16xf32>
        %add3A_1379 = arith.constant 4 : i32
        %add3A_1380 = arith.addi %mul3A_1210, %add3A_1379 : i32
        %get3A_1381 = arith.constant 1 : i32
        %get3A_1382 = arith.index_cast %get3A_1381 : i32 to index
        %get3A_1383 = arith.index_cast %add3A_1380 : i32 to index
        %get3A_1384 = arith.constant 16 : index
        %get3A_1385 = tpu.vector_load %arg6[%get3A_1382, %get3A_1383, %get3A_1384] {strides = array<i32>} : memref<16x100x32xf32, #tpu.memory_space<vmem>>, vector<1x1x16xf32>,
        %get3A_1386 = vector.shape_cast %get3A_1385 : vector<1x1x16xf32> to vector<16xf32>
        %add3A_1387 = arith.addf %add3A_1347, %get3A_1386 : vector<16xf32>
        %add3A_1388 = arith.constant 50 : i32
        %add3A_1389 = arith.addi %add3A_1388, %mul3A_1210 : i32
        %add3A_1390 = arith.constant 4 : i32
        %add3A_1391 = arith.addi %add3A_1389, %add3A_1390 : i32
        %get3A_1392 = arith.constant 1 : i32
        %get3A_1393 = arith.index_cast %get3A_1392 : i32 to index
        %get3A_1394 = arith.index_cast %add3A_1391 : i32 to index
        %get3A_1395 = arith.constant 0 : index
        %get3A_1396 = tpu.vector_load %arg6[%get3A_1393, %get3A_1394, %get3A_1395] {strides = array<i32>} : memref<16x100x32xf32, #tpu.memory_space<vmem>>, vector<1x1x16xf32>,
        %get3A_1397 = vector.shape_cast %get3A_1396 : vector<1x1x16xf32> to vector<16xf32>
        %add3A_1398 = arith.addf %add3A_1358, %get3A_1397 : vector<16xf32>
        %add3A_1399 = arith.constant 50 : i32
        %add3A_1400 = arith.addi %add3A_1399, %mul3A_1210 : i32
        %add3A_1401 = arith.constant 4 : i32
        %add3A_1402 = arith.addi %add3A_1400, %add3A_1401 : i32
        %get3A_1403 = arith.constant 1 : i32
        %get3A_1404 = arith.index_cast %get3A_1403 : i32 to index
        %get3A_1405 = arith.index_cast %add3A_1402 : i32 to index
        %get3A_1406 = arith.constant 16 : index
        %get3A_1407 = tpu.vector_load %arg6[%get3A_1404, %get3A_1405, %get3A_1406] {strides = array<i32>} : memref<16x100x32xf32, #tpu.memory_space<vmem>>, vector<1x1x16xf32>,
        %get3A_1408 = vector.shape_cast %get3A_1407 : vector<1x1x16xf32> to vector<16xf32>
        %add3A_1409 = arith.addf %add3A_1369, %get3A_1408 : vector<16xf32>
        scf.yield %add3A_1378, %add3A_1387, %add3A_1398, %add3A_1409 : vector<16xf32>, vector<16xf32>, vector<16xf32>, vector<16xf32>
      }
      %scan3A_380 = arith.constant 10 : i32
      %mul3A_381 = arith.constant 2.000000e-02 : f32
      %mul3A_382 = vector.broadcast %mul3A_381 : f32 to vector<16xf32>
      %mul3A_383 = arith.mulf %scan3A_379#0, %mul3A_382 : vector<16xf32>
      %swap3A_384 = arith.index_cast %mul3A_372 : i32 to index
      %swap3A_385 = arith.constant 0 : index
      %swap3A_386 = tpu.vector_load %arg7[%swap3A_384, %swap3A_385] {strides = array<i32>} : memref<512x32xf32, #tpu.memory_space<vmem>>, vector<1x16xf32>,
      %swap3A_387 = vector.shape_cast %swap3A_386 : vector<1x16xf32> to vector<16xf32>
      %swap3A_388 = vector.shape_cast %mul3A_383 : vector<16xf32> to vector<1x16xf32>
      tpu.vector_store %arg7[%swap3A_384, %swap3A_385], %swap3A_388 {strides = array<i32>} : memref<512x32xf32, #tpu.memory_space<vmem>>, vector<1x16xf32>,
      %mul3A_389 = arith.constant 2.000000e-02 : f32
      %mul3A_390 = vector.broadcast %mul3A_389 : f32 to vector<16xf32>
      %mul3A_391 = arith.mulf %scan3A_379#1, %mul3A_390 : vector<16xf32>
      %swap3A_392 = arith.index_cast %mul3A_372 : i32 to index
      %swap3A_393 = arith.constant 16 : index
      %swap3A_394 = tpu.vector_load %arg7[%swap3A_392, %swap3A_393] {strides = array<i32>} : memref<512x32xf32, #tpu.memory_space<vmem>>, vector<1x16xf32>,
      %swap3A_395 = vector.shape_cast %swap3A_394 : vector<1x16xf32> to vector<16xf32>
      %swap3A_396 = vector.shape_cast %mul3A_391 : vector<16xf32> to vector<1x16xf32>
      tpu.vector_store %arg7[%swap3A_392, %swap3A_393], %swap3A_396 {strides = array<i32>} : memref<512x32xf32, #tpu.memory_space<vmem>>, vector<1x16xf32>,
      %mul3A_397 = arith.constant 2.000000e-02 : f32
      %mul3A_398 = vector.broadcast %mul3A_397 : f32 to vector<16xf32>
      %mul3A_399 = arith.mulf %scan3A_379#2, %mul3A_398 : vector<16xf32>
      %add3A_400 = arith.constant 1 : i32
      %add3A_401 = arith.addi %mul3A_372, %add3A_400 : i32
      %swap3A_402 = arith.index_cast %add3A_401 : i32 to index
      %swap3A_403 = arith.constant 0 : index
      %swap3A_404 = tpu.vector_load %arg7[%swap3A_402, %swap3A_403] {strides = array<i32>} : memref<512x32xf32, #tpu.memory_space<vmem>>, vector<1x16xf32>,
      %swap3A_405 = vector.shape_cast %swap3A_404 : vector<1x16xf32> to vector<16xf32>
      %swap3A_406 = vector.shape_cast %mul3A_399 : vector<16xf32> to vector<1x16xf32>
      tpu.vector_store %arg7[%swap3A_402, %swap3A_403], %swap3A_406 {strides = array<i32>} : memref<512x32xf32, #tpu.memory_space<vmem>>, vector<1x16xf32>,
      %mul3A_407 = arith.constant 2.000000e-02 : f32
      %mul3A_408 = vector.broadcast %mul3A_407 : f32 to vector<16xf32>
      %mul3A_409 = arith.mulf %scan3A_379#3, %mul3A_408 : vector<16xf32>
      %add3A_410 = arith.constant 1 : i32
      %add3A_411 = arith.addi %mul3A_372, %add3A_410 : i32
      %swap3A_412 = arith.index_cast %add3A_411 : i32 to index
      %swap3A_413 = arith.constant 16 : index
      %swap3A_414 = tpu.vector_load %arg7[%swap3A_412, %swap3A_413] {strides = array<i32>} : memref<512x32xf32, #tpu.memory_space<vmem>>, vector<1x16xf32>,
      %swap3A_415 = vector.shape_cast %swap3A_414 : vector<1x16xf32> to vector<16xf32>
      %swap3A_416 = vector.shape_cast %mul3A_409 : vector<16xf32> to vector<1x16xf32>
      tpu.vector_store %arg7[%swap3A_412, %swap3A_413], %swap3A_416 {strides = array<i32>} : memref<512x32xf32, #tpu.memory_space<vmem>>, vector<1x16xf32>,
      %add3A_417 = arith.constant 2 : i32
      %add3A_418 = arith.addi %mul3A_107, %add3A_417 : i32
      %mul3A_419 = arith.constant 2 : i32
      %mul3A_420 = arith.muli %add3A_418, %mul3A_419 : i32
      %broadcast_in_dim3A_421 = arith.constant 0.000000e+00 : f32
      %broadcast_in_dim3A_422 = vector.broadcast %broadcast_in_dim3A_421 : f32 to vector<16xf32>
      %scan3A_423 = arith.constant 0 : i32
      %scan3A_424 = arith.constant 10 : i32
      %scan3A_425 = arith.addi %scan3A_423, %scan3A_424 : i32
      %scan3A_426 = arith.constant 1 : i32
      %scan3A_427:4 = scf.for %scan3A_1204 = %scan3A_423 to %scan3A_425 step %scan3A_426 iter_args(%scan3A_1205 = %broadcast_in_dim3A_422, %scan3A_1206 = %broadcast_in_dim3A_422, %scan3A_1207 = %broadcast_in_dim3A_422, %scan3A_1208 = %broadcast_in_dim3A_422) -> (vector<16xf32>, vector<16xf32>, vector<16xf32>, vector<16xf32>)  : i32 {
        %mul3A_1209 = arith.constant 5 : i32
        %mul3A_1210 = arith.muli %mul3A_1209, %scan3A_1204 : i32
        %add3A_1211 = arith.constant 0 : i32
        %add3A_1212 = arith.addi %mul3A_1210, %add3A_1211 : i32
        %get3A = arith.constant 2 : i32
        %get3A_1213 = arith.index_cast %get3A : i32 to index
        %get3A_1214 = arith.index_cast %add3A_1212 : i32 to index
        %get3A_1215 = arith.constant 0 : index
        %get3A_1216 = tpu.vector_load %arg6[%get3A_1213, %get3A_1214, %get3A_1215] {strides = array<i32>} : memref<16x100x32xf32, #tpu.memory_space<vmem>>, vector<1x1x16xf32>,
        %get3A_1217 = vector.shape_cast %get3A_1216 : vector<1x1x16xf32> to vector<16xf32>
        %add3A_1218 = arith.addf %scan3A_1205, %get3A_1217 : vector<16xf32>
        %add3A_1219 = arith.constant 0 : i32
        %add3A_1220 = arith.addi %mul3A_1210, %add3A_1219 : i32
        %get3A_1221 = arith.constant 2 : i32
        %get3A_1222 = arith.index_cast %get3A_1221 : i32 to index
        %get3A_1223 = arith.index_cast %add3A_1220 : i32 to index
        %get3A_1224 = arith.constant 16 : index
        %get3A_1225 = tpu.vector_load %arg6[%get3A_1222, %get3A_1223, %get3A_1224] {strides = array<i32>} : memref<16x100x32xf32, #tpu.memory_space<vmem>>, vector<1x1x16xf32>,
        %get3A_1226 = vector.shape_cast %get3A_1225 : vector<1x1x16xf32> to vector<16xf32>
        %add3A_1227 = arith.addf %scan3A_1206, %get3A_1226 : vector<16xf32>
        %add3A_1228 = arith.constant 50 : i32
        %add3A_1229 = arith.addi %add3A_1228, %mul3A_1210 : i32
        %add3A_1230 = arith.constant 0 : i32
        %add3A_1231 = arith.addi %add3A_1229, %add3A_1230 : i32
        %get3A_1232 = arith.constant 2 : i32
        %get3A_1233 = arith.index_cast %get3A_1232 : i32 to index
        %get3A_1234 = arith.index_cast %add3A_1231 : i32 to index
        %get3A_1235 = arith.constant 0 : index
        %get3A_1236 = tpu.vector_load %arg6[%get3A_1233, %get3A_1234, %get3A_1235] {strides = array<i32>} : memref<16x100x32xf32, #tpu.memory_space<vmem>>, vector<1x1x16xf32>,
        %get3A_1237 = vector.shape_cast %get3A_1236 : vector<1x1x16xf32> to vector<16xf32>
        %add3A_1238 = arith.addf %scan3A_1207, %get3A_1237 : vector<16xf32>
        %add3A_1239 = arith.constant 50 : i32
        %add3A_1240 = arith.addi %add3A_1239, %mul3A_1210 : i32
        %add3A_1241 = arith.constant 0 : i32
        %add3A_1242 = arith.addi %add3A_1240, %add3A_1241 : i32
        %get3A_1243 = arith.constant 2 : i32
        %get3A_1244 = arith.index_cast %get3A_1243 : i32 to index
        %get3A_1245 = arith.index_cast %add3A_1242 : i32 to index
        %get3A_1246 = arith.constant 16 : index
        %get3A_1247 = tpu.vector_load %arg6[%get3A_1244, %get3A_1245, %get3A_1246] {strides = array<i32>} : memref<16x100x32xf32, #tpu.memory_space<vmem>>, vector<1x1x16xf32>,
        %get3A_1248 = vector.shape_cast %get3A_1247 : vector<1x1x16xf32> to vector<16xf32>
        %add3A_1249 = arith.addf %scan3A_1208, %get3A_1248 : vector<16xf32>
        %add3A_1250 = arith.constant 1 : i32
        %add3A_1251 = arith.addi %mul3A_1210, %add3A_1250 : i32
        %get3A_1252 = arith.constant 2 : i32
        %get3A_1253 = arith.index_cast %get3A_1252 : i32 to index
        %get3A_1254 = arith.index_cast %add3A_1251 : i32 to index
        %get3A_1255 = arith.constant 0 : index
        %get3A_1256 = tpu.vector_load %arg6[%get3A_1253, %get3A_1254, %get3A_1255] {strides = array<i32>} : memref<16x100x32xf32, #tpu.memory_space<vmem>>, vector<1x1x16xf32>,
        %get3A_1257 = vector.shape_cast %get3A_1256 : vector<1x1x16xf32> to vector<16xf32>
        %add3A_1258 = arith.addf %add3A_1218, %get3A_1257 : vector<16xf32>
        %add3A_1259 = arith.constant 1 : i32
        %add3A_1260 = arith.addi %mul3A_1210, %add3A_1259 : i32
        %get3A_1261 = arith.constant 2 : i32
        %get3A_1262 = arith.index_cast %get3A_1261 : i32 to index
        %get3A_1263 = arith.index_cast %add3A_1260 : i32 to index
        %get3A_1264 = arith.constant 16 : index
        %get3A_1265 = tpu.vector_load %arg6[%get3A_1262, %get3A_1263, %get3A_1264] {strides = array<i32>} : memref<16x100x32xf32, #tpu.memory_space<vmem>>, vector<1x1x16xf32>,
        %get3A_1266 = vector.shape_cast %get3A_1265 : vector<1x1x16xf32> to vector<16xf32>
        %add3A_1267 = arith.addf %add3A_1227, %get3A_1266 : vector<16xf32>
        %add3A_1268 = arith.constant 50 : i32
        %add3A_1269 = arith.addi %add3A_1268, %mul3A_1210 : i32
        %add3A_1270 = arith.constant 1 : i32
        %add3A_1271 = arith.addi %add3A_1269, %add3A_1270 : i32
        %get3A_1272 = arith.constant 2 : i32
        %get3A_1273 = arith.index_cast %get3A_1272 : i32 to index
        %get3A_1274 = arith.index_cast %add3A_1271 : i32 to index
        %get3A_1275 = arith.constant 0 : index
        %get3A_1276 = tpu.vector_load %arg6[%get3A_1273, %get3A_1274, %get3A_1275] {strides = array<i32>} : memref<16x100x32xf32, #tpu.memory_space<vmem>>, vector<1x1x16xf32>,
        %get3A_1277 = vector.shape_cast %get3A_1276 : vector<1x1x16xf32> to vector<16xf32>
        %add3A_1278 = arith.addf %add3A_1238, %get3A_1277 : vector<16xf32>
        %add3A_1279 = arith.constant 50 : i32
        %add3A_1280 = arith.addi %add3A_1279, %mul3A_1210 : i32
        %add3A_1281 = arith.constant 1 : i32
        %add3A_1282 = arith.addi %add3A_1280, %add3A_1281 : i32
        %get3A_1283 = arith.constant 2 : i32
        %get3A_1284 = arith.index_cast %get3A_1283 : i32 to index
        %get3A_1285 = arith.index_cast %add3A_1282 : i32 to index
        %get3A_1286 = arith.constant 16 : index
        %get3A_1287 = tpu.vector_load %arg6[%get3A_1284, %get3A_1285, %get3A_1286] {strides = array<i32>} : memref<16x100x32xf32, #tpu.memory_space<vmem>>, vector<1x1x16xf32>,
        %get3A_1288 = vector.shape_cast %get3A_1287 : vector<1x1x16xf32> to vector<16xf32>
        %add3A_1289 = arith.addf %add3A_1249, %get3A_1288 : vector<16xf32>
        %add3A_1290 = arith.constant 2 : i32
        %add3A_1291 = arith.addi %mul3A_1210, %add3A_1290 : i32
        %get3A_1292 = arith.constant 2 : i32
        %get3A_1293 = arith.index_cast %get3A_1292 : i32 to index
        %get3A_1294 = arith.index_cast %add3A_1291 : i32 to index
        %get3A_1295 = arith.constant 0 : index
        %get3A_1296 = tpu.vector_load %arg6[%get3A_1293, %get3A_1294, %get3A_1295] {strides = array<i32>} : memref<16x100x32xf32, #tpu.memory_space<vmem>>, vector<1x1x16xf32>,
        %get3A_1297 = vector.shape_cast %get3A_1296 : vector<1x1x16xf32> to vector<16xf32>
        %add3A_1298 = arith.addf %add3A_1258, %get3A_1297 : vector<16xf32>
        %add3A_1299 = arith.constant 2 : i32
        %add3A_1300 = arith.addi %mul3A_1210, %add3A_1299 : i32
        %get3A_1301 = arith.constant 2 : i32
        %get3A_1302 = arith.index_cast %get3A_1301 : i32 to index
        %get3A_1303 = arith.index_cast %add3A_1300 : i32 to index
        %get3A_1304 = arith.constant 16 : index
        %get3A_1305 = tpu.vector_load %arg6[%get3A_1302, %get3A_1303, %get3A_1304] {strides = array<i32>} : memref<16x100x32xf32, #tpu.memory_space<vmem>>, vector<1x1x16xf32>,
        %get3A_1306 = vector.shape_cast %get3A_1305 : vector<1x1x16xf32> to vector<16xf32>
        %add3A_1307 = arith.addf %add3A_1267, %get3A_1306 : vector<16xf32>
        %add3A_1308 = arith.constant 50 : i32
        %add3A_1309 = arith.addi %add3A_1308, %mul3A_1210 : i32
        %add3A_1310 = arith.constant 2 : i32
        %add3A_1311 = arith.addi %add3A_1309, %add3A_1310 : i32
        %get3A_1312 = arith.constant 2 : i32
        %get3A_1313 = arith.index_cast %get3A_1312 : i32 to index
        %get3A_1314 = arith.index_cast %add3A_1311 : i32 to index
        %get3A_1315 = arith.constant 0 : index
        %get3A_1316 = tpu.vector_load %arg6[%get3A_1313, %get3A_1314, %get3A_1315] {strides = array<i32>} : memref<16x100x32xf32, #tpu.memory_space<vmem>>, vector<1x1x16xf32>,
        %get3A_1317 = vector.shape_cast %get3A_1316 : vector<1x1x16xf32> to vector<16xf32>
        %add3A_1318 = arith.addf %add3A_1278, %get3A_1317 : vector<16xf32>
        %add3A_1319 = arith.constant 50 : i32
        %add3A_1320 = arith.addi %add3A_1319, %mul3A_1210 : i32
        %add3A_1321 = arith.constant 2 : i32
        %add3A_1322 = arith.addi %add3A_1320, %add3A_1321 : i32
        %get3A_1323 = arith.constant 2 : i32
        %get3A_1324 = arith.index_cast %get3A_1323 : i32 to index
        %get3A_1325 = arith.index_cast %add3A_1322 : i32 to index
        %get3A_1326 = arith.constant 16 : index
        %get3A_1327 = tpu.vector_load %arg6[%get3A_1324, %get3A_1325, %get3A_1326] {strides = array<i32>} : memref<16x100x32xf32, #tpu.memory_space<vmem>>, vector<1x1x16xf32>,
        %get3A_1328 = vector.shape_cast %get3A_1327 : vector<1x1x16xf32> to vector<16xf32>
        %add3A_1329 = arith.addf %add3A_1289, %get3A_1328 : vector<16xf32>
        %add3A_1330 = arith.constant 3 : i32
        %add3A_1331 = arith.addi %mul3A_1210, %add3A_1330 : i32
        %get3A_1332 = arith.constant 2 : i32
        %get3A_1333 = arith.index_cast %get3A_1332 : i32 to index
        %get3A_1334 = arith.index_cast %add3A_1331 : i32 to index
        %get3A_1335 = arith.constant 0 : index
        %get3A_1336 = tpu.vector_load %arg6[%get3A_1333, %get3A_1334, %get3A_1335] {strides = array<i32>} : memref<16x100x32xf32, #tpu.memory_space<vmem>>, vector<1x1x16xf32>,
        %get3A_1337 = vector.shape_cast %get3A_1336 : vector<1x1x16xf32> to vector<16xf32>
        %add3A_1338 = arith.addf %add3A_1298, %get3A_1337 : vector<16xf32>
        %add3A_1339 = arith.constant 3 : i32
        %add3A_1340 = arith.addi %mul3A_1210, %add3A_1339 : i32
        %get3A_1341 = arith.constant 2 : i32
        %get3A_1342 = arith.index_cast %get3A_1341 : i32 to index
        %get3A_1343 = arith.index_cast %add3A_1340 : i32 to index
        %get3A_1344 = arith.constant 16 : index
        %get3A_1345 = tpu.vector_load %arg6[%get3A_1342, %get3A_1343, %get3A_1344] {strides = array<i32>} : memref<16x100x32xf32, #tpu.memory_space<vmem>>, vector<1x1x16xf32>,
        %get3A_1346 = vector.shape_cast %get3A_1345 : vector<1x1x16xf32> to vector<16xf32>
        %add3A_1347 = arith.addf %add3A_1307, %get3A_1346 : vector<16xf32>
        %add3A_1348 = arith.constant 50 : i32
        %add3A_1349 = arith.addi %add3A_1348, %mul3A_1210 : i32
        %add3A_1350 = arith.constant 3 : i32
        %add3A_1351 = arith.addi %add3A_1349, %add3A_1350 : i32
        %get3A_1352 = arith.constant 2 : i32
        %get3A_1353 = arith.index_cast %get3A_1352 : i32 to index
        %get3A_1354 = arith.index_cast %add3A_1351 : i32 to index
        %get3A_1355 = arith.constant 0 : index
        %get3A_1356 = tpu.vector_load %arg6[%get3A_1353, %get3A_1354, %get3A_1355] {strides = array<i32>} : memref<16x100x32xf32, #tpu.memory_space<vmem>>, vector<1x1x16xf32>,
        %get3A_1357 = vector.shape_cast %get3A_1356 : vector<1x1x16xf32> to vector<16xf32>
        %add3A_1358 = arith.addf %add3A_1318, %get3A_1357 : vector<16xf32>
        %add3A_1359 = arith.constant 50 : i32
        %add3A_1360 = arith.addi %add3A_1359, %mul3A_1210 : i32
        %add3A_1361 = arith.constant 3 : i32
        %add3A_1362 = arith.addi %add3A_1360, %add3A_1361 : i32
        %get3A_1363 = arith.constant 2 : i32
        %get3A_1364 = arith.index_cast %get3A_1363 : i32 to index
        %get3A_1365 = arith.index_cast %add3A_1362 : i32 to index
        %get3A_1366 = arith.constant 16 : index
        %get3A_1367 = tpu.vector_load %arg6[%get3A_1364, %get3A_1365, %get3A_1366] {strides = array<i32>} : memref<16x100x32xf32, #tpu.memory_space<vmem>>, vector<1x1x16xf32>,
        %get3A_1368 = vector.shape_cast %get3A_1367 : vector<1x1x16xf32> to vector<16xf32>
        %add3A_1369 = arith.addf %add3A_1329, %get3A_1368 : vector<16xf32>
        %add3A_1370 = arith.constant 4 : i32
        %add3A_1371 = arith.addi %mul3A_1210, %add3A_1370 : i32
        %get3A_1372 = arith.constant 2 : i32
        %get3A_1373 = arith.index_cast %get3A_1372 : i32 to index
        %get3A_1374 = arith.index_cast %add3A_1371 : i32 to index
        %get3A_1375 = arith.constant 0 : index
        %get3A_1376 = tpu.vector_load %arg6[%get3A_1373, %get3A_1374, %get3A_1375] {strides = array<i32>} : memref<16x100x32xf32, #tpu.memory_space<vmem>>, vector<1x1x16xf32>,
        %get3A_1377 = vector.shape_cast %get3A_1376 : vector<1x1x16xf32> to vector<16xf32>
        %add3A_1378 = arith.addf %add3A_1338, %get3A_1377 : vector<16xf32>
        %add3A_1379 = arith.constant 4 : i32
        %add3A_1380 = arith.addi %mul3A_1210, %add3A_1379 : i32
        %get3A_1381 = arith.constant 2 : i32
        %get3A_1382 = arith.index_cast %get3A_1381 : i32 to index
        %get3A_1383 = arith.index_cast %add3A_1380 : i32 to index
        %get3A_1384 = arith.constant 16 : index
        %get3A_1385 = tpu.vector_load %arg6[%get3A_1382, %get3A_1383, %get3A_1384] {strides = array<i32>} : memref<16x100x32xf32, #tpu.memory_space<vmem>>, vector<1x1x16xf32>,
        %get3A_1386 = vector.shape_cast %get3A_1385 : vector<1x1x16xf32> to vector<16xf32>
        %add3A_1387 = arith.addf %add3A_1347, %get3A_1386 : vector<16xf32>
        %add3A_1388 = arith.constant 50 : i32
        %add3A_1389 = arith.addi %add3A_1388, %mul3A_1210 : i32
        %add3A_1390 = arith.constant 4 : i32
        %add3A_1391 = arith.addi %add3A_1389, %add3A_1390 : i32
        %get3A_1392 = arith.constant 2 : i32
        %get3A_1393 = arith.index_cast %get3A_1392 : i32 to index
        %get3A_1394 = arith.index_cast %add3A_1391 : i32 to index
        %get3A_1395 = arith.constant 0 : index
        %get3A_1396 = tpu.vector_load %arg6[%get3A_1393, %get3A_1394, %get3A_1395] {strides = array<i32>} : memref<16x100x32xf32, #tpu.memory_space<vmem>>, vector<1x1x16xf32>,
        %get3A_1397 = vector.shape_cast %get3A_1396 : vector<1x1x16xf32> to vector<16xf32>
        %add3A_1398 = arith.addf %add3A_1358, %get3A_1397 : vector<16xf32>
        %add3A_1399 = arith.constant 50 : i32
        %add3A_1400 = arith.addi %add3A_1399, %mul3A_1210 : i32
        %add3A_1401 = arith.constant 4 : i32
        %add3A_1402 = arith.addi %add3A_1400, %add3A_1401 : i32
        %get3A_1403 = arith.constant 2 : i32
        %get3A_1404 = arith.index_cast %get3A_1403 : i32 to index
        %get3A_1405 = arith.index_cast %add3A_1402 : i32 to index
        %get3A_1406 = arith.constant 16 : index
        %get3A_1407 = tpu.vector_load %arg6[%get3A_1404, %get3A_1405, %get3A_1406] {strides = array<i32>} : memref<16x100x32xf32, #tpu.memory_space<vmem>>, vector<1x1x16xf32>,
        %get3A_1408 = vector.shape_cast %get3A_1407 : vector<1x1x16xf32> to vector<16xf32>
        %add3A_1409 = arith.addf %add3A_1369, %get3A_1408 : vector<16xf32>
        scf.yield %add3A_1378, %add3A_1387, %add3A_1398, %add3A_1409 : vector<16xf32>, vector<16xf32>, vector<16xf32>, vector<16xf32>
      }
      %scan3A_428 = arith.constant 10 : i32
      %mul3A_429 = arith.constant 2.000000e-02 : f32
      %mul3A_430 = vector.broadcast %mul3A_429 : f32 to vector<16xf32>
      %mul3A_431 = arith.mulf %scan3A_427#0, %mul3A_430 : vector<16xf32>
      %swap3A_432 = arith.index_cast %mul3A_420 : i32 to index
      %swap3A_433 = arith.constant 0 : index
      %swap3A_434 = tpu.vector_load %arg7[%swap3A_432, %swap3A_433] {strides = array<i32>} : memref<512x32xf32, #tpu.memory_space<vmem>>, vector<1x16xf32>,
      %swap3A_435 = vector.shape_cast %swap3A_434 : vector<1x16xf32> to vector<16xf32>
      %swap3A_436 = vector.shape_cast %mul3A_431 : vector<16xf32> to vector<1x16xf32>
      tpu.vector_store %arg7[%swap3A_432, %swap3A_433], %swap3A_436 {strides = array<i32>} : memref<512x32xf32, #tpu.memory_space<vmem>>, vector<1x16xf32>,
      %mul3A_437 = arith.constant 2.000000e-02 : f32
      %mul3A_438 = vector.broadcast %mul3A_437 : f32 to vector<16xf32>
      %mul3A_439 = arith.mulf %scan3A_427#1, %mul3A_438 : vector<16xf32>
      %swap3A_440 = arith.index_cast %mul3A_420 : i32 to index
      %swap3A_441 = arith.constant 16 : index
      %swap3A_442 = tpu.vector_load %arg7[%swap3A_440, %swap3A_441] {strides = array<i32>} : memref<512x32xf32, #tpu.memory_space<vmem>>, vector<1x16xf32>,
      %swap3A_443 = vector.shape_cast %swap3A_442 : vector<1x16xf32> to vector<16xf32>
      %swap3A_444 = vector.shape_cast %mul3A_439 : vector<16xf32> to vector<1x16xf32>
      tpu.vector_store %arg7[%swap3A_440, %swap3A_441], %swap3A_444 {strides = array<i32>} : memref<512x32xf32, #tpu.memory_space<vmem>>, vector<1x16xf32>,
      %mul3A_445 = arith.constant 2.000000e-02 : f32
      %mul3A_446 = vector.broadcast %mul3A_445 : f32 to vector<16xf32>
      %mul3A_447 = arith.mulf %scan3A_427#2, %mul3A_446 : vector<16xf32>
      %add3A_448 = arith.constant 1 : i32
      %add3A_449 = arith.addi %mul3A_420, %add3A_448 : i32
      %swap3A_450 = arith.index_cast %add3A_449 : i32 to index
      %swap3A_451 = arith.constant 0 : index
      %swap3A_452 = tpu.vector_load %arg7[%swap3A_450, %swap3A_451] {strides = array<i32>} : memref<512x32xf32, #tpu.memory_space<vmem>>, vector<1x16xf32>,
      %swap3A_453 = vector.shape_cast %swap3A_452 : vector<1x16xf32> to vector<16xf32>
      %swap3A_454 = vector.shape_cast %mul3A_447 : vector<16xf32> to vector<1x16xf32>
      tpu.vector_store %arg7[%swap3A_450, %swap3A_451], %swap3A_454 {strides = array<i32>} : memref<512x32xf32, #tpu.memory_space<vmem>>, vector<1x16xf32>,
      %mul3A_455 = arith.constant 2.000000e-02 : f32
      %mul3A_456 = vector.broadcast %mul3A_455 : f32 to vector<16xf32>
      %mul3A_457 = arith.mulf %scan3A_427#3, %mul3A_456 : vector<16xf32>
      %add3A_458 = arith.constant 1 : i32
      %add3A_459 = arith.addi %mul3A_420, %add3A_458 : i32
      %swap3A_460 = arith.index_cast %add3A_459 : i32 to index
      %swap3A_461 = arith.constant 16 : index
      %swap3A_462 = tpu.vector_load %arg7[%swap3A_460, %swap3A_461] {strides = array<i32>} : memref<512x32xf32, #tpu.memory_space<vmem>>, vector<1x16xf32>,
      %swap3A_463 = vector.shape_cast %swap3A_462 : vector<1x16xf32> to vector<16xf32>
      %swap3A_464 = vector.shape_cast %mul3A_457 : vector<16xf32> to vector<1x16xf32>
      tpu.vector_store %arg7[%swap3A_460, %swap3A_461], %swap3A_464 {strides = array<i32>} : memref<512x32xf32, #tpu.memory_space<vmem>>, vector<1x16xf32>,
      %add3A_465 = arith.constant 3 : i32
      %add3A_466 = arith.addi %mul3A_107, %add3A_465 : i32
      %mul3A_467 = arith.constant 2 : i32
      %mul3A_468 = arith.muli %add3A_466, %mul3A_467 : i32
      %broadcast_in_dim3A_469 = arith.constant 0.000000e+00 : f32
      %broadcast_in_dim3A_470 = vector.broadcast %broadcast_in_dim3A_469 : f32 to vector<16xf32>
      %scan3A_471 = arith.constant 0 : i32
      %scan3A_472 = arith.constant 10 : i32
      %scan3A_473 = arith.addi %scan3A_471, %scan3A_472 : i32
      %scan3A_474 = arith.constant 1 : i32
      %scan3A_475:4 = scf.for %scan3A_1204 = %scan3A_471 to %scan3A_473 step %scan3A_474 iter_args(%scan3A_1205 = %broadcast_in_dim3A_470, %scan3A_1206 = %broadcast_in_dim3A_470, %scan3A_1207 = %broadcast_in_dim3A_470, %scan3A_1208 = %broadcast_in_dim3A_470) -> (vector<16xf32>, vector<16xf32>, vector<16xf32>, vector<16xf32>)  : i32 {
        %mul3A_1209 = arith.constant 5 : i32
        %mul3A_1210 = arith.muli %mul3A_1209, %scan3A_1204 : i32
        %add3A_1211 = arith.constant 0 : i32
        %add3A_1212 = arith.addi %mul3A_1210, %add3A_1211 : i32
        %get3A = arith.constant 3 : i32
        %get3A_1213 = arith.index_cast %get3A : i32 to index
        %get3A_1214 = arith.index_cast %add3A_1212 : i32 to index
        %get3A_1215 = arith.constant 0 : index
        %get3A_1216 = tpu.vector_load %arg6[%get3A_1213, %get3A_1214, %get3A_1215] {strides = array<i32>} : memref<16x100x32xf32, #tpu.memory_space<vmem>>, vector<1x1x16xf32>,
        %get3A_1217 = vector.shape_cast %get3A_1216 : vector<1x1x16xf32> to vector<16xf32>
        %add3A_1218 = arith.addf %scan3A_1205, %get3A_1217 : vector<16xf32>
        %add3A_1219 = arith.constant 0 : i32
        %add3A_1220 = arith.addi %mul3A_1210, %add3A_1219 : i32
        %get3A_1221 = arith.constant 3 : i32
        %get3A_1222 = arith.index_cast %get3A_1221 : i32 to index
        %get3A_1223 = arith.index_cast %add3A_1220 : i32 to index
        %get3A_1224 = arith.constant 16 : index
        %get3A_1225 = tpu.vector_load %arg6[%get3A_1222, %get3A_1223, %get3A_1224] {strides = array<i32>} : memref<16x100x32xf32, #tpu.memory_space<vmem>>, vector<1x1x16xf32>,
        %get3A_1226 = vector.shape_cast %get3A_1225 : vector<1x1x16xf32> to vector<16xf32>
        %add3A_1227 = arith.addf %scan3A_1206, %get3A_1226 : vector<16xf32>
        %add3A_1228 = arith.constant 50 : i32
        %add3A_1229 = arith.addi %add3A_1228, %mul3A_1210 : i32
        %add3A_1230 = arith.constant 0 : i32
        %add3A_1231 = arith.addi %add3A_1229, %add3A_1230 : i32
        %get3A_1232 = arith.constant 3 : i32
        %get3A_1233 = arith.index_cast %get3A_1232 : i32 to index
        %get3A_1234 = arith.index_cast %add3A_1231 : i32 to index
        %get3A_1235 = arith.constant 0 : index
        %get3A_1236 = tpu.vector_load %arg6[%get3A_1233, %get3A_1234, %get3A_1235] {strides = array<i32>} : memref<16x100x32xf32, #tpu.memory_space<vmem>>, vector<1x1x16xf32>,
        %get3A_1237 = vector.shape_cast %get3A_1236 : vector<1x1x16xf32> to vector<16xf32>
        %add3A_1238 = arith.addf %scan3A_1207, %get3A_1237 : vector<16xf32>
        %add3A_1239 = arith.constant 50 : i32
        %add3A_1240 = arith.addi %add3A_1239, %mul3A_1210 : i32
        %add3A_1241 = arith.constant 0 : i32
        %add3A_1242 = arith.addi %add3A_1240, %add3A_1241 : i32
        %get3A_1243 = arith.constant 3 : i32
        %get3A_1244 = arith.index_cast %get3A_1243 : i32 to index
        %get3A_1245 = arith.index_cast %add3A_1242 : i32 to index
        %get3A_1246 = arith.constant 16 : index
        %get3A_1247 = tpu.vector_load %arg6[%get3A_1244, %get3A_1245, %get3A_1246] {strides = array<i32>} : memref<16x100x32xf32, #tpu.memory_space<vmem>>, vector<1x1x16xf32>,
        %get3A_1248 = vector.shape_cast %get3A_1247 : vector<1x1x16xf32> to vector<16xf32>
        %add3A_1249 = arith.addf %scan3A_1208, %get3A_1248 : vector<16xf32>
        %add3A_1250 = arith.constant 1 : i32
        %add3A_1251 = arith.addi %mul3A_1210, %add3A_1250 : i32
        %get3A_1252 = arith.constant 3 : i32
        %get3A_1253 = arith.index_cast %get3A_1252 : i32 to index
        %get3A_1254 = arith.index_cast %add3A_1251 : i32 to index
        %get3A_1255 = arith.constant 0 : index
        %get3A_1256 = tpu.vector_load %arg6[%get3A_1253, %get3A_1254, %get3A_1255] {strides = array<i32>} : memref<16x100x32xf32, #tpu.memory_space<vmem>>, vector<1x1x16xf32>,
        %get3A_1257 = vector.shape_cast %get3A_1256 : vector<1x1x16xf32> to vector<16xf32>
        %add3A_1258 = arith.addf %add3A_1218, %get3A_1257 : vector<16xf32>
        %add3A_1259 = arith.constant 1 : i32
        %add3A_1260 = arith.addi %mul3A_1210, %add3A_1259 : i32
        %get3A_1261 = arith.constant 3 : i32
        %get3A_1262 = arith.index_cast %get3A_1261 : i32 to index
        %get3A_1263 = arith.index_cast %add3A_1260 : i32 to index
        %get3A_1264 = arith.constant 16 : index
        %get3A_1265 = tpu.vector_load %arg6[%get3A_1262, %get3A_1263, %get3A_1264] {strides = array<i32>} : memref<16x100x32xf32, #tpu.memory_space<vmem>>, vector<1x1x16xf32>,
        %get3A_1266 = vector.shape_cast %get3A_1265 : vector<1x1x16xf32> to vector<16xf32>
        %add3A_1267 = arith.addf %add3A_1227, %get3A_1266 : vector<16xf32>
        %add3A_1268 = arith.constant 50 : i32
        %add3A_1269 = arith.addi %add3A_1268, %mul3A_1210 : i32
        %add3A_1270 = arith.constant 1 : i32
        %add3A_1271 = arith.addi %add3A_1269, %add3A_1270 : i32
        %get3A_1272 = arith.constant 3 : i32
        %get3A_1273 = arith.index_cast %get3A_1272 : i32 to index
        %get3A_1274 = arith.index_cast %add3A_1271 : i32 to index
        %get3A_1275 = arith.constant 0 : index
        %get3A_1276 = tpu.vector_load %arg6[%get3A_1273, %get3A_1274, %get3A_1275] {strides = array<i32>} : memref<16x100x32xf32, #tpu.memory_space<vmem>>, vector<1x1x16xf32>,
        %get3A_1277 = vector.shape_cast %get3A_1276 : vector<1x1x16xf32> to vector<16xf32>
        %add3A_1278 = arith.addf %add3A_1238, %get3A_1277 : vector<16xf32>
        %add3A_1279 = arith.constant 50 : i32
        %add3A_1280 = arith.addi %add3A_1279, %mul3A_1210 : i32
        %add3A_1281 = arith.constant 1 : i32
        %add3A_1282 = arith.addi %add3A_1280, %add3A_1281 : i32
        %get3A_1283 = arith.constant 3 : i32
        %get3A_1284 = arith.index_cast %get3A_1283 : i32 to index
        %get3A_1285 = arith.index_cast %add3A_1282 : i32 to index
        %get3A_1286 = arith.constant 16 : index
        %get3A_1287 = tpu.vector_load %arg6[%get3A_1284, %get3A_1285, %get3A_1286] {strides = array<i32>} : memref<16x100x32xf32, #tpu.memory_space<vmem>>, vector<1x1x16xf32>,
        %get3A_1288 = vector.shape_cast %get3A_1287 : vector<1x1x16xf32> to vector<16xf32>
        %add3A_1289 = arith.addf %add3A_1249, %get3A_1288 : vector<16xf32>
        %add3A_1290 = arith.constant 2 : i32
        %add3A_1291 = arith.addi %mul3A_1210, %add3A_1290 : i32
        %get3A_1292 = arith.constant 3 : i32
        %get3A_1293 = arith.index_cast %get3A_1292 : i32 to index
        %get3A_1294 = arith.index_cast %add3A_1291 : i32 to index
        %get3A_1295 = arith.constant 0 : index
        %get3A_1296 = tpu.vector_load %arg6[%get3A_1293, %get3A_1294, %get3A_1295] {strides = array<i32>} : memref<16x100x32xf32, #tpu.memory_space<vmem>>, vector<1x1x16xf32>,
        %get3A_1297 = vector.shape_cast %get3A_1296 : vector<1x1x16xf32> to vector<16xf32>
        %add3A_1298 = arith.addf %add3A_1258, %get3A_1297 : vector<16xf32>
        %add3A_1299 = arith.constant 2 : i32
        %add3A_1300 = arith.addi %mul3A_1210, %add3A_1299 : i32
        %get3A_1301 = arith.constant 3 : i32
        %get3A_1302 = arith.index_cast %get3A_1301 : i32 to index
        %get3A_1303 = arith.index_cast %add3A_1300 : i32 to index
        %get3A_1304 = arith.constant 16 : index
        %get3A_1305 = tpu.vector_load %arg6[%get3A_1302, %get3A_1303, %get3A_1304] {strides = array<i32>} : memref<16x100x32xf32, #tpu.memory_space<vmem>>, vector<1x1x16xf32>,
        %get3A_1306 = vector.shape_cast %get3A_1305 : vector<1x1x16xf32> to vector<16xf32>
        %add3A_1307 = arith.addf %add3A_1267, %get3A_1306 : vector<16xf32>
        %add3A_1308 = arith.constant 50 : i32
        %add3A_1309 = arith.addi %add3A_1308, %mul3A_1210 : i32
        %add3A_1310 = arith.constant 2 : i32
        %add3A_1311 = arith.addi %add3A_1309, %add3A_1310 : i32
        %get3A_1312 = arith.constant 3 : i32
        %get3A_1313 = arith.index_cast %get3A_1312 : i32 to index
        %get3A_1314 = arith.index_cast %add3A_1311 : i32 to index
        %get3A_1315 = arith.constant 0 : index
        %get3A_1316 = tpu.vector_load %arg6[%get3A_1313, %get3A_1314, %get3A_1315] {strides = array<i32>} : memref<16x100x32xf32, #tpu.memory_space<vmem>>, vector<1x1x16xf32>,
        %get3A_1317 = vector.shape_cast %get3A_1316 : vector<1x1x16xf32> to vector<16xf32>
        %add3A_1318 = arith.addf %add3A_1278, %get3A_1317 : vector<16xf32>
        %add3A_1319 = arith.constant 50 : i32
        %add3A_1320 = arith.addi %add3A_1319, %mul3A_1210 : i32
        %add3A_1321 = arith.constant 2 : i32
        %add3A_1322 = arith.addi %add3A_1320, %add3A_1321 : i32
        %get3A_1323 = arith.constant 3 : i32
        %get3A_1324 = arith.index_cast %get3A_1323 : i32 to index
        %get3A_1325 = arith.index_cast %add3A_1322 : i32 to index
        %get3A_1326 = arith.constant 16 : index
        %get3A_1327 = tpu.vector_load %arg6[%get3A_1324, %get3A_1325, %get3A_1326] {strides = array<i32>} : memref<16x100x32xf32, #tpu.memory_space<vmem>>, vector<1x1x16xf32>,
        %get3A_1328 = vector.shape_cast %get3A_1327 : vector<1x1x16xf32> to vector<16xf32>
        %add3A_1329 = arith.addf %add3A_1289, %get3A_1328 : vector<16xf32>
        %add3A_1330 = arith.constant 3 : i32
        %add3A_1331 = arith.addi %mul3A_1210, %add3A_1330 : i32
        %get3A_1332 = arith.constant 3 : i32
        %get3A_1333 = arith.index_cast %get3A_1332 : i32 to index
        %get3A_1334 = arith.index_cast %add3A_1331 : i32 to index
        %get3A_1335 = arith.constant 0 : index
        %get3A_1336 = tpu.vector_load %arg6[%get3A_1333, %get3A_1334, %get3A_1335] {strides = array<i32>} : memref<16x100x32xf32, #tpu.memory_space<vmem>>, vector<1x1x16xf32>,
        %get3A_1337 = vector.shape_cast %get3A_1336 : vector<1x1x16xf32> to vector<16xf32>
        %add3A_1338 = arith.addf %add3A_1298, %get3A_1337 : vector<16xf32>
        %add3A_1339 = arith.constant 3 : i32
        %add3A_1340 = arith.addi %mul3A_1210, %add3A_1339 : i32
        %get3A_1341 = arith.constant 3 : i32
        %get3A_1342 = arith.index_cast %get3A_1341 : i32 to index
        %get3A_1343 = arith.index_cast %add3A_1340 : i32 to index
        %get3A_1344 = arith.constant 16 : index
        %get3A_1345 = tpu.vector_load %arg6[%get3A_1342, %get3A_1343, %get3A_1344] {strides = array<i32>} : memref<16x100x32xf32, #tpu.memory_space<vmem>>, vector<1x1x16xf32>,
        %get3A_1346 = vector.shape_cast %get3A_1345 : vector<1x1x16xf32> to vector<16xf32>
        %add3A_1347 = arith.addf %add3A_1307, %get3A_1346 : vector<16xf32>
        %add3A_1348 = arith.constant 50 : i32
        %add3A_1349 = arith.addi %add3A_1348, %mul3A_1210 : i32
        %add3A_1350 = arith.constant 3 : i32
        %add3A_1351 = arith.addi %add3A_1349, %add3A_1350 : i32
        %get3A_1352 = arith.constant 3 : i32
        %get3A_1353 = arith.index_cast %get3A_1352 : i32 to index
        %get3A_1354 = arith.index_cast %add3A_1351 : i32 to index
        %get3A_1355 = arith.constant 0 : index
        %get3A_1356 = tpu.vector_load %arg6[%get3A_1353, %get3A_1354, %get3A_1355] {strides = array<i32>} : memref<16x100x32xf32, #tpu.memory_space<vmem>>, vector<1x1x16xf32>,
        %get3A_1357 = vector.shape_cast %get3A_1356 : vector<1x1x16xf32> to vector<16xf32>
        %add3A_1358 = arith.addf %add3A_1318, %get3A_1357 : vector<16xf32>
        %add3A_1359 = arith.constant 50 : i32
        %add3A_1360 = arith.addi %add3A_1359, %mul3A_1210 : i32
        %add3A_1361 = arith.constant 3 : i32
        %add3A_1362 = arith.addi %add3A_1360, %add3A_1361 : i32
        %get3A_1363 = arith.constant 3 : i32
        %get3A_1364 = arith.index_cast %get3A_1363 : i32 to index
        %get3A_1365 = arith.index_cast %add3A_1362 : i32 to index
        %get3A_1366 = arith.constant 16 : index
        %get3A_1367 = tpu.vector_load %arg6[%get3A_1364, %get3A_1365, %get3A_1366] {strides = array<i32>} : memref<16x100x32xf32, #tpu.memory_space<vmem>>, vector<1x1x16xf32>,
        %get3A_1368 = vector.shape_cast %get3A_1367 : vector<1x1x16xf32> to vector<16xf32>
        %add3A_1369 = arith.addf %add3A_1329, %get3A_1368 : vector<16xf32>
        %add3A_1370 = arith.constant 4 : i32
        %add3A_1371 = arith.addi %mul3A_1210, %add3A_1370 : i32
        %get3A_1372 = arith.constant 3 : i32
        %get3A_1373 = arith.index_cast %get3A_1372 : i32 to index
        %get3A_1374 = arith.index_cast %add3A_1371 : i32 to index
        %get3A_1375 = arith.constant 0 : index
        %get3A_1376 = tpu.vector_load %arg6[%get3A_1373, %get3A_1374, %get3A_1375] {strides = array<i32>} : memref<16x100x32xf32, #tpu.memory_space<vmem>>, vector<1x1x16xf32>,
        %get3A_1377 = vector.shape_cast %get3A_1376 : vector<1x1x16xf32> to vector<16xf32>
        %add3A_1378 = arith.addf %add3A_1338, %get3A_1377 : vector<16xf32>
        %add3A_1379 = arith.constant 4 : i32
        %add3A_1380 = arith.addi %mul3A_1210, %add3A_1379 : i32
        %get3A_1381 = arith.constant 3 : i32
        %get3A_1382 = arith.index_cast %get3A_1381 : i32 to index
        %get3A_1383 = arith.index_cast %add3A_1380 : i32 to index
        %get3A_1384 = arith.constant 16 : index
        %get3A_1385 = tpu.vector_load %arg6[%get3A_1382, %get3A_1383, %get3A_1384] {strides = array<i32>} : memref<16x100x32xf32, #tpu.memory_space<vmem>>, vector<1x1x16xf32>,
        %get3A_1386 = vector.shape_cast %get3A_1385 : vector<1x1x16xf32> to vector<16xf32>
        %add3A_1387 = arith.addf %add3A_1347, %get3A_1386 : vector<16xf32>
        %add3A_1388 = arith.constant 50 : i32
        %add3A_1389 = arith.addi %add3A_1388, %mul3A_1210 : i32
        %add3A_1390 = arith.constant 4 : i32
        %add3A_1391 = arith.addi %add3A_1389, %add3A_1390 : i32
        %get3A_1392 = arith.constant 3 : i32
        %get3A_1393 = arith.index_cast %get3A_1392 : i32 to index
        %get3A_1394 = arith.index_cast %add3A_1391 : i32 to index
        %get3A_1395 = arith.constant 0 : index
        %get3A_1396 = tpu.vector_load %arg6[%get3A_1393, %get3A_1394, %get3A_1395] {strides = array<i32>} : memref<16x100x32xf32, #tpu.memory_space<vmem>>, vector<1x1x16xf32>,
        %get3A_1397 = vector.shape_cast %get3A_1396 : vector<1x1x16xf32> to vector<16xf32>
        %add3A_1398 = arith.addf %add3A_1358, %get3A_1397 : vector<16xf32>
        %add3A_1399 = arith.constant 50 : i32
        %add3A_1400 = arith.addi %add3A_1399, %mul3A_1210 : i32
        %add3A_1401 = arith.constant 4 : i32
        %add3A_1402 = arith.addi %add3A_1400, %add3A_1401 : i32
        %get3A_1403 = arith.constant 3 : i32
        %get3A_1404 = arith.index_cast %get3A_1403 : i32 to index
        %get3A_1405 = arith.index_cast %add3A_1402 : i32 to index
        %get3A_1406 = arith.constant 16 : index
        %get3A_1407 = tpu.vector_load %arg6[%get3A_1404, %get3A_1405, %get3A_1406] {strides = array<i32>} : memref<16x100x32xf32, #tpu.memory_space<vmem>>, vector<1x1x16xf32>,
        %get3A_1408 = vector.shape_cast %get3A_1407 : vector<1x1x16xf32> to vector<16xf32>
        %add3A_1409 = arith.addf %add3A_1369, %get3A_1408 : vector<16xf32>
        scf.yield %add3A_1378, %add3A_1387, %add3A_1398, %add3A_1409 : vector<16xf32>, vector<16xf32>, vector<16xf32>, vector<16xf32>
      }
      %scan3A_476 = arith.constant 10 : i32
      %mul3A_477 = arith.constant 2.000000e-02 : f32
      %mul3A_478 = vector.broadcast %mul3A_477 : f32 to vector<16xf32>
      %mul3A_479 = arith.mulf %scan3A_475#0, %mul3A_478 : vector<16xf32>
      %swap3A_480 = arith.index_cast %mul3A_468 : i32 to index
      %swap3A_481 = arith.constant 0 : index
      %swap3A_482 = tpu.vector_load %arg7[%swap3A_480, %swap3A_481] {strides = array<i32>} : memref<512x32xf32, #tpu.memory_space<vmem>>, vector<1x16xf32>,
      %swap3A_483 = vector.shape_cast %swap3A_482 : vector<1x16xf32> to vector<16xf32>
      %swap3A_484 = vector.shape_cast %mul3A_479 : vector<16xf32> to vector<1x16xf32>
      tpu.vector_store %arg7[%swap3A_480, %swap3A_481], %swap3A_484 {strides = array<i32>} : memref<512x32xf32, #tpu.memory_space<vmem>>, vector<1x16xf32>,
      %mul3A_485 = arith.constant 2.000000e-02 : f32
      %mul3A_486 = vector.broadcast %mul3A_485 : f32 to vector<16xf32>
      %mul3A_487 = arith.mulf %scan3A_475#1, %mul3A_486 : vector<16xf32>
      %swap3A_488 = arith.index_cast %mul3A_468 : i32 to index
      %swap3A_489 = arith.constant 16 : index
      %swap3A_490 = tpu.vector_load %arg7[%swap3A_488, %swap3A_489] {strides = array<i32>} : memref<512x32xf32, #tpu.memory_space<vmem>>, vector<1x16xf32>,
      %swap3A_491 = vector.shape_cast %swap3A_490 : vector<1x16xf32> to vector<16xf32>
      %swap3A_492 = vector.shape_cast %mul3A_487 : vector<16xf32> to vector<1x16xf32>
      tpu.vector_store %arg7[%swap3A_488, %swap3A_489], %swap3A_492 {strides = array<i32>} : memref<512x32xf32, #tpu.memory_space<vmem>>, vector<1x16xf32>,
      %mul3A_493 = arith.constant 2.000000e-02 : f32
      %mul3A_494 = vector.broadcast %mul3A_493 : f32 to vector<16xf32>
      %mul3A_495 = arith.mulf %scan3A_475#2, %mul3A_494 : vector<16xf32>
      %add3A_496 = arith.constant 1 : i32
      %add3A_497 = arith.addi %mul3A_468, %add3A_496 : i32
      %swap3A_498 = arith.index_cast %add3A_497 : i32 to index
      %swap3A_499 = arith.constant 0 : index
      %swap3A_500 = tpu.vector_load %arg7[%swap3A_498, %swap3A_499] {strides = array<i32>} : memref<512x32xf32, #tpu.memory_space<vmem>>, vector<1x16xf32>,
      %swap3A_501 = vector.shape_cast %swap3A_500 : vector<1x16xf32> to vector<16xf32>
      %swap3A_502 = vector.shape_cast %mul3A_495 : vector<16xf32> to vector<1x16xf32>
      tpu.vector_store %arg7[%swap3A_498, %swap3A_499], %swap3A_502 {strides = array<i32>} : memref<512x32xf32, #tpu.memory_space<vmem>>, vector<1x16xf32>,
      %mul3A_503 = arith.constant 2.000000e-02 : f32
      %mul3A_504 = vector.broadcast %mul3A_503 : f32 to vector<16xf32>
      %mul3A_505 = arith.mulf %scan3A_475#3, %mul3A_504 : vector<16xf32>
      %add3A_506 = arith.constant 1 : i32
      %add3A_507 = arith.addi %mul3A_468, %add3A_506 : i32
      %swap3A_508 = arith.index_cast %add3A_507 : i32 to index
      %swap3A_509 = arith.constant 16 : index
      %swap3A_510 = tpu.vector_load %arg7[%swap3A_508, %swap3A_509] {strides = array<i32>} : memref<512x32xf32, #tpu.memory_space<vmem>>, vector<1x16xf32>,
      %swap3A_511 = vector.shape_cast %swap3A_510 : vector<1x16xf32> to vector<16xf32>
      %swap3A_512 = vector.shape_cast %mul3A_505 : vector<16xf32> to vector<1x16xf32>
      tpu.vector_store %arg7[%swap3A_508, %swap3A_509], %swap3A_512 {strides = array<i32>} : memref<512x32xf32, #tpu.memory_space<vmem>>, vector<1x16xf32>,
      %add3A_513 = arith.constant 4 : i32
      %add3A_514 = arith.addi %mul3A_107, %add3A_513 : i32
      %mul3A_515 = arith.constant 2 : i32
      %mul3A_516 = arith.muli %add3A_514, %mul3A_515 : i32
      %broadcast_in_dim3A_517 = arith.constant 0.000000e+00 : f32
      %broadcast_in_dim3A_518 = vector.broadcast %broadcast_in_dim3A_517 : f32 to vector<16xf32>
      %scan3A_519 = arith.constant 0 : i32
      %scan3A_520 = arith.constant 10 : i32
      %scan3A_521 = arith.addi %scan3A_519, %scan3A_520 : i32
      %scan3A_522 = arith.constant 1 : i32
      %scan3A_523:4 = scf.for %scan3A_1204 = %scan3A_519 to %scan3A_521 step %scan3A_522 iter_args(%scan3A_1205 = %broadcast_in_dim3A_518, %scan3A_1206 = %broadcast_in_dim3A_518, %scan3A_1207 = %broadcast_in_dim3A_518, %scan3A_1208 = %broadcast_in_dim3A_518) -> (vector<16xf32>, vector<16xf32>, vector<16xf32>, vector<16xf32>)  : i32 {
        %mul3A_1209 = arith.constant 5 : i32
        %mul3A_1210 = arith.muli %mul3A_1209, %scan3A_1204 : i32
        %add3A_1211 = arith.constant 0 : i32
        %add3A_1212 = arith.addi %mul3A_1210, %add3A_1211 : i32
        %get3A = arith.constant 4 : i32
        %get3A_1213 = arith.index_cast %get3A : i32 to index
        %get3A_1214 = arith.index_cast %add3A_1212 : i32 to index
        %get3A_1215 = arith.constant 0 : index
        %get3A_1216 = tpu.vector_load %arg6[%get3A_1213, %get3A_1214, %get3A_1215] {strides = array<i32>} : memref<16x100x32xf32, #tpu.memory_space<vmem>>, vector<1x1x16xf32>,
        %get3A_1217 = vector.shape_cast %get3A_1216 : vector<1x1x16xf32> to vector<16xf32>
        %add3A_1218 = arith.addf %scan3A_1205, %get3A_1217 : vector<16xf32>
        %add3A_1219 = arith.constant 0 : i32
        %add3A_1220 = arith.addi %mul3A_1210, %add3A_1219 : i32
        %get3A_1221 = arith.constant 4 : i32
        %get3A_1222 = arith.index_cast %get3A_1221 : i32 to index
        %get3A_1223 = arith.index_cast %add3A_1220 : i32 to index
        %get3A_1224 = arith.constant 16 : index
        %get3A_1225 = tpu.vector_load %arg6[%get3A_1222, %get3A_1223, %get3A_1224] {strides = array<i32>} : memref<16x100x32xf32, #tpu.memory_space<vmem>>, vector<1x1x16xf32>,
        %get3A_1226 = vector.shape_cast %get3A_1225 : vector<1x1x16xf32> to vector<16xf32>
        %add3A_1227 = arith.addf %scan3A_1206, %get3A_1226 : vector<16xf32>
        %add3A_1228 = arith.constant 50 : i32
        %add3A_1229 = arith.addi %add3A_1228, %mul3A_1210 : i32
        %add3A_1230 = arith.constant 0 : i32
        %add3A_1231 = arith.addi %add3A_1229, %add3A_1230 : i32
        %get3A_1232 = arith.constant 4 : i32
        %get3A_1233 = arith.index_cast %get3A_1232 : i32 to index
        %get3A_1234 = arith.index_cast %add3A_1231 : i32 to index
        %get3A_1235 = arith.constant 0 : index
        %get3A_1236 = tpu.vector_load %arg6[%get3A_1233, %get3A_1234, %get3A_1235] {strides = array<i32>} : memref<16x100x32xf32, #tpu.memory_space<vmem>>, vector<1x1x16xf32>,
        %get3A_1237 = vector.shape_cast %get3A_1236 : vector<1x1x16xf32> to vector<16xf32>
        %add3A_1238 = arith.addf %scan3A_1207, %get3A_1237 : vector<16xf32>
        %add3A_1239 = arith.constant 50 : i32
        %add3A_1240 = arith.addi %add3A_1239, %mul3A_1210 : i32
        %add3A_1241 = arith.constant 0 : i32
        %add3A_1242 = arith.addi %add3A_1240, %add3A_1241 : i32
        %get3A_1243 = arith.constant 4 : i32
        %get3A_1244 = arith.index_cast %get3A_1243 : i32 to index
        %get3A_1245 = arith.index_cast %add3A_1242 : i32 to index
        %get3A_1246 = arith.constant 16 : index
        %get3A_1247 = tpu.vector_load %arg6[%get3A_1244, %get3A_1245, %get3A_1246] {strides = array<i32>} : memref<16x100x32xf32, #tpu.memory_space<vmem>>, vector<1x1x16xf32>,
        %get3A_1248 = vector.shape_cast %get3A_1247 : vector<1x1x16xf32> to vector<16xf32>
        %add3A_1249 = arith.addf %scan3A_1208, %get3A_1248 : vector<16xf32>
        %add3A_1250 = arith.constant 1 : i32
        %add3A_1251 = arith.addi %mul3A_1210, %add3A_1250 : i32
        %get3A_1252 = arith.constant 4 : i32
        %get3A_1253 = arith.index_cast %get3A_1252 : i32 to index
        %get3A_1254 = arith.index_cast %add3A_1251 : i32 to index
        %get3A_1255 = arith.constant 0 : index
        %get3A_1256 = tpu.vector_load %arg6[%get3A_1253, %get3A_1254, %get3A_1255] {strides = array<i32>} : memref<16x100x32xf32, #tpu.memory_space<vmem>>, vector<1x1x16xf32>,
        %get3A_1257 = vector.shape_cast %get3A_1256 : vector<1x1x16xf32> to vector<16xf32>
        %add3A_1258 = arith.addf %add3A_1218, %get3A_1257 : vector<16xf32>
        %add3A_1259 = arith.constant 1 : i32
        %add3A_1260 = arith.addi %mul3A_1210, %add3A_1259 : i32
        %get3A_1261 = arith.constant 4 : i32
        %get3A_1262 = arith.index_cast %get3A_1261 : i32 to index
        %get3A_1263 = arith.index_cast %add3A_1260 : i32 to index
        %get3A_1264 = arith.constant 16 : index
        %get3A_1265 = tpu.vector_load %arg6[%get3A_1262, %get3A_1263, %get3A_1264] {strides = array<i32>} : memref<16x100x32xf32, #tpu.memory_space<vmem>>, vector<1x1x16xf32>,
        %get3A_1266 = vector.shape_cast %get3A_1265 : vector<1x1x16xf32> to vector<16xf32>
        %add3A_1267 = arith.addf %add3A_1227, %get3A_1266 : vector<16xf32>
        %add3A_1268 = arith.constant 50 : i32
        %add3A_1269 = arith.addi %add3A_1268, %mul3A_1210 : i32
        %add3A_1270 = arith.constant 1 : i32
        %add3A_1271 = arith.addi %add3A_1269, %add3A_1270 : i32
        %get3A_1272 = arith.constant 4 : i32
        %get3A_1273 = arith.index_cast %get3A_1272 : i32 to index
        %get3A_1274 = arith.index_cast %add3A_1271 : i32 to index
        %get3A_1275 = arith.constant 0 : index
        %get3A_1276 = tpu.vector_load %arg6[%get3A_1273, %get3A_1274, %get3A_1275] {strides = array<i32>} : memref<16x100x32xf32, #tpu.memory_space<vmem>>, vector<1x1x16xf32>,
        %get3A_1277 = vector.shape_cast %get3A_1276 : vector<1x1x16xf32> to vector<16xf32>
        %add3A_1278 = arith.addf %add3A_1238, %get3A_1277 : vector<16xf32>
        %add3A_1279 = arith.constant 50 : i32
        %add3A_1280 = arith.addi %add3A_1279, %mul3A_1210 : i32
        %add3A_1281 = arith.constant 1 : i32
        %add3A_1282 = arith.addi %add3A_1280, %add3A_1281 : i32
        %get3A_1283 = arith.constant 4 : i32
        %get3A_1284 = arith.index_cast %get3A_1283 : i32 to index
        %get3A_1285 = arith.index_cast %add3A_1282 : i32 to index
        %get3A_1286 = arith.constant 16 : index
        %get3A_1287 = tpu.vector_load %arg6[%get3A_1284, %get3A_1285, %get3A_1286] {strides = array<i32>} : memref<16x100x32xf32, #tpu.memory_space<vmem>>, vector<1x1x16xf32>,
        %get3A_1288 = vector.shape_cast %get3A_1287 : vector<1x1x16xf32> to vector<16xf32>
        %add3A_1289 = arith.addf %add3A_1249, %get3A_1288 : vector<16xf32>
        %add3A_1290 = arith.constant 2 : i32
        %add3A_1291 = arith.addi %mul3A_1210, %add3A_1290 : i32
        %get3A_1292 = arith.constant 4 : i32
        %get3A_1293 = arith.index_cast %get3A_1292 : i32 to index
        %get3A_1294 = arith.index_cast %add3A_1291 : i32 to index
        %get3A_1295 = arith.constant 0 : index
        %get3A_1296 = tpu.vector_load %arg6[%get3A_1293, %get3A_1294, %get3A_1295] {strides = array<i32>} : memref<16x100x32xf32, #tpu.memory_space<vmem>>, vector<1x1x16xf32>,
        %get3A_1297 = vector.shape_cast %get3A_1296 : vector<1x1x16xf32> to vector<16xf32>
        %add3A_1298 = arith.addf %add3A_1258, %get3A_1297 : vector<16xf32>
        %add3A_1299 = arith.constant 2 : i32
        %add3A_1300 = arith.addi %mul3A_1210, %add3A_1299 : i32
        %get3A_1301 = arith.constant 4 : i32
        %get3A_1302 = arith.index_cast %get3A_1301 : i32 to index
        %get3A_1303 = arith.index_cast %add3A_1300 : i32 to index
        %get3A_1304 = arith.constant 16 : index
        %get3A_1305 = tpu.vector_load %arg6[%get3A_1302, %get3A_1303, %get3A_1304] {strides = array<i32>} : memref<16x100x32xf32, #tpu.memory_space<vmem>>, vector<1x1x16xf32>,
        %get3A_1306 = vector.shape_cast %get3A_1305 : vector<1x1x16xf32> to vector<16xf32>
        %add3A_1307 = arith.addf %add3A_1267, %get3A_1306 : vector<16xf32>
        %add3A_1308 = arith.constant 50 : i32
        %add3A_1309 = arith.addi %add3A_1308, %mul3A_1210 : i32
        %add3A_1310 = arith.constant 2 : i32
        %add3A_1311 = arith.addi %add3A_1309, %add3A_1310 : i32
        %get3A_1312 = arith.constant 4 : i32
        %get3A_1313 = arith.index_cast %get3A_1312 : i32 to index
        %get3A_1314 = arith.index_cast %add3A_1311 : i32 to index
        %get3A_1315 = arith.constant 0 : index
        %get3A_1316 = tpu.vector_load %arg6[%get3A_1313, %get3A_1314, %get3A_1315] {strides = array<i32>} : memref<16x100x32xf32, #tpu.memory_space<vmem>>, vector<1x1x16xf32>,
        %get3A_1317 = vector.shape_cast %get3A_1316 : vector<1x1x16xf32> to vector<16xf32>
        %add3A_1318 = arith.addf %add3A_1278, %get3A_1317 : vector<16xf32>
        %add3A_1319 = arith.constant 50 : i32
        %add3A_1320 = arith.addi %add3A_1319, %mul3A_1210 : i32
        %add3A_1321 = arith.constant 2 : i32
        %add3A_1322 = arith.addi %add3A_1320, %add3A_1321 : i32
        %get3A_1323 = arith.constant 4 : i32
        %get3A_1324 = arith.index_cast %get3A_1323 : i32 to index
        %get3A_1325 = arith.index_cast %add3A_1322 : i32 to index
        %get3A_1326 = arith.constant 16 : index
        %get3A_1327 = tpu.vector_load %arg6[%get3A_1324, %get3A_1325, %get3A_1326] {strides = array<i32>} : memref<16x100x32xf32, #tpu.memory_space<vmem>>, vector<1x1x16xf32>,
        %get3A_1328 = vector.shape_cast %get3A_1327 : vector<1x1x16xf32> to vector<16xf32>
        %add3A_1329 = arith.addf %add3A_1289, %get3A_1328 : vector<16xf32>
        %add3A_1330 = arith.constant 3 : i32
        %add3A_1331 = arith.addi %mul3A_1210, %add3A_1330 : i32
        %get3A_1332 = arith.constant 4 : i32
        %get3A_1333 = arith.index_cast %get3A_1332 : i32 to index
        %get3A_1334 = arith.index_cast %add3A_1331 : i32 to index
        %get3A_1335 = arith.constant 0 : index
        %get3A_1336 = tpu.vector_load %arg6[%get3A_1333, %get3A_1334, %get3A_1335] {strides = array<i32>} : memref<16x100x32xf32, #tpu.memory_space<vmem>>, vector<1x1x16xf32>,
        %get3A_1337 = vector.shape_cast %get3A_1336 : vector<1x1x16xf32> to vector<16xf32>
        %add3A_1338 = arith.addf %add3A_1298, %get3A_1337 : vector<16xf32>
        %add3A_1339 = arith.constant 3 : i32
        %add3A_1340 = arith.addi %mul3A_1210, %add3A_1339 : i32
        %get3A_1341 = arith.constant 4 : i32
        %get3A_1342 = arith.index_cast %get3A_1341 : i32 to index
        %get3A_1343 = arith.index_cast %add3A_1340 : i32 to index
        %get3A_1344 = arith.constant 16 : index
        %get3A_1345 = tpu.vector_load %arg6[%get3A_1342, %get3A_1343, %get3A_1344] {strides = array<i32>} : memref<16x100x32xf32, #tpu.memory_space<vmem>>, vector<1x1x16xf32>,
        %get3A_1346 = vector.shape_cast %get3A_1345 : vector<1x1x16xf32> to vector<16xf32>
        %add3A_1347 = arith.addf %add3A_1307, %get3A_1346 : vector<16xf32>
        %add3A_1348 = arith.constant 50 : i32
        %add3A_1349 = arith.addi %add3A_1348, %mul3A_1210 : i32
        %add3A_1350 = arith.constant 3 : i32
        %add3A_1351 = arith.addi %add3A_1349, %add3A_1350 : i32
        %get3A_1352 = arith.constant 4 : i32
        %get3A_1353 = arith.index_cast %get3A_1352 : i32 to index
        %get3A_1354 = arith.index_cast %add3A_1351 : i32 to index
        %get3A_1355 = arith.constant 0 : index
        %get3A_1356 = tpu.vector_load %arg6[%get3A_1353, %get3A_1354, %get3A_1355] {strides = array<i32>} : memref<16x100x32xf32, #tpu.memory_space<vmem>>, vector<1x1x16xf32>,
        %get3A_1357 = vector.shape_cast %get3A_1356 : vector<1x1x16xf32> to vector<16xf32>
        %add3A_1358 = arith.addf %add3A_1318, %get3A_1357 : vector<16xf32>
        %add3A_1359 = arith.constant 50 : i32
        %add3A_1360 = arith.addi %add3A_1359, %mul3A_1210 : i32
        %add3A_1361 = arith.constant 3 : i32
        %add3A_1362 = arith.addi %add3A_1360, %add3A_1361 : i32
        %get3A_1363 = arith.constant 4 : i32
        %get3A_1364 = arith.index_cast %get3A_1363 : i32 to index
        %get3A_1365 = arith.index_cast %add3A_1362 : i32 to index
        %get3A_1366 = arith.constant 16 : index
        %get3A_1367 = tpu.vector_load %arg6[%get3A_1364, %get3A_1365, %get3A_1366] {strides = array<i32>} : memref<16x100x32xf32, #tpu.memory_space<vmem>>, vector<1x1x16xf32>,
        %get3A_1368 = vector.shape_cast %get3A_1367 : vector<1x1x16xf32> to vector<16xf32>
        %add3A_1369 = arith.addf %add3A_1329, %get3A_1368 : vector<16xf32>
        %add3A_1370 = arith.constant 4 : i32
        %add3A_1371 = arith.addi %mul3A_1210, %add3A_1370 : i32
        %get3A_1372 = arith.constant 4 : i32
        %get3A_1373 = arith.index_cast %get3A_1372 : i32 to index
        %get3A_1374 = arith.index_cast %add3A_1371 : i32 to index
        %get3A_1375 = arith.constant 0 : index
        %get3A_1376 = tpu.vector_load %arg6[%get3A_1373, %get3A_1374, %get3A_1375] {strides = array<i32>} : memref<16x100x32xf32, #tpu.memory_space<vmem>>, vector<1x1x16xf32>,
        %get3A_1377 = vector.shape_cast %get3A_1376 : vector<1x1x16xf32> to vector<16xf32>
        %add3A_1378 = arith.addf %add3A_1338, %get3A_1377 : vector<16xf32>
        %add3A_1379 = arith.constant 4 : i32
        %add3A_1380 = arith.addi %mul3A_1210, %add3A_1379 : i32
        %get3A_1381 = arith.constant 4 : i32
        %get3A_1382 = arith.index_cast %get3A_1381 : i32 to index
        %get3A_1383 = arith.index_cast %add3A_1380 : i32 to index
        %get3A_1384 = arith.constant 16 : index
        %get3A_1385 = tpu.vector_load %arg6[%get3A_1382, %get3A_1383, %get3A_1384] {strides = array<i32>} : memref<16x100x32xf32, #tpu.memory_space<vmem>>, vector<1x1x16xf32>,
        %get3A_1386 = vector.shape_cast %get3A_1385 : vector<1x1x16xf32> to vector<16xf32>
        %add3A_1387 = arith.addf %add3A_1347, %get3A_1386 : vector<16xf32>
        %add3A_1388 = arith.constant 50 : i32
        %add3A_1389 = arith.addi %add3A_1388, %mul3A_1210 : i32
        %add3A_1390 = arith.constant 4 : i32
        %add3A_1391 = arith.addi %add3A_1389, %add3A_1390 : i32
        %get3A_1392 = arith.constant 4 : i32
        %get3A_1393 = arith.index_cast %get3A_1392 : i32 to index
        %get3A_1394 = arith.index_cast %add3A_1391 : i32 to index
        %get3A_1395 = arith.constant 0 : index
        %get3A_1396 = tpu.vector_load %arg6[%get3A_1393, %get3A_1394, %get3A_1395] {strides = array<i32>} : memref<16x100x32xf32, #tpu.memory_space<vmem>>, vector<1x1x16xf32>,
        %get3A_1397 = vector.shape_cast %get3A_1396 : vector<1x1x16xf32> to vector<16xf32>
        %add3A_1398 = arith.addf %add3A_1358, %get3A_1397 : vector<16xf32>
        %add3A_1399 = arith.constant 50 : i32
        %add3A_1400 = arith.addi %add3A_1399, %mul3A_1210 : i32
        %add3A_1401 = arith.constant 4 : i32
        %add3A_1402 = arith.addi %add3A_1400, %add3A_1401 : i32
        %get3A_1403 = arith.constant 4 : i32
        %get3A_1404 = arith.index_cast %get3A_1403 : i32 to index
        %get3A_1405 = arith.index_cast %add3A_1402 : i32 to index
        %get3A_1406 = arith.constant 16 : index
        %get3A_1407 = tpu.vector_load %arg6[%get3A_1404, %get3A_1405, %get3A_1406] {strides = array<i32>} : memref<16x100x32xf32, #tpu.memory_space<vmem>>, vector<1x1x16xf32>,
        %get3A_1408 = vector.shape_cast %get3A_1407 : vector<1x1x16xf32> to vector<16xf32>
        %add3A_1409 = arith.addf %add3A_1369, %get3A_1408 : vector<16xf32>
        scf.yield %add3A_1378, %add3A_1387, %add3A_1398, %add3A_1409 : vector<16xf32>, vector<16xf32>, vector<16xf32>, vector<16xf32>
      }
      %scan3A_524 = arith.constant 10 : i32
      %mul3A_525 = arith.constant 2.000000e-02 : f32
      %mul3A_526 = vector.broadcast %mul3A_525 : f32 to vector<16xf32>
      %mul3A_527 = arith.mulf %scan3A_523#0, %mul3A_526 : vector<16xf32>
      %swap3A_528 = arith.index_cast %mul3A_516 : i32 to index
      %swap3A_529 = arith.constant 0 : index
      %swap3A_530 = tpu.vector_load %arg7[%swap3A_528, %swap3A_529] {strides = array<i32>} : memref<512x32xf32, #tpu.memory_space<vmem>>, vector<1x16xf32>,
      %swap3A_531 = vector.shape_cast %swap3A_530 : vector<1x16xf32> to vector<16xf32>
      %swap3A_532 = vector.shape_cast %mul3A_527 : vector<16xf32> to vector<1x16xf32>
      tpu.vector_store %arg7[%swap3A_528, %swap3A_529], %swap3A_532 {strides = array<i32>} : memref<512x32xf32, #tpu.memory_space<vmem>>, vector<1x16xf32>,
      %mul3A_533 = arith.constant 2.000000e-02 : f32
      %mul3A_534 = vector.broadcast %mul3A_533 : f32 to vector<16xf32>
      %mul3A_535 = arith.mulf %scan3A_523#1, %mul3A_534 : vector<16xf32>
      %swap3A_536 = arith.index_cast %mul3A_516 : i32 to index
      %swap3A_537 = arith.constant 16 : index
      %swap3A_538 = tpu.vector_load %arg7[%swap3A_536, %swap3A_537] {strides = array<i32>} : memref<512x32xf32, #tpu.memory_space<vmem>>, vector<1x16xf32>,
      %swap3A_539 = vector.shape_cast %swap3A_538 : vector<1x16xf32> to vector<16xf32>
      %swap3A_540 = vector.shape_cast %mul3A_535 : vector<16xf32> to vector<1x16xf32>
      tpu.vector_store %arg7[%swap3A_536, %swap3A_537], %swap3A_540 {strides = array<i32>} : memref<512x32xf32, #tpu.memory_space<vmem>>, vector<1x16xf32>,
      %mul3A_541 = arith.constant 2.000000e-02 : f32
      %mul3A_542 = vector.broadcast %mul3A_541 : f32 to vector<16xf32>
      %mul3A_543 = arith.mulf %scan3A_523#2, %mul3A_542 : vector<16xf32>
      %add3A_544 = arith.constant 1 : i32
      %add3A_545 = arith.addi %mul3A_516, %add3A_544 : i32
      %swap3A_546 = arith.index_cast %add3A_545 : i32 to index
      %swap3A_547 = arith.constant 0 : index
      %swap3A_548 = tpu.vector_load %arg7[%swap3A_546, %swap3A_547] {strides = array<i32>} : memref<512x32xf32, #tpu.memory_space<vmem>>, vector<1x16xf32>,
      %swap3A_549 = vector.shape_cast %swap3A_548 : vector<1x16xf32> to vector<16xf32>
      %swap3A_550 = vector.shape_cast %mul3A_543 : vector<16xf32> to vector<1x16xf32>
      tpu.vector_store %arg7[%swap3A_546, %swap3A_547], %swap3A_550 {strides = array<i32>} : memref<512x32xf32, #tpu.memory_space<vmem>>, vector<1x16xf32>,
      %mul3A_551 = arith.constant 2.000000e-02 : f32
      %mul3A_552 = vector.broadcast %mul3A_551 : f32 to vector<16xf32>
      %mul3A_553 = arith.mulf %scan3A_523#3, %mul3A_552 : vector<16xf32>
      %add3A_554 = arith.constant 1 : i32
      %add3A_555 = arith.addi %mul3A_516, %add3A_554 : i32
      %swap3A_556 = arith.index_cast %add3A_555 : i32 to index
      %swap3A_557 = arith.constant 16 : index
      %swap3A_558 = tpu.vector_load %arg7[%swap3A_556, %swap3A_557] {strides = array<i32>} : memref<512x32xf32, #tpu.memory_space<vmem>>, vector<1x16xf32>,
      %swap3A_559 = vector.shape_cast %swap3A_558 : vector<1x16xf32> to vector<16xf32>
      %swap3A_560 = vector.shape_cast %mul3A_553 : vector<16xf32> to vector<1x16xf32>
      tpu.vector_store %arg7[%swap3A_556, %swap3A_557], %swap3A_560 {strides = array<i32>} : memref<512x32xf32, #tpu.memory_space<vmem>>, vector<1x16xf32>,
      %add3A_561 = arith.constant 5 : i32
      %add3A_562 = arith.addi %mul3A_107, %add3A_561 : i32
      %mul3A_563 = arith.constant 2 : i32
      %mul3A_564 = arith.muli %add3A_562, %mul3A_563 : i32
      %broadcast_in_dim3A_565 = arith.constant 0.000000e+00 : f32
      %broadcast_in_dim3A_566 = vector.broadcast %broadcast_in_dim3A_565 : f32 to vector<16xf32>
      %scan3A_567 = arith.constant 0 : i32
      %scan3A_568 = arith.constant 10 : i32
      %scan3A_569 = arith.addi %scan3A_567, %scan3A_568 : i32
      %scan3A_570 = arith.constant 1 : i32
      %scan3A_571:4 = scf.for %scan3A_1204 = %scan3A_567 to %scan3A_569 step %scan3A_570 iter_args(%scan3A_1205 = %broadcast_in_dim3A_566, %scan3A_1206 = %broadcast_in_dim3A_566, %scan3A_1207 = %broadcast_in_dim3A_566, %scan3A_1208 = %broadcast_in_dim3A_566) -> (vector<16xf32>, vector<16xf32>, vector<16xf32>, vector<16xf32>)  : i32 {
        %mul3A_1209 = arith.constant 5 : i32
        %mul3A_1210 = arith.muli %mul3A_1209, %scan3A_1204 : i32
        %add3A_1211 = arith.constant 0 : i32
        %add3A_1212 = arith.addi %mul3A_1210, %add3A_1211 : i32
        %get3A = arith.constant 5 : i32
        %get3A_1213 = arith.index_cast %get3A : i32 to index
        %get3A_1214 = arith.index_cast %add3A_1212 : i32 to index
        %get3A_1215 = arith.constant 0 : index
        %get3A_1216 = tpu.vector_load %arg6[%get3A_1213, %get3A_1214, %get3A_1215] {strides = array<i32>} : memref<16x100x32xf32, #tpu.memory_space<vmem>>, vector<1x1x16xf32>,
        %get3A_1217 = vector.shape_cast %get3A_1216 : vector<1x1x16xf32> to vector<16xf32>
        %add3A_1218 = arith.addf %scan3A_1205, %get3A_1217 : vector<16xf32>
        %add3A_1219 = arith.constant 0 : i32
        %add3A_1220 = arith.addi %mul3A_1210, %add3A_1219 : i32
        %get3A_1221 = arith.constant 5 : i32
        %get3A_1222 = arith.index_cast %get3A_1221 : i32 to index
        %get3A_1223 = arith.index_cast %add3A_1220 : i32 to index
        %get3A_1224 = arith.constant 16 : index
        %get3A_1225 = tpu.vector_load %arg6[%get3A_1222, %get3A_1223, %get3A_1224] {strides = array<i32>} : memref<16x100x32xf32, #tpu.memory_space<vmem>>, vector<1x1x16xf32>,
        %get3A_1226 = vector.shape_cast %get3A_1225 : vector<1x1x16xf32> to vector<16xf32>
        %add3A_1227 = arith.addf %scan3A_1206, %get3A_1226 : vector<16xf32>
        %add3A_1228 = arith.constant 50 : i32
        %add3A_1229 = arith.addi %add3A_1228, %mul3A_1210 : i32
        %add3A_1230 = arith.constant 0 : i32
        %add3A_1231 = arith.addi %add3A_1229, %add3A_1230 : i32
        %get3A_1232 = arith.constant 5 : i32
        %get3A_1233 = arith.index_cast %get3A_1232 : i32 to index
        %get3A_1234 = arith.index_cast %add3A_1231 : i32 to index
        %get3A_1235 = arith.constant 0 : index
        %get3A_1236 = tpu.vector_load %arg6[%get3A_1233, %get3A_1234, %get3A_1235] {strides = array<i32>} : memref<16x100x32xf32, #tpu.memory_space<vmem>>, vector<1x1x16xf32>,
        %get3A_1237 = vector.shape_cast %get3A_1236 : vector<1x1x16xf32> to vector<16xf32>
        %add3A_1238 = arith.addf %scan3A_1207, %get3A_1237 : vector<16xf32>
        %add3A_1239 = arith.constant 50 : i32
        %add3A_1240 = arith.addi %add3A_1239, %mul3A_1210 : i32
        %add3A_1241 = arith.constant 0 : i32
        %add3A_1242 = arith.addi %add3A_1240, %add3A_1241 : i32
        %get3A_1243 = arith.constant 5 : i32
        %get3A_1244 = arith.index_cast %get3A_1243 : i32 to index
        %get3A_1245 = arith.index_cast %add3A_1242 : i32 to index
        %get3A_1246 = arith.constant 16 : index
        %get3A_1247 = tpu.vector_load %arg6[%get3A_1244, %get3A_1245, %get3A_1246] {strides = array<i32>} : memref<16x100x32xf32, #tpu.memory_space<vmem>>, vector<1x1x16xf32>,
        %get3A_1248 = vector.shape_cast %get3A_1247 : vector<1x1x16xf32> to vector<16xf32>
        %add3A_1249 = arith.addf %scan3A_1208, %get3A_1248 : vector<16xf32>
        %add3A_1250 = arith.constant 1 : i32
        %add3A_1251 = arith.addi %mul3A_1210, %add3A_1250 : i32
        %get3A_1252 = arith.constant 5 : i32
        %get3A_1253 = arith.index_cast %get3A_1252 : i32 to index
        %get3A_1254 = arith.index_cast %add3A_1251 : i32 to index
        %get3A_1255 = arith.constant 0 : index
        %get3A_1256 = tpu.vector_load %arg6[%get3A_1253, %get3A_1254, %get3A_1255] {strides = array<i32>} : memref<16x100x32xf32, #tpu.memory_space<vmem>>, vector<1x1x16xf32>,
        %get3A_1257 = vector.shape_cast %get3A_1256 : vector<1x1x16xf32> to vector<16xf32>
        %add3A_1258 = arith.addf %add3A_1218, %get3A_1257 : vector<16xf32>
        %add3A_1259 = arith.constant 1 : i32
        %add3A_1260 = arith.addi %mul3A_1210, %add3A_1259 : i32
        %get3A_1261 = arith.constant 5 : i32
        %get3A_1262 = arith.index_cast %get3A_1261 : i32 to index
        %get3A_1263 = arith.index_cast %add3A_1260 : i32 to index
        %get3A_1264 = arith.constant 16 : index
        %get3A_1265 = tpu.vector_load %arg6[%get3A_1262, %get3A_1263, %get3A_1264] {strides = array<i32>} : memref<16x100x32xf32, #tpu.memory_space<vmem>>, vector<1x1x16xf32>,
        %get3A_1266 = vector.shape_cast %get3A_1265 : vector<1x1x16xf32> to vector<16xf32>
        %add3A_1267 = arith.addf %add3A_1227, %get3A_1266 : vector<16xf32>
        %add3A_1268 = arith.constant 50 : i32
        %add3A_1269 = arith.addi %add3A_1268, %mul3A_1210 : i32
        %add3A_1270 = arith.constant 1 : i32
        %add3A_1271 = arith.addi %add3A_1269, %add3A_1270 : i32
        %get3A_1272 = arith.constant 5 : i32
        %get3A_1273 = arith.index_cast %get3A_1272 : i32 to index
        %get3A_1274 = arith.index_cast %add3A_1271 : i32 to index
        %get3A_1275 = arith.constant 0 : index
        %get3A_1276 = tpu.vector_load %arg6[%get3A_1273, %get3A_1274, %get3A_1275] {strides = array<i32>} : memref<16x100x32xf32, #tpu.memory_space<vmem>>, vector<1x1x16xf32>,
        %get3A_1277 = vector.shape_cast %get3A_1276 : vector<1x1x16xf32> to vector<16xf32>
        %add3A_1278 = arith.addf %add3A_1238, %get3A_1277 : vector<16xf32>
        %add3A_1279 = arith.constant 50 : i32
        %add3A_1280 = arith.addi %add3A_1279, %mul3A_1210 : i32
        %add3A_1281 = arith.constant 1 : i32
        %add3A_1282 = arith.addi %add3A_1280, %add3A_1281 : i32
        %get3A_1283 = arith.constant 5 : i32
        %get3A_1284 = arith.index_cast %get3A_1283 : i32 to index
        %get3A_1285 = arith.index_cast %add3A_1282 : i32 to index
        %get3A_1286 = arith.constant 16 : index
        %get3A_1287 = tpu.vector_load %arg6[%get3A_1284, %get3A_1285, %get3A_1286] {strides = array<i32>} : memref<16x100x32xf32, #tpu.memory_space<vmem>>, vector<1x1x16xf32>,
        %get3A_1288 = vector.shape_cast %get3A_1287 : vector<1x1x16xf32> to vector<16xf32>
        %add3A_1289 = arith.addf %add3A_1249, %get3A_1288 : vector<16xf32>
        %add3A_1290 = arith.constant 2 : i32
        %add3A_1291 = arith.addi %mul3A_1210, %add3A_1290 : i32
        %get3A_1292 = arith.constant 5 : i32
        %get3A_1293 = arith.index_cast %get3A_1292 : i32 to index
        %get3A_1294 = arith.index_cast %add3A_1291 : i32 to index
        %get3A_1295 = arith.constant 0 : index
        %get3A_1296 = tpu.vector_load %arg6[%get3A_1293, %get3A_1294, %get3A_1295] {strides = array<i32>} : memref<16x100x32xf32, #tpu.memory_space<vmem>>, vector<1x1x16xf32>,
        %get3A_1297 = vector.shape_cast %get3A_1296 : vector<1x1x16xf32> to vector<16xf32>
        %add3A_1298 = arith.addf %add3A_1258, %get3A_1297 : vector<16xf32>
        %add3A_1299 = arith.constant 2 : i32
        %add3A_1300 = arith.addi %mul3A_1210, %add3A_1299 : i32
        %get3A_1301 = arith.constant 5 : i32
        %get3A_1302 = arith.index_cast %get3A_1301 : i32 to index
        %get3A_1303 = arith.index_cast %add3A_1300 : i32 to index
        %get3A_1304 = arith.constant 16 : index
        %get3A_1305 = tpu.vector_load %arg6[%get3A_1302, %get3A_1303, %get3A_1304] {strides = array<i32>} : memref<16x100x32xf32, #tpu.memory_space<vmem>>, vector<1x1x16xf32>,
        %get3A_1306 = vector.shape_cast %get3A_1305 : vector<1x1x16xf32> to vector<16xf32>
        %add3A_1307 = arith.addf %add3A_1267, %get3A_1306 : vector<16xf32>
        %add3A_1308 = arith.constant 50 : i32
        %add3A_1309 = arith.addi %add3A_1308, %mul3A_1210 : i32
        %add3A_1310 = arith.constant 2 : i32
        %add3A_1311 = arith.addi %add3A_1309, %add3A_1310 : i32
        %get3A_1312 = arith.constant 5 : i32
        %get3A_1313 = arith.index_cast %get3A_1312 : i32 to index
        %get3A_1314 = arith.index_cast %add3A_1311 : i32 to index
        %get3A_1315 = arith.constant 0 : index
        %get3A_1316 = tpu.vector_load %arg6[%get3A_1313, %get3A_1314, %get3A_1315] {strides = array<i32>} : memref<16x100x32xf32, #tpu.memory_space<vmem>>, vector<1x1x16xf32>,
        %get3A_1317 = vector.shape_cast %get3A_1316 : vector<1x1x16xf32> to vector<16xf32>
        %add3A_1318 = arith.addf %add3A_1278, %get3A_1317 : vector<16xf32>
        %add3A_1319 = arith.constant 50 : i32
        %add3A_1320 = arith.addi %add3A_1319, %mul3A_1210 : i32
        %add3A_1321 = arith.constant 2 : i32
        %add3A_1322 = arith.addi %add3A_1320, %add3A_1321 : i32
        %get3A_1323 = arith.constant 5 : i32
        %get3A_1324 = arith.index_cast %get3A_1323 : i32 to index
        %get3A_1325 = arith.index_cast %add3A_1322 : i32 to index
        %get3A_1326 = arith.constant 16 : index
        %get3A_1327 = tpu.vector_load %arg6[%get3A_1324, %get3A_1325, %get3A_1326] {strides = array<i32>} : memref<16x100x32xf32, #tpu.memory_space<vmem>>, vector<1x1x16xf32>,
        %get3A_1328 = vector.shape_cast %get3A_1327 : vector<1x1x16xf32> to vector<16xf32>
        %add3A_1329 = arith.addf %add3A_1289, %get3A_1328 : vector<16xf32>
        %add3A_1330 = arith.constant 3 : i32
        %add3A_1331 = arith.addi %mul3A_1210, %add3A_1330 : i32
        %get3A_1332 = arith.constant 5 : i32
        %get3A_1333 = arith.index_cast %get3A_1332 : i32 to index
        %get3A_1334 = arith.index_cast %add3A_1331 : i32 to index
        %get3A_1335 = arith.constant 0 : index
        %get3A_1336 = tpu.vector_load %arg6[%get3A_1333, %get3A_1334, %get3A_1335] {strides = array<i32>} : memref<16x100x32xf32, #tpu.memory_space<vmem>>, vector<1x1x16xf32>,
        %get3A_1337 = vector.shape_cast %get3A_1336 : vector<1x1x16xf32> to vector<16xf32>
        %add3A_1338 = arith.addf %add3A_1298, %get3A_1337 : vector<16xf32>
        %add3A_1339 = arith.constant 3 : i32
        %add3A_1340 = arith.addi %mul3A_1210, %add3A_1339 : i32
        %get3A_1341 = arith.constant 5 : i32
        %get3A_1342 = arith.index_cast %get3A_1341 : i32 to index
        %get3A_1343 = arith.index_cast %add3A_1340 : i32 to index
        %get3A_1344 = arith.constant 16 : index
        %get3A_1345 = tpu.vector_load %arg6[%get3A_1342, %get3A_1343, %get3A_1344] {strides = array<i32>} : memref<16x100x32xf32, #tpu.memory_space<vmem>>, vector<1x1x16xf32>,
        %get3A_1346 = vector.shape_cast %get3A_1345 : vector<1x1x16xf32> to vector<16xf32>
        %add3A_1347 = arith.addf %add3A_1307, %get3A_1346 : vector<16xf32>
        %add3A_1348 = arith.constant 50 : i32
        %add3A_1349 = arith.addi %add3A_1348, %mul3A_1210 : i32
        %add3A_1350 = arith.constant 3 : i32
        %add3A_1351 = arith.addi %add3A_1349, %add3A_1350 : i32
        %get3A_1352 = arith.constant 5 : i32
        %get3A_1353 = arith.index_cast %get3A_1352 : i32 to index
        %get3A_1354 = arith.index_cast %add3A_1351 : i32 to index
        %get3A_1355 = arith.constant 0 : index
        %get3A_1356 = tpu.vector_load %arg6[%get3A_1353, %get3A_1354, %get3A_1355] {strides = array<i32>} : memref<16x100x32xf32, #tpu.memory_space<vmem>>, vector<1x1x16xf32>,
        %get3A_1357 = vector.shape_cast %get3A_1356 : vector<1x1x16xf32> to vector<16xf32>
        %add3A_1358 = arith.addf %add3A_1318, %get3A_1357 : vector<16xf32>
        %add3A_1359 = arith.constant 50 : i32
        %add3A_1360 = arith.addi %add3A_1359, %mul3A_1210 : i32
        %add3A_1361 = arith.constant 3 : i32
        %add3A_1362 = arith.addi %add3A_1360, %add3A_1361 : i32
        %get3A_1363 = arith.constant 5 : i32
        %get3A_1364 = arith.index_cast %get3A_1363 : i32 to index
        %get3A_1365 = arith.index_cast %add3A_1362 : i32 to index
        %get3A_1366 = arith.constant 16 : index
        %get3A_1367 = tpu.vector_load %arg6[%get3A_1364, %get3A_1365, %get3A_1366] {strides = array<i32>} : memref<16x100x32xf32, #tpu.memory_space<vmem>>, vector<1x1x16xf32>,
        %get3A_1368 = vector.shape_cast %get3A_1367 : vector<1x1x16xf32> to vector<16xf32>
        %add3A_1369 = arith.addf %add3A_1329, %get3A_1368 : vector<16xf32>
        %add3A_1370 = arith.constant 4 : i32
        %add3A_1371 = arith.addi %mul3A_1210, %add3A_1370 : i32
        %get3A_1372 = arith.constant 5 : i32
        %get3A_1373 = arith.index_cast %get3A_1372 : i32 to index
        %get3A_1374 = arith.index_cast %add3A_1371 : i32 to index
        %get3A_1375 = arith.constant 0 : index
        %get3A_1376 = tpu.vector_load %arg6[%get3A_1373, %get3A_1374, %get3A_1375] {strides = array<i32>} : memref<16x100x32xf32, #tpu.memory_space<vmem>>, vector<1x1x16xf32>,
        %get3A_1377 = vector.shape_cast %get3A_1376 : vector<1x1x16xf32> to vector<16xf32>
        %add3A_1378 = arith.addf %add3A_1338, %get3A_1377 : vector<16xf32>
        %add3A_1379 = arith.constant 4 : i32
        %add3A_1380 = arith.addi %mul3A_1210, %add3A_1379 : i32
        %get3A_1381 = arith.constant 5 : i32
        %get3A_1382 = arith.index_cast %get3A_1381 : i32 to index
        %get3A_1383 = arith.index_cast %add3A_1380 : i32 to index
        %get3A_1384 = arith.constant 16 : index
        %get3A_1385 = tpu.vector_load %arg6[%get3A_1382, %get3A_1383, %get3A_1384] {strides = array<i32>} : memref<16x100x32xf32, #tpu.memory_space<vmem>>, vector<1x1x16xf32>,
        %get3A_1386 = vector.shape_cast %get3A_1385 : vector<1x1x16xf32> to vector<16xf32>
        %add3A_1387 = arith.addf %add3A_1347, %get3A_1386 : vector<16xf32>
        %add3A_1388 = arith.constant 50 : i32
        %add3A_1389 = arith.addi %add3A_1388, %mul3A_1210 : i32
        %add3A_1390 = arith.constant 4 : i32
        %add3A_1391 = arith.addi %add3A_1389, %add3A_1390 : i32
        %get3A_1392 = arith.constant 5 : i32
        %get3A_1393 = arith.index_cast %get3A_1392 : i32 to index
        %get3A_1394 = arith.index_cast %add3A_1391 : i32 to index
        %get3A_1395 = arith.constant 0 : index
        %get3A_1396 = tpu.vector_load %arg6[%get3A_1393, %get3A_1394, %get3A_1395] {strides = array<i32>} : memref<16x100x32xf32, #tpu.memory_space<vmem>>, vector<1x1x16xf32>,
        %get3A_1397 = vector.shape_cast %get3A_1396 : vector<1x1x16xf32> to vector<16xf32>
        %add3A_1398 = arith.addf %add3A_1358, %get3A_1397 : vector<16xf32>
        %add3A_1399 = arith.constant 50 : i32
        %add3A_1400 = arith.addi %add3A_1399, %mul3A_1210 : i32
        %add3A_1401 = arith.constant 4 : i32
        %add3A_1402 = arith.addi %add3A_1400, %add3A_1401 : i32
        %get3A_1403 = arith.constant 5 : i32
        %get3A_1404 = arith.index_cast %get3A_1403 : i32 to index
        %get3A_1405 = arith.index_cast %add3A_1402 : i32 to index
        %get3A_1406 = arith.constant 16 : index
        %get3A_1407 = tpu.vector_load %arg6[%get3A_1404, %get3A_1405, %get3A_1406] {strides = array<i32>} : memref<16x100x32xf32, #tpu.memory_space<vmem>>, vector<1x1x16xf32>,
        %get3A_1408 = vector.shape_cast %get3A_1407 : vector<1x1x16xf32> to vector<16xf32>
        %add3A_1409 = arith.addf %add3A_1369, %get3A_1408 : vector<16xf32>
        scf.yield %add3A_1378, %add3A_1387, %add3A_1398, %add3A_1409 : vector<16xf32>, vector<16xf32>, vector<16xf32>, vector<16xf32>
      }
      %scan3A_572 = arith.constant 10 : i32
      %mul3A_573 = arith.constant 2.000000e-02 : f32
      %mul3A_574 = vector.broadcast %mul3A_573 : f32 to vector<16xf32>
      %mul3A_575 = arith.mulf %scan3A_571#0, %mul3A_574 : vector<16xf32>
      %swap3A_576 = arith.index_cast %mul3A_564 : i32 to index
      %swap3A_577 = arith.constant 0 : index
      %swap3A_578 = tpu.vector_load %arg7[%swap3A_576, %swap3A_577] {strides = array<i32>} : memref<512x32xf32, #tpu.memory_space<vmem>>, vector<1x16xf32>,
      %swap3A_579 = vector.shape_cast %swap3A_578 : vector<1x16xf32> to vector<16xf32>
      %swap3A_580 = vector.shape_cast %mul3A_575 : vector<16xf32> to vector<1x16xf32>
      tpu.vector_store %arg7[%swap3A_576, %swap3A_577], %swap3A_580 {strides = array<i32>} : memref<512x32xf32, #tpu.memory_space<vmem>>, vector<1x16xf32>,
      %mul3A_581 = arith.constant 2.000000e-02 : f32
      %mul3A_582 = vector.broadcast %mul3A_581 : f32 to vector<16xf32>
      %mul3A_583 = arith.mulf %scan3A_571#1, %mul3A_582 : vector<16xf32>
      %swap3A_584 = arith.index_cast %mul3A_564 : i32 to index
      %swap3A_585 = arith.constant 16 : index
      %swap3A_586 = tpu.vector_load %arg7[%swap3A_584, %swap3A_585] {strides = array<i32>} : memref<512x32xf32, #tpu.memory_space<vmem>>, vector<1x16xf32>,
      %swap3A_587 = vector.shape_cast %swap3A_586 : vector<1x16xf32> to vector<16xf32>
      %swap3A_588 = vector.shape_cast %mul3A_583 : vector<16xf32> to vector<1x16xf32>
      tpu.vector_store %arg7[%swap3A_584, %swap3A_585], %swap3A_588 {strides = array<i32>} : memref<512x32xf32, #tpu.memory_space<vmem>>, vector<1x16xf32>,
      %mul3A_589 = arith.constant 2.000000e-02 : f32
      %mul3A_590 = vector.broadcast %mul3A_589 : f32 to vector<16xf32>
      %mul3A_591 = arith.mulf %scan3A_571#2, %mul3A_590 : vector<16xf32>
      %add3A_592 = arith.constant 1 : i32
      %add3A_593 = arith.addi %mul3A_564, %add3A_592 : i32
      %swap3A_594 = arith.index_cast %add3A_593 : i32 to index
      %swap3A_595 = arith.constant 0 : index
      %swap3A_596 = tpu.vector_load %arg7[%swap3A_594, %swap3A_595] {strides = array<i32>} : memref<512x32xf32, #tpu.memory_space<vmem>>, vector<1x16xf32>,
      %swap3A_597 = vector.shape_cast %swap3A_596 : vector<1x16xf32> to vector<16xf32>
      %swap3A_598 = vector.shape_cast %mul3A_591 : vector<16xf32> to vector<1x16xf32>
      tpu.vector_store %arg7[%swap3A_594, %swap3A_595], %swap3A_598 {strides = array<i32>} : memref<512x32xf32, #tpu.memory_space<vmem>>, vector<1x16xf32>,
      %mul3A_599 = arith.constant 2.000000e-02 : f32
      %mul3A_600 = vector.broadcast %mul3A_599 : f32 to vector<16xf32>
      %mul3A_601 = arith.mulf %scan3A_571#3, %mul3A_600 : vector<16xf32>
      %add3A_602 = arith.constant 1 : i32
      %add3A_603 = arith.addi %mul3A_564, %add3A_602 : i32
      %swap3A_604 = arith.index_cast %add3A_603 : i32 to index
      %swap3A_605 = arith.constant 16 : index
      %swap3A_606 = tpu.vector_load %arg7[%swap3A_604, %swap3A_605] {strides = array<i32>} : memref<512x32xf32, #tpu.memory_space<vmem>>, vector<1x16xf32>,
      %swap3A_607 = vector.shape_cast %swap3A_606 : vector<1x16xf32> to vector<16xf32>
      %swap3A_608 = vector.shape_cast %mul3A_601 : vector<16xf32> to vector<1x16xf32>
      tpu.vector_store %arg7[%swap3A_604, %swap3A_605], %swap3A_608 {strides = array<i32>} : memref<512x32xf32, #tpu.memory_space<vmem>>, vector<1x16xf32>,
      %add3A_609 = arith.constant 6 : i32
      %add3A_610 = arith.addi %mul3A_107, %add3A_609 : i32
      %mul3A_611 = arith.constant 2 : i32
      %mul3A_612 = arith.muli %add3A_610, %mul3A_611 : i32
      %broadcast_in_dim3A_613 = arith.constant 0.000000e+00 : f32
      %broadcast_in_dim3A_614 = vector.broadcast %broadcast_in_dim3A_613 : f32 to vector<16xf32>
      %scan3A_615 = arith.constant 0 : i32
      %scan3A_616 = arith.constant 10 : i32
      %scan3A_617 = arith.addi %scan3A_615, %scan3A_616 : i32
      %scan3A_618 = arith.constant 1 : i32
      %scan3A_619:4 = scf.for %scan3A_1204 = %scan3A_615 to %scan3A_617 step %scan3A_618 iter_args(%scan3A_1205 = %broadcast_in_dim3A_614, %scan3A_1206 = %broadcast_in_dim3A_614, %scan3A_1207 = %broadcast_in_dim3A_614, %scan3A_1208 = %broadcast_in_dim3A_614) -> (vector<16xf32>, vector<16xf32>, vector<16xf32>, vector<16xf32>)  : i32 {
        %mul3A_1209 = arith.constant 5 : i32
        %mul3A_1210 = arith.muli %mul3A_1209, %scan3A_1204 : i32
        %add3A_1211 = arith.constant 0 : i32
        %add3A_1212 = arith.addi %mul3A_1210, %add3A_1211 : i32
        %get3A = arith.constant 6 : i32
        %get3A_1213 = arith.index_cast %get3A : i32 to index
        %get3A_1214 = arith.index_cast %add3A_1212 : i32 to index
        %get3A_1215 = arith.constant 0 : index
        %get3A_1216 = tpu.vector_load %arg6[%get3A_1213, %get3A_1214, %get3A_1215] {strides = array<i32>} : memref<16x100x32xf32, #tpu.memory_space<vmem>>, vector<1x1x16xf32>,
        %get3A_1217 = vector.shape_cast %get3A_1216 : vector<1x1x16xf32> to vector<16xf32>
        %add3A_1218 = arith.addf %scan3A_1205, %get3A_1217 : vector<16xf32>
        %add3A_1219 = arith.constant 0 : i32
        %add3A_1220 = arith.addi %mul3A_1210, %add3A_1219 : i32
        %get3A_1221 = arith.constant 6 : i32
        %get3A_1222 = arith.index_cast %get3A_1221 : i32 to index
        %get3A_1223 = arith.index_cast %add3A_1220 : i32 to index
        %get3A_1224 = arith.constant 16 : index
        %get3A_1225 = tpu.vector_load %arg6[%get3A_1222, %get3A_1223, %get3A_1224] {strides = array<i32>} : memref<16x100x32xf32, #tpu.memory_space<vmem>>, vector<1x1x16xf32>,
        %get3A_1226 = vector.shape_cast %get3A_1225 : vector<1x1x16xf32> to vector<16xf32>
        %add3A_1227 = arith.addf %scan3A_1206, %get3A_1226 : vector<16xf32>
        %add3A_1228 = arith.constant 50 : i32
        %add3A_1229 = arith.addi %add3A_1228, %mul3A_1210 : i32
        %add3A_1230 = arith.constant 0 : i32
        %add3A_1231 = arith.addi %add3A_1229, %add3A_1230 : i32
        %get3A_1232 = arith.constant 6 : i32
        %get3A_1233 = arith.index_cast %get3A_1232 : i32 to index
        %get3A_1234 = arith.index_cast %add3A_1231 : i32 to index
        %get3A_1235 = arith.constant 0 : index
        %get3A_1236 = tpu.vector_load %arg6[%get3A_1233, %get3A_1234, %get3A_1235] {strides = array<i32>} : memref<16x100x32xf32, #tpu.memory_space<vmem>>, vector<1x1x16xf32>,
        %get3A_1237 = vector.shape_cast %get3A_1236 : vector<1x1x16xf32> to vector<16xf32>
        %add3A_1238 = arith.addf %scan3A_1207, %get3A_1237 : vector<16xf32>
        %add3A_1239 = arith.constant 50 : i32
        %add3A_1240 = arith.addi %add3A_1239, %mul3A_1210 : i32
        %add3A_1241 = arith.constant 0 : i32
        %add3A_1242 = arith.addi %add3A_1240, %add3A_1241 : i32
        %get3A_1243 = arith.constant 6 : i32
        %get3A_1244 = arith.index_cast %get3A_1243 : i32 to index
        %get3A_1245 = arith.index_cast %add3A_1242 : i32 to index
        %get3A_1246 = arith.constant 16 : index
        %get3A_1247 = tpu.vector_load %arg6[%get3A_1244, %get3A_1245, %get3A_1246] {strides = array<i32>} : memref<16x100x32xf32, #tpu.memory_space<vmem>>, vector<1x1x16xf32>,
        %get3A_1248 = vector.shape_cast %get3A_1247 : vector<1x1x16xf32> to vector<16xf32>
        %add3A_1249 = arith.addf %scan3A_1208, %get3A_1248 : vector<16xf32>
        %add3A_1250 = arith.constant 1 : i32
        %add3A_1251 = arith.addi %mul3A_1210, %add3A_1250 : i32
        %get3A_1252 = arith.constant 6 : i32
        %get3A_1253 = arith.index_cast %get3A_1252 : i32 to index
        %get3A_1254 = arith.index_cast %add3A_1251 : i32 to index
        %get3A_1255 = arith.constant 0 : index
        %get3A_1256 = tpu.vector_load %arg6[%get3A_1253, %get3A_1254, %get3A_1255] {strides = array<i32>} : memref<16x100x32xf32, #tpu.memory_space<vmem>>, vector<1x1x16xf32>,
        %get3A_1257 = vector.shape_cast %get3A_1256 : vector<1x1x16xf32> to vector<16xf32>
        %add3A_1258 = arith.addf %add3A_1218, %get3A_1257 : vector<16xf32>
        %add3A_1259 = arith.constant 1 : i32
        %add3A_1260 = arith.addi %mul3A_1210, %add3A_1259 : i32
        %get3A_1261 = arith.constant 6 : i32
        %get3A_1262 = arith.index_cast %get3A_1261 : i32 to index
        %get3A_1263 = arith.index_cast %add3A_1260 : i32 to index
        %get3A_1264 = arith.constant 16 : index
        %get3A_1265 = tpu.vector_load %arg6[%get3A_1262, %get3A_1263, %get3A_1264] {strides = array<i32>} : memref<16x100x32xf32, #tpu.memory_space<vmem>>, vector<1x1x16xf32>,
        %get3A_1266 = vector.shape_cast %get3A_1265 : vector<1x1x16xf32> to vector<16xf32>
        %add3A_1267 = arith.addf %add3A_1227, %get3A_1266 : vector<16xf32>
        %add3A_1268 = arith.constant 50 : i32
        %add3A_1269 = arith.addi %add3A_1268, %mul3A_1210 : i32
        %add3A_1270 = arith.constant 1 : i32
        %add3A_1271 = arith.addi %add3A_1269, %add3A_1270 : i32
        %get3A_1272 = arith.constant 6 : i32
        %get3A_1273 = arith.index_cast %get3A_1272 : i32 to index
        %get3A_1274 = arith.index_cast %add3A_1271 : i32 to index
        %get3A_1275 = arith.constant 0 : index
        %get3A_1276 = tpu.vector_load %arg6[%get3A_1273, %get3A_1274, %get3A_1275] {strides = array<i32>} : memref<16x100x32xf32, #tpu.memory_space<vmem>>, vector<1x1x16xf32>,
        %get3A_1277 = vector.shape_cast %get3A_1276 : vector<1x1x16xf32> to vector<16xf32>
        %add3A_1278 = arith.addf %add3A_1238, %get3A_1277 : vector<16xf32>
        %add3A_1279 = arith.constant 50 : i32
        %add3A_1280 = arith.addi %add3A_1279, %mul3A_1210 : i32
        %add3A_1281 = arith.constant 1 : i32
        %add3A_1282 = arith.addi %add3A_1280, %add3A_1281 : i32
        %get3A_1283 = arith.constant 6 : i32
        %get3A_1284 = arith.index_cast %get3A_1283 : i32 to index
        %get3A_1285 = arith.index_cast %add3A_1282 : i32 to index
        %get3A_1286 = arith.constant 16 : index
        %get3A_1287 = tpu.vector_load %arg6[%get3A_1284, %get3A_1285, %get3A_1286] {strides = array<i32>} : memref<16x100x32xf32, #tpu.memory_space<vmem>>, vector<1x1x16xf32>,
        %get3A_1288 = vector.shape_cast %get3A_1287 : vector<1x1x16xf32> to vector<16xf32>
        %add3A_1289 = arith.addf %add3A_1249, %get3A_1288 : vector<16xf32>
        %add3A_1290 = arith.constant 2 : i32
        %add3A_1291 = arith.addi %mul3A_1210, %add3A_1290 : i32
        %get3A_1292 = arith.constant 6 : i32
        %get3A_1293 = arith.index_cast %get3A_1292 : i32 to index
        %get3A_1294 = arith.index_cast %add3A_1291 : i32 to index
        %get3A_1295 = arith.constant 0 : index
        %get3A_1296 = tpu.vector_load %arg6[%get3A_1293, %get3A_1294, %get3A_1295] {strides = array<i32>} : memref<16x100x32xf32, #tpu.memory_space<vmem>>, vector<1x1x16xf32>,
        %get3A_1297 = vector.shape_cast %get3A_1296 : vector<1x1x16xf32> to vector<16xf32>
        %add3A_1298 = arith.addf %add3A_1258, %get3A_1297 : vector<16xf32>
        %add3A_1299 = arith.constant 2 : i32
        %add3A_1300 = arith.addi %mul3A_1210, %add3A_1299 : i32
        %get3A_1301 = arith.constant 6 : i32
        %get3A_1302 = arith.index_cast %get3A_1301 : i32 to index
        %get3A_1303 = arith.index_cast %add3A_1300 : i32 to index
        %get3A_1304 = arith.constant 16 : index
        %get3A_1305 = tpu.vector_load %arg6[%get3A_1302, %get3A_1303, %get3A_1304] {strides = array<i32>} : memref<16x100x32xf32, #tpu.memory_space<vmem>>, vector<1x1x16xf32>,
        %get3A_1306 = vector.shape_cast %get3A_1305 : vector<1x1x16xf32> to vector<16xf32>
        %add3A_1307 = arith.addf %add3A_1267, %get3A_1306 : vector<16xf32>
        %add3A_1308 = arith.constant 50 : i32
        %add3A_1309 = arith.addi %add3A_1308, %mul3A_1210 : i32
        %add3A_1310 = arith.constant 2 : i32
        %add3A_1311 = arith.addi %add3A_1309, %add3A_1310 : i32
        %get3A_1312 = arith.constant 6 : i32
        %get3A_1313 = arith.index_cast %get3A_1312 : i32 to index
        %get3A_1314 = arith.index_cast %add3A_1311 : i32 to index
        %get3A_1315 = arith.constant 0 : index
        %get3A_1316 = tpu.vector_load %arg6[%get3A_1313, %get3A_1314, %get3A_1315] {strides = array<i32>} : memref<16x100x32xf32, #tpu.memory_space<vmem>>, vector<1x1x16xf32>,
        %get3A_1317 = vector.shape_cast %get3A_1316 : vector<1x1x16xf32> to vector<16xf32>
        %add3A_1318 = arith.addf %add3A_1278, %get3A_1317 : vector<16xf32>
        %add3A_1319 = arith.constant 50 : i32
        %add3A_1320 = arith.addi %add3A_1319, %mul3A_1210 : i32
        %add3A_1321 = arith.constant 2 : i32
        %add3A_1322 = arith.addi %add3A_1320, %add3A_1321 : i32
        %get3A_1323 = arith.constant 6 : i32
        %get3A_1324 = arith.index_cast %get3A_1323 : i32 to index
        %get3A_1325 = arith.index_cast %add3A_1322 : i32 to index
        %get3A_1326 = arith.constant 16 : index
        %get3A_1327 = tpu.vector_load %arg6[%get3A_1324, %get3A_1325, %get3A_1326] {strides = array<i32>} : memref<16x100x32xf32, #tpu.memory_space<vmem>>, vector<1x1x16xf32>,
        %get3A_1328 = vector.shape_cast %get3A_1327 : vector<1x1x16xf32> to vector<16xf32>
        %add3A_1329 = arith.addf %add3A_1289, %get3A_1328 : vector<16xf32>
        %add3A_1330 = arith.constant 3 : i32
        %add3A_1331 = arith.addi %mul3A_1210, %add3A_1330 : i32
        %get3A_1332 = arith.constant 6 : i32
        %get3A_1333 = arith.index_cast %get3A_1332 : i32 to index
        %get3A_1334 = arith.index_cast %add3A_1331 : i32 to index
        %get3A_1335 = arith.constant 0 : index
        %get3A_1336 = tpu.vector_load %arg6[%get3A_1333, %get3A_1334, %get3A_1335] {strides = array<i32>} : memref<16x100x32xf32, #tpu.memory_space<vmem>>, vector<1x1x16xf32>,
        %get3A_1337 = vector.shape_cast %get3A_1336 : vector<1x1x16xf32> to vector<16xf32>
        %add3A_1338 = arith.addf %add3A_1298, %get3A_1337 : vector<16xf32>
        %add3A_1339 = arith.constant 3 : i32
        %add3A_1340 = arith.addi %mul3A_1210, %add3A_1339 : i32
        %get3A_1341 = arith.constant 6 : i32
        %get3A_1342 = arith.index_cast %get3A_1341 : i32 to index
        %get3A_1343 = arith.index_cast %add3A_1340 : i32 to index
        %get3A_1344 = arith.constant 16 : index
        %get3A_1345 = tpu.vector_load %arg6[%get3A_1342, %get3A_1343, %get3A_1344] {strides = array<i32>} : memref<16x100x32xf32, #tpu.memory_space<vmem>>, vector<1x1x16xf32>,
        %get3A_1346 = vector.shape_cast %get3A_1345 : vector<1x1x16xf32> to vector<16xf32>
        %add3A_1347 = arith.addf %add3A_1307, %get3A_1346 : vector<16xf32>
        %add3A_1348 = arith.constant 50 : i32
        %add3A_1349 = arith.addi %add3A_1348, %mul3A_1210 : i32
        %add3A_1350 = arith.constant 3 : i32
        %add3A_1351 = arith.addi %add3A_1349, %add3A_1350 : i32
        %get3A_1352 = arith.constant 6 : i32
        %get3A_1353 = arith.index_cast %get3A_1352 : i32 to index
        %get3A_1354 = arith.index_cast %add3A_1351 : i32 to index
        %get3A_1355 = arith.constant 0 : index
        %get3A_1356 = tpu.vector_load %arg6[%get3A_1353, %get3A_1354, %get3A_1355] {strides = array<i32>} : memref<16x100x32xf32, #tpu.memory_space<vmem>>, vector<1x1x16xf32>,
        %get3A_1357 = vector.shape_cast %get3A_1356 : vector<1x1x16xf32> to vector<16xf32>
        %add3A_1358 = arith.addf %add3A_1318, %get3A_1357 : vector<16xf32>
        %add3A_1359 = arith.constant 50 : i32
        %add3A_1360 = arith.addi %add3A_1359, %mul3A_1210 : i32
        %add3A_1361 = arith.constant 3 : i32
        %add3A_1362 = arith.addi %add3A_1360, %add3A_1361 : i32
        %get3A_1363 = arith.constant 6 : i32
        %get3A_1364 = arith.index_cast %get3A_1363 : i32 to index
        %get3A_1365 = arith.index_cast %add3A_1362 : i32 to index
        %get3A_1366 = arith.constant 16 : index
        %get3A_1367 = tpu.vector_load %arg6[%get3A_1364, %get3A_1365, %get3A_1366] {strides = array<i32>} : memref<16x100x32xf32, #tpu.memory_space<vmem>>, vector<1x1x16xf32>,
        %get3A_1368 = vector.shape_cast %get3A_1367 : vector<1x1x16xf32> to vector<16xf32>
        %add3A_1369 = arith.addf %add3A_1329, %get3A_1368 : vector<16xf32>
        %add3A_1370 = arith.constant 4 : i32
        %add3A_1371 = arith.addi %mul3A_1210, %add3A_1370 : i32
        %get3A_1372 = arith.constant 6 : i32
        %get3A_1373 = arith.index_cast %get3A_1372 : i32 to index
        %get3A_1374 = arith.index_cast %add3A_1371 : i32 to index
        %get3A_1375 = arith.constant 0 : index
        %get3A_1376 = tpu.vector_load %arg6[%get3A_1373, %get3A_1374, %get3A_1375] {strides = array<i32>} : memref<16x100x32xf32, #tpu.memory_space<vmem>>, vector<1x1x16xf32>,
        %get3A_1377 = vector.shape_cast %get3A_1376 : vector<1x1x16xf32> to vector<16xf32>
        %add3A_1378 = arith.addf %add3A_1338, %get3A_1377 : vector<16xf32>
        %add3A_1379 = arith.constant 4 : i32
        %add3A_1380 = arith.addi %mul3A_1210, %add3A_1379 : i32
        %get3A_1381 = arith.constant 6 : i32
        %get3A_1382 = arith.index_cast %get3A_1381 : i32 to index
        %get3A_1383 = arith.index_cast %add3A_1380 : i32 to index
        %get3A_1384 = arith.constant 16 : index
        %get3A_1385 = tpu.vector_load %arg6[%get3A_1382, %get3A_1383, %get3A_1384] {strides = array<i32>} : memref<16x100x32xf32, #tpu.memory_space<vmem>>, vector<1x1x16xf32>,
        %get3A_1386 = vector.shape_cast %get3A_1385 : vector<1x1x16xf32> to vector<16xf32>
        %add3A_1387 = arith.addf %add3A_1347, %get3A_1386 : vector<16xf32>
        %add3A_1388 = arith.constant 50 : i32
        %add3A_1389 = arith.addi %add3A_1388, %mul3A_1210 : i32
        %add3A_1390 = arith.constant 4 : i32
        %add3A_1391 = arith.addi %add3A_1389, %add3A_1390 : i32
        %get3A_1392 = arith.constant 6 : i32
        %get3A_1393 = arith.index_cast %get3A_1392 : i32 to index
        %get3A_1394 = arith.index_cast %add3A_1391 : i32 to index
        %get3A_1395 = arith.constant 0 : index
        %get3A_1396 = tpu.vector_load %arg6[%get3A_1393, %get3A_1394, %get3A_1395] {strides = array<i32>} : memref<16x100x32xf32, #tpu.memory_space<vmem>>, vector<1x1x16xf32>,
        %get3A_1397 = vector.shape_cast %get3A_1396 : vector<1x1x16xf32> to vector<16xf32>
        %add3A_1398 = arith.addf %add3A_1358, %get3A_1397 : vector<16xf32>
        %add3A_1399 = arith.constant 50 : i32
        %add3A_1400 = arith.addi %add3A_1399, %mul3A_1210 : i32
        %add3A_1401 = arith.constant 4 : i32
        %add3A_1402 = arith.addi %add3A_1400, %add3A_1401 : i32
        %get3A_1403 = arith.constant 6 : i32
        %get3A_1404 = arith.index_cast %get3A_1403 : i32 to index
        %get3A_1405 = arith.index_cast %add3A_1402 : i32 to index
        %get3A_1406 = arith.constant 16 : index
        %get3A_1407 = tpu.vector_load %arg6[%get3A_1404, %get3A_1405, %get3A_1406] {strides = array<i32>} : memref<16x100x32xf32, #tpu.memory_space<vmem>>, vector<1x1x16xf32>,
        %get3A_1408 = vector.shape_cast %get3A_1407 : vector<1x1x16xf32> to vector<16xf32>
        %add3A_1409 = arith.addf %add3A_1369, %get3A_1408 : vector<16xf32>
        scf.yield %add3A_1378, %add3A_1387, %add3A_1398, %add3A_1409 : vector<16xf32>, vector<16xf32>, vector<16xf32>, vector<16xf32>
      }
      %scan3A_620 = arith.constant 10 : i32
      %mul3A_621 = arith.constant 2.000000e-02 : f32
      %mul3A_622 = vector.broadcast %mul3A_621 : f32 to vector<16xf32>
      %mul3A_623 = arith.mulf %scan3A_619#0, %mul3A_622 : vector<16xf32>
      %swap3A_624 = arith.index_cast %mul3A_612 : i32 to index
      %swap3A_625 = arith.constant 0 : index
      %swap3A_626 = tpu.vector_load %arg7[%swap3A_624, %swap3A_625] {strides = array<i32>} : memref<512x32xf32, #tpu.memory_space<vmem>>, vector<1x16xf32>,
      %swap3A_627 = vector.shape_cast %swap3A_626 : vector<1x16xf32> to vector<16xf32>
      %swap3A_628 = vector.shape_cast %mul3A_623 : vector<16xf32> to vector<1x16xf32>
      tpu.vector_store %arg7[%swap3A_624, %swap3A_625], %swap3A_628 {strides = array<i32>} : memref<512x32xf32, #tpu.memory_space<vmem>>, vector<1x16xf32>,
      %mul3A_629 = arith.constant 2.000000e-02 : f32
      %mul3A_630 = vector.broadcast %mul3A_629 : f32 to vector<16xf32>
      %mul3A_631 = arith.mulf %scan3A_619#1, %mul3A_630 : vector<16xf32>
      %swap3A_632 = arith.index_cast %mul3A_612 : i32 to index
      %swap3A_633 = arith.constant 16 : index
      %swap3A_634 = tpu.vector_load %arg7[%swap3A_632, %swap3A_633] {strides = array<i32>} : memref<512x32xf32, #tpu.memory_space<vmem>>, vector<1x16xf32>,
      %swap3A_635 = vector.shape_cast %swap3A_634 : vector<1x16xf32> to vector<16xf32>
      %swap3A_636 = vector.shape_cast %mul3A_631 : vector<16xf32> to vector<1x16xf32>
      tpu.vector_store %arg7[%swap3A_632, %swap3A_633], %swap3A_636 {strides = array<i32>} : memref<512x32xf32, #tpu.memory_space<vmem>>, vector<1x16xf32>,
      %mul3A_637 = arith.constant 2.000000e-02 : f32
      %mul3A_638 = vector.broadcast %mul3A_637 : f32 to vector<16xf32>
      %mul3A_639 = arith.mulf %scan3A_619#2, %mul3A_638 : vector<16xf32>
      %add3A_640 = arith.constant 1 : i32
      %add3A_641 = arith.addi %mul3A_612, %add3A_640 : i32
      %swap3A_642 = arith.index_cast %add3A_641 : i32 to index
      %swap3A_643 = arith.constant 0 : index
      %swap3A_644 = tpu.vector_load %arg7[%swap3A_642, %swap3A_643] {strides = array<i32>} : memref<512x32xf32, #tpu.memory_space<vmem>>, vector<1x16xf32>,
      %swap3A_645 = vector.shape_cast %swap3A_644 : vector<1x16xf32> to vector<16xf32>
      %swap3A_646 = vector.shape_cast %mul3A_639 : vector<16xf32> to vector<1x16xf32>
      tpu.vector_store %arg7[%swap3A_642, %swap3A_643], %swap3A_646 {strides = array<i32>} : memref<512x32xf32, #tpu.memory_space<vmem>>, vector<1x16xf32>,
      %mul3A_647 = arith.constant 2.000000e-02 : f32
      %mul3A_648 = vector.broadcast %mul3A_647 : f32 to vector<16xf32>
      %mul3A_649 = arith.mulf %scan3A_619#3, %mul3A_648 : vector<16xf32>
      %add3A_650 = arith.constant 1 : i32
      %add3A_651 = arith.addi %mul3A_612, %add3A_650 : i32
      %swap3A_652 = arith.index_cast %add3A_651 : i32 to index
      %swap3A_653 = arith.constant 16 : index
      %swap3A_654 = tpu.vector_load %arg7[%swap3A_652, %swap3A_653] {strides = array<i32>} : memref<512x32xf32, #tpu.memory_space<vmem>>, vector<1x16xf32>,
      %swap3A_655 = vector.shape_cast %swap3A_654 : vector<1x16xf32> to vector<16xf32>
      %swap3A_656 = vector.shape_cast %mul3A_649 : vector<16xf32> to vector<1x16xf32>
      tpu.vector_store %arg7[%swap3A_652, %swap3A_653], %swap3A_656 {strides = array<i32>} : memref<512x32xf32, #tpu.memory_space<vmem>>, vector<1x16xf32>,
      %add3A_657 = arith.constant 7 : i32
      %add3A_658 = arith.addi %mul3A_107, %add3A_657 : i32
      %mul3A_659 = arith.constant 2 : i32
      %mul3A_660 = arith.muli %add3A_658, %mul3A_659 : i32
      %broadcast_in_dim3A_661 = arith.constant 0.000000e+00 : f32
      %broadcast_in_dim3A_662 = vector.broadcast %broadcast_in_dim3A_661 : f32 to vector<16xf32>
      %scan3A_663 = arith.constant 0 : i32
      %scan3A_664 = arith.constant 10 : i32
      %scan3A_665 = arith.addi %scan3A_663, %scan3A_664 : i32
      %scan3A_666 = arith.constant 1 : i32
      %scan3A_667:4 = scf.for %scan3A_1204 = %scan3A_663 to %scan3A_665 step %scan3A_666 iter_args(%scan3A_1205 = %broadcast_in_dim3A_662, %scan3A_1206 = %broadcast_in_dim3A_662, %scan3A_1207 = %broadcast_in_dim3A_662, %scan3A_1208 = %broadcast_in_dim3A_662) -> (vector<16xf32>, vector<16xf32>, vector<16xf32>, vector<16xf32>)  : i32 {
        %mul3A_1209 = arith.constant 5 : i32
        %mul3A_1210 = arith.muli %mul3A_1209, %scan3A_1204 : i32
        %add3A_1211 = arith.constant 0 : i32
        %add3A_1212 = arith.addi %mul3A_1210, %add3A_1211 : i32
        %get3A = arith.constant 7 : i32
        %get3A_1213 = arith.index_cast %get3A : i32 to index
        %get3A_1214 = arith.index_cast %add3A_1212 : i32 to index
        %get3A_1215 = arith.constant 0 : index
        %get3A_1216 = tpu.vector_load %arg6[%get3A_1213, %get3A_1214, %get3A_1215] {strides = array<i32>} : memref<16x100x32xf32, #tpu.memory_space<vmem>>, vector<1x1x16xf32>,
        %get3A_1217 = vector.shape_cast %get3A_1216 : vector<1x1x16xf32> to vector<16xf32>
        %add3A_1218 = arith.addf %scan3A_1205, %get3A_1217 : vector<16xf32>
        %add3A_1219 = arith.constant 0 : i32
        %add3A_1220 = arith.addi %mul3A_1210, %add3A_1219 : i32
        %get3A_1221 = arith.constant 7 : i32
        %get3A_1222 = arith.index_cast %get3A_1221 : i32 to index
        %get3A_1223 = arith.index_cast %add3A_1220 : i32 to index
        %get3A_1224 = arith.constant 16 : index
        %get3A_1225 = tpu.vector_load %arg6[%get3A_1222, %get3A_1223, %get3A_1224] {strides = array<i32>} : memref<16x100x32xf32, #tpu.memory_space<vmem>>, vector<1x1x16xf32>,
        %get3A_1226 = vector.shape_cast %get3A_1225 : vector<1x1x16xf32> to vector<16xf32>
        %add3A_1227 = arith.addf %scan3A_1206, %get3A_1226 : vector<16xf32>
        %add3A_1228 = arith.constant 50 : i32
        %add3A_1229 = arith.addi %add3A_1228, %mul3A_1210 : i32
        %add3A_1230 = arith.constant 0 : i32
        %add3A_1231 = arith.addi %add3A_1229, %add3A_1230 : i32
        %get3A_1232 = arith.constant 7 : i32
        %get3A_1233 = arith.index_cast %get3A_1232 : i32 to index
        %get3A_1234 = arith.index_cast %add3A_1231 : i32 to index
        %get3A_1235 = arith.constant 0 : index
        %get3A_1236 = tpu.vector_load %arg6[%get3A_1233, %get3A_1234, %get3A_1235] {strides = array<i32>} : memref<16x100x32xf32, #tpu.memory_space<vmem>>, vector<1x1x16xf32>,
        %get3A_1237 = vector.shape_cast %get3A_1236 : vector<1x1x16xf32> to vector<16xf32>
        %add3A_1238 = arith.addf %scan3A_1207, %get3A_1237 : vector<16xf32>
        %add3A_1239 = arith.constant 50 : i32
        %add3A_1240 = arith.addi %add3A_1239, %mul3A_1210 : i32
        %add3A_1241 = arith.constant 0 : i32
        %add3A_1242 = arith.addi %add3A_1240, %add3A_1241 : i32
        %get3A_1243 = arith.constant 7 : i32
        %get3A_1244 = arith.index_cast %get3A_1243 : i32 to index
        %get3A_1245 = arith.index_cast %add3A_1242 : i32 to index
        %get3A_1246 = arith.constant 16 : index
        %get3A_1247 = tpu.vector_load %arg6[%get3A_1244, %get3A_1245, %get3A_1246] {strides = array<i32>} : memref<16x100x32xf32, #tpu.memory_space<vmem>>, vector<1x1x16xf32>,
        %get3A_1248 = vector.shape_cast %get3A_1247 : vector<1x1x16xf32> to vector<16xf32>
        %add3A_1249 = arith.addf %scan3A_1208, %get3A_1248 : vector<16xf32>
        %add3A_1250 = arith.constant 1 : i32
        %add3A_1251 = arith.addi %mul3A_1210, %add3A_1250 : i32
        %get3A_1252 = arith.constant 7 : i32
        %get3A_1253 = arith.index_cast %get3A_1252 : i32 to index
        %get3A_1254 = arith.index_cast %add3A_1251 : i32 to index
        %get3A_1255 = arith.constant 0 : index
        %get3A_1256 = tpu.vector_load %arg6[%get3A_1253, %get3A_1254, %get3A_1255] {strides = array<i32>} : memref<16x100x32xf32, #tpu.memory_space<vmem>>, vector<1x1x16xf32>,
        %get3A_1257 = vector.shape_cast %get3A_1256 : vector<1x1x16xf32> to vector<16xf32>
        %add3A_1258 = arith.addf %add3A_1218, %get3A_1257 : vector<16xf32>
        %add3A_1259 = arith.constant 1 : i32
        %add3A_1260 = arith.addi %mul3A_1210, %add3A_1259 : i32
        %get3A_1261 = arith.constant 7 : i32
        %get3A_1262 = arith.index_cast %get3A_1261 : i32 to index
        %get3A_1263 = arith.index_cast %add3A_1260 : i32 to index
        %get3A_1264 = arith.constant 16 : index
        %get3A_1265 = tpu.vector_load %arg6[%get3A_1262, %get3A_1263, %get3A_1264] {strides = array<i32>} : memref<16x100x32xf32, #tpu.memory_space<vmem>>, vector<1x1x16xf32>,
        %get3A_1266 = vector.shape_cast %get3A_1265 : vector<1x1x16xf32> to vector<16xf32>
        %add3A_1267 = arith.addf %add3A_1227, %get3A_1266 : vector<16xf32>
        %add3A_1268 = arith.constant 50 : i32
        %add3A_1269 = arith.addi %add3A_1268, %mul3A_1210 : i32
        %add3A_1270 = arith.constant 1 : i32
        %add3A_1271 = arith.addi %add3A_1269, %add3A_1270 : i32
        %get3A_1272 = arith.constant 7 : i32
        %get3A_1273 = arith.index_cast %get3A_1272 : i32 to index
        %get3A_1274 = arith.index_cast %add3A_1271 : i32 to index
        %get3A_1275 = arith.constant 0 : index
        %get3A_1276 = tpu.vector_load %arg6[%get3A_1273, %get3A_1274, %get3A_1275] {strides = array<i32>} : memref<16x100x32xf32, #tpu.memory_space<vmem>>, vector<1x1x16xf32>,
        %get3A_1277 = vector.shape_cast %get3A_1276 : vector<1x1x16xf32> to vector<16xf32>
        %add3A_1278 = arith.addf %add3A_1238, %get3A_1277 : vector<16xf32>
        %add3A_1279 = arith.constant 50 : i32
        %add3A_1280 = arith.addi %add3A_1279, %mul3A_1210 : i32
        %add3A_1281 = arith.constant 1 : i32
        %add3A_1282 = arith.addi %add3A_1280, %add3A_1281 : i32
        %get3A_1283 = arith.constant 7 : i32
        %get3A_1284 = arith.index_cast %get3A_1283 : i32 to index
        %get3A_1285 = arith.index_cast %add3A_1282 : i32 to index
        %get3A_1286 = arith.constant 16 : index
        %get3A_1287 = tpu.vector_load %arg6[%get3A_1284, %get3A_1285, %get3A_1286] {strides = array<i32>} : memref<16x100x32xf32, #tpu.memory_space<vmem>>, vector<1x1x16xf32>,
        %get3A_1288 = vector.shape_cast %get3A_1287 : vector<1x1x16xf32> to vector<16xf32>
        %add3A_1289 = arith.addf %add3A_1249, %get3A_1288 : vector<16xf32>
        %add3A_1290 = arith.constant 2 : i32
        %add3A_1291 = arith.addi %mul3A_1210, %add3A_1290 : i32
        %get3A_1292 = arith.constant 7 : i32
        %get3A_1293 = arith.index_cast %get3A_1292 : i32 to index
        %get3A_1294 = arith.index_cast %add3A_1291 : i32 to index
        %get3A_1295 = arith.constant 0 : index
        %get3A_1296 = tpu.vector_load %arg6[%get3A_1293, %get3A_1294, %get3A_1295] {strides = array<i32>} : memref<16x100x32xf32, #tpu.memory_space<vmem>>, vector<1x1x16xf32>,
        %get3A_1297 = vector.shape_cast %get3A_1296 : vector<1x1x16xf32> to vector<16xf32>
        %add3A_1298 = arith.addf %add3A_1258, %get3A_1297 : vector<16xf32>
        %add3A_1299 = arith.constant 2 : i32
        %add3A_1300 = arith.addi %mul3A_1210, %add3A_1299 : i32
        %get3A_1301 = arith.constant 7 : i32
        %get3A_1302 = arith.index_cast %get3A_1301 : i32 to index
        %get3A_1303 = arith.index_cast %add3A_1300 : i32 to index
        %get3A_1304 = arith.constant 16 : index
        %get3A_1305 = tpu.vector_load %arg6[%get3A_1302, %get3A_1303, %get3A_1304] {strides = array<i32>} : memref<16x100x32xf32, #tpu.memory_space<vmem>>, vector<1x1x16xf32>,
        %get3A_1306 = vector.shape_cast %get3A_1305 : vector<1x1x16xf32> to vector<16xf32>
        %add3A_1307 = arith.addf %add3A_1267, %get3A_1306 : vector<16xf32>
        %add3A_1308 = arith.constant 50 : i32
        %add3A_1309 = arith.addi %add3A_1308, %mul3A_1210 : i32
        %add3A_1310 = arith.constant 2 : i32
        %add3A_1311 = arith.addi %add3A_1309, %add3A_1310 : i32
        %get3A_1312 = arith.constant 7 : i32
        %get3A_1313 = arith.index_cast %get3A_1312 : i32 to index
        %get3A_1314 = arith.index_cast %add3A_1311 : i32 to index
        %get3A_1315 = arith.constant 0 : index
        %get3A_1316 = tpu.vector_load %arg6[%get3A_1313, %get3A_1314, %get3A_1315] {strides = array<i32>} : memref<16x100x32xf32, #tpu.memory_space<vmem>>, vector<1x1x16xf32>,
        %get3A_1317 = vector.shape_cast %get3A_1316 : vector<1x1x16xf32> to vector<16xf32>
        %add3A_1318 = arith.addf %add3A_1278, %get3A_1317 : vector<16xf32>
        %add3A_1319 = arith.constant 50 : i32
        %add3A_1320 = arith.addi %add3A_1319, %mul3A_1210 : i32
        %add3A_1321 = arith.constant 2 : i32
        %add3A_1322 = arith.addi %add3A_1320, %add3A_1321 : i32
        %get3A_1323 = arith.constant 7 : i32
        %get3A_1324 = arith.index_cast %get3A_1323 : i32 to index
        %get3A_1325 = arith.index_cast %add3A_1322 : i32 to index
        %get3A_1326 = arith.constant 16 : index
        %get3A_1327 = tpu.vector_load %arg6[%get3A_1324, %get3A_1325, %get3A_1326] {strides = array<i32>} : memref<16x100x32xf32, #tpu.memory_space<vmem>>, vector<1x1x16xf32>,
        %get3A_1328 = vector.shape_cast %get3A_1327 : vector<1x1x16xf32> to vector<16xf32>
        %add3A_1329 = arith.addf %add3A_1289, %get3A_1328 : vector<16xf32>
        %add3A_1330 = arith.constant 3 : i32
        %add3A_1331 = arith.addi %mul3A_1210, %add3A_1330 : i32
        %get3A_1332 = arith.constant 7 : i32
        %get3A_1333 = arith.index_cast %get3A_1332 : i32 to index
        %get3A_1334 = arith.index_cast %add3A_1331 : i32 to index
        %get3A_1335 = arith.constant 0 : index
        %get3A_1336 = tpu.vector_load %arg6[%get3A_1333, %get3A_1334, %get3A_1335] {strides = array<i32>} : memref<16x100x32xf32, #tpu.memory_space<vmem>>, vector<1x1x16xf32>,
        %get3A_1337 = vector.shape_cast %get3A_1336 : vector<1x1x16xf32> to vector<16xf32>
        %add3A_1338 = arith.addf %add3A_1298, %get3A_1337 : vector<16xf32>
        %add3A_1339 = arith.constant 3 : i32
        %add3A_1340 = arith.addi %mul3A_1210, %add3A_1339 : i32
        %get3A_1341 = arith.constant 7 : i32
        %get3A_1342 = arith.index_cast %get3A_1341 : i32 to index
        %get3A_1343 = arith.index_cast %add3A_1340 : i32 to index
        %get3A_1344 = arith.constant 16 : index
        %get3A_1345 = tpu.vector_load %arg6[%get3A_1342, %get3A_1343, %get3A_1344] {strides = array<i32>} : memref<16x100x32xf32, #tpu.memory_space<vmem>>, vector<1x1x16xf32>,
        %get3A_1346 = vector.shape_cast %get3A_1345 : vector<1x1x16xf32> to vector<16xf32>
        %add3A_1347 = arith.addf %add3A_1307, %get3A_1346 : vector<16xf32>
        %add3A_1348 = arith.constant 50 : i32
        %add3A_1349 = arith.addi %add3A_1348, %mul3A_1210 : i32
        %add3A_1350 = arith.constant 3 : i32
        %add3A_1351 = arith.addi %add3A_1349, %add3A_1350 : i32
        %get3A_1352 = arith.constant 7 : i32
        %get3A_1353 = arith.index_cast %get3A_1352 : i32 to index
        %get3A_1354 = arith.index_cast %add3A_1351 : i32 to index
        %get3A_1355 = arith.constant 0 : index
        %get3A_1356 = tpu.vector_load %arg6[%get3A_1353, %get3A_1354, %get3A_1355] {strides = array<i32>} : memref<16x100x32xf32, #tpu.memory_space<vmem>>, vector<1x1x16xf32>,
        %get3A_1357 = vector.shape_cast %get3A_1356 : vector<1x1x16xf32> to vector<16xf32>
        %add3A_1358 = arith.addf %add3A_1318, %get3A_1357 : vector<16xf32>
        %add3A_1359 = arith.constant 50 : i32
        %add3A_1360 = arith.addi %add3A_1359, %mul3A_1210 : i32
        %add3A_1361 = arith.constant 3 : i32
        %add3A_1362 = arith.addi %add3A_1360, %add3A_1361 : i32
        %get3A_1363 = arith.constant 7 : i32
        %get3A_1364 = arith.index_cast %get3A_1363 : i32 to index
        %get3A_1365 = arith.index_cast %add3A_1362 : i32 to index
        %get3A_1366 = arith.constant 16 : index
        %get3A_1367 = tpu.vector_load %arg6[%get3A_1364, %get3A_1365, %get3A_1366] {strides = array<i32>} : memref<16x100x32xf32, #tpu.memory_space<vmem>>, vector<1x1x16xf32>,
        %get3A_1368 = vector.shape_cast %get3A_1367 : vector<1x1x16xf32> to vector<16xf32>
        %add3A_1369 = arith.addf %add3A_1329, %get3A_1368 : vector<16xf32>
        %add3A_1370 = arith.constant 4 : i32
        %add3A_1371 = arith.addi %mul3A_1210, %add3A_1370 : i32
        %get3A_1372 = arith.constant 7 : i32
        %get3A_1373 = arith.index_cast %get3A_1372 : i32 to index
        %get3A_1374 = arith.index_cast %add3A_1371 : i32 to index
        %get3A_1375 = arith.constant 0 : index
        %get3A_1376 = tpu.vector_load %arg6[%get3A_1373, %get3A_1374, %get3A_1375] {strides = array<i32>} : memref<16x100x32xf32, #tpu.memory_space<vmem>>, vector<1x1x16xf32>,
        %get3A_1377 = vector.shape_cast %get3A_1376 : vector<1x1x16xf32> to vector<16xf32>
        %add3A_1378 = arith.addf %add3A_1338, %get3A_1377 : vector<16xf32>
        %add3A_1379 = arith.constant 4 : i32
        %add3A_1380 = arith.addi %mul3A_1210, %add3A_1379 : i32
        %get3A_1381 = arith.constant 7 : i32
        %get3A_1382 = arith.index_cast %get3A_1381 : i32 to index
        %get3A_1383 = arith.index_cast %add3A_1380 : i32 to index
        %get3A_1384 = arith.constant 16 : index
        %get3A_1385 = tpu.vector_load %arg6[%get3A_1382, %get3A_1383, %get3A_1384] {strides = array<i32>} : memref<16x100x32xf32, #tpu.memory_space<vmem>>, vector<1x1x16xf32>,
        %get3A_1386 = vector.shape_cast %get3A_1385 : vector<1x1x16xf32> to vector<16xf32>
        %add3A_1387 = arith.addf %add3A_1347, %get3A_1386 : vector<16xf32>
        %add3A_1388 = arith.constant 50 : i32
        %add3A_1389 = arith.addi %add3A_1388, %mul3A_1210 : i32
        %add3A_1390 = arith.constant 4 : i32
        %add3A_1391 = arith.addi %add3A_1389, %add3A_1390 : i32
        %get3A_1392 = arith.constant 7 : i32
        %get3A_1393 = arith.index_cast %get3A_1392 : i32 to index
        %get3A_1394 = arith.index_cast %add3A_1391 : i32 to index
        %get3A_1395 = arith.constant 0 : index
        %get3A_1396 = tpu.vector_load %arg6[%get3A_1393, %get3A_1394, %get3A_1395] {strides = array<i32>} : memref<16x100x32xf32, #tpu.memory_space<vmem>>, vector<1x1x16xf32>,
        %get3A_1397 = vector.shape_cast %get3A_1396 : vector<1x1x16xf32> to vector<16xf32>
        %add3A_1398 = arith.addf %add3A_1358, %get3A_1397 : vector<16xf32>
        %add3A_1399 = arith.constant 50 : i32
        %add3A_1400 = arith.addi %add3A_1399, %mul3A_1210 : i32
        %add3A_1401 = arith.constant 4 : i32
        %add3A_1402 = arith.addi %add3A_1400, %add3A_1401 : i32
        %get3A_1403 = arith.constant 7 : i32
        %get3A_1404 = arith.index_cast %get3A_1403 : i32 to index
        %get3A_1405 = arith.index_cast %add3A_1402 : i32 to index
        %get3A_1406 = arith.constant 16 : index
        %get3A_1407 = tpu.vector_load %arg6[%get3A_1404, %get3A_1405, %get3A_1406] {strides = array<i32>} : memref<16x100x32xf32, #tpu.memory_space<vmem>>, vector<1x1x16xf32>,
        %get3A_1408 = vector.shape_cast %get3A_1407 : vector<1x1x16xf32> to vector<16xf32>
        %add3A_1409 = arith.addf %add3A_1369, %get3A_1408 : vector<16xf32>
        scf.yield %add3A_1378, %add3A_1387, %add3A_1398, %add3A_1409 : vector<16xf32>, vector<16xf32>, vector<16xf32>, vector<16xf32>
      }
      %scan3A_668 = arith.constant 10 : i32
      %mul3A_669 = arith.constant 2.000000e-02 : f32
      %mul3A_670 = vector.broadcast %mul3A_669 : f32 to vector<16xf32>
      %mul3A_671 = arith.mulf %scan3A_667#0, %mul3A_670 : vector<16xf32>
      %swap3A_672 = arith.index_cast %mul3A_660 : i32 to index
      %swap3A_673 = arith.constant 0 : index
      %swap3A_674 = tpu.vector_load %arg7[%swap3A_672, %swap3A_673] {strides = array<i32>} : memref<512x32xf32, #tpu.memory_space<vmem>>, vector<1x16xf32>,
      %swap3A_675 = vector.shape_cast %swap3A_674 : vector<1x16xf32> to vector<16xf32>
      %swap3A_676 = vector.shape_cast %mul3A_671 : vector<16xf32> to vector<1x16xf32>
      tpu.vector_store %arg7[%swap3A_672, %swap3A_673], %swap3A_676 {strides = array<i32>} : memref<512x32xf32, #tpu.memory_space<vmem>>, vector<1x16xf32>,
      %mul3A_677 = arith.constant 2.000000e-02 : f32
      %mul3A_678 = vector.broadcast %mul3A_677 : f32 to vector<16xf32>
      %mul3A_679 = arith.mulf %scan3A_667#1, %mul3A_678 : vector<16xf32>
      %swap3A_680 = arith.index_cast %mul3A_660 : i32 to index
      %swap3A_681 = arith.constant 16 : index
      %swap3A_682 = tpu.vector_load %arg7[%swap3A_680, %swap3A_681] {strides = array<i32>} : memref<512x32xf32, #tpu.memory_space<vmem>>, vector<1x16xf32>,
      %swap3A_683 = vector.shape_cast %swap3A_682 : vector<1x16xf32> to vector<16xf32>
      %swap3A_684 = vector.shape_cast %mul3A_679 : vector<16xf32> to vector<1x16xf32>
      tpu.vector_store %arg7[%swap3A_680, %swap3A_681], %swap3A_684 {strides = array<i32>} : memref<512x32xf32, #tpu.memory_space<vmem>>, vector<1x16xf32>,
      %mul3A_685 = arith.constant 2.000000e-02 : f32
      %mul3A_686 = vector.broadcast %mul3A_685 : f32 to vector<16xf32>
      %mul3A_687 = arith.mulf %scan3A_667#2, %mul3A_686 : vector<16xf32>
      %add3A_688 = arith.constant 1 : i32
      %add3A_689 = arith.addi %mul3A_660, %add3A_688 : i32
      %swap3A_690 = arith.index_cast %add3A_689 : i32 to index
      %swap3A_691 = arith.constant 0 : index
      %swap3A_692 = tpu.vector_load %arg7[%swap3A_690, %swap3A_691] {strides = array<i32>} : memref<512x32xf32, #tpu.memory_space<vmem>>, vector<1x16xf32>,
      %swap3A_693 = vector.shape_cast %swap3A_692 : vector<1x16xf32> to vector<16xf32>
      %swap3A_694 = vector.shape_cast %mul3A_687 : vector<16xf32> to vector<1x16xf32>
      tpu.vector_store %arg7[%swap3A_690, %swap3A_691], %swap3A_694 {strides = array<i32>} : memref<512x32xf32, #tpu.memory_space<vmem>>, vector<1x16xf32>,
      %mul3A_695 = arith.constant 2.000000e-02 : f32
      %mul3A_696 = vector.broadcast %mul3A_695 : f32 to vector<16xf32>
      %mul3A_697 = arith.mulf %scan3A_667#3, %mul3A_696 : vector<16xf32>
      %add3A_698 = arith.constant 1 : i32
      %add3A_699 = arith.addi %mul3A_660, %add3A_698 : i32
      %swap3A_700 = arith.index_cast %add3A_699 : i32 to index
      %swap3A_701 = arith.constant 16 : index
      %swap3A_702 = tpu.vector_load %arg7[%swap3A_700, %swap3A_701] {strides = array<i32>} : memref<512x32xf32, #tpu.memory_space<vmem>>, vector<1x16xf32>,
      %swap3A_703 = vector.shape_cast %swap3A_702 : vector<1x16xf32> to vector<16xf32>
      %swap3A_704 = vector.shape_cast %mul3A_697 : vector<16xf32> to vector<1x16xf32>
      tpu.vector_store %arg7[%swap3A_700, %swap3A_701], %swap3A_704 {strides = array<i32>} : memref<512x32xf32, #tpu.memory_space<vmem>>, vector<1x16xf32>,
      %lt3A = arith.constant 15 : i32
      %lt3A_705 = arith.cmpi slt, %scan3A_104, %lt3A : i32
      %convert_element_type3A = arith.extui %lt3A_705 : i1 to i32
      %cond3A = arith.constant 0 : i32
      %cond3A_706 = arith.cmpi ne, %convert_element_type3A, %cond3A : i32
      scf.if %cond3A_706 {
        %add3A_1204 = arith.constant 16 : i32
        %add3A_1205 = arith.addi %mul3A_107, %add3A_1204 : i32
        %add3A_1206 = arith.constant 0 : i32
        %add3A_1207 = arith.addi %add3A_1205, %add3A_1206 : i32
        %dma_start3A_1208 = arith.constant 0 : i32
        %dma_start3A_1209 = arith.constant 0 : i32
        %dma_start3A_1210 = arith.constant 0 : i32
        %dma_start3A_1211 = tpu.memref_slice %arg6[%dma_start3A_1208, %dma_start3A_1209, %dma_start3A_1210] : memref<16x100x32xf32, #tpu.memory_space<vmem>> -> memref<1x100x32xf32, #tpu.memory_space<vmem>>
        %dma_start3A_1212 = tpu.memref_squeeze %dma_start3A_1211 : memref<1x100x32xf32, #tpu.memory_space<vmem>> -> memref<100x32xf32, #tpu.memory_space<vmem>>
        %dma_start3A_1213 = arith.constant 0 : i32
        %dma_start3A_1214 = tpu.memref_slice %arg5[%add3A_1207, %dma_start3A_1213] : memref<256x100xi32, #tpu.memory_space<vmem>> -> memref<1x100xi32, #tpu.memory_space<vmem>>
        %dma_start3A_1215 = tpu.memref_squeeze %dma_start3A_1214 : memref<1x100xi32, #tpu.memory_space<vmem>> -> memref<100xi32, #tpu.memory_space<vmem>>
        %dma_start3A_1216 = arith.constant 0 : i32
        %dma_start3A_1217 = arith.constant 0 : i32
        %dma_start3A_1218 = tpu.memref_slice %arg3[%dma_start3A_1216, %dma_start3A_1217] : memref<1048576x32xf32, #tpu.memory_space<hbm>> -> memref<1048576x32xf32, #tpu.memory_space<hbm>>
        tpu.enqueue_indirect_dma source(%dma_start3A_1218 : memref<1048576x32xf32, #tpu.memory_space<hbm>>) target(%dma_start3A_1212 : memref<100x32xf32, #tpu.memory_space<vmem>>) offsets(%dma_start3A_1215 : memref<100xi32, #tpu.memory_space<vmem>>) semaphore(%arg8 : memref<!tpu.dma_semaphore, #tpu.memory_space<semaphore_mem>>)
        %add3A_1219 = arith.constant 16 : i32
        %add3A_1220 = arith.addi %mul3A_107, %add3A_1219 : i32
        %add3A_1221 = arith.constant 1 : i32
        %add3A_1222 = arith.addi %add3A_1220, %add3A_1221 : i32
        %dma_start3A_1223 = arith.constant 1 : i32
        %dma_start3A_1224 = arith.constant 0 : i32
        %dma_start3A_1225 = arith.constant 0 : i32
        %dma_start3A_1226 = tpu.memref_slice %arg6[%dma_start3A_1223, %dma_start3A_1224, %dma_start3A_1225] : memref<16x100x32xf32, #tpu.memory_space<vmem>> -> memref<1x100x32xf32, #tpu.memory_space<vmem>>
        %dma_start3A_1227 = tpu.memref_squeeze %dma_start3A_1226 : memref<1x100x32xf32, #tpu.memory_space<vmem>> -> memref<100x32xf32, #tpu.memory_space<vmem>>
        %dma_start3A_1228 = arith.constant 0 : i32
        %dma_start3A_1229 = tpu.memref_slice %arg5[%add3A_1222, %dma_start3A_1228] : memref<256x100xi32, #tpu.memory_space<vmem>> -> memref<1x100xi32, #tpu.memory_space<vmem>>
        %dma_start3A_1230 = tpu.memref_squeeze %dma_start3A_1229 : memref<1x100xi32, #tpu.memory_space<vmem>> -> memref<100xi32, #tpu.memory_space<vmem>>
        %dma_start3A_1231 = arith.constant 0 : i32
        %dma_start3A_1232 = arith.constant 0 : i32
        %dma_start3A_1233 = tpu.memref_slice %arg3[%dma_start3A_1231, %dma_start3A_1232] : memref<1048576x32xf32, #tpu.memory_space<hbm>> -> memref<1048576x32xf32, #tpu.memory_space<hbm>>
        tpu.enqueue_indirect_dma source(%dma_start3A_1233 : memref<1048576x32xf32, #tpu.memory_space<hbm>>) target(%dma_start3A_1227 : memref<100x32xf32, #tpu.memory_space<vmem>>) offsets(%dma_start3A_1230 : memref<100xi32, #tpu.memory_space<vmem>>) semaphore(%arg8 : memref<!tpu.dma_semaphore, #tpu.memory_space<semaphore_mem>>)
        %add3A_1234 = arith.constant 16 : i32
        %add3A_1235 = arith.addi %mul3A_107, %add3A_1234 : i32
        %add3A_1236 = arith.constant 2 : i32
        %add3A_1237 = arith.addi %add3A_1235, %add3A_1236 : i32
        %dma_start3A_1238 = arith.constant 2 : i32
        %dma_start3A_1239 = arith.constant 0 : i32
        %dma_start3A_1240 = arith.constant 0 : i32
        %dma_start3A_1241 = tpu.memref_slice %arg6[%dma_start3A_1238, %dma_start3A_1239, %dma_start3A_1240] : memref<16x100x32xf32, #tpu.memory_space<vmem>> -> memref<1x100x32xf32, #tpu.memory_space<vmem>>
        %dma_start3A_1242 = tpu.memref_squeeze %dma_start3A_1241 : memref<1x100x32xf32, #tpu.memory_space<vmem>> -> memref<100x32xf32, #tpu.memory_space<vmem>>
        %dma_start3A_1243 = arith.constant 0 : i32
        %dma_start3A_1244 = tpu.memref_slice %arg5[%add3A_1237, %dma_start3A_1243] : memref<256x100xi32, #tpu.memory_space<vmem>> -> memref<1x100xi32, #tpu.memory_space<vmem>>
        %dma_start3A_1245 = tpu.memref_squeeze %dma_start3A_1244 : memref<1x100xi32, #tpu.memory_space<vmem>> -> memref<100xi32, #tpu.memory_space<vmem>>
        %dma_start3A_1246 = arith.constant 0 : i32
        %dma_start3A_1247 = arith.constant 0 : i32
        %dma_start3A_1248 = tpu.memref_slice %arg3[%dma_start3A_1246, %dma_start3A_1247] : memref<1048576x32xf32, #tpu.memory_space<hbm>> -> memref<1048576x32xf32, #tpu.memory_space<hbm>>
        tpu.enqueue_indirect_dma source(%dma_start3A_1248 : memref<1048576x32xf32, #tpu.memory_space<hbm>>) target(%dma_start3A_1242 : memref<100x32xf32, #tpu.memory_space<vmem>>) offsets(%dma_start3A_1245 : memref<100xi32, #tpu.memory_space<vmem>>) semaphore(%arg8 : memref<!tpu.dma_semaphore, #tpu.memory_space<semaphore_mem>>)
        %add3A_1249 = arith.constant 16 : i32
        %add3A_1250 = arith.addi %mul3A_107, %add3A_1249 : i32
        %add3A_1251 = arith.constant 3 : i32
        %add3A_1252 = arith.addi %add3A_1250, %add3A_1251 : i32
        %dma_start3A_1253 = arith.constant 3 : i32
        %dma_start3A_1254 = arith.constant 0 : i32
        %dma_start3A_1255 = arith.constant 0 : i32
        %dma_start3A_1256 = tpu.memref_slice %arg6[%dma_start3A_1253, %dma_start3A_1254, %dma_start3A_1255] : memref<16x100x32xf32, #tpu.memory_space<vmem>> -> memref<1x100x32xf32, #tpu.memory_space<vmem>>
        %dma_start3A_1257 = tpu.memref_squeeze %dma_start3A_1256 : memref<1x100x32xf32, #tpu.memory_space<vmem>> -> memref<100x32xf32, #tpu.memory_space<vmem>>
        %dma_start3A_1258 = arith.constant 0 : i32
        %dma_start3A_1259 = tpu.memref_slice %arg5[%add3A_1252, %dma_start3A_1258] : memref<256x100xi32, #tpu.memory_space<vmem>> -> memref<1x100xi32, #tpu.memory_space<vmem>>
        %dma_start3A_1260 = tpu.memref_squeeze %dma_start3A_1259 : memref<1x100xi32, #tpu.memory_space<vmem>> -> memref<100xi32, #tpu.memory_space<vmem>>
        %dma_start3A_1261 = arith.constant 0 : i32
        %dma_start3A_1262 = arith.constant 0 : i32
        %dma_start3A_1263 = tpu.memref_slice %arg3[%dma_start3A_1261, %dma_start3A_1262] : memref<1048576x32xf32, #tpu.memory_space<hbm>> -> memref<1048576x32xf32, #tpu.memory_space<hbm>>
        tpu.enqueue_indirect_dma source(%dma_start3A_1263 : memref<1048576x32xf32, #tpu.memory_space<hbm>>) target(%dma_start3A_1257 : memref<100x32xf32, #tpu.memory_space<vmem>>) offsets(%dma_start3A_1260 : memref<100xi32, #tpu.memory_space<vmem>>) semaphore(%arg8 : memref<!tpu.dma_semaphore, #tpu.memory_space<semaphore_mem>>)
        %add3A_1264 = arith.constant 16 : i32
        %add3A_1265 = arith.addi %mul3A_107, %add3A_1264 : i32
        %add3A_1266 = arith.constant 4 : i32
        %add3A_1267 = arith.addi %add3A_1265, %add3A_1266 : i32
        %dma_start3A_1268 = arith.constant 4 : i32
        %dma_start3A_1269 = arith.constant 0 : i32
        %dma_start3A_1270 = arith.constant 0 : i32
        %dma_start3A_1271 = tpu.memref_slice %arg6[%dma_start3A_1268, %dma_start3A_1269, %dma_start3A_1270] : memref<16x100x32xf32, #tpu.memory_space<vmem>> -> memref<1x100x32xf32, #tpu.memory_space<vmem>>
        %dma_start3A_1272 = tpu.memref_squeeze %dma_start3A_1271 : memref<1x100x32xf32, #tpu.memory_space<vmem>> -> memref<100x32xf32, #tpu.memory_space<vmem>>
        %dma_start3A_1273 = arith.constant 0 : i32
        %dma_start3A_1274 = tpu.memref_slice %arg5[%add3A_1267, %dma_start3A_1273] : memref<256x100xi32, #tpu.memory_space<vmem>> -> memref<1x100xi32, #tpu.memory_space<vmem>>
        %dma_start3A_1275 = tpu.memref_squeeze %dma_start3A_1274 : memref<1x100xi32, #tpu.memory_space<vmem>> -> memref<100xi32, #tpu.memory_space<vmem>>
        %dma_start3A_1276 = arith.constant 0 : i32
        %dma_start3A_1277 = arith.constant 0 : i32
        %dma_start3A_1278 = tpu.memref_slice %arg3[%dma_start3A_1276, %dma_start3A_1277] : memref<1048576x32xf32, #tpu.memory_space<hbm>> -> memref<1048576x32xf32, #tpu.memory_space<hbm>>
        tpu.enqueue_indirect_dma source(%dma_start3A_1278 : memref<1048576x32xf32, #tpu.memory_space<hbm>>) target(%dma_start3A_1272 : memref<100x32xf32, #tpu.memory_space<vmem>>) offsets(%dma_start3A_1275 : memref<100xi32, #tpu.memory_space<vmem>>) semaphore(%arg8 : memref<!tpu.dma_semaphore, #tpu.memory_space<semaphore_mem>>)
        %add3A_1279 = arith.constant 16 : i32
        %add3A_1280 = arith.addi %mul3A_107, %add3A_1279 : i32
        %add3A_1281 = arith.constant 5 : i32
        %add3A_1282 = arith.addi %add3A_1280, %add3A_1281 : i32
        %dma_start3A_1283 = arith.constant 5 : i32
        %dma_start3A_1284 = arith.constant 0 : i32
        %dma_start3A_1285 = arith.constant 0 : i32
        %dma_start3A_1286 = tpu.memref_slice %arg6[%dma_start3A_1283, %dma_start3A_1284, %dma_start3A_1285] : memref<16x100x32xf32, #tpu.memory_space<vmem>> -> memref<1x100x32xf32, #tpu.memory_space<vmem>>
        %dma_start3A_1287 = tpu.memref_squeeze %dma_start3A_1286 : memref<1x100x32xf32, #tpu.memory_space<vmem>> -> memref<100x32xf32, #tpu.memory_space<vmem>>
        %dma_start3A_1288 = arith.constant 0 : i32
        %dma_start3A_1289 = tpu.memref_slice %arg5[%add3A_1282, %dma_start3A_1288] : memref<256x100xi32, #tpu.memory_space<vmem>> -> memref<1x100xi32, #tpu.memory_space<vmem>>
        %dma_start3A_1290 = tpu.memref_squeeze %dma_start3A_1289 : memref<1x100xi32, #tpu.memory_space<vmem>> -> memref<100xi32, #tpu.memory_space<vmem>>
        %dma_start3A_1291 = arith.constant 0 : i32
        %dma_start3A_1292 = arith.constant 0 : i32
        %dma_start3A_1293 = tpu.memref_slice %arg3[%dma_start3A_1291, %dma_start3A_1292] : memref<1048576x32xf32, #tpu.memory_space<hbm>> -> memref<1048576x32xf32, #tpu.memory_space<hbm>>
        tpu.enqueue_indirect_dma source(%dma_start3A_1293 : memref<1048576x32xf32, #tpu.memory_space<hbm>>) target(%dma_start3A_1287 : memref<100x32xf32, #tpu.memory_space<vmem>>) offsets(%dma_start3A_1290 : memref<100xi32, #tpu.memory_space<vmem>>) semaphore(%arg8 : memref<!tpu.dma_semaphore, #tpu.memory_space<semaphore_mem>>)
        %add3A_1294 = arith.constant 16 : i32
        %add3A_1295 = arith.addi %mul3A_107, %add3A_1294 : i32
        %add3A_1296 = arith.constant 6 : i32
        %add3A_1297 = arith.addi %add3A_1295, %add3A_1296 : i32
        %dma_start3A_1298 = arith.constant 6 : i32
        %dma_start3A_1299 = arith.constant 0 : i32
        %dma_start3A_1300 = arith.constant 0 : i32
        %dma_start3A_1301 = tpu.memref_slice %arg6[%dma_start3A_1298, %dma_start3A_1299, %dma_start3A_1300] : memref<16x100x32xf32, #tpu.memory_space<vmem>> -> memref<1x100x32xf32, #tpu.memory_space<vmem>>
        %dma_start3A_1302 = tpu.memref_squeeze %dma_start3A_1301 : memref<1x100x32xf32, #tpu.memory_space<vmem>> -> memref<100x32xf32, #tpu.memory_space<vmem>>
        %dma_start3A_1303 = arith.constant 0 : i32
        %dma_start3A_1304 = tpu.memref_slice %arg5[%add3A_1297, %dma_start3A_1303] : memref<256x100xi32, #tpu.memory_space<vmem>> -> memref<1x100xi32, #tpu.memory_space<vmem>>
        %dma_start3A_1305 = tpu.memref_squeeze %dma_start3A_1304 : memref<1x100xi32, #tpu.memory_space<vmem>> -> memref<100xi32, #tpu.memory_space<vmem>>
        %dma_start3A_1306 = arith.constant 0 : i32
        %dma_start3A_1307 = arith.constant 0 : i32
        %dma_start3A_1308 = tpu.memref_slice %arg3[%dma_start3A_1306, %dma_start3A_1307] : memref<1048576x32xf32, #tpu.memory_space<hbm>> -> memref<1048576x32xf32, #tpu.memory_space<hbm>>
        tpu.enqueue_indirect_dma source(%dma_start3A_1308 : memref<1048576x32xf32, #tpu.memory_space<hbm>>) target(%dma_start3A_1302 : memref<100x32xf32, #tpu.memory_space<vmem>>) offsets(%dma_start3A_1305 : memref<100xi32, #tpu.memory_space<vmem>>) semaphore(%arg8 : memref<!tpu.dma_semaphore, #tpu.memory_space<semaphore_mem>>)
        %add3A_1309 = arith.constant 16 : i32
        %add3A_1310 = arith.addi %mul3A_107, %add3A_1309 : i32
        %add3A_1311 = arith.constant 7 : i32
        %add3A_1312 = arith.addi %add3A_1310, %add3A_1311 : i32
        %dma_start3A_1313 = arith.constant 7 : i32
        %dma_start3A_1314 = arith.constant 0 : i32
        %dma_start3A_1315 = arith.constant 0 : i32
        %dma_start3A_1316 = tpu.memref_slice %arg6[%dma_start3A_1313, %dma_start3A_1314, %dma_start3A_1315] : memref<16x100x32xf32, #tpu.memory_space<vmem>> -> memref<1x100x32xf32, #tpu.memory_space<vmem>>
        %dma_start3A_1317 = tpu.memref_squeeze %dma_start3A_1316 : memref<1x100x32xf32, #tpu.memory_space<vmem>> -> memref<100x32xf32, #tpu.memory_space<vmem>>
        %dma_start3A_1318 = arith.constant 0 : i32
        %dma_start3A_1319 = tpu.memref_slice %arg5[%add3A_1312, %dma_start3A_1318] : memref<256x100xi32, #tpu.memory_space<vmem>> -> memref<1x100xi32, #tpu.memory_space<vmem>>
        %dma_start3A_1320 = tpu.memref_squeeze %dma_start3A_1319 : memref<1x100xi32, #tpu.memory_space<vmem>> -> memref<100xi32, #tpu.memory_space<vmem>>
        %dma_start3A_1321 = arith.constant 0 : i32
        %dma_start3A_1322 = arith.constant 0 : i32
        %dma_start3A_1323 = tpu.memref_slice %arg3[%dma_start3A_1321, %dma_start3A_1322] : memref<1048576x32xf32, #tpu.memory_space<hbm>> -> memref<1048576x32xf32, #tpu.memory_space<hbm>>
        tpu.enqueue_indirect_dma source(%dma_start3A_1323 : memref<1048576x32xf32, #tpu.memory_space<hbm>>) target(%dma_start3A_1317 : memref<100x32xf32, #tpu.memory_space<vmem>>) offsets(%dma_start3A_1320 : memref<100xi32, #tpu.memory_space<vmem>>) semaphore(%arg8 : memref<!tpu.dma_semaphore, #tpu.memory_space<semaphore_mem>>)
      } else {
      }
      %dma_wait3A_707 = arith.constant 0 : i32
      %dma_wait3A_708 = arith.constant 8 : i32
      %dma_wait3A_709 = arith.constant 0 : i32
      %dma_wait3A_710 = arith.constant 0 : i32
      %dma_wait3A_711 = tpu.memref_slice %arg6[%dma_wait3A_708, %dma_wait3A_709, %dma_wait3A_710] : memref<16x100x32xf32, #tpu.memory_space<vmem>> -> memref<1x100x32xf32, #tpu.memory_space<vmem>>
      %dma_wait3A_712 = tpu.memref_squeeze %dma_wait3A_711 : memref<1x100x32xf32, #tpu.memory_space<vmem>> -> memref<100x32xf32, #tpu.memory_space<vmem>>
      %dma_wait3A_713 = arith.constant 0 : i32
      %dma_wait3A_714 = tpu.memref_slice %arg5[%dma_wait3A_707, %dma_wait3A_713] : memref<256x100xi32, #tpu.memory_space<vmem>> -> memref<1x100xi32, #tpu.memory_space<vmem>>
      %dma_wait3A_715 = tpu.memref_squeeze %dma_wait3A_714 : memref<1x100xi32, #tpu.memory_space<vmem>> -> memref<100xi32, #tpu.memory_space<vmem>>
      %dma_wait3A_716 = arith.constant 0 : i32
      %dma_wait3A_717 = arith.constant 0 : i32
      %dma_wait3A_718 = tpu.memref_slice %arg3[%dma_wait3A_716, %dma_wait3A_717] : memref<1048576x32xf32, #tpu.memory_space<hbm>> -> memref<1048576x32xf32, #tpu.memory_space<hbm>>
      tpu.wait_indirect_dma semaphore(%arg9 : memref<!tpu.dma_semaphore, #tpu.memory_space<semaphore_mem>>) src(%dma_wait3A_718 : memref<1048576x32xf32, #tpu.memory_space<hbm>>) dst(%dma_wait3A_712 : memref<100x32xf32, #tpu.memory_space<vmem>>)
      %dma_wait3A_719 = arith.constant 0 : i32
      %dma_wait3A_720 = arith.constant 9 : i32
      %dma_wait3A_721 = arith.constant 0 : i32
      %dma_wait3A_722 = arith.constant 0 : i32
      %dma_wait3A_723 = tpu.memref_slice %arg6[%dma_wait3A_720, %dma_wait3A_721, %dma_wait3A_722] : memref<16x100x32xf32, #tpu.memory_space<vmem>> -> memref<1x100x32xf32, #tpu.memory_space<vmem>>
      %dma_wait3A_724 = tpu.memref_squeeze %dma_wait3A_723 : memref<1x100x32xf32, #tpu.memory_space<vmem>> -> memref<100x32xf32, #tpu.memory_space<vmem>>
      %dma_wait3A_725 = arith.constant 0 : i32
      %dma_wait3A_726 = tpu.memref_slice %arg5[%dma_wait3A_719, %dma_wait3A_725] : memref<256x100xi32, #tpu.memory_space<vmem>> -> memref<1x100xi32, #tpu.memory_space<vmem>>
      %dma_wait3A_727 = tpu.memref_squeeze %dma_wait3A_726 : memref<1x100xi32, #tpu.memory_space<vmem>> -> memref<100xi32, #tpu.memory_space<vmem>>
      %dma_wait3A_728 = arith.constant 0 : i32
      %dma_wait3A_729 = arith.constant 0 : i32
      %dma_wait3A_730 = tpu.memref_slice %arg3[%dma_wait3A_728, %dma_wait3A_729] : memref<1048576x32xf32, #tpu.memory_space<hbm>> -> memref<1048576x32xf32, #tpu.memory_space<hbm>>
      tpu.wait_indirect_dma semaphore(%arg9 : memref<!tpu.dma_semaphore, #tpu.memory_space<semaphore_mem>>) src(%dma_wait3A_730 : memref<1048576x32xf32, #tpu.memory_space<hbm>>) dst(%dma_wait3A_724 : memref<100x32xf32, #tpu.memory_space<vmem>>)
      %dma_wait3A_731 = arith.constant 0 : i32
      %dma_wait3A_732 = arith.constant 10 : i32
      %dma_wait3A_733 = arith.constant 0 : i32
      %dma_wait3A_734 = arith.constant 0 : i32
      %dma_wait3A_735 = tpu.memref_slice %arg6[%dma_wait3A_732, %dma_wait3A_733, %dma_wait3A_734] : memref<16x100x32xf32, #tpu.memory_space<vmem>> -> memref<1x100x32xf32, #tpu.memory_space<vmem>>
      %dma_wait3A_736 = tpu.memref_squeeze %dma_wait3A_735 : memref<1x100x32xf32, #tpu.memory_space<vmem>> -> memref<100x32xf32, #tpu.memory_space<vmem>>
      %dma_wait3A_737 = arith.constant 0 : i32
      %dma_wait3A_738 = tpu.memref_slice %arg5[%dma_wait3A_731, %dma_wait3A_737] : memref<256x100xi32, #tpu.memory_space<vmem>> -> memref<1x100xi32, #tpu.memory_space<vmem>>
      %dma_wait3A_739 = tpu.memref_squeeze %dma_wait3A_738 : memref<1x100xi32, #tpu.memory_space<vmem>> -> memref<100xi32, #tpu.memory_space<vmem>>
      %dma_wait3A_740 = arith.constant 0 : i32
      %dma_wait3A_741 = arith.constant 0 : i32
      %dma_wait3A_742 = tpu.memref_slice %arg3[%dma_wait3A_740, %dma_wait3A_741] : memref<1048576x32xf32, #tpu.memory_space<hbm>> -> memref<1048576x32xf32, #tpu.memory_space<hbm>>
      tpu.wait_indirect_dma semaphore(%arg9 : memref<!tpu.dma_semaphore, #tpu.memory_space<semaphore_mem>>) src(%dma_wait3A_742 : memref<1048576x32xf32, #tpu.memory_space<hbm>>) dst(%dma_wait3A_736 : memref<100x32xf32, #tpu.memory_space<vmem>>)
      %dma_wait3A_743 = arith.constant 0 : i32
      %dma_wait3A_744 = arith.constant 11 : i32
      %dma_wait3A_745 = arith.constant 0 : i32
      %dma_wait3A_746 = arith.constant 0 : i32
      %dma_wait3A_747 = tpu.memref_slice %arg6[%dma_wait3A_744, %dma_wait3A_745, %dma_wait3A_746] : memref<16x100x32xf32, #tpu.memory_space<vmem>> -> memref<1x100x32xf32, #tpu.memory_space<vmem>>
      %dma_wait3A_748 = tpu.memref_squeeze %dma_wait3A_747 : memref<1x100x32xf32, #tpu.memory_space<vmem>> -> memref<100x32xf32, #tpu.memory_space<vmem>>
      %dma_wait3A_749 = arith.constant 0 : i32
      %dma_wait3A_750 = tpu.memref_slice %arg5[%dma_wait3A_743, %dma_wait3A_749] : memref<256x100xi32, #tpu.memory_space<vmem>> -> memref<1x100xi32, #tpu.memory_space<vmem>>
      %dma_wait3A_751 = tpu.memref_squeeze %dma_wait3A_750 : memref<1x100xi32, #tpu.memory_space<vmem>> -> memref<100xi32, #tpu.memory_space<vmem>>
      %dma_wait3A_752 = arith.constant 0 : i32
      %dma_wait3A_753 = arith.constant 0 : i32
      %dma_wait3A_754 = tpu.memref_slice %arg3[%dma_wait3A_752, %dma_wait3A_753] : memref<1048576x32xf32, #tpu.memory_space<hbm>> -> memref<1048576x32xf32, #tpu.memory_space<hbm>>
      tpu.wait_indirect_dma semaphore(%arg9 : memref<!tpu.dma_semaphore, #tpu.memory_space<semaphore_mem>>) src(%dma_wait3A_754 : memref<1048576x32xf32, #tpu.memory_space<hbm>>) dst(%dma_wait3A_748 : memref<100x32xf32, #tpu.memory_space<vmem>>)
      %dma_wait3A_755 = arith.constant 0 : i32
      %dma_wait3A_756 = arith.constant 12 : i32
      %dma_wait3A_757 = arith.constant 0 : i32
      %dma_wait3A_758 = arith.constant 0 : i32
      %dma_wait3A_759 = tpu.memref_slice %arg6[%dma_wait3A_756, %dma_wait3A_757, %dma_wait3A_758] : memref<16x100x32xf32, #tpu.memory_space<vmem>> -> memref<1x100x32xf32, #tpu.memory_space<vmem>>
      %dma_wait3A_760 = tpu.memref_squeeze %dma_wait3A_759 : memref<1x100x32xf32, #tpu.memory_space<vmem>> -> memref<100x32xf32, #tpu.memory_space<vmem>>
      %dma_wait3A_761 = arith.constant 0 : i32
      %dma_wait3A_762 = tpu.memref_slice %arg5[%dma_wait3A_755, %dma_wait3A_761] : memref<256x100xi32, #tpu.memory_space<vmem>> -> memref<1x100xi32, #tpu.memory_space<vmem>>
      %dma_wait3A_763 = tpu.memref_squeeze %dma_wait3A_762 : memref<1x100xi32, #tpu.memory_space<vmem>> -> memref<100xi32, #tpu.memory_space<vmem>>
      %dma_wait3A_764 = arith.constant 0 : i32
      %dma_wait3A_765 = arith.constant 0 : i32
      %dma_wait3A_766 = tpu.memref_slice %arg3[%dma_wait3A_764, %dma_wait3A_765] : memref<1048576x32xf32, #tpu.memory_space<hbm>> -> memref<1048576x32xf32, #tpu.memory_space<hbm>>
      tpu.wait_indirect_dma semaphore(%arg9 : memref<!tpu.dma_semaphore, #tpu.memory_space<semaphore_mem>>) src(%dma_wait3A_766 : memref<1048576x32xf32, #tpu.memory_space<hbm>>) dst(%dma_wait3A_760 : memref<100x32xf32, #tpu.memory_space<vmem>>)
      %dma_wait3A_767 = arith.constant 0 : i32
      %dma_wait3A_768 = arith.constant 13 : i32
      %dma_wait3A_769 = arith.constant 0 : i32
      %dma_wait3A_770 = arith.constant 0 : i32
      %dma_wait3A_771 = tpu.memref_slice %arg6[%dma_wait3A_768, %dma_wait3A_769, %dma_wait3A_770] : memref<16x100x32xf32, #tpu.memory_space<vmem>> -> memref<1x100x32xf32, #tpu.memory_space<vmem>>
      %dma_wait3A_772 = tpu.memref_squeeze %dma_wait3A_771 : memref<1x100x32xf32, #tpu.memory_space<vmem>> -> memref<100x32xf32, #tpu.memory_space<vmem>>
      %dma_wait3A_773 = arith.constant 0 : i32
      %dma_wait3A_774 = tpu.memref_slice %arg5[%dma_wait3A_767, %dma_wait3A_773] : memref<256x100xi32, #tpu.memory_space<vmem>> -> memref<1x100xi32, #tpu.memory_space<vmem>>
      %dma_wait3A_775 = tpu.memref_squeeze %dma_wait3A_774 : memref<1x100xi32, #tpu.memory_space<vmem>> -> memref<100xi32, #tpu.memory_space<vmem>>
      %dma_wait3A_776 = arith.constant 0 : i32
      %dma_wait3A_777 = arith.constant 0 : i32
      %dma_wait3A_778 = tpu.memref_slice %arg3[%dma_wait3A_776, %dma_wait3A_777] : memref<1048576x32xf32, #tpu.memory_space<hbm>> -> memref<1048576x32xf32, #tpu.memory_space<hbm>>
      tpu.wait_indirect_dma semaphore(%arg9 : memref<!tpu.dma_semaphore, #tpu.memory_space<semaphore_mem>>) src(%dma_wait3A_778 : memref<1048576x32xf32, #tpu.memory_space<hbm>>) dst(%dma_wait3A_772 : memref<100x32xf32, #tpu.memory_space<vmem>>)
      %dma_wait3A_779 = arith.constant 0 : i32
      %dma_wait3A_780 = arith.constant 14 : i32
      %dma_wait3A_781 = arith.constant 0 : i32
      %dma_wait3A_782 = arith.constant 0 : i32
      %dma_wait3A_783 = tpu.memref_slice %arg6[%dma_wait3A_780, %dma_wait3A_781, %dma_wait3A_782] : memref<16x100x32xf32, #tpu.memory_space<vmem>> -> memref<1x100x32xf32, #tpu.memory_space<vmem>>
      %dma_wait3A_784 = tpu.memref_squeeze %dma_wait3A_783 : memref<1x100x32xf32, #tpu.memory_space<vmem>> -> memref<100x32xf32, #tpu.memory_space<vmem>>
      %dma_wait3A_785 = arith.constant 0 : i32
      %dma_wait3A_786 = tpu.memref_slice %arg5[%dma_wait3A_779, %dma_wait3A_785] : memref<256x100xi32, #tpu.memory_space<vmem>> -> memref<1x100xi32, #tpu.memory_space<vmem>>
      %dma_wait3A_787 = tpu.memref_squeeze %dma_wait3A_786 : memref<1x100xi32, #tpu.memory_space<vmem>> -> memref<100xi32, #tpu.memory_space<vmem>>
      %dma_wait3A_788 = arith.constant 0 : i32
      %dma_wait3A_789 = arith.constant 0 : i32
      %dma_wait3A_790 = tpu.memref_slice %arg3[%dma_wait3A_788, %dma_wait3A_789] : memref<1048576x32xf32, #tpu.memory_space<hbm>> -> memref<1048576x32xf32, #tpu.memory_space<hbm>>
      tpu.wait_indirect_dma semaphore(%arg9 : memref<!tpu.dma_semaphore, #tpu.memory_space<semaphore_mem>>) src(%dma_wait3A_790 : memref<1048576x32xf32, #tpu.memory_space<hbm>>) dst(%dma_wait3A_784 : memref<100x32xf32, #tpu.memory_space<vmem>>)
      %dma_wait3A_791 = arith.constant 0 : i32
      %dma_wait3A_792 = arith.constant 15 : i32
      %dma_wait3A_793 = arith.constant 0 : i32
      %dma_wait3A_794 = arith.constant 0 : i32
      %dma_wait3A_795 = tpu.memref_slice %arg6[%dma_wait3A_792, %dma_wait3A_793, %dma_wait3A_794] : memref<16x100x32xf32, #tpu.memory_space<vmem>> -> memref<1x100x32xf32, #tpu.memory_space<vmem>>
      %dma_wait3A_796 = tpu.memref_squeeze %dma_wait3A_795 : memref<1x100x32xf32, #tpu.memory_space<vmem>> -> memref<100x32xf32, #tpu.memory_space<vmem>>
      %dma_wait3A_797 = arith.constant 0 : i32
      %dma_wait3A_798 = tpu.memref_slice %arg5[%dma_wait3A_791, %dma_wait3A_797] : memref<256x100xi32, #tpu.memory_space<vmem>> -> memref<1x100xi32, #tpu.memory_space<vmem>>
      %dma_wait3A_799 = tpu.memref_squeeze %dma_wait3A_798 : memref<1x100xi32, #tpu.memory_space<vmem>> -> memref<100xi32, #tpu.memory_space<vmem>>
      %dma_wait3A_800 = arith.constant 0 : i32
      %dma_wait3A_801 = arith.constant 0 : i32
      %dma_wait3A_802 = tpu.memref_slice %arg3[%dma_wait3A_800, %dma_wait3A_801] : memref<1048576x32xf32, #tpu.memory_space<hbm>> -> memref<1048576x32xf32, #tpu.memory_space<hbm>>
      tpu.wait_indirect_dma semaphore(%arg9 : memref<!tpu.dma_semaphore, #tpu.memory_space<semaphore_mem>>) src(%dma_wait3A_802 : memref<1048576x32xf32, #tpu.memory_space<hbm>>) dst(%dma_wait3A_796 : memref<100x32xf32, #tpu.memory_space<vmem>>)
      %add3A_803 = arith.constant 8 : i32
      %add3A_804 = arith.addi %mul3A_107, %add3A_803 : i32
      %add3A_805 = arith.constant 0 : i32
      %add3A_806 = arith.addi %add3A_804, %add3A_805 : i32
      %mul3A_807 = arith.constant 2 : i32
      %mul3A_808 = arith.muli %add3A_806, %mul3A_807 : i32
      %broadcast_in_dim3A_809 = arith.constant 0.000000e+00 : f32
      %broadcast_in_dim3A_810 = vector.broadcast %broadcast_in_dim3A_809 : f32 to vector<16xf32>
      %scan3A_811 = arith.constant 0 : i32
      %scan3A_812 = arith.constant 10 : i32
      %scan3A_813 = arith.addi %scan3A_811, %scan3A_812 : i32
      %scan3A_814 = arith.constant 1 : i32
      %scan3A_815:4 = scf.for %scan3A_1204 = %scan3A_811 to %scan3A_813 step %scan3A_814 iter_args(%scan3A_1205 = %broadcast_in_dim3A_810, %scan3A_1206 = %broadcast_in_dim3A_810, %scan3A_1207 = %broadcast_in_dim3A_810, %scan3A_1208 = %broadcast_in_dim3A_810) -> (vector<16xf32>, vector<16xf32>, vector<16xf32>, vector<16xf32>)  : i32 {
        %mul3A_1209 = arith.constant 5 : i32
        %mul3A_1210 = arith.muli %mul3A_1209, %scan3A_1204 : i32
        %add3A_1211 = arith.constant 0 : i32
        %add3A_1212 = arith.addi %mul3A_1210, %add3A_1211 : i32
        %get3A = arith.constant 8 : i32
        %get3A_1213 = arith.index_cast %get3A : i32 to index
        %get3A_1214 = arith.index_cast %add3A_1212 : i32 to index
        %get3A_1215 = arith.constant 0 : index
        %get3A_1216 = tpu.vector_load %arg6[%get3A_1213, %get3A_1214, %get3A_1215] {strides = array<i32>} : memref<16x100x32xf32, #tpu.memory_space<vmem>>, vector<1x1x16xf32>,
        %get3A_1217 = vector.shape_cast %get3A_1216 : vector<1x1x16xf32> to vector<16xf32>
        %add3A_1218 = arith.addf %scan3A_1205, %get3A_1217 : vector<16xf32>
        %add3A_1219 = arith.constant 0 : i32
        %add3A_1220 = arith.addi %mul3A_1210, %add3A_1219 : i32
        %get3A_1221 = arith.constant 8 : i32
        %get3A_1222 = arith.index_cast %get3A_1221 : i32 to index
        %get3A_1223 = arith.index_cast %add3A_1220 : i32 to index
        %get3A_1224 = arith.constant 16 : index
        %get3A_1225 = tpu.vector_load %arg6[%get3A_1222, %get3A_1223, %get3A_1224] {strides = array<i32>} : memref<16x100x32xf32, #tpu.memory_space<vmem>>, vector<1x1x16xf32>,
        %get3A_1226 = vector.shape_cast %get3A_1225 : vector<1x1x16xf32> to vector<16xf32>
        %add3A_1227 = arith.addf %scan3A_1206, %get3A_1226 : vector<16xf32>
        %add3A_1228 = arith.constant 50 : i32
        %add3A_1229 = arith.addi %add3A_1228, %mul3A_1210 : i32
        %add3A_1230 = arith.constant 0 : i32
        %add3A_1231 = arith.addi %add3A_1229, %add3A_1230 : i32
        %get3A_1232 = arith.constant 8 : i32
        %get3A_1233 = arith.index_cast %get3A_1232 : i32 to index
        %get3A_1234 = arith.index_cast %add3A_1231 : i32 to index
        %get3A_1235 = arith.constant 0 : index
        %get3A_1236 = tpu.vector_load %arg6[%get3A_1233, %get3A_1234, %get3A_1235] {strides = array<i32>} : memref<16x100x32xf32, #tpu.memory_space<vmem>>, vector<1x1x16xf32>,
        %get3A_1237 = vector.shape_cast %get3A_1236 : vector<1x1x16xf32> to vector<16xf32>
        %add3A_1238 = arith.addf %scan3A_1207, %get3A_1237 : vector<16xf32>
        %add3A_1239 = arith.constant 50 : i32
        %add3A_1240 = arith.addi %add3A_1239, %mul3A_1210 : i32
        %add3A_1241 = arith.constant 0 : i32
        %add3A_1242 = arith.addi %add3A_1240, %add3A_1241 : i32
        %get3A_1243 = arith.constant 8 : i32
        %get3A_1244 = arith.index_cast %get3A_1243 : i32 to index
        %get3A_1245 = arith.index_cast %add3A_1242 : i32 to index
        %get3A_1246 = arith.constant 16 : index
        %get3A_1247 = tpu.vector_load %arg6[%get3A_1244, %get3A_1245, %get3A_1246] {strides = array<i32>} : memref<16x100x32xf32, #tpu.memory_space<vmem>>, vector<1x1x16xf32>,
        %get3A_1248 = vector.shape_cast %get3A_1247 : vector<1x1x16xf32> to vector<16xf32>
        %add3A_1249 = arith.addf %scan3A_1208, %get3A_1248 : vector<16xf32>
        %add3A_1250 = arith.constant 1 : i32
        %add3A_1251 = arith.addi %mul3A_1210, %add3A_1250 : i32
        %get3A_1252 = arith.constant 8 : i32
        %get3A_1253 = arith.index_cast %get3A_1252 : i32 to index
        %get3A_1254 = arith.index_cast %add3A_1251 : i32 to index
        %get3A_1255 = arith.constant 0 : index
        %get3A_1256 = tpu.vector_load %arg6[%get3A_1253, %get3A_1254, %get3A_1255] {strides = array<i32>} : memref<16x100x32xf32, #tpu.memory_space<vmem>>, vector<1x1x16xf32>,
        %get3A_1257 = vector.shape_cast %get3A_1256 : vector<1x1x16xf32> to vector<16xf32>
        %add3A_1258 = arith.addf %add3A_1218, %get3A_1257 : vector<16xf32>
        %add3A_1259 = arith.constant 1 : i32
        %add3A_1260 = arith.addi %mul3A_1210, %add3A_1259 : i32
        %get3A_1261 = arith.constant 8 : i32
        %get3A_1262 = arith.index_cast %get3A_1261 : i32 to index
        %get3A_1263 = arith.index_cast %add3A_1260 : i32 to index
        %get3A_1264 = arith.constant 16 : index
        %get3A_1265 = tpu.vector_load %arg6[%get3A_1262, %get3A_1263, %get3A_1264] {strides = array<i32>} : memref<16x100x32xf32, #tpu.memory_space<vmem>>, vector<1x1x16xf32>,
        %get3A_1266 = vector.shape_cast %get3A_1265 : vector<1x1x16xf32> to vector<16xf32>
        %add3A_1267 = arith.addf %add3A_1227, %get3A_1266 : vector<16xf32>
        %add3A_1268 = arith.constant 50 : i32
        %add3A_1269 = arith.addi %add3A_1268, %mul3A_1210 : i32
        %add3A_1270 = arith.constant 1 : i32
        %add3A_1271 = arith.addi %add3A_1269, %add3A_1270 : i32
        %get3A_1272 = arith.constant 8 : i32
        %get3A_1273 = arith.index_cast %get3A_1272 : i32 to index
        %get3A_1274 = arith.index_cast %add3A_1271 : i32 to index
        %get3A_1275 = arith.constant 0 : index
        %get3A_1276 = tpu.vector_load %arg6[%get3A_1273, %get3A_1274, %get3A_1275] {strides = array<i32>} : memref<16x100x32xf32, #tpu.memory_space<vmem>>, vector<1x1x16xf32>,
        %get3A_1277 = vector.shape_cast %get3A_1276 : vector<1x1x16xf32> to vector<16xf32>
        %add3A_1278 = arith.addf %add3A_1238, %get3A_1277 : vector<16xf32>
        %add3A_1279 = arith.constant 50 : i32
        %add3A_1280 = arith.addi %add3A_1279, %mul3A_1210 : i32
        %add3A_1281 = arith.constant 1 : i32
        %add3A_1282 = arith.addi %add3A_1280, %add3A_1281 : i32
        %get3A_1283 = arith.constant 8 : i32
        %get3A_1284 = arith.index_cast %get3A_1283 : i32 to index
        %get3A_1285 = arith.index_cast %add3A_1282 : i32 to index
        %get3A_1286 = arith.constant 16 : index
        %get3A_1287 = tpu.vector_load %arg6[%get3A_1284, %get3A_1285, %get3A_1286] {strides = array<i32>} : memref<16x100x32xf32, #tpu.memory_space<vmem>>, vector<1x1x16xf32>,
        %get3A_1288 = vector.shape_cast %get3A_1287 : vector<1x1x16xf32> to vector<16xf32>
        %add3A_1289 = arith.addf %add3A_1249, %get3A_1288 : vector<16xf32>
        %add3A_1290 = arith.constant 2 : i32
        %add3A_1291 = arith.addi %mul3A_1210, %add3A_1290 : i32
        %get3A_1292 = arith.constant 8 : i32
        %get3A_1293 = arith.index_cast %get3A_1292 : i32 to index
        %get3A_1294 = arith.index_cast %add3A_1291 : i32 to index
        %get3A_1295 = arith.constant 0 : index
        %get3A_1296 = tpu.vector_load %arg6[%get3A_1293, %get3A_1294, %get3A_1295] {strides = array<i32>} : memref<16x100x32xf32, #tpu.memory_space<vmem>>, vector<1x1x16xf32>,
        %get3A_1297 = vector.shape_cast %get3A_1296 : vector<1x1x16xf32> to vector<16xf32>
        %add3A_1298 = arith.addf %add3A_1258, %get3A_1297 : vector<16xf32>
        %add3A_1299 = arith.constant 2 : i32
        %add3A_1300 = arith.addi %mul3A_1210, %add3A_1299 : i32
        %get3A_1301 = arith.constant 8 : i32
        %get3A_1302 = arith.index_cast %get3A_1301 : i32 to index
        %get3A_1303 = arith.index_cast %add3A_1300 : i32 to index
        %get3A_1304 = arith.constant 16 : index
        %get3A_1305 = tpu.vector_load %arg6[%get3A_1302, %get3A_1303, %get3A_1304] {strides = array<i32>} : memref<16x100x32xf32, #tpu.memory_space<vmem>>, vector<1x1x16xf32>,
        %get3A_1306 = vector.shape_cast %get3A_1305 : vector<1x1x16xf32> to vector<16xf32>
        %add3A_1307 = arith.addf %add3A_1267, %get3A_1306 : vector<16xf32>
        %add3A_1308 = arith.constant 50 : i32
        %add3A_1309 = arith.addi %add3A_1308, %mul3A_1210 : i32
        %add3A_1310 = arith.constant 2 : i32
        %add3A_1311 = arith.addi %add3A_1309, %add3A_1310 : i32
        %get3A_1312 = arith.constant 8 : i32
        %get3A_1313 = arith.index_cast %get3A_1312 : i32 to index
        %get3A_1314 = arith.index_cast %add3A_1311 : i32 to index
        %get3A_1315 = arith.constant 0 : index
        %get3A_1316 = tpu.vector_load %arg6[%get3A_1313, %get3A_1314, %get3A_1315] {strides = array<i32>} : memref<16x100x32xf32, #tpu.memory_space<vmem>>, vector<1x1x16xf32>,
        %get3A_1317 = vector.shape_cast %get3A_1316 : vector<1x1x16xf32> to vector<16xf32>
        %add3A_1318 = arith.addf %add3A_1278, %get3A_1317 : vector<16xf32>
        %add3A_1319 = arith.constant 50 : i32
        %add3A_1320 = arith.addi %add3A_1319, %mul3A_1210 : i32
        %add3A_1321 = arith.constant 2 : i32
        %add3A_1322 = arith.addi %add3A_1320, %add3A_1321 : i32
        %get3A_1323 = arith.constant 8 : i32
        %get3A_1324 = arith.index_cast %get3A_1323 : i32 to index
        %get3A_1325 = arith.index_cast %add3A_1322 : i32 to index
        %get3A_1326 = arith.constant 16 : index
        %get3A_1327 = tpu.vector_load %arg6[%get3A_1324, %get3A_1325, %get3A_1326] {strides = array<i32>} : memref<16x100x32xf32, #tpu.memory_space<vmem>>, vector<1x1x16xf32>,
        %get3A_1328 = vector.shape_cast %get3A_1327 : vector<1x1x16xf32> to vector<16xf32>
        %add3A_1329 = arith.addf %add3A_1289, %get3A_1328 : vector<16xf32>
        %add3A_1330 = arith.constant 3 : i32
        %add3A_1331 = arith.addi %mul3A_1210, %add3A_1330 : i32
        %get3A_1332 = arith.constant 8 : i32
        %get3A_1333 = arith.index_cast %get3A_1332 : i32 to index
        %get3A_1334 = arith.index_cast %add3A_1331 : i32 to index
        %get3A_1335 = arith.constant 0 : index
        %get3A_1336 = tpu.vector_load %arg6[%get3A_1333, %get3A_1334, %get3A_1335] {strides = array<i32>} : memref<16x100x32xf32, #tpu.memory_space<vmem>>, vector<1x1x16xf32>,
        %get3A_1337 = vector.shape_cast %get3A_1336 : vector<1x1x16xf32> to vector<16xf32>
        %add3A_1338 = arith.addf %add3A_1298, %get3A_1337 : vector<16xf32>
        %add3A_1339 = arith.constant 3 : i32
        %add3A_1340 = arith.addi %mul3A_1210, %add3A_1339 : i32
        %get3A_1341 = arith.constant 8 : i32
        %get3A_1342 = arith.index_cast %get3A_1341 : i32 to index
        %get3A_1343 = arith.index_cast %add3A_1340 : i32 to index
        %get3A_1344 = arith.constant 16 : index
        %get3A_1345 = tpu.vector_load %arg6[%get3A_1342, %get3A_1343, %get3A_1344] {strides = array<i32>} : memref<16x100x32xf32, #tpu.memory_space<vmem>>, vector<1x1x16xf32>,
        %get3A_1346 = vector.shape_cast %get3A_1345 : vector<1x1x16xf32> to vector<16xf32>
        %add3A_1347 = arith.addf %add3A_1307, %get3A_1346 : vector<16xf32>
        %add3A_1348 = arith.constant 50 : i32
        %add3A_1349 = arith.addi %add3A_1348, %mul3A_1210 : i32
        %add3A_1350 = arith.constant 3 : i32
        %add3A_1351 = arith.addi %add3A_1349, %add3A_1350 : i32
        %get3A_1352 = arith.constant 8 : i32
        %get3A_1353 = arith.index_cast %get3A_1352 : i32 to index
        %get3A_1354 = arith.index_cast %add3A_1351 : i32 to index
        %get3A_1355 = arith.constant 0 : index
        %get3A_1356 = tpu.vector_load %arg6[%get3A_1353, %get3A_1354, %get3A_1355] {strides = array<i32>} : memref<16x100x32xf32, #tpu.memory_space<vmem>>, vector<1x1x16xf32>,
        %get3A_1357 = vector.shape_cast %get3A_1356 : vector<1x1x16xf32> to vector<16xf32>
        %add3A_1358 = arith.addf %add3A_1318, %get3A_1357 : vector<16xf32>
        %add3A_1359 = arith.constant 50 : i32
        %add3A_1360 = arith.addi %add3A_1359, %mul3A_1210 : i32
        %add3A_1361 = arith.constant 3 : i32
        %add3A_1362 = arith.addi %add3A_1360, %add3A_1361 : i32
        %get3A_1363 = arith.constant 8 : i32
        %get3A_1364 = arith.index_cast %get3A_1363 : i32 to index
        %get3A_1365 = arith.index_cast %add3A_1362 : i32 to index
        %get3A_1366 = arith.constant 16 : index
        %get3A_1367 = tpu.vector_load %arg6[%get3A_1364, %get3A_1365, %get3A_1366] {strides = array<i32>} : memref<16x100x32xf32, #tpu.memory_space<vmem>>, vector<1x1x16xf32>,
        %get3A_1368 = vector.shape_cast %get3A_1367 : vector<1x1x16xf32> to vector<16xf32>
        %add3A_1369 = arith.addf %add3A_1329, %get3A_1368 : vector<16xf32>
        %add3A_1370 = arith.constant 4 : i32
        %add3A_1371 = arith.addi %mul3A_1210, %add3A_1370 : i32
        %get3A_1372 = arith.constant 8 : i32
        %get3A_1373 = arith.index_cast %get3A_1372 : i32 to index
        %get3A_1374 = arith.index_cast %add3A_1371 : i32 to index
        %get3A_1375 = arith.constant 0 : index
        %get3A_1376 = tpu.vector_load %arg6[%get3A_1373, %get3A_1374, %get3A_1375] {strides = array<i32>} : memref<16x100x32xf32, #tpu.memory_space<vmem>>, vector<1x1x16xf32>,
        %get3A_1377 = vector.shape_cast %get3A_1376 : vector<1x1x16xf32> to vector<16xf32>
        %add3A_1378 = arith.addf %add3A_1338, %get3A_1377 : vector<16xf32>
        %add3A_1379 = arith.constant 4 : i32
        %add3A_1380 = arith.addi %mul3A_1210, %add3A_1379 : i32
        %get3A_1381 = arith.constant 8 : i32
        %get3A_1382 = arith.index_cast %get3A_1381 : i32 to index
        %get3A_1383 = arith.index_cast %add3A_1380 : i32 to index
        %get3A_1384 = arith.constant 16 : index
        %get3A_1385 = tpu.vector_load %arg6[%get3A_1382, %get3A_1383, %get3A_1384] {strides = array<i32>} : memref<16x100x32xf32, #tpu.memory_space<vmem>>, vector<1x1x16xf32>,
        %get3A_1386 = vector.shape_cast %get3A_1385 : vector<1x1x16xf32> to vector<16xf32>
        %add3A_1387 = arith.addf %add3A_1347, %get3A_1386 : vector<16xf32>
        %add3A_1388 = arith.constant 50 : i32
        %add3A_1389 = arith.addi %add3A_1388, %mul3A_1210 : i32
        %add3A_1390 = arith.constant 4 : i32
        %add3A_1391 = arith.addi %add3A_1389, %add3A_1390 : i32
        %get3A_1392 = arith.constant 8 : i32
        %get3A_1393 = arith.index_cast %get3A_1392 : i32 to index
        %get3A_1394 = arith.index_cast %add3A_1391 : i32 to index
        %get3A_1395 = arith.constant 0 : index
        %get3A_1396 = tpu.vector_load %arg6[%get3A_1393, %get3A_1394, %get3A_1395] {strides = array<i32>} : memref<16x100x32xf32, #tpu.memory_space<vmem>>, vector<1x1x16xf32>,
        %get3A_1397 = vector.shape_cast %get3A_1396 : vector<1x1x16xf32> to vector<16xf32>
        %add3A_1398 = arith.addf %add3A_1358, %get3A_1397 : vector<16xf32>
        %add3A_1399 = arith.constant 50 : i32
        %add3A_1400 = arith.addi %add3A_1399, %mul3A_1210 : i32
        %add3A_1401 = arith.constant 4 : i32
        %add3A_1402 = arith.addi %add3A_1400, %add3A_1401 : i32
        %get3A_1403 = arith.constant 8 : i32
        %get3A_1404 = arith.index_cast %get3A_1403 : i32 to index
        %get3A_1405 = arith.index_cast %add3A_1402 : i32 to index
        %get3A_1406 = arith.constant 16 : index
        %get3A_1407 = tpu.vector_load %arg6[%get3A_1404, %get3A_1405, %get3A_1406] {strides = array<i32>} : memref<16x100x32xf32, #tpu.memory_space<vmem>>, vector<1x1x16xf32>,
        %get3A_1408 = vector.shape_cast %get3A_1407 : vector<1x1x16xf32> to vector<16xf32>
        %add3A_1409 = arith.addf %add3A_1369, %get3A_1408 : vector<16xf32>
        scf.yield %add3A_1378, %add3A_1387, %add3A_1398, %add3A_1409 : vector<16xf32>, vector<16xf32>, vector<16xf32>, vector<16xf32>
      }
      %scan3A_816 = arith.constant 10 : i32
      %mul3A_817 = arith.constant 2.000000e-02 : f32
      %mul3A_818 = vector.broadcast %mul3A_817 : f32 to vector<16xf32>
      %mul3A_819 = arith.mulf %scan3A_815#0, %mul3A_818 : vector<16xf32>
      %swap3A_820 = arith.index_cast %mul3A_808 : i32 to index
      %swap3A_821 = arith.constant 0 : index
      %swap3A_822 = tpu.vector_load %arg7[%swap3A_820, %swap3A_821] {strides = array<i32>} : memref<512x32xf32, #tpu.memory_space<vmem>>, vector<1x16xf32>,
      %swap3A_823 = vector.shape_cast %swap3A_822 : vector<1x16xf32> to vector<16xf32>
      %swap3A_824 = vector.shape_cast %mul3A_819 : vector<16xf32> to vector<1x16xf32>
      tpu.vector_store %arg7[%swap3A_820, %swap3A_821], %swap3A_824 {strides = array<i32>} : memref<512x32xf32, #tpu.memory_space<vmem>>, vector<1x16xf32>,
      %mul3A_825 = arith.constant 2.000000e-02 : f32
      %mul3A_826 = vector.broadcast %mul3A_825 : f32 to vector<16xf32>
      %mul3A_827 = arith.mulf %scan3A_815#1, %mul3A_826 : vector<16xf32>
      %swap3A_828 = arith.index_cast %mul3A_808 : i32 to index
      %swap3A_829 = arith.constant 16 : index
      %swap3A_830 = tpu.vector_load %arg7[%swap3A_828, %swap3A_829] {strides = array<i32>} : memref<512x32xf32, #tpu.memory_space<vmem>>, vector<1x16xf32>,
      %swap3A_831 = vector.shape_cast %swap3A_830 : vector<1x16xf32> to vector<16xf32>
      %swap3A_832 = vector.shape_cast %mul3A_827 : vector<16xf32> to vector<1x16xf32>
      tpu.vector_store %arg7[%swap3A_828, %swap3A_829], %swap3A_832 {strides = array<i32>} : memref<512x32xf32, #tpu.memory_space<vmem>>, vector<1x16xf32>,
      %mul3A_833 = arith.constant 2.000000e-02 : f32
      %mul3A_834 = vector.broadcast %mul3A_833 : f32 to vector<16xf32>
      %mul3A_835 = arith.mulf %scan3A_815#2, %mul3A_834 : vector<16xf32>
      %add3A_836 = arith.constant 1 : i32
      %add3A_837 = arith.addi %mul3A_808, %add3A_836 : i32
      %swap3A_838 = arith.index_cast %add3A_837 : i32 to index
      %swap3A_839 = arith.constant 0 : index
      %swap3A_840 = tpu.vector_load %arg7[%swap3A_838, %swap3A_839] {strides = array<i32>} : memref<512x32xf32, #tpu.memory_space<vmem>>, vector<1x16xf32>,
      %swap3A_841 = vector.shape_cast %swap3A_840 : vector<1x16xf32> to vector<16xf32>
      %swap3A_842 = vector.shape_cast %mul3A_835 : vector<16xf32> to vector<1x16xf32>
      tpu.vector_store %arg7[%swap3A_838, %swap3A_839], %swap3A_842 {strides = array<i32>} : memref<512x32xf32, #tpu.memory_space<vmem>>, vector<1x16xf32>,
      %mul3A_843 = arith.constant 2.000000e-02 : f32
      %mul3A_844 = vector.broadcast %mul3A_843 : f32 to vector<16xf32>
      %mul3A_845 = arith.mulf %scan3A_815#3, %mul3A_844 : vector<16xf32>
      %add3A_846 = arith.constant 1 : i32
      %add3A_847 = arith.addi %mul3A_808, %add3A_846 : i32
      %swap3A_848 = arith.index_cast %add3A_847 : i32 to index
      %swap3A_849 = arith.constant 16 : index
      %swap3A_850 = tpu.vector_load %arg7[%swap3A_848, %swap3A_849] {strides = array<i32>} : memref<512x32xf32, #tpu.memory_space<vmem>>, vector<1x16xf32>,
      %swap3A_851 = vector.shape_cast %swap3A_850 : vector<1x16xf32> to vector<16xf32>
      %swap3A_852 = vector.shape_cast %mul3A_845 : vector<16xf32> to vector<1x16xf32>
      tpu.vector_store %arg7[%swap3A_848, %swap3A_849], %swap3A_852 {strides = array<i32>} : memref<512x32xf32, #tpu.memory_space<vmem>>, vector<1x16xf32>,
      %add3A_853 = arith.constant 8 : i32
      %add3A_854 = arith.addi %mul3A_107, %add3A_853 : i32
      %add3A_855 = arith.constant 1 : i32
      %add3A_856 = arith.addi %add3A_854, %add3A_855 : i32
      %mul3A_857 = arith.constant 2 : i32
      %mul3A_858 = arith.muli %add3A_856, %mul3A_857 : i32
      %broadcast_in_dim3A_859 = arith.constant 0.000000e+00 : f32
      %broadcast_in_dim3A_860 = vector.broadcast %broadcast_in_dim3A_859 : f32 to vector<16xf32>
      %scan3A_861 = arith.constant 0 : i32
      %scan3A_862 = arith.constant 10 : i32
      %scan3A_863 = arith.addi %scan3A_861, %scan3A_862 : i32
      %scan3A_864 = arith.constant 1 : i32
      %scan3A_865:4 = scf.for %scan3A_1204 = %scan3A_861 to %scan3A_863 step %scan3A_864 iter_args(%scan3A_1205 = %broadcast_in_dim3A_860, %scan3A_1206 = %broadcast_in_dim3A_860, %scan3A_1207 = %broadcast_in_dim3A_860, %scan3A_1208 = %broadcast_in_dim3A_860) -> (vector<16xf32>, vector<16xf32>, vector<16xf32>, vector<16xf32>)  : i32 {
        %mul3A_1209 = arith.constant 5 : i32
        %mul3A_1210 = arith.muli %mul3A_1209, %scan3A_1204 : i32
        %add3A_1211 = arith.constant 0 : i32
        %add3A_1212 = arith.addi %mul3A_1210, %add3A_1211 : i32
        %get3A = arith.constant 9 : i32
        %get3A_1213 = arith.index_cast %get3A : i32 to index
        %get3A_1214 = arith.index_cast %add3A_1212 : i32 to index
        %get3A_1215 = arith.constant 0 : index
        %get3A_1216 = tpu.vector_load %arg6[%get3A_1213, %get3A_1214, %get3A_1215] {strides = array<i32>} : memref<16x100x32xf32, #tpu.memory_space<vmem>>, vector<1x1x16xf32>,
        %get3A_1217 = vector.shape_cast %get3A_1216 : vector<1x1x16xf32> to vector<16xf32>
        %add3A_1218 = arith.addf %scan3A_1205, %get3A_1217 : vector<16xf32>
        %add3A_1219 = arith.constant 0 : i32
        %add3A_1220 = arith.addi %mul3A_1210, %add3A_1219 : i32
        %get3A_1221 = arith.constant 9 : i32
        %get3A_1222 = arith.index_cast %get3A_1221 : i32 to index
        %get3A_1223 = arith.index_cast %add3A_1220 : i32 to index
        %get3A_1224 = arith.constant 16 : index
        %get3A_1225 = tpu.vector_load %arg6[%get3A_1222, %get3A_1223, %get3A_1224] {strides = array<i32>} : memref<16x100x32xf32, #tpu.memory_space<vmem>>, vector<1x1x16xf32>,
        %get3A_1226 = vector.shape_cast %get3A_1225 : vector<1x1x16xf32> to vector<16xf32>
        %add3A_1227 = arith.addf %scan3A_1206, %get3A_1226 : vector<16xf32>
        %add3A_1228 = arith.constant 50 : i32
        %add3A_1229 = arith.addi %add3A_1228, %mul3A_1210 : i32
        %add3A_1230 = arith.constant 0 : i32
        %add3A_1231 = arith.addi %add3A_1229, %add3A_1230 : i32
        %get3A_1232 = arith.constant 9 : i32
        %get3A_1233 = arith.index_cast %get3A_1232 : i32 to index
        %get3A_1234 = arith.index_cast %add3A_1231 : i32 to index
        %get3A_1235 = arith.constant 0 : index
        %get3A_1236 = tpu.vector_load %arg6[%get3A_1233, %get3A_1234, %get3A_1235] {strides = array<i32>} : memref<16x100x32xf32, #tpu.memory_space<vmem>>, vector<1x1x16xf32>,
        %get3A_1237 = vector.shape_cast %get3A_1236 : vector<1x1x16xf32> to vector<16xf32>
        %add3A_1238 = arith.addf %scan3A_1207, %get3A_1237 : vector<16xf32>
        %add3A_1239 = arith.constant 50 : i32
        %add3A_1240 = arith.addi %add3A_1239, %mul3A_1210 : i32
        %add3A_1241 = arith.constant 0 : i32
        %add3A_1242 = arith.addi %add3A_1240, %add3A_1241 : i32
        %get3A_1243 = arith.constant 9 : i32
        %get3A_1244 = arith.index_cast %get3A_1243 : i32 to index
        %get3A_1245 = arith.index_cast %add3A_1242 : i32 to index
        %get3A_1246 = arith.constant 16 : index
        %get3A_1247 = tpu.vector_load %arg6[%get3A_1244, %get3A_1245, %get3A_1246] {strides = array<i32>} : memref<16x100x32xf32, #tpu.memory_space<vmem>>, vector<1x1x16xf32>,
        %get3A_1248 = vector.shape_cast %get3A_1247 : vector<1x1x16xf32> to vector<16xf32>
        %add3A_1249 = arith.addf %scan3A_1208, %get3A_1248 : vector<16xf32>
        %add3A_1250 = arith.constant 1 : i32
        %add3A_1251 = arith.addi %mul3A_1210, %add3A_1250 : i32
        %get3A_1252 = arith.constant 9 : i32
        %get3A_1253 = arith.index_cast %get3A_1252 : i32 to index
        %get3A_1254 = arith.index_cast %add3A_1251 : i32 to index
        %get3A_1255 = arith.constant 0 : index
        %get3A_1256 = tpu.vector_load %arg6[%get3A_1253, %get3A_1254, %get3A_1255] {strides = array<i32>} : memref<16x100x32xf32, #tpu.memory_space<vmem>>, vector<1x1x16xf32>,
        %get3A_1257 = vector.shape_cast %get3A_1256 : vector<1x1x16xf32> to vector<16xf32>
        %add3A_1258 = arith.addf %add3A_1218, %get3A_1257 : vector<16xf32>
        %add3A_1259 = arith.constant 1 : i32
        %add3A_1260 = arith.addi %mul3A_1210, %add3A_1259 : i32
        %get3A_1261 = arith.constant 9 : i32
        %get3A_1262 = arith.index_cast %get3A_1261 : i32 to index
        %get3A_1263 = arith.index_cast %add3A_1260 : i32 to index
        %get3A_1264 = arith.constant 16 : index
        %get3A_1265 = tpu.vector_load %arg6[%get3A_1262, %get3A_1263, %get3A_1264] {strides = array<i32>} : memref<16x100x32xf32, #tpu.memory_space<vmem>>, vector<1x1x16xf32>,
        %get3A_1266 = vector.shape_cast %get3A_1265 : vector<1x1x16xf32> to vector<16xf32>
        %add3A_1267 = arith.addf %add3A_1227, %get3A_1266 : vector<16xf32>
        %add3A_1268 = arith.constant 50 : i32
        %add3A_1269 = arith.addi %add3A_1268, %mul3A_1210 : i32
        %add3A_1270 = arith.constant 1 : i32
        %add3A_1271 = arith.addi %add3A_1269, %add3A_1270 : i32
        %get3A_1272 = arith.constant 9 : i32
        %get3A_1273 = arith.index_cast %get3A_1272 : i32 to index
        %get3A_1274 = arith.index_cast %add3A_1271 : i32 to index
        %get3A_1275 = arith.constant 0 : index
        %get3A_1276 = tpu.vector_load %arg6[%get3A_1273, %get3A_1274, %get3A_1275] {strides = array<i32>} : memref<16x100x32xf32, #tpu.memory_space<vmem>>, vector<1x1x16xf32>,
        %get3A_1277 = vector.shape_cast %get3A_1276 : vector<1x1x16xf32> to vector<16xf32>
        %add3A_1278 = arith.addf %add3A_1238, %get3A_1277 : vector<16xf32>
        %add3A_1279 = arith.constant 50 : i32
        %add3A_1280 = arith.addi %add3A_1279, %mul3A_1210 : i32
        %add3A_1281 = arith.constant 1 : i32
        %add3A_1282 = arith.addi %add3A_1280, %add3A_1281 : i32
        %get3A_1283 = arith.constant 9 : i32
        %get3A_1284 = arith.index_cast %get3A_1283 : i32 to index
        %get3A_1285 = arith.index_cast %add3A_1282 : i32 to index
        %get3A_1286 = arith.constant 16 : index
        %get3A_1287 = tpu.vector_load %arg6[%get3A_1284, %get3A_1285, %get3A_1286] {strides = array<i32>} : memref<16x100x32xf32, #tpu.memory_space<vmem>>, vector<1x1x16xf32>,
        %get3A_1288 = vector.shape_cast %get3A_1287 : vector<1x1x16xf32> to vector<16xf32>
        %add3A_1289 = arith.addf %add3A_1249, %get3A_1288 : vector<16xf32>
        %add3A_1290 = arith.constant 2 : i32
        %add3A_1291 = arith.addi %mul3A_1210, %add3A_1290 : i32
        %get3A_1292 = arith.constant 9 : i32
        %get3A_1293 = arith.index_cast %get3A_1292 : i32 to index
        %get3A_1294 = arith.index_cast %add3A_1291 : i32 to index
        %get3A_1295 = arith.constant 0 : index
        %get3A_1296 = tpu.vector_load %arg6[%get3A_1293, %get3A_1294, %get3A_1295] {strides = array<i32>} : memref<16x100x32xf32, #tpu.memory_space<vmem>>, vector<1x1x16xf32>,
        %get3A_1297 = vector.shape_cast %get3A_1296 : vector<1x1x16xf32> to vector<16xf32>
        %add3A_1298 = arith.addf %add3A_1258, %get3A_1297 : vector<16xf32>
        %add3A_1299 = arith.constant 2 : i32
        %add3A_1300 = arith.addi %mul3A_1210, %add3A_1299 : i32
        %get3A_1301 = arith.constant 9 : i32
        %get3A_1302 = arith.index_cast %get3A_1301 : i32 to index
        %get3A_1303 = arith.index_cast %add3A_1300 : i32 to index
        %get3A_1304 = arith.constant 16 : index
        %get3A_1305 = tpu.vector_load %arg6[%get3A_1302, %get3A_1303, %get3A_1304] {strides = array<i32>} : memref<16x100x32xf32, #tpu.memory_space<vmem>>, vector<1x1x16xf32>,
        %get3A_1306 = vector.shape_cast %get3A_1305 : vector<1x1x16xf32> to vector<16xf32>
        %add3A_1307 = arith.addf %add3A_1267, %get3A_1306 : vector<16xf32>
        %add3A_1308 = arith.constant 50 : i32
        %add3A_1309 = arith.addi %add3A_1308, %mul3A_1210 : i32
        %add3A_1310 = arith.constant 2 : i32
        %add3A_1311 = arith.addi %add3A_1309, %add3A_1310 : i32
        %get3A_1312 = arith.constant 9 : i32
        %get3A_1313 = arith.index_cast %get3A_1312 : i32 to index
        %get3A_1314 = arith.index_cast %add3A_1311 : i32 to index
        %get3A_1315 = arith.constant 0 : index
        %get3A_1316 = tpu.vector_load %arg6[%get3A_1313, %get3A_1314, %get3A_1315] {strides = array<i32>} : memref<16x100x32xf32, #tpu.memory_space<vmem>>, vector<1x1x16xf32>,
        %get3A_1317 = vector.shape_cast %get3A_1316 : vector<1x1x16xf32> to vector<16xf32>
        %add3A_1318 = arith.addf %add3A_1278, %get3A_1317 : vector<16xf32>
        %add3A_1319 = arith.constant 50 : i32
        %add3A_1320 = arith.addi %add3A_1319, %mul3A_1210 : i32
        %add3A_1321 = arith.constant 2 : i32
        %add3A_1322 = arith.addi %add3A_1320, %add3A_1321 : i32
        %get3A_1323 = arith.constant 9 : i32
        %get3A_1324 = arith.index_cast %get3A_1323 : i32 to index
        %get3A_1325 = arith.index_cast %add3A_1322 : i32 to index
        %get3A_1326 = arith.constant 16 : index
        %get3A_1327 = tpu.vector_load %arg6[%get3A_1324, %get3A_1325, %get3A_1326] {strides = array<i32>} : memref<16x100x32xf32, #tpu.memory_space<vmem>>, vector<1x1x16xf32>,
        %get3A_1328 = vector.shape_cast %get3A_1327 : vector<1x1x16xf32> to vector<16xf32>
        %add3A_1329 = arith.addf %add3A_1289, %get3A_1328 : vector<16xf32>
        %add3A_1330 = arith.constant 3 : i32
        %add3A_1331 = arith.addi %mul3A_1210, %add3A_1330 : i32
        %get3A_1332 = arith.constant 9 : i32
        %get3A_1333 = arith.index_cast %get3A_1332 : i32 to index
        %get3A_1334 = arith.index_cast %add3A_1331 : i32 to index
        %get3A_1335 = arith.constant 0 : index
        %get3A_1336 = tpu.vector_load %arg6[%get3A_1333, %get3A_1334, %get3A_1335] {strides = array<i32>} : memref<16x100x32xf32, #tpu.memory_space<vmem>>, vector<1x1x16xf32>,
        %get3A_1337 = vector.shape_cast %get3A_1336 : vector<1x1x16xf32> to vector<16xf32>
        %add3A_1338 = arith.addf %add3A_1298, %get3A_1337 : vector<16xf32>
        %add3A_1339 = arith.constant 3 : i32
        %add3A_1340 = arith.addi %mul3A_1210, %add3A_1339 : i32
        %get3A_1341 = arith.constant 9 : i32
        %get3A_1342 = arith.index_cast %get3A_1341 : i32 to index
        %get3A_1343 = arith.index_cast %add3A_1340 : i32 to index
        %get3A_1344 = arith.constant 16 : index
        %get3A_1345 = tpu.vector_load %arg6[%get3A_1342, %get3A_1343, %get3A_1344] {strides = array<i32>} : memref<16x100x32xf32, #tpu.memory_space<vmem>>, vector<1x1x16xf32>,
        %get3A_1346 = vector.shape_cast %get3A_1345 : vector<1x1x16xf32> to vector<16xf32>
        %add3A_1347 = arith.addf %add3A_1307, %get3A_1346 : vector<16xf32>
        %add3A_1348 = arith.constant 50 : i32
        %add3A_1349 = arith.addi %add3A_1348, %mul3A_1210 : i32
        %add3A_1350 = arith.constant 3 : i32
        %add3A_1351 = arith.addi %add3A_1349, %add3A_1350 : i32
        %get3A_1352 = arith.constant 9 : i32
        %get3A_1353 = arith.index_cast %get3A_1352 : i32 to index
        %get3A_1354 = arith.index_cast %add3A_1351 : i32 to index
        %get3A_1355 = arith.constant 0 : index
        %get3A_1356 = tpu.vector_load %arg6[%get3A_1353, %get3A_1354, %get3A_1355] {strides = array<i32>} : memref<16x100x32xf32, #tpu.memory_space<vmem>>, vector<1x1x16xf32>,
        %get3A_1357 = vector.shape_cast %get3A_1356 : vector<1x1x16xf32> to vector<16xf32>
        %add3A_1358 = arith.addf %add3A_1318, %get3A_1357 : vector<16xf32>
        %add3A_1359 = arith.constant 50 : i32
        %add3A_1360 = arith.addi %add3A_1359, %mul3A_1210 : i32
        %add3A_1361 = arith.constant 3 : i32
        %add3A_1362 = arith.addi %add3A_1360, %add3A_1361 : i32
        %get3A_1363 = arith.constant 9 : i32
        %get3A_1364 = arith.index_cast %get3A_1363 : i32 to index
        %get3A_1365 = arith.index_cast %add3A_1362 : i32 to index
        %get3A_1366 = arith.constant 16 : index
        %get3A_1367 = tpu.vector_load %arg6[%get3A_1364, %get3A_1365, %get3A_1366] {strides = array<i32>} : memref<16x100x32xf32, #tpu.memory_space<vmem>>, vector<1x1x16xf32>,
        %get3A_1368 = vector.shape_cast %get3A_1367 : vector<1x1x16xf32> to vector<16xf32>
        %add3A_1369 = arith.addf %add3A_1329, %get3A_1368 : vector<16xf32>
        %add3A_1370 = arith.constant 4 : i32
        %add3A_1371 = arith.addi %mul3A_1210, %add3A_1370 : i32
        %get3A_1372 = arith.constant 9 : i32
        %get3A_1373 = arith.index_cast %get3A_1372 : i32 to index
        %get3A_1374 = arith.index_cast %add3A_1371 : i32 to index
        %get3A_1375 = arith.constant 0 : index
        %get3A_1376 = tpu.vector_load %arg6[%get3A_1373, %get3A_1374, %get3A_1375] {strides = array<i32>} : memref<16x100x32xf32, #tpu.memory_space<vmem>>, vector<1x1x16xf32>,
        %get3A_1377 = vector.shape_cast %get3A_1376 : vector<1x1x16xf32> to vector<16xf32>
        %add3A_1378 = arith.addf %add3A_1338, %get3A_1377 : vector<16xf32>
        %add3A_1379 = arith.constant 4 : i32
        %add3A_1380 = arith.addi %mul3A_1210, %add3A_1379 : i32
        %get3A_1381 = arith.constant 9 : i32
        %get3A_1382 = arith.index_cast %get3A_1381 : i32 to index
        %get3A_1383 = arith.index_cast %add3A_1380 : i32 to index
        %get3A_1384 = arith.constant 16 : index
        %get3A_1385 = tpu.vector_load %arg6[%get3A_1382, %get3A_1383, %get3A_1384] {strides = array<i32>} : memref<16x100x32xf32, #tpu.memory_space<vmem>>, vector<1x1x16xf32>,
        %get3A_1386 = vector.shape_cast %get3A_1385 : vector<1x1x16xf32> to vector<16xf32>
        %add3A_1387 = arith.addf %add3A_1347, %get3A_1386 : vector<16xf32>
        %add3A_1388 = arith.constant 50 : i32
        %add3A_1389 = arith.addi %add3A_1388, %mul3A_1210 : i32
        %add3A_1390 = arith.constant 4 : i32
        %add3A_1391 = arith.addi %add3A_1389, %add3A_1390 : i32
        %get3A_1392 = arith.constant 9 : i32
        %get3A_1393 = arith.index_cast %get3A_1392 : i32 to index
        %get3A_1394 = arith.index_cast %add3A_1391 : i32 to index
        %get3A_1395 = arith.constant 0 : index
        %get3A_1396 = tpu.vector_load %arg6[%get3A_1393, %get3A_1394, %get3A_1395] {strides = array<i32>} : memref<16x100x32xf32, #tpu.memory_space<vmem>>, vector<1x1x16xf32>,
        %get3A_1397 = vector.shape_cast %get3A_1396 : vector<1x1x16xf32> to vector<16xf32>
        %add3A_1398 = arith.addf %add3A_1358, %get3A_1397 : vector<16xf32>
        %add3A_1399 = arith.constant 50 : i32
        %add3A_1400 = arith.addi %add3A_1399, %mul3A_1210 : i32
        %add3A_1401 = arith.constant 4 : i32
        %add3A_1402 = arith.addi %add3A_1400, %add3A_1401 : i32
        %get3A_1403 = arith.constant 9 : i32
        %get3A_1404 = arith.index_cast %get3A_1403 : i32 to index
        %get3A_1405 = arith.index_cast %add3A_1402 : i32 to index
        %get3A_1406 = arith.constant 16 : index
        %get3A_1407 = tpu.vector_load %arg6[%get3A_1404, %get3A_1405, %get3A_1406] {strides = array<i32>} : memref<16x100x32xf32, #tpu.memory_space<vmem>>, vector<1x1x16xf32>,
        %get3A_1408 = vector.shape_cast %get3A_1407 : vector<1x1x16xf32> to vector<16xf32>
        %add3A_1409 = arith.addf %add3A_1369, %get3A_1408 : vector<16xf32>
        scf.yield %add3A_1378, %add3A_1387, %add3A_1398, %add3A_1409 : vector<16xf32>, vector<16xf32>, vector<16xf32>, vector<16xf32>
      }
      %scan3A_866 = arith.constant 10 : i32
      %mul3A_867 = arith.constant 2.000000e-02 : f32
      %mul3A_868 = vector.broadcast %mul3A_867 : f32 to vector<16xf32>
      %mul3A_869 = arith.mulf %scan3A_865#0, %mul3A_868 : vector<16xf32>
      %swap3A_870 = arith.index_cast %mul3A_858 : i32 to index
      %swap3A_871 = arith.constant 0 : index
      %swap3A_872 = tpu.vector_load %arg7[%swap3A_870, %swap3A_871] {strides = array<i32>} : memref<512x32xf32, #tpu.memory_space<vmem>>, vector<1x16xf32>,
      %swap3A_873 = vector.shape_cast %swap3A_872 : vector<1x16xf32> to vector<16xf32>
      %swap3A_874 = vector.shape_cast %mul3A_869 : vector<16xf32> to vector<1x16xf32>
      tpu.vector_store %arg7[%swap3A_870, %swap3A_871], %swap3A_874 {strides = array<i32>} : memref<512x32xf32, #tpu.memory_space<vmem>>, vector<1x16xf32>,
      %mul3A_875 = arith.constant 2.000000e-02 : f32
      %mul3A_876 = vector.broadcast %mul3A_875 : f32 to vector<16xf32>
      %mul3A_877 = arith.mulf %scan3A_865#1, %mul3A_876 : vector<16xf32>
      %swap3A_878 = arith.index_cast %mul3A_858 : i32 to index
      %swap3A_879 = arith.constant 16 : index
      %swap3A_880 = tpu.vector_load %arg7[%swap3A_878, %swap3A_879] {strides = array<i32>} : memref<512x32xf32, #tpu.memory_space<vmem>>, vector<1x16xf32>,
      %swap3A_881 = vector.shape_cast %swap3A_880 : vector<1x16xf32> to vector<16xf32>
      %swap3A_882 = vector.shape_cast %mul3A_877 : vector<16xf32> to vector<1x16xf32>
      tpu.vector_store %arg7[%swap3A_878, %swap3A_879], %swap3A_882 {strides = array<i32>} : memref<512x32xf32, #tpu.memory_space<vmem>>, vector<1x16xf32>,
      %mul3A_883 = arith.constant 2.000000e-02 : f32
      %mul3A_884 = vector.broadcast %mul3A_883 : f32 to vector<16xf32>
      %mul3A_885 = arith.mulf %scan3A_865#2, %mul3A_884 : vector<16xf32>
      %add3A_886 = arith.constant 1 : i32
      %add3A_887 = arith.addi %mul3A_858, %add3A_886 : i32
      %swap3A_888 = arith.index_cast %add3A_887 : i32 to index
      %swap3A_889 = arith.constant 0 : index
      %swap3A_890 = tpu.vector_load %arg7[%swap3A_888, %swap3A_889] {strides = array<i32>} : memref<512x32xf32, #tpu.memory_space<vmem>>, vector<1x16xf32>,
      %swap3A_891 = vector.shape_cast %swap3A_890 : vector<1x16xf32> to vector<16xf32>
      %swap3A_892 = vector.shape_cast %mul3A_885 : vector<16xf32> to vector<1x16xf32>
      tpu.vector_store %arg7[%swap3A_888, %swap3A_889], %swap3A_892 {strides = array<i32>} : memref<512x32xf32, #tpu.memory_space<vmem>>, vector<1x16xf32>,
      %mul3A_893 = arith.constant 2.000000e-02 : f32
      %mul3A_894 = vector.broadcast %mul3A_893 : f32 to vector<16xf32>
      %mul3A_895 = arith.mulf %scan3A_865#3, %mul3A_894 : vector<16xf32>
      %add3A_896 = arith.constant 1 : i32
      %add3A_897 = arith.addi %mul3A_858, %add3A_896 : i32
      %swap3A_898 = arith.index_cast %add3A_897 : i32 to index
      %swap3A_899 = arith.constant 16 : index
      %swap3A_900 = tpu.vector_load %arg7[%swap3A_898, %swap3A_899] {strides = array<i32>} : memref<512x32xf32, #tpu.memory_space<vmem>>, vector<1x16xf32>,
      %swap3A_901 = vector.shape_cast %swap3A_900 : vector<1x16xf32> to vector<16xf32>
      %swap3A_902 = vector.shape_cast %mul3A_895 : vector<16xf32> to vector<1x16xf32>
      tpu.vector_store %arg7[%swap3A_898, %swap3A_899], %swap3A_902 {strides = array<i32>} : memref<512x32xf32, #tpu.memory_space<vmem>>, vector<1x16xf32>,
      %add3A_903 = arith.constant 8 : i32
      %add3A_904 = arith.addi %mul3A_107, %add3A_903 : i32
      %add3A_905 = arith.constant 2 : i32
      %add3A_906 = arith.addi %add3A_904, %add3A_905 : i32
      %mul3A_907 = arith.constant 2 : i32
      %mul3A_908 = arith.muli %add3A_906, %mul3A_907 : i32
      %broadcast_in_dim3A_909 = arith.constant 0.000000e+00 : f32
      %broadcast_in_dim3A_910 = vector.broadcast %broadcast_in_dim3A_909 : f32 to vector<16xf32>
      %scan3A_911 = arith.constant 0 : i32
      %scan3A_912 = arith.constant 10 : i32
      %scan3A_913 = arith.addi %scan3A_911, %scan3A_912 : i32
      %scan3A_914 = arith.constant 1 : i32
      %scan3A_915:4 = scf.for %scan3A_1204 = %scan3A_911 to %scan3A_913 step %scan3A_914 iter_args(%scan3A_1205 = %broadcast_in_dim3A_910, %scan3A_1206 = %broadcast_in_dim3A_910, %scan3A_1207 = %broadcast_in_dim3A_910, %scan3A_1208 = %broadcast_in_dim3A_910) -> (vector<16xf32>, vector<16xf32>, vector<16xf32>, vector<16xf32>)  : i32 {
        %mul3A_1209 = arith.constant 5 : i32
        %mul3A_1210 = arith.muli %mul3A_1209, %scan3A_1204 : i32
        %add3A_1211 = arith.constant 0 : i32
        %add3A_1212 = arith.addi %mul3A_1210, %add3A_1211 : i32
        %get3A = arith.constant 10 : i32
        %get3A_1213 = arith.index_cast %get3A : i32 to index
        %get3A_1214 = arith.index_cast %add3A_1212 : i32 to index
        %get3A_1215 = arith.constant 0 : index
        %get3A_1216 = tpu.vector_load %arg6[%get3A_1213, %get3A_1214, %get3A_1215] {strides = array<i32>} : memref<16x100x32xf32, #tpu.memory_space<vmem>>, vector<1x1x16xf32>,
        %get3A_1217 = vector.shape_cast %get3A_1216 : vector<1x1x16xf32> to vector<16xf32>
        %add3A_1218 = arith.addf %scan3A_1205, %get3A_1217 : vector<16xf32>
        %add3A_1219 = arith.constant 0 : i32
        %add3A_1220 = arith.addi %mul3A_1210, %add3A_1219 : i32
        %get3A_1221 = arith.constant 10 : i32
        %get3A_1222 = arith.index_cast %get3A_1221 : i32 to index
        %get3A_1223 = arith.index_cast %add3A_1220 : i32 to index
        %get3A_1224 = arith.constant 16 : index
        %get3A_1225 = tpu.vector_load %arg6[%get3A_1222, %get3A_1223, %get3A_1224] {strides = array<i32>} : memref<16x100x32xf32, #tpu.memory_space<vmem>>, vector<1x1x16xf32>,
        %get3A_1226 = vector.shape_cast %get3A_1225 : vector<1x1x16xf32> to vector<16xf32>
        %add3A_1227 = arith.addf %scan3A_1206, %get3A_1226 : vector<16xf32>
        %add3A_1228 = arith.constant 50 : i32
        %add3A_1229 = arith.addi %add3A_1228, %mul3A_1210 : i32
        %add3A_1230 = arith.constant 0 : i32
        %add3A_1231 = arith.addi %add3A_1229, %add3A_1230 : i32
        %get3A_1232 = arith.constant 10 : i32
        %get3A_1233 = arith.index_cast %get3A_1232 : i32 to index
        %get3A_1234 = arith.index_cast %add3A_1231 : i32 to index
        %get3A_1235 = arith.constant 0 : index
        %get3A_1236 = tpu.vector_load %arg6[%get3A_1233, %get3A_1234, %get3A_1235] {strides = array<i32>} : memref<16x100x32xf32, #tpu.memory_space<vmem>>, vector<1x1x16xf32>,
        %get3A_1237 = vector.shape_cast %get3A_1236 : vector<1x1x16xf32> to vector<16xf32>
        %add3A_1238 = arith.addf %scan3A_1207, %get3A_1237 : vector<16xf32>
        %add3A_1239 = arith.constant 50 : i32
        %add3A_1240 = arith.addi %add3A_1239, %mul3A_1210 : i32
        %add3A_1241 = arith.constant 0 : i32
        %add3A_1242 = arith.addi %add3A_1240, %add3A_1241 : i32
        %get3A_1243 = arith.constant 10 : i32
        %get3A_1244 = arith.index_cast %get3A_1243 : i32 to index
        %get3A_1245 = arith.index_cast %add3A_1242 : i32 to index
        %get3A_1246 = arith.constant 16 : index
        %get3A_1247 = tpu.vector_load %arg6[%get3A_1244, %get3A_1245, %get3A_1246] {strides = array<i32>} : memref<16x100x32xf32, #tpu.memory_space<vmem>>, vector<1x1x16xf32>,
        %get3A_1248 = vector.shape_cast %get3A_1247 : vector<1x1x16xf32> to vector<16xf32>
        %add3A_1249 = arith.addf %scan3A_1208, %get3A_1248 : vector<16xf32>
        %add3A_1250 = arith.constant 1 : i32
        %add3A_1251 = arith.addi %mul3A_1210, %add3A_1250 : i32
        %get3A_1252 = arith.constant 10 : i32
        %get3A_1253 = arith.index_cast %get3A_1252 : i32 to index
        %get3A_1254 = arith.index_cast %add3A_1251 : i32 to index
        %get3A_1255 = arith.constant 0 : index
        %get3A_1256 = tpu.vector_load %arg6[%get3A_1253, %get3A_1254, %get3A_1255] {strides = array<i32>} : memref<16x100x32xf32, #tpu.memory_space<vmem>>, vector<1x1x16xf32>,
        %get3A_1257 = vector.shape_cast %get3A_1256 : vector<1x1x16xf32> to vector<16xf32>
        %add3A_1258 = arith.addf %add3A_1218, %get3A_1257 : vector<16xf32>
        %add3A_1259 = arith.constant 1 : i32
        %add3A_1260 = arith.addi %mul3A_1210, %add3A_1259 : i32
        %get3A_1261 = arith.constant 10 : i32
        %get3A_1262 = arith.index_cast %get3A_1261 : i32 to index
        %get3A_1263 = arith.index_cast %add3A_1260 : i32 to index
        %get3A_1264 = arith.constant 16 : index
        %get3A_1265 = tpu.vector_load %arg6[%get3A_1262, %get3A_1263, %get3A_1264] {strides = array<i32>} : memref<16x100x32xf32, #tpu.memory_space<vmem>>, vector<1x1x16xf32>,
        %get3A_1266 = vector.shape_cast %get3A_1265 : vector<1x1x16xf32> to vector<16xf32>
        %add3A_1267 = arith.addf %add3A_1227, %get3A_1266 : vector<16xf32>
        %add3A_1268 = arith.constant 50 : i32
        %add3A_1269 = arith.addi %add3A_1268, %mul3A_1210 : i32
        %add3A_1270 = arith.constant 1 : i32
        %add3A_1271 = arith.addi %add3A_1269, %add3A_1270 : i32
        %get3A_1272 = arith.constant 10 : i32
        %get3A_1273 = arith.index_cast %get3A_1272 : i32 to index
        %get3A_1274 = arith.index_cast %add3A_1271 : i32 to index
        %get3A_1275 = arith.constant 0 : index
        %get3A_1276 = tpu.vector_load %arg6[%get3A_1273, %get3A_1274, %get3A_1275] {strides = array<i32>} : memref<16x100x32xf32, #tpu.memory_space<vmem>>, vector<1x1x16xf32>,
        %get3A_1277 = vector.shape_cast %get3A_1276 : vector<1x1x16xf32> to vector<16xf32>
        %add3A_1278 = arith.addf %add3A_1238, %get3A_1277 : vector<16xf32>
        %add3A_1279 = arith.constant 50 : i32
        %add3A_1280 = arith.addi %add3A_1279, %mul3A_1210 : i32
        %add3A_1281 = arith.constant 1 : i32
        %add3A_1282 = arith.addi %add3A_1280, %add3A_1281 : i32
        %get3A_1283 = arith.constant 10 : i32
        %get3A_1284 = arith.index_cast %get3A_1283 : i32 to index
        %get3A_1285 = arith.index_cast %add3A_1282 : i32 to index
        %get3A_1286 = arith.constant 16 : index
        %get3A_1287 = tpu.vector_load %arg6[%get3A_1284, %get3A_1285, %get3A_1286] {strides = array<i32>} : memref<16x100x32xf32, #tpu.memory_space<vmem>>, vector<1x1x16xf32>,
        %get3A_1288 = vector.shape_cast %get3A_1287 : vector<1x1x16xf32> to vector<16xf32>
        %add3A_1289 = arith.addf %add3A_1249, %get3A_1288 : vector<16xf32>
        %add3A_1290 = arith.constant 2 : i32
        %add3A_1291 = arith.addi %mul3A_1210, %add3A_1290 : i32
        %get3A_1292 = arith.constant 10 : i32
        %get3A_1293 = arith.index_cast %get3A_1292 : i32 to index
        %get3A_1294 = arith.index_cast %add3A_1291 : i32 to index
        %get3A_1295 = arith.constant 0 : index
        %get3A_1296 = tpu.vector_load %arg6[%get3A_1293, %get3A_1294, %get3A_1295] {strides = array<i32>} : memref<16x100x32xf32, #tpu.memory_space<vmem>>, vector<1x1x16xf32>,
        %get3A_1297 = vector.shape_cast %get3A_1296 : vector<1x1x16xf32> to vector<16xf32>
        %add3A_1298 = arith.addf %add3A_1258, %get3A_1297 : vector<16xf32>
        %add3A_1299 = arith.constant 2 : i32
        %add3A_1300 = arith.addi %mul3A_1210, %add3A_1299 : i32
        %get3A_1301 = arith.constant 10 : i32
        %get3A_1302 = arith.index_cast %get3A_1301 : i32 to index
        %get3A_1303 = arith.index_cast %add3A_1300 : i32 to index
        %get3A_1304 = arith.constant 16 : index
        %get3A_1305 = tpu.vector_load %arg6[%get3A_1302, %get3A_1303, %get3A_1304] {strides = array<i32>} : memref<16x100x32xf32, #tpu.memory_space<vmem>>, vector<1x1x16xf32>,
        %get3A_1306 = vector.shape_cast %get3A_1305 : vector<1x1x16xf32> to vector<16xf32>
        %add3A_1307 = arith.addf %add3A_1267, %get3A_1306 : vector<16xf32>
        %add3A_1308 = arith.constant 50 : i32
        %add3A_1309 = arith.addi %add3A_1308, %mul3A_1210 : i32
        %add3A_1310 = arith.constant 2 : i32
        %add3A_1311 = arith.addi %add3A_1309, %add3A_1310 : i32
        %get3A_1312 = arith.constant 10 : i32
        %get3A_1313 = arith.index_cast %get3A_1312 : i32 to index
        %get3A_1314 = arith.index_cast %add3A_1311 : i32 to index
        %get3A_1315 = arith.constant 0 : index
        %get3A_1316 = tpu.vector_load %arg6[%get3A_1313, %get3A_1314, %get3A_1315] {strides = array<i32>} : memref<16x100x32xf32, #tpu.memory_space<vmem>>, vector<1x1x16xf32>,
        %get3A_1317 = vector.shape_cast %get3A_1316 : vector<1x1x16xf32> to vector<16xf32>
        %add3A_1318 = arith.addf %add3A_1278, %get3A_1317 : vector<16xf32>
        %add3A_1319 = arith.constant 50 : i32
        %add3A_1320 = arith.addi %add3A_1319, %mul3A_1210 : i32
        %add3A_1321 = arith.constant 2 : i32
        %add3A_1322 = arith.addi %add3A_1320, %add3A_1321 : i32
        %get3A_1323 = arith.constant 10 : i32
        %get3A_1324 = arith.index_cast %get3A_1323 : i32 to index
        %get3A_1325 = arith.index_cast %add3A_1322 : i32 to index
        %get3A_1326 = arith.constant 16 : index
        %get3A_1327 = tpu.vector_load %arg6[%get3A_1324, %get3A_1325, %get3A_1326] {strides = array<i32>} : memref<16x100x32xf32, #tpu.memory_space<vmem>>, vector<1x1x16xf32>,
        %get3A_1328 = vector.shape_cast %get3A_1327 : vector<1x1x16xf32> to vector<16xf32>
        %add3A_1329 = arith.addf %add3A_1289, %get3A_1328 : vector<16xf32>
        %add3A_1330 = arith.constant 3 : i32
        %add3A_1331 = arith.addi %mul3A_1210, %add3A_1330 : i32
        %get3A_1332 = arith.constant 10 : i32
        %get3A_1333 = arith.index_cast %get3A_1332 : i32 to index
        %get3A_1334 = arith.index_cast %add3A_1331 : i32 to index
        %get3A_1335 = arith.constant 0 : index
        %get3A_1336 = tpu.vector_load %arg6[%get3A_1333, %get3A_1334, %get3A_1335] {strides = array<i32>} : memref<16x100x32xf32, #tpu.memory_space<vmem>>, vector<1x1x16xf32>,
        %get3A_1337 = vector.shape_cast %get3A_1336 : vector<1x1x16xf32> to vector<16xf32>
        %add3A_1338 = arith.addf %add3A_1298, %get3A_1337 : vector<16xf32>
        %add3A_1339 = arith.constant 3 : i32
        %add3A_1340 = arith.addi %mul3A_1210, %add3A_1339 : i32
        %get3A_1341 = arith.constant 10 : i32
        %get3A_1342 = arith.index_cast %get3A_1341 : i32 to index
        %get3A_1343 = arith.index_cast %add3A_1340 : i32 to index
        %get3A_1344 = arith.constant 16 : index
        %get3A_1345 = tpu.vector_load %arg6[%get3A_1342, %get3A_1343, %get3A_1344] {strides = array<i32>} : memref<16x100x32xf32, #tpu.memory_space<vmem>>, vector<1x1x16xf32>,
        %get3A_1346 = vector.shape_cast %get3A_1345 : vector<1x1x16xf32> to vector<16xf32>
        %add3A_1347 = arith.addf %add3A_1307, %get3A_1346 : vector<16xf32>
        %add3A_1348 = arith.constant 50 : i32
        %add3A_1349 = arith.addi %add3A_1348, %mul3A_1210 : i32
        %add3A_1350 = arith.constant 3 : i32
        %add3A_1351 = arith.addi %add3A_1349, %add3A_1350 : i32
        %get3A_1352 = arith.constant 10 : i32
        %get3A_1353 = arith.index_cast %get3A_1352 : i32 to index
        %get3A_1354 = arith.index_cast %add3A_1351 : i32 to index
        %get3A_1355 = arith.constant 0 : index
        %get3A_1356 = tpu.vector_load %arg6[%get3A_1353, %get3A_1354, %get3A_1355] {strides = array<i32>} : memref<16x100x32xf32, #tpu.memory_space<vmem>>, vector<1x1x16xf32>,
        %get3A_1357 = vector.shape_cast %get3A_1356 : vector<1x1x16xf32> to vector<16xf32>
        %add3A_1358 = arith.addf %add3A_1318, %get3A_1357 : vector<16xf32>
        %add3A_1359 = arith.constant 50 : i32
        %add3A_1360 = arith.addi %add3A_1359, %mul3A_1210 : i32
        %add3A_1361 = arith.constant 3 : i32
        %add3A_1362 = arith.addi %add3A_1360, %add3A_1361 : i32
        %get3A_1363 = arith.constant 10 : i32
        %get3A_1364 = arith.index_cast %get3A_1363 : i32 to index
        %get3A_1365 = arith.index_cast %add3A_1362 : i32 to index
        %get3A_1366 = arith.constant 16 : index
        %get3A_1367 = tpu.vector_load %arg6[%get3A_1364, %get3A_1365, %get3A_1366] {strides = array<i32>} : memref<16x100x32xf32, #tpu.memory_space<vmem>>, vector<1x1x16xf32>,
        %get3A_1368 = vector.shape_cast %get3A_1367 : vector<1x1x16xf32> to vector<16xf32>
        %add3A_1369 = arith.addf %add3A_1329, %get3A_1368 : vector<16xf32>
        %add3A_1370 = arith.constant 4 : i32
        %add3A_1371 = arith.addi %mul3A_1210, %add3A_1370 : i32
        %get3A_1372 = arith.constant 10 : i32
        %get3A_1373 = arith.index_cast %get3A_1372 : i32 to index
        %get3A_1374 = arith.index_cast %add3A_1371 : i32 to index
        %get3A_1375 = arith.constant 0 : index
        %get3A_1376 = tpu.vector_load %arg6[%get3A_1373, %get3A_1374, %get3A_1375] {strides = array<i32>} : memref<16x100x32xf32, #tpu.memory_space<vmem>>, vector<1x1x16xf32>,
        %get3A_1377 = vector.shape_cast %get3A_1376 : vector<1x1x16xf32> to vector<16xf32>
        %add3A_1378 = arith.addf %add3A_1338, %get3A_1377 : vector<16xf32>
        %add3A_1379 = arith.constant 4 : i32
        %add3A_1380 = arith.addi %mul3A_1210, %add3A_1379 : i32
        %get3A_1381 = arith.constant 10 : i32
        %get3A_1382 = arith.index_cast %get3A_1381 : i32 to index
        %get3A_1383 = arith.index_cast %add3A_1380 : i32 to index
        %get3A_1384 = arith.constant 16 : index
        %get3A_1385 = tpu.vector_load %arg6[%get3A_1382, %get3A_1383, %get3A_1384] {strides = array<i32>} : memref<16x100x32xf32, #tpu.memory_space<vmem>>, vector<1x1x16xf32>,
        %get3A_1386 = vector.shape_cast %get3A_1385 : vector<1x1x16xf32> to vector<16xf32>
        %add3A_1387 = arith.addf %add3A_1347, %get3A_1386 : vector<16xf32>
        %add3A_1388 = arith.constant 50 : i32
        %add3A_1389 = arith.addi %add3A_1388, %mul3A_1210 : i32
        %add3A_1390 = arith.constant 4 : i32
        %add3A_1391 = arith.addi %add3A_1389, %add3A_1390 : i32
        %get3A_1392 = arith.constant 10 : i32
        %get3A_1393 = arith.index_cast %get3A_1392 : i32 to index
        %get3A_1394 = arith.index_cast %add3A_1391 : i32 to index
        %get3A_1395 = arith.constant 0 : index
        %get3A_1396 = tpu.vector_load %arg6[%get3A_1393, %get3A_1394, %get3A_1395] {strides = array<i32>} : memref<16x100x32xf32, #tpu.memory_space<vmem>>, vector<1x1x16xf32>,
        %get3A_1397 = vector.shape_cast %get3A_1396 : vector<1x1x16xf32> to vector<16xf32>
        %add3A_1398 = arith.addf %add3A_1358, %get3A_1397 : vector<16xf32>
        %add3A_1399 = arith.constant 50 : i32
        %add3A_1400 = arith.addi %add3A_1399, %mul3A_1210 : i32
        %add3A_1401 = arith.constant 4 : i32
        %add3A_1402 = arith.addi %add3A_1400, %add3A_1401 : i32
        %get3A_1403 = arith.constant 10 : i32
        %get3A_1404 = arith.index_cast %get3A_1403 : i32 to index
        %get3A_1405 = arith.index_cast %add3A_1402 : i32 to index
        %get3A_1406 = arith.constant 16 : index
        %get3A_1407 = tpu.vector_load %arg6[%get3A_1404, %get3A_1405, %get3A_1406] {strides = array<i32>} : memref<16x100x32xf32, #tpu.memory_space<vmem>>, vector<1x1x16xf32>,
        %get3A_1408 = vector.shape_cast %get3A_1407 : vector<1x1x16xf32> to vector<16xf32>
        %add3A_1409 = arith.addf %add3A_1369, %get3A_1408 : vector<16xf32>
        scf.yield %add3A_1378, %add3A_1387, %add3A_1398, %add3A_1409 : vector<16xf32>, vector<16xf32>, vector<16xf32>, vector<16xf32>
      }
      %scan3A_916 = arith.constant 10 : i32
      %mul3A_917 = arith.constant 2.000000e-02 : f32
      %mul3A_918 = vector.broadcast %mul3A_917 : f32 to vector<16xf32>
      %mul3A_919 = arith.mulf %scan3A_915#0, %mul3A_918 : vector<16xf32>
      %swap3A_920 = arith.index_cast %mul3A_908 : i32 to index
      %swap3A_921 = arith.constant 0 : index
      %swap3A_922 = tpu.vector_load %arg7[%swap3A_920, %swap3A_921] {strides = array<i32>} : memref<512x32xf32, #tpu.memory_space<vmem>>, vector<1x16xf32>,
      %swap3A_923 = vector.shape_cast %swap3A_922 : vector<1x16xf32> to vector<16xf32>
      %swap3A_924 = vector.shape_cast %mul3A_919 : vector<16xf32> to vector<1x16xf32>
      tpu.vector_store %arg7[%swap3A_920, %swap3A_921], %swap3A_924 {strides = array<i32>} : memref<512x32xf32, #tpu.memory_space<vmem>>, vector<1x16xf32>,
      %mul3A_925 = arith.constant 2.000000e-02 : f32
      %mul3A_926 = vector.broadcast %mul3A_925 : f32 to vector<16xf32>
      %mul3A_927 = arith.mulf %scan3A_915#1, %mul3A_926 : vector<16xf32>
      %swap3A_928 = arith.index_cast %mul3A_908 : i32 to index
      %swap3A_929 = arith.constant 16 : index
      %swap3A_930 = tpu.vector_load %arg7[%swap3A_928, %swap3A_929] {strides = array<i32>} : memref<512x32xf32, #tpu.memory_space<vmem>>, vector<1x16xf32>,
      %swap3A_931 = vector.shape_cast %swap3A_930 : vector<1x16xf32> to vector<16xf32>
      %swap3A_932 = vector.shape_cast %mul3A_927 : vector<16xf32> to vector<1x16xf32>
      tpu.vector_store %arg7[%swap3A_928, %swap3A_929], %swap3A_932 {strides = array<i32>} : memref<512x32xf32, #tpu.memory_space<vmem>>, vector<1x16xf32>,
      %mul3A_933 = arith.constant 2.000000e-02 : f32
      %mul3A_934 = vector.broadcast %mul3A_933 : f32 to vector<16xf32>
      %mul3A_935 = arith.mulf %scan3A_915#2, %mul3A_934 : vector<16xf32>
      %add3A_936 = arith.constant 1 : i32
      %add3A_937 = arith.addi %mul3A_908, %add3A_936 : i32
      %swap3A_938 = arith.index_cast %add3A_937 : i32 to index
      %swap3A_939 = arith.constant 0 : index
      %swap3A_940 = tpu.vector_load %arg7[%swap3A_938, %swap3A_939] {strides = array<i32>} : memref<512x32xf32, #tpu.memory_space<vmem>>, vector<1x16xf32>,
      %swap3A_941 = vector.shape_cast %swap3A_940 : vector<1x16xf32> to vector<16xf32>
      %swap3A_942 = vector.shape_cast %mul3A_935 : vector<16xf32> to vector<1x16xf32>
      tpu.vector_store %arg7[%swap3A_938, %swap3A_939], %swap3A_942 {strides = array<i32>} : memref<512x32xf32, #tpu.memory_space<vmem>>, vector<1x16xf32>,
      %mul3A_943 = arith.constant 2.000000e-02 : f32
      %mul3A_944 = vector.broadcast %mul3A_943 : f32 to vector<16xf32>
      %mul3A_945 = arith.mulf %scan3A_915#3, %mul3A_944 : vector<16xf32>
      %add3A_946 = arith.constant 1 : i32
      %add3A_947 = arith.addi %mul3A_908, %add3A_946 : i32
      %swap3A_948 = arith.index_cast %add3A_947 : i32 to index
      %swap3A_949 = arith.constant 16 : index
      %swap3A_950 = tpu.vector_load %arg7[%swap3A_948, %swap3A_949] {strides = array<i32>} : memref<512x32xf32, #tpu.memory_space<vmem>>, vector<1x16xf32>,
      %swap3A_951 = vector.shape_cast %swap3A_950 : vector<1x16xf32> to vector<16xf32>
      %swap3A_952 = vector.shape_cast %mul3A_945 : vector<16xf32> to vector<1x16xf32>
      tpu.vector_store %arg7[%swap3A_948, %swap3A_949], %swap3A_952 {strides = array<i32>} : memref<512x32xf32, #tpu.memory_space<vmem>>, vector<1x16xf32>,
      %add3A_953 = arith.constant 8 : i32
      %add3A_954 = arith.addi %mul3A_107, %add3A_953 : i32
      %add3A_955 = arith.constant 3 : i32
      %add3A_956 = arith.addi %add3A_954, %add3A_955 : i32
      %mul3A_957 = arith.constant 2 : i32
      %mul3A_958 = arith.muli %add3A_956, %mul3A_957 : i32
      %broadcast_in_dim3A_959 = arith.constant 0.000000e+00 : f32
      %broadcast_in_dim3A_960 = vector.broadcast %broadcast_in_dim3A_959 : f32 to vector<16xf32>
      %scan3A_961 = arith.constant 0 : i32
      %scan3A_962 = arith.constant 10 : i32
      %scan3A_963 = arith.addi %scan3A_961, %scan3A_962 : i32
      %scan3A_964 = arith.constant 1 : i32
      %scan3A_965:4 = scf.for %scan3A_1204 = %scan3A_961 to %scan3A_963 step %scan3A_964 iter_args(%scan3A_1205 = %broadcast_in_dim3A_960, %scan3A_1206 = %broadcast_in_dim3A_960, %scan3A_1207 = %broadcast_in_dim3A_960, %scan3A_1208 = %broadcast_in_dim3A_960) -> (vector<16xf32>, vector<16xf32>, vector<16xf32>, vector<16xf32>)  : i32 {
        %mul3A_1209 = arith.constant 5 : i32
        %mul3A_1210 = arith.muli %mul3A_1209, %scan3A_1204 : i32
        %add3A_1211 = arith.constant 0 : i32
        %add3A_1212 = arith.addi %mul3A_1210, %add3A_1211 : i32
        %get3A = arith.constant 11 : i32
        %get3A_1213 = arith.index_cast %get3A : i32 to index
        %get3A_1214 = arith.index_cast %add3A_1212 : i32 to index
        %get3A_1215 = arith.constant 0 : index
        %get3A_1216 = tpu.vector_load %arg6[%get3A_1213, %get3A_1214, %get3A_1215] {strides = array<i32>} : memref<16x100x32xf32, #tpu.memory_space<vmem>>, vector<1x1x16xf32>,
        %get3A_1217 = vector.shape_cast %get3A_1216 : vector<1x1x16xf32> to vector<16xf32>
        %add3A_1218 = arith.addf %scan3A_1205, %get3A_1217 : vector<16xf32>
        %add3A_1219 = arith.constant 0 : i32
        %add3A_1220 = arith.addi %mul3A_1210, %add3A_1219 : i32
        %get3A_1221 = arith.constant 11 : i32
        %get3A_1222 = arith.index_cast %get3A_1221 : i32 to index
        %get3A_1223 = arith.index_cast %add3A_1220 : i32 to index
        %get3A_1224 = arith.constant 16 : index
        %get3A_1225 = tpu.vector_load %arg6[%get3A_1222, %get3A_1223, %get3A_1224] {strides = array<i32>} : memref<16x100x32xf32, #tpu.memory_space<vmem>>, vector<1x1x16xf32>,
        %get3A_1226 = vector.shape_cast %get3A_1225 : vector<1x1x16xf32> to vector<16xf32>
        %add3A_1227 = arith.addf %scan3A_1206, %get3A_1226 : vector<16xf32>
        %add3A_1228 = arith.constant 50 : i32
        %add3A_1229 = arith.addi %add3A_1228, %mul3A_1210 : i32
        %add3A_1230 = arith.constant 0 : i32
        %add3A_1231 = arith.addi %add3A_1229, %add3A_1230 : i32
        %get3A_1232 = arith.constant 11 : i32
        %get3A_1233 = arith.index_cast %get3A_1232 : i32 to index
        %get3A_1234 = arith.index_cast %add3A_1231 : i32 to index
        %get3A_1235 = arith.constant 0 : index
        %get3A_1236 = tpu.vector_load %arg6[%get3A_1233, %get3A_1234, %get3A_1235] {strides = array<i32>} : memref<16x100x32xf32, #tpu.memory_space<vmem>>, vector<1x1x16xf32>,
        %get3A_1237 = vector.shape_cast %get3A_1236 : vector<1x1x16xf32> to vector<16xf32>
        %add3A_1238 = arith.addf %scan3A_1207, %get3A_1237 : vector<16xf32>
        %add3A_1239 = arith.constant 50 : i32
        %add3A_1240 = arith.addi %add3A_1239, %mul3A_1210 : i32
        %add3A_1241 = arith.constant 0 : i32
        %add3A_1242 = arith.addi %add3A_1240, %add3A_1241 : i32
        %get3A_1243 = arith.constant 11 : i32
        %get3A_1244 = arith.index_cast %get3A_1243 : i32 to index
        %get3A_1245 = arith.index_cast %add3A_1242 : i32 to index
        %get3A_1246 = arith.constant 16 : index
        %get3A_1247 = tpu.vector_load %arg6[%get3A_1244, %get3A_1245, %get3A_1246] {strides = array<i32>} : memref<16x100x32xf32, #tpu.memory_space<vmem>>, vector<1x1x16xf32>,
        %get3A_1248 = vector.shape_cast %get3A_1247 : vector<1x1x16xf32> to vector<16xf32>
        %add3A_1249 = arith.addf %scan3A_1208, %get3A_1248 : vector<16xf32>
        %add3A_1250 = arith.constant 1 : i32
        %add3A_1251 = arith.addi %mul3A_1210, %add3A_1250 : i32
        %get3A_1252 = arith.constant 11 : i32
        %get3A_1253 = arith.index_cast %get3A_1252 : i32 to index
        %get3A_1254 = arith.index_cast %add3A_1251 : i32 to index
        %get3A_1255 = arith.constant 0 : index
        %get3A_1256 = tpu.vector_load %arg6[%get3A_1253, %get3A_1254, %get3A_1255] {strides = array<i32>} : memref<16x100x32xf32, #tpu.memory_space<vmem>>, vector<1x1x16xf32>,
        %get3A_1257 = vector.shape_cast %get3A_1256 : vector<1x1x16xf32> to vector<16xf32>
        %add3A_1258 = arith.addf %add3A_1218, %get3A_1257 : vector<16xf32>
        %add3A_1259 = arith.constant 1 : i32
        %add3A_1260 = arith.addi %mul3A_1210, %add3A_1259 : i32
        %get3A_1261 = arith.constant 11 : i32
        %get3A_1262 = arith.index_cast %get3A_1261 : i32 to index
        %get3A_1263 = arith.index_cast %add3A_1260 : i32 to index
        %get3A_1264 = arith.constant 16 : index
        %get3A_1265 = tpu.vector_load %arg6[%get3A_1262, %get3A_1263, %get3A_1264] {strides = array<i32>} : memref<16x100x32xf32, #tpu.memory_space<vmem>>, vector<1x1x16xf32>,
        %get3A_1266 = vector.shape_cast %get3A_1265 : vector<1x1x16xf32> to vector<16xf32>
        %add3A_1267 = arith.addf %add3A_1227, %get3A_1266 : vector<16xf32>
        %add3A_1268 = arith.constant 50 : i32
        %add3A_1269 = arith.addi %add3A_1268, %mul3A_1210 : i32
        %add3A_1270 = arith.constant 1 : i32
        %add3A_1271 = arith.addi %add3A_1269, %add3A_1270 : i32
        %get3A_1272 = arith.constant 11 : i32
        %get3A_1273 = arith.index_cast %get3A_1272 : i32 to index
        %get3A_1274 = arith.index_cast %add3A_1271 : i32 to index
        %get3A_1275 = arith.constant 0 : index
        %get3A_1276 = tpu.vector_load %arg6[%get3A_1273, %get3A_1274, %get3A_1275] {strides = array<i32>} : memref<16x100x32xf32, #tpu.memory_space<vmem>>, vector<1x1x16xf32>,
        %get3A_1277 = vector.shape_cast %get3A_1276 : vector<1x1x16xf32> to vector<16xf32>
        %add3A_1278 = arith.addf %add3A_1238, %get3A_1277 : vector<16xf32>
        %add3A_1279 = arith.constant 50 : i32
        %add3A_1280 = arith.addi %add3A_1279, %mul3A_1210 : i32
        %add3A_1281 = arith.constant 1 : i32
        %add3A_1282 = arith.addi %add3A_1280, %add3A_1281 : i32
        %get3A_1283 = arith.constant 11 : i32
        %get3A_1284 = arith.index_cast %get3A_1283 : i32 to index
        %get3A_1285 = arith.index_cast %add3A_1282 : i32 to index
        %get3A_1286 = arith.constant 16 : index
        %get3A_1287 = tpu.vector_load %arg6[%get3A_1284, %get3A_1285, %get3A_1286] {strides = array<i32>} : memref<16x100x32xf32, #tpu.memory_space<vmem>>, vector<1x1x16xf32>,
        %get3A_1288 = vector.shape_cast %get3A_1287 : vector<1x1x16xf32> to vector<16xf32>
        %add3A_1289 = arith.addf %add3A_1249, %get3A_1288 : vector<16xf32>
        %add3A_1290 = arith.constant 2 : i32
        %add3A_1291 = arith.addi %mul3A_1210, %add3A_1290 : i32
        %get3A_1292 = arith.constant 11 : i32
        %get3A_1293 = arith.index_cast %get3A_1292 : i32 to index
        %get3A_1294 = arith.index_cast %add3A_1291 : i32 to index
        %get3A_1295 = arith.constant 0 : index
        %get3A_1296 = tpu.vector_load %arg6[%get3A_1293, %get3A_1294, %get3A_1295] {strides = array<i32>} : memref<16x100x32xf32, #tpu.memory_space<vmem>>, vector<1x1x16xf32>,
        %get3A_1297 = vector.shape_cast %get3A_1296 : vector<1x1x16xf32> to vector<16xf32>
        %add3A_1298 = arith.addf %add3A_1258, %get3A_1297 : vector<16xf32>
        %add3A_1299 = arith.constant 2 : i32
        %add3A_1300 = arith.addi %mul3A_1210, %add3A_1299 : i32
        %get3A_1301 = arith.constant 11 : i32
        %get3A_1302 = arith.index_cast %get3A_1301 : i32 to index
        %get3A_1303 = arith.index_cast %add3A_1300 : i32 to index
        %get3A_1304 = arith.constant 16 : index
        %get3A_1305 = tpu.vector_load %arg6[%get3A_1302, %get3A_1303, %get3A_1304] {strides = array<i32>} : memref<16x100x32xf32, #tpu.memory_space<vmem>>, vector<1x1x16xf32>,
        %get3A_1306 = vector.shape_cast %get3A_1305 : vector<1x1x16xf32> to vector<16xf32>
        %add3A_1307 = arith.addf %add3A_1267, %get3A_1306 : vector<16xf32>
        %add3A_1308 = arith.constant 50 : i32
        %add3A_1309 = arith.addi %add3A_1308, %mul3A_1210 : i32
        %add3A_1310 = arith.constant 2 : i32
        %add3A_1311 = arith.addi %add3A_1309, %add3A_1310 : i32
        %get3A_1312 = arith.constant 11 : i32
        %get3A_1313 = arith.index_cast %get3A_1312 : i32 to index
        %get3A_1314 = arith.index_cast %add3A_1311 : i32 to index
        %get3A_1315 = arith.constant 0 : index
        %get3A_1316 = tpu.vector_load %arg6[%get3A_1313, %get3A_1314, %get3A_1315] {strides = array<i32>} : memref<16x100x32xf32, #tpu.memory_space<vmem>>, vector<1x1x16xf32>,
        %get3A_1317 = vector.shape_cast %get3A_1316 : vector<1x1x16xf32> to vector<16xf32>
        %add3A_1318 = arith.addf %add3A_1278, %get3A_1317 : vector<16xf32>
        %add3A_1319 = arith.constant 50 : i32
        %add3A_1320 = arith.addi %add3A_1319, %mul3A_1210 : i32
        %add3A_1321 = arith.constant 2 : i32
        %add3A_1322 = arith.addi %add3A_1320, %add3A_1321 : i32
        %get3A_1323 = arith.constant 11 : i32
        %get3A_1324 = arith.index_cast %get3A_1323 : i32 to index
        %get3A_1325 = arith.index_cast %add3A_1322 : i32 to index
        %get3A_1326 = arith.constant 16 : index
        %get3A_1327 = tpu.vector_load %arg6[%get3A_1324, %get3A_1325, %get3A_1326] {strides = array<i32>} : memref<16x100x32xf32, #tpu.memory_space<vmem>>, vector<1x1x16xf32>,
        %get3A_1328 = vector.shape_cast %get3A_1327 : vector<1x1x16xf32> to vector<16xf32>
        %add3A_1329 = arith.addf %add3A_1289, %get3A_1328 : vector<16xf32>
        %add3A_1330 = arith.constant 3 : i32
        %add3A_1331 = arith.addi %mul3A_1210, %add3A_1330 : i32
        %get3A_1332 = arith.constant 11 : i32
        %get3A_1333 = arith.index_cast %get3A_1332 : i32 to index
        %get3A_1334 = arith.index_cast %add3A_1331 : i32 to index
        %get3A_1335 = arith.constant 0 : index
        %get3A_1336 = tpu.vector_load %arg6[%get3A_1333, %get3A_1334, %get3A_1335] {strides = array<i32>} : memref<16x100x32xf32, #tpu.memory_space<vmem>>, vector<1x1x16xf32>,
        %get3A_1337 = vector.shape_cast %get3A_1336 : vector<1x1x16xf32> to vector<16xf32>
        %add3A_1338 = arith.addf %add3A_1298, %get3A_1337 : vector<16xf32>
        %add3A_1339 = arith.constant 3 : i32
        %add3A_1340 = arith.addi %mul3A_1210, %add3A_1339 : i32
        %get3A_1341 = arith.constant 11 : i32
        %get3A_1342 = arith.index_cast %get3A_1341 : i32 to index
        %get3A_1343 = arith.index_cast %add3A_1340 : i32 to index
        %get3A_1344 = arith.constant 16 : index
        %get3A_1345 = tpu.vector_load %arg6[%get3A_1342, %get3A_1343, %get3A_1344] {strides = array<i32>} : memref<16x100x32xf32, #tpu.memory_space<vmem>>, vector<1x1x16xf32>,
        %get3A_1346 = vector.shape_cast %get3A_1345 : vector<1x1x16xf32> to vector<16xf32>
        %add3A_1347 = arith.addf %add3A_1307, %get3A_1346 : vector<16xf32>
        %add3A_1348 = arith.constant 50 : i32
        %add3A_1349 = arith.addi %add3A_1348, %mul3A_1210 : i32
        %add3A_1350 = arith.constant 3 : i32
        %add3A_1351 = arith.addi %add3A_1349, %add3A_1350 : i32
        %get3A_1352 = arith.constant 11 : i32
        %get3A_1353 = arith.index_cast %get3A_1352 : i32 to index
        %get3A_1354 = arith.index_cast %add3A_1351 : i32 to index
        %get3A_1355 = arith.constant 0 : index
        %get3A_1356 = tpu.vector_load %arg6[%get3A_1353, %get3A_1354, %get3A_1355] {strides = array<i32>} : memref<16x100x32xf32, #tpu.memory_space<vmem>>, vector<1x1x16xf32>,
        %get3A_1357 = vector.shape_cast %get3A_1356 : vector<1x1x16xf32> to vector<16xf32>
        %add3A_1358 = arith.addf %add3A_1318, %get3A_1357 : vector<16xf32>
        %add3A_1359 = arith.constant 50 : i32
        %add3A_1360 = arith.addi %add3A_1359, %mul3A_1210 : i32
        %add3A_1361 = arith.constant 3 : i32
        %add3A_1362 = arith.addi %add3A_1360, %add3A_1361 : i32
        %get3A_1363 = arith.constant 11 : i32
        %get3A_1364 = arith.index_cast %get3A_1363 : i32 to index
        %get3A_1365 = arith.index_cast %add3A_1362 : i32 to index
        %get3A_1366 = arith.constant 16 : index
        %get3A_1367 = tpu.vector_load %arg6[%get3A_1364, %get3A_1365, %get3A_1366] {strides = array<i32>} : memref<16x100x32xf32, #tpu.memory_space<vmem>>, vector<1x1x16xf32>,
        %get3A_1368 = vector.shape_cast %get3A_1367 : vector<1x1x16xf32> to vector<16xf32>
        %add3A_1369 = arith.addf %add3A_1329, %get3A_1368 : vector<16xf32>
        %add3A_1370 = arith.constant 4 : i32
        %add3A_1371 = arith.addi %mul3A_1210, %add3A_1370 : i32
        %get3A_1372 = arith.constant 11 : i32
        %get3A_1373 = arith.index_cast %get3A_1372 : i32 to index
        %get3A_1374 = arith.index_cast %add3A_1371 : i32 to index
        %get3A_1375 = arith.constant 0 : index
        %get3A_1376 = tpu.vector_load %arg6[%get3A_1373, %get3A_1374, %get3A_1375] {strides = array<i32>} : memref<16x100x32xf32, #tpu.memory_space<vmem>>, vector<1x1x16xf32>,
        %get3A_1377 = vector.shape_cast %get3A_1376 : vector<1x1x16xf32> to vector<16xf32>
        %add3A_1378 = arith.addf %add3A_1338, %get3A_1377 : vector<16xf32>
        %add3A_1379 = arith.constant 4 : i32
        %add3A_1380 = arith.addi %mul3A_1210, %add3A_1379 : i32
        %get3A_1381 = arith.constant 11 : i32
        %get3A_1382 = arith.index_cast %get3A_1381 : i32 to index
        %get3A_1383 = arith.index_cast %add3A_1380 : i32 to index
        %get3A_1384 = arith.constant 16 : index
        %get3A_1385 = tpu.vector_load %arg6[%get3A_1382, %get3A_1383, %get3A_1384] {strides = array<i32>} : memref<16x100x32xf32, #tpu.memory_space<vmem>>, vector<1x1x16xf32>,
        %get3A_1386 = vector.shape_cast %get3A_1385 : vector<1x1x16xf32> to vector<16xf32>
        %add3A_1387 = arith.addf %add3A_1347, %get3A_1386 : vector<16xf32>
        %add3A_1388 = arith.constant 50 : i32
        %add3A_1389 = arith.addi %add3A_1388, %mul3A_1210 : i32
        %add3A_1390 = arith.constant 4 : i32
        %add3A_1391 = arith.addi %add3A_1389, %add3A_1390 : i32
        %get3A_1392 = arith.constant 11 : i32
        %get3A_1393 = arith.index_cast %get3A_1392 : i32 to index
        %get3A_1394 = arith.index_cast %add3A_1391 : i32 to index
        %get3A_1395 = arith.constant 0 : index
        %get3A_1396 = tpu.vector_load %arg6[%get3A_1393, %get3A_1394, %get3A_1395] {strides = array<i32>} : memref<16x100x32xf32, #tpu.memory_space<vmem>>, vector<1x1x16xf32>,
        %get3A_1397 = vector.shape_cast %get3A_1396 : vector<1x1x16xf32> to vector<16xf32>
        %add3A_1398 = arith.addf %add3A_1358, %get3A_1397 : vector<16xf32>
        %add3A_1399 = arith.constant 50 : i32
        %add3A_1400 = arith.addi %add3A_1399, %mul3A_1210 : i32
        %add3A_1401 = arith.constant 4 : i32
        %add3A_1402 = arith.addi %add3A_1400, %add3A_1401 : i32
        %get3A_1403 = arith.constant 11 : i32
        %get3A_1404 = arith.index_cast %get3A_1403 : i32 to index
        %get3A_1405 = arith.index_cast %add3A_1402 : i32 to index
        %get3A_1406 = arith.constant 16 : index
        %get3A_1407 = tpu.vector_load %arg6[%get3A_1404, %get3A_1405, %get3A_1406] {strides = array<i32>} : memref<16x100x32xf32, #tpu.memory_space<vmem>>, vector<1x1x16xf32>,
        %get3A_1408 = vector.shape_cast %get3A_1407 : vector<1x1x16xf32> to vector<16xf32>
        %add3A_1409 = arith.addf %add3A_1369, %get3A_1408 : vector<16xf32>
        scf.yield %add3A_1378, %add3A_1387, %add3A_1398, %add3A_1409 : vector<16xf32>, vector<16xf32>, vector<16xf32>, vector<16xf32>
      }
      %scan3A_966 = arith.constant 10 : i32
      %mul3A_967 = arith.constant 2.000000e-02 : f32
      %mul3A_968 = vector.broadcast %mul3A_967 : f32 to vector<16xf32>
      %mul3A_969 = arith.mulf %scan3A_965#0, %mul3A_968 : vector<16xf32>
      %swap3A_970 = arith.index_cast %mul3A_958 : i32 to index
      %swap3A_971 = arith.constant 0 : index
      %swap3A_972 = tpu.vector_load %arg7[%swap3A_970, %swap3A_971] {strides = array<i32>} : memref<512x32xf32, #tpu.memory_space<vmem>>, vector<1x16xf32>,
      %swap3A_973 = vector.shape_cast %swap3A_972 : vector<1x16xf32> to vector<16xf32>
      %swap3A_974 = vector.shape_cast %mul3A_969 : vector<16xf32> to vector<1x16xf32>
      tpu.vector_store %arg7[%swap3A_970, %swap3A_971], %swap3A_974 {strides = array<i32>} : memref<512x32xf32, #tpu.memory_space<vmem>>, vector<1x16xf32>,
      %mul3A_975 = arith.constant 2.000000e-02 : f32
      %mul3A_976 = vector.broadcast %mul3A_975 : f32 to vector<16xf32>
      %mul3A_977 = arith.mulf %scan3A_965#1, %mul3A_976 : vector<16xf32>
      %swap3A_978 = arith.index_cast %mul3A_958 : i32 to index
      %swap3A_979 = arith.constant 16 : index
      %swap3A_980 = tpu.vector_load %arg7[%swap3A_978, %swap3A_979] {strides = array<i32>} : memref<512x32xf32, #tpu.memory_space<vmem>>, vector<1x16xf32>,
      %swap3A_981 = vector.shape_cast %swap3A_980 : vector<1x16xf32> to vector<16xf32>
      %swap3A_982 = vector.shape_cast %mul3A_977 : vector<16xf32> to vector<1x16xf32>
      tpu.vector_store %arg7[%swap3A_978, %swap3A_979], %swap3A_982 {strides = array<i32>} : memref<512x32xf32, #tpu.memory_space<vmem>>, vector<1x16xf32>,
      %mul3A_983 = arith.constant 2.000000e-02 : f32
      %mul3A_984 = vector.broadcast %mul3A_983 : f32 to vector<16xf32>
      %mul3A_985 = arith.mulf %scan3A_965#2, %mul3A_984 : vector<16xf32>
      %add3A_986 = arith.constant 1 : i32
      %add3A_987 = arith.addi %mul3A_958, %add3A_986 : i32
      %swap3A_988 = arith.index_cast %add3A_987 : i32 to index
      %swap3A_989 = arith.constant 0 : index
      %swap3A_990 = tpu.vector_load %arg7[%swap3A_988, %swap3A_989] {strides = array<i32>} : memref<512x32xf32, #tpu.memory_space<vmem>>, vector<1x16xf32>,
      %swap3A_991 = vector.shape_cast %swap3A_990 : vector<1x16xf32> to vector<16xf32>
      %swap3A_992 = vector.shape_cast %mul3A_985 : vector<16xf32> to vector<1x16xf32>
      tpu.vector_store %arg7[%swap3A_988, %swap3A_989], %swap3A_992 {strides = array<i32>} : memref<512x32xf32, #tpu.memory_space<vmem>>, vector<1x16xf32>,
      %mul3A_993 = arith.constant 2.000000e-02 : f32
      %mul3A_994 = vector.broadcast %mul3A_993 : f32 to vector<16xf32>
      %mul3A_995 = arith.mulf %scan3A_965#3, %mul3A_994 : vector<16xf32>
      %add3A_996 = arith.constant 1 : i32
      %add3A_997 = arith.addi %mul3A_958, %add3A_996 : i32
      %swap3A_998 = arith.index_cast %add3A_997 : i32 to index
      %swap3A_999 = arith.constant 16 : index
      %swap3A_1000 = tpu.vector_load %arg7[%swap3A_998, %swap3A_999] {strides = array<i32>} : memref<512x32xf32, #tpu.memory_space<vmem>>, vector<1x16xf32>,
      %swap3A_1001 = vector.shape_cast %swap3A_1000 : vector<1x16xf32> to vector<16xf32>
      %swap3A_1002 = vector.shape_cast %mul3A_995 : vector<16xf32> to vector<1x16xf32>
      tpu.vector_store %arg7[%swap3A_998, %swap3A_999], %swap3A_1002 {strides = array<i32>} : memref<512x32xf32, #tpu.memory_space<vmem>>, vector<1x16xf32>,
      %add3A_1003 = arith.constant 8 : i32
      %add3A_1004 = arith.addi %mul3A_107, %add3A_1003 : i32
      %add3A_1005 = arith.constant 4 : i32
      %add3A_1006 = arith.addi %add3A_1004, %add3A_1005 : i32
      %mul3A_1007 = arith.constant 2 : i32
      %mul3A_1008 = arith.muli %add3A_1006, %mul3A_1007 : i32
      %broadcast_in_dim3A_1009 = arith.constant 0.000000e+00 : f32
      %broadcast_in_dim3A_1010 = vector.broadcast %broadcast_in_dim3A_1009 : f32 to vector<16xf32>
      %scan3A_1011 = arith.constant 0 : i32
      %scan3A_1012 = arith.constant 10 : i32
      %scan3A_1013 = arith.addi %scan3A_1011, %scan3A_1012 : i32
      %scan3A_1014 = arith.constant 1 : i32
      %scan3A_1015:4 = scf.for %scan3A_1204 = %scan3A_1011 to %scan3A_1013 step %scan3A_1014 iter_args(%scan3A_1205 = %broadcast_in_dim3A_1010, %scan3A_1206 = %broadcast_in_dim3A_1010, %scan3A_1207 = %broadcast_in_dim3A_1010, %scan3A_1208 = %broadcast_in_dim3A_1010) -> (vector<16xf32>, vector<16xf32>, vector<16xf32>, vector<16xf32>)  : i32 {
        %mul3A_1209 = arith.constant 5 : i32
        %mul3A_1210 = arith.muli %mul3A_1209, %scan3A_1204 : i32
        %add3A_1211 = arith.constant 0 : i32
        %add3A_1212 = arith.addi %mul3A_1210, %add3A_1211 : i32
        %get3A = arith.constant 12 : i32
        %get3A_1213 = arith.index_cast %get3A : i32 to index
        %get3A_1214 = arith.index_cast %add3A_1212 : i32 to index
        %get3A_1215 = arith.constant 0 : index
        %get3A_1216 = tpu.vector_load %arg6[%get3A_1213, %get3A_1214, %get3A_1215] {strides = array<i32>} : memref<16x100x32xf32, #tpu.memory_space<vmem>>, vector<1x1x16xf32>,
        %get3A_1217 = vector.shape_cast %get3A_1216 : vector<1x1x16xf32> to vector<16xf32>
        %add3A_1218 = arith.addf %scan3A_1205, %get3A_1217 : vector<16xf32>
        %add3A_1219 = arith.constant 0 : i32
        %add3A_1220 = arith.addi %mul3A_1210, %add3A_1219 : i32
        %get3A_1221 = arith.constant 12 : i32
        %get3A_1222 = arith.index_cast %get3A_1221 : i32 to index
        %get3A_1223 = arith.index_cast %add3A_1220 : i32 to index
        %get3A_1224 = arith.constant 16 : index
        %get3A_1225 = tpu.vector_load %arg6[%get3A_1222, %get3A_1223, %get3A_1224] {strides = array<i32>} : memref<16x100x32xf32, #tpu.memory_space<vmem>>, vector<1x1x16xf32>,
        %get3A_1226 = vector.shape_cast %get3A_1225 : vector<1x1x16xf32> to vector<16xf32>
        %add3A_1227 = arith.addf %scan3A_1206, %get3A_1226 : vector<16xf32>
        %add3A_1228 = arith.constant 50 : i32
        %add3A_1229 = arith.addi %add3A_1228, %mul3A_1210 : i32
        %add3A_1230 = arith.constant 0 : i32
        %add3A_1231 = arith.addi %add3A_1229, %add3A_1230 : i32
        %get3A_1232 = arith.constant 12 : i32
        %get3A_1233 = arith.index_cast %get3A_1232 : i32 to index
        %get3A_1234 = arith.index_cast %add3A_1231 : i32 to index
        %get3A_1235 = arith.constant 0 : index
        %get3A_1236 = tpu.vector_load %arg6[%get3A_1233, %get3A_1234, %get3A_1235] {strides = array<i32>} : memref<16x100x32xf32, #tpu.memory_space<vmem>>, vector<1x1x16xf32>,
        %get3A_1237 = vector.shape_cast %get3A_1236 : vector<1x1x16xf32> to vector<16xf32>
        %add3A_1238 = arith.addf %scan3A_1207, %get3A_1237 : vector<16xf32>
        %add3A_1239 = arith.constant 50 : i32
        %add3A_1240 = arith.addi %add3A_1239, %mul3A_1210 : i32
        %add3A_1241 = arith.constant 0 : i32
        %add3A_1242 = arith.addi %add3A_1240, %add3A_1241 : i32
        %get3A_1243 = arith.constant 12 : i32
        %get3A_1244 = arith.index_cast %get3A_1243 : i32 to index
        %get3A_1245 = arith.index_cast %add3A_1242 : i32 to index
        %get3A_1246 = arith.constant 16 : index
        %get3A_1247 = tpu.vector_load %arg6[%get3A_1244, %get3A_1245, %get3A_1246] {strides = array<i32>} : memref<16x100x32xf32, #tpu.memory_space<vmem>>, vector<1x1x16xf32>,
        %get3A_1248 = vector.shape_cast %get3A_1247 : vector<1x1x16xf32> to vector<16xf32>
        %add3A_1249 = arith.addf %scan3A_1208, %get3A_1248 : vector<16xf32>
        %add3A_1250 = arith.constant 1 : i32
        %add3A_1251 = arith.addi %mul3A_1210, %add3A_1250 : i32
        %get3A_1252 = arith.constant 12 : i32
        %get3A_1253 = arith.index_cast %get3A_1252 : i32 to index
        %get3A_1254 = arith.index_cast %add3A_1251 : i32 to index
        %get3A_1255 = arith.constant 0 : index
        %get3A_1256 = tpu.vector_load %arg6[%get3A_1253, %get3A_1254, %get3A_1255] {strides = array<i32>} : memref<16x100x32xf32, #tpu.memory_space<vmem>>, vector<1x1x16xf32>,
        %get3A_1257 = vector.shape_cast %get3A_1256 : vector<1x1x16xf32> to vector<16xf32>
        %add3A_1258 = arith.addf %add3A_1218, %get3A_1257 : vector<16xf32>
        %add3A_1259 = arith.constant 1 : i32
        %add3A_1260 = arith.addi %mul3A_1210, %add3A_1259 : i32
        %get3A_1261 = arith.constant 12 : i32
        %get3A_1262 = arith.index_cast %get3A_1261 : i32 to index
        %get3A_1263 = arith.index_cast %add3A_1260 : i32 to index
        %get3A_1264 = arith.constant 16 : index
        %get3A_1265 = tpu.vector_load %arg6[%get3A_1262, %get3A_1263, %get3A_1264] {strides = array<i32>} : memref<16x100x32xf32, #tpu.memory_space<vmem>>, vector<1x1x16xf32>,
        %get3A_1266 = vector.shape_cast %get3A_1265 : vector<1x1x16xf32> to vector<16xf32>
        %add3A_1267 = arith.addf %add3A_1227, %get3A_1266 : vector<16xf32>
        %add3A_1268 = arith.constant 50 : i32
        %add3A_1269 = arith.addi %add3A_1268, %mul3A_1210 : i32
        %add3A_1270 = arith.constant 1 : i32
        %add3A_1271 = arith.addi %add3A_1269, %add3A_1270 : i32
        %get3A_1272 = arith.constant 12 : i32
        %get3A_1273 = arith.index_cast %get3A_1272 : i32 to index
        %get3A_1274 = arith.index_cast %add3A_1271 : i32 to index
        %get3A_1275 = arith.constant 0 : index
        %get3A_1276 = tpu.vector_load %arg6[%get3A_1273, %get3A_1274, %get3A_1275] {strides = array<i32>} : memref<16x100x32xf32, #tpu.memory_space<vmem>>, vector<1x1x16xf32>,
        %get3A_1277 = vector.shape_cast %get3A_1276 : vector<1x1x16xf32> to vector<16xf32>
        %add3A_1278 = arith.addf %add3A_1238, %get3A_1277 : vector<16xf32>
        %add3A_1279 = arith.constant 50 : i32
        %add3A_1280 = arith.addi %add3A_1279, %mul3A_1210 : i32
        %add3A_1281 = arith.constant 1 : i32
        %add3A_1282 = arith.addi %add3A_1280, %add3A_1281 : i32
        %get3A_1283 = arith.constant 12 : i32
        %get3A_1284 = arith.index_cast %get3A_1283 : i32 to index
        %get3A_1285 = arith.index_cast %add3A_1282 : i32 to index
        %get3A_1286 = arith.constant 16 : index
        %get3A_1287 = tpu.vector_load %arg6[%get3A_1284, %get3A_1285, %get3A_1286] {strides = array<i32>} : memref<16x100x32xf32, #tpu.memory_space<vmem>>, vector<1x1x16xf32>,
        %get3A_1288 = vector.shape_cast %get3A_1287 : vector<1x1x16xf32> to vector<16xf32>
        %add3A_1289 = arith.addf %add3A_1249, %get3A_1288 : vector<16xf32>
        %add3A_1290 = arith.constant 2 : i32
        %add3A_1291 = arith.addi %mul3A_1210, %add3A_1290 : i32
        %get3A_1292 = arith.constant 12 : i32
        %get3A_1293 = arith.index_cast %get3A_1292 : i32 to index
        %get3A_1294 = arith.index_cast %add3A_1291 : i32 to index
        %get3A_1295 = arith.constant 0 : index
        %get3A_1296 = tpu.vector_load %arg6[%get3A_1293, %get3A_1294, %get3A_1295] {strides = array<i32>} : memref<16x100x32xf32, #tpu.memory_space<vmem>>, vector<1x1x16xf32>,
        %get3A_1297 = vector.shape_cast %get3A_1296 : vector<1x1x16xf32> to vector<16xf32>
        %add3A_1298 = arith.addf %add3A_1258, %get3A_1297 : vector<16xf32>
        %add3A_1299 = arith.constant 2 : i32
        %add3A_1300 = arith.addi %mul3A_1210, %add3A_1299 : i32
        %get3A_1301 = arith.constant 12 : i32
        %get3A_1302 = arith.index_cast %get3A_1301 : i32 to index
        %get3A_1303 = arith.index_cast %add3A_1300 : i32 to index
        %get3A_1304 = arith.constant 16 : index
        %get3A_1305 = tpu.vector_load %arg6[%get3A_1302, %get3A_1303, %get3A_1304] {strides = array<i32>} : memref<16x100x32xf32, #tpu.memory_space<vmem>>, vector<1x1x16xf32>,
        %get3A_1306 = vector.shape_cast %get3A_1305 : vector<1x1x16xf32> to vector<16xf32>
        %add3A_1307 = arith.addf %add3A_1267, %get3A_1306 : vector<16xf32>
        %add3A_1308 = arith.constant 50 : i32
        %add3A_1309 = arith.addi %add3A_1308, %mul3A_1210 : i32
        %add3A_1310 = arith.constant 2 : i32
        %add3A_1311 = arith.addi %add3A_1309, %add3A_1310 : i32
        %get3A_1312 = arith.constant 12 : i32
        %get3A_1313 = arith.index_cast %get3A_1312 : i32 to index
        %get3A_1314 = arith.index_cast %add3A_1311 : i32 to index
        %get3A_1315 = arith.constant 0 : index
        %get3A_1316 = tpu.vector_load %arg6[%get3A_1313, %get3A_1314, %get3A_1315] {strides = array<i32>} : memref<16x100x32xf32, #tpu.memory_space<vmem>>, vector<1x1x16xf32>,
        %get3A_1317 = vector.shape_cast %get3A_1316 : vector<1x1x16xf32> to vector<16xf32>
        %add3A_1318 = arith.addf %add3A_1278, %get3A_1317 : vector<16xf32>
        %add3A_1319 = arith.constant 50 : i32
        %add3A_1320 = arith.addi %add3A_1319, %mul3A_1210 : i32
        %add3A_1321 = arith.constant 2 : i32
        %add3A_1322 = arith.addi %add3A_1320, %add3A_1321 : i32
        %get3A_1323 = arith.constant 12 : i32
        %get3A_1324 = arith.index_cast %get3A_1323 : i32 to index
        %get3A_1325 = arith.index_cast %add3A_1322 : i32 to index
        %get3A_1326 = arith.constant 16 : index
        %get3A_1327 = tpu.vector_load %arg6[%get3A_1324, %get3A_1325, %get3A_1326] {strides = array<i32>} : memref<16x100x32xf32, #tpu.memory_space<vmem>>, vector<1x1x16xf32>,
        %get3A_1328 = vector.shape_cast %get3A_1327 : vector<1x1x16xf32> to vector<16xf32>
        %add3A_1329 = arith.addf %add3A_1289, %get3A_1328 : vector<16xf32>
        %add3A_1330 = arith.constant 3 : i32
        %add3A_1331 = arith.addi %mul3A_1210, %add3A_1330 : i32
        %get3A_1332 = arith.constant 12 : i32
        %get3A_1333 = arith.index_cast %get3A_1332 : i32 to index
        %get3A_1334 = arith.index_cast %add3A_1331 : i32 to index
        %get3A_1335 = arith.constant 0 : index
        %get3A_1336 = tpu.vector_load %arg6[%get3A_1333, %get3A_1334, %get3A_1335] {strides = array<i32>} : memref<16x100x32xf32, #tpu.memory_space<vmem>>, vector<1x1x16xf32>,
        %get3A_1337 = vector.shape_cast %get3A_1336 : vector<1x1x16xf32> to vector<16xf32>
        %add3A_1338 = arith.addf %add3A_1298, %get3A_1337 : vector<16xf32>
        %add3A_1339 = arith.constant 3 : i32
        %add3A_1340 = arith.addi %mul3A_1210, %add3A_1339 : i32
        %get3A_1341 = arith.constant 12 : i32
        %get3A_1342 = arith.index_cast %get3A_1341 : i32 to index
        %get3A_1343 = arith.index_cast %add3A_1340 : i32 to index
        %get3A_1344 = arith.constant 16 : index
        %get3A_1345 = tpu.vector_load %arg6[%get3A_1342, %get3A_1343, %get3A_1344] {strides = array<i32>} : memref<16x100x32xf32, #tpu.memory_space<vmem>>, vector<1x1x16xf32>,
        %get3A_1346 = vector.shape_cast %get3A_1345 : vector<1x1x16xf32> to vector<16xf32>
        %add3A_1347 = arith.addf %add3A_1307, %get3A_1346 : vector<16xf32>
        %add3A_1348 = arith.constant 50 : i32
        %add3A_1349 = arith.addi %add3A_1348, %mul3A_1210 : i32
        %add3A_1350 = arith.constant 3 : i32
        %add3A_1351 = arith.addi %add3A_1349, %add3A_1350 : i32
        %get3A_1352 = arith.constant 12 : i32
        %get3A_1353 = arith.index_cast %get3A_1352 : i32 to index
        %get3A_1354 = arith.index_cast %add3A_1351 : i32 to index
        %get3A_1355 = arith.constant 0 : index
        %get3A_1356 = tpu.vector_load %arg6[%get3A_1353, %get3A_1354, %get3A_1355] {strides = array<i32>} : memref<16x100x32xf32, #tpu.memory_space<vmem>>, vector<1x1x16xf32>,
        %get3A_1357 = vector.shape_cast %get3A_1356 : vector<1x1x16xf32> to vector<16xf32>
        %add3A_1358 = arith.addf %add3A_1318, %get3A_1357 : vector<16xf32>
        %add3A_1359 = arith.constant 50 : i32
        %add3A_1360 = arith.addi %add3A_1359, %mul3A_1210 : i32
        %add3A_1361 = arith.constant 3 : i32
        %add3A_1362 = arith.addi %add3A_1360, %add3A_1361 : i32
        %get3A_1363 = arith.constant 12 : i32
        %get3A_1364 = arith.index_cast %get3A_1363 : i32 to index
        %get3A_1365 = arith.index_cast %add3A_1362 : i32 to index
        %get3A_1366 = arith.constant 16 : index
        %get3A_1367 = tpu.vector_load %arg6[%get3A_1364, %get3A_1365, %get3A_1366] {strides = array<i32>} : memref<16x100x32xf32, #tpu.memory_space<vmem>>, vector<1x1x16xf32>,
        %get3A_1368 = vector.shape_cast %get3A_1367 : vector<1x1x16xf32> to vector<16xf32>
        %add3A_1369 = arith.addf %add3A_1329, %get3A_1368 : vector<16xf32>
        %add3A_1370 = arith.constant 4 : i32
        %add3A_1371 = arith.addi %mul3A_1210, %add3A_1370 : i32
        %get3A_1372 = arith.constant 12 : i32
        %get3A_1373 = arith.index_cast %get3A_1372 : i32 to index
        %get3A_1374 = arith.index_cast %add3A_1371 : i32 to index
        %get3A_1375 = arith.constant 0 : index
        %get3A_1376 = tpu.vector_load %arg6[%get3A_1373, %get3A_1374, %get3A_1375] {strides = array<i32>} : memref<16x100x32xf32, #tpu.memory_space<vmem>>, vector<1x1x16xf32>,
        %get3A_1377 = vector.shape_cast %get3A_1376 : vector<1x1x16xf32> to vector<16xf32>
        %add3A_1378 = arith.addf %add3A_1338, %get3A_1377 : vector<16xf32>
        %add3A_1379 = arith.constant 4 : i32
        %add3A_1380 = arith.addi %mul3A_1210, %add3A_1379 : i32
        %get3A_1381 = arith.constant 12 : i32
        %get3A_1382 = arith.index_cast %get3A_1381 : i32 to index
        %get3A_1383 = arith.index_cast %add3A_1380 : i32 to index
        %get3A_1384 = arith.constant 16 : index
        %get3A_1385 = tpu.vector_load %arg6[%get3A_1382, %get3A_1383, %get3A_1384] {strides = array<i32>} : memref<16x100x32xf32, #tpu.memory_space<vmem>>, vector<1x1x16xf32>,
        %get3A_1386 = vector.shape_cast %get3A_1385 : vector<1x1x16xf32> to vector<16xf32>
        %add3A_1387 = arith.addf %add3A_1347, %get3A_1386 : vector<16xf32>
        %add3A_1388 = arith.constant 50 : i32
        %add3A_1389 = arith.addi %add3A_1388, %mul3A_1210 : i32
        %add3A_1390 = arith.constant 4 : i32
        %add3A_1391 = arith.addi %add3A_1389, %add3A_1390 : i32
        %get3A_1392 = arith.constant 12 : i32
        %get3A_1393 = arith.index_cast %get3A_1392 : i32 to index
        %get3A_1394 = arith.index_cast %add3A_1391 : i32 to index
        %get3A_1395 = arith.constant 0 : index
        %get3A_1396 = tpu.vector_load %arg6[%get3A_1393, %get3A_1394, %get3A_1395] {strides = array<i32>} : memref<16x100x32xf32, #tpu.memory_space<vmem>>, vector<1x1x16xf32>,
        %get3A_1397 = vector.shape_cast %get3A_1396 : vector<1x1x16xf32> to vector<16xf32>
        %add3A_1398 = arith.addf %add3A_1358, %get3A_1397 : vector<16xf32>
        %add3A_1399 = arith.constant 50 : i32
        %add3A_1400 = arith.addi %add3A_1399, %mul3A_1210 : i32
        %add3A_1401 = arith.constant 4 : i32
        %add3A_1402 = arith.addi %add3A_1400, %add3A_1401 : i32
        %get3A_1403 = arith.constant 12 : i32
        %get3A_1404 = arith.index_cast %get3A_1403 : i32 to index
        %get3A_1405 = arith.index_cast %add3A_1402 : i32 to index
        %get3A_1406 = arith.constant 16 : index
        %get3A_1407 = tpu.vector_load %arg6[%get3A_1404, %get3A_1405, %get3A_1406] {strides = array<i32>} : memref<16x100x32xf32, #tpu.memory_space<vmem>>, vector<1x1x16xf32>,
        %get3A_1408 = vector.shape_cast %get3A_1407 : vector<1x1x16xf32> to vector<16xf32>
        %add3A_1409 = arith.addf %add3A_1369, %get3A_1408 : vector<16xf32>
        scf.yield %add3A_1378, %add3A_1387, %add3A_1398, %add3A_1409 : vector<16xf32>, vector<16xf32>, vector<16xf32>, vector<16xf32>
      }
      %scan3A_1016 = arith.constant 10 : i32
      %mul3A_1017 = arith.constant 2.000000e-02 : f32
      %mul3A_1018 = vector.broadcast %mul3A_1017 : f32 to vector<16xf32>
      %mul3A_1019 = arith.mulf %scan3A_1015#0, %mul3A_1018 : vector<16xf32>
      %swap3A_1020 = arith.index_cast %mul3A_1008 : i32 to index
      %swap3A_1021 = arith.constant 0 : index
      %swap3A_1022 = tpu.vector_load %arg7[%swap3A_1020, %swap3A_1021] {strides = array<i32>} : memref<512x32xf32, #tpu.memory_space<vmem>>, vector<1x16xf32>,
      %swap3A_1023 = vector.shape_cast %swap3A_1022 : vector<1x16xf32> to vector<16xf32>
      %swap3A_1024 = vector.shape_cast %mul3A_1019 : vector<16xf32> to vector<1x16xf32>
      tpu.vector_store %arg7[%swap3A_1020, %swap3A_1021], %swap3A_1024 {strides = array<i32>} : memref<512x32xf32, #tpu.memory_space<vmem>>, vector<1x16xf32>,
      %mul3A_1025 = arith.constant 2.000000e-02 : f32
      %mul3A_1026 = vector.broadcast %mul3A_1025 : f32 to vector<16xf32>
      %mul3A_1027 = arith.mulf %scan3A_1015#1, %mul3A_1026 : vector<16xf32>
      %swap3A_1028 = arith.index_cast %mul3A_1008 : i32 to index
      %swap3A_1029 = arith.constant 16 : index
      %swap3A_1030 = tpu.vector_load %arg7[%swap3A_1028, %swap3A_1029] {strides = array<i32>} : memref<512x32xf32, #tpu.memory_space<vmem>>, vector<1x16xf32>,
      %swap3A_1031 = vector.shape_cast %swap3A_1030 : vector<1x16xf32> to vector<16xf32>
      %swap3A_1032 = vector.shape_cast %mul3A_1027 : vector<16xf32> to vector<1x16xf32>
      tpu.vector_store %arg7[%swap3A_1028, %swap3A_1029], %swap3A_1032 {strides = array<i32>} : memref<512x32xf32, #tpu.memory_space<vmem>>, vector<1x16xf32>,
      %mul3A_1033 = arith.constant 2.000000e-02 : f32
      %mul3A_1034 = vector.broadcast %mul3A_1033 : f32 to vector<16xf32>
      %mul3A_1035 = arith.mulf %scan3A_1015#2, %mul3A_1034 : vector<16xf32>
      %add3A_1036 = arith.constant 1 : i32
      %add3A_1037 = arith.addi %mul3A_1008, %add3A_1036 : i32
      %swap3A_1038 = arith.index_cast %add3A_1037 : i32 to index
      %swap3A_1039 = arith.constant 0 : index
      %swap3A_1040 = tpu.vector_load %arg7[%swap3A_1038, %swap3A_1039] {strides = array<i32>} : memref<512x32xf32, #tpu.memory_space<vmem>>, vector<1x16xf32>,
      %swap3A_1041 = vector.shape_cast %swap3A_1040 : vector<1x16xf32> to vector<16xf32>
      %swap3A_1042 = vector.shape_cast %mul3A_1035 : vector<16xf32> to vector<1x16xf32>
      tpu.vector_store %arg7[%swap3A_1038, %swap3A_1039], %swap3A_1042 {strides = array<i32>} : memref<512x32xf32, #tpu.memory_space<vmem>>, vector<1x16xf32>,
      %mul3A_1043 = arith.constant 2.000000e-02 : f32
      %mul3A_1044 = vector.broadcast %mul3A_1043 : f32 to vector<16xf32>
      %mul3A_1045 = arith.mulf %scan3A_1015#3, %mul3A_1044 : vector<16xf32>
      %add3A_1046 = arith.constant 1 : i32
      %add3A_1047 = arith.addi %mul3A_1008, %add3A_1046 : i32
      %swap3A_1048 = arith.index_cast %add3A_1047 : i32 to index
      %swap3A_1049 = arith.constant 16 : index
      %swap3A_1050 = tpu.vector_load %arg7[%swap3A_1048, %swap3A_1049] {strides = array<i32>} : memref<512x32xf32, #tpu.memory_space<vmem>>, vector<1x16xf32>,
      %swap3A_1051 = vector.shape_cast %swap3A_1050 : vector<1x16xf32> to vector<16xf32>
      %swap3A_1052 = vector.shape_cast %mul3A_1045 : vector<16xf32> to vector<1x16xf32>
      tpu.vector_store %arg7[%swap3A_1048, %swap3A_1049], %swap3A_1052 {strides = array<i32>} : memref<512x32xf32, #tpu.memory_space<vmem>>, vector<1x16xf32>,
      %add3A_1053 = arith.constant 8 : i32
      %add3A_1054 = arith.addi %mul3A_107, %add3A_1053 : i32
      %add3A_1055 = arith.constant 5 : i32
      %add3A_1056 = arith.addi %add3A_1054, %add3A_1055 : i32
      %mul3A_1057 = arith.constant 2 : i32
      %mul3A_1058 = arith.muli %add3A_1056, %mul3A_1057 : i32
      %broadcast_in_dim3A_1059 = arith.constant 0.000000e+00 : f32
      %broadcast_in_dim3A_1060 = vector.broadcast %broadcast_in_dim3A_1059 : f32 to vector<16xf32>
      %scan3A_1061 = arith.constant 0 : i32
      %scan3A_1062 = arith.constant 10 : i32
      %scan3A_1063 = arith.addi %scan3A_1061, %scan3A_1062 : i32
      %scan3A_1064 = arith.constant 1 : i32
      %scan3A_1065:4 = scf.for %scan3A_1204 = %scan3A_1061 to %scan3A_1063 step %scan3A_1064 iter_args(%scan3A_1205 = %broadcast_in_dim3A_1060, %scan3A_1206 = %broadcast_in_dim3A_1060, %scan3A_1207 = %broadcast_in_dim3A_1060, %scan3A_1208 = %broadcast_in_dim3A_1060) -> (vector<16xf32>, vector<16xf32>, vector<16xf32>, vector<16xf32>)  : i32 {
        %mul3A_1209 = arith.constant 5 : i32
        %mul3A_1210 = arith.muli %mul3A_1209, %scan3A_1204 : i32
        %add3A_1211 = arith.constant 0 : i32
        %add3A_1212 = arith.addi %mul3A_1210, %add3A_1211 : i32
        %get3A = arith.constant 13 : i32
        %get3A_1213 = arith.index_cast %get3A : i32 to index
        %get3A_1214 = arith.index_cast %add3A_1212 : i32 to index
        %get3A_1215 = arith.constant 0 : index
        %get3A_1216 = tpu.vector_load %arg6[%get3A_1213, %get3A_1214, %get3A_1215] {strides = array<i32>} : memref<16x100x32xf32, #tpu.memory_space<vmem>>, vector<1x1x16xf32>,
        %get3A_1217 = vector.shape_cast %get3A_1216 : vector<1x1x16xf32> to vector<16xf32>
        %add3A_1218 = arith.addf %scan3A_1205, %get3A_1217 : vector<16xf32>
        %add3A_1219 = arith.constant 0 : i32
        %add3A_1220 = arith.addi %mul3A_1210, %add3A_1219 : i32
        %get3A_1221 = arith.constant 13 : i32
        %get3A_1222 = arith.index_cast %get3A_1221 : i32 to index
        %get3A_1223 = arith.index_cast %add3A_1220 : i32 to index
        %get3A_1224 = arith.constant 16 : index
        %get3A_1225 = tpu.vector_load %arg6[%get3A_1222, %get3A_1223, %get3A_1224] {strides = array<i32>} : memref<16x100x32xf32, #tpu.memory_space<vmem>>, vector<1x1x16xf32>,
        %get3A_1226 = vector.shape_cast %get3A_1225 : vector<1x1x16xf32> to vector<16xf32>
        %add3A_1227 = arith.addf %scan3A_1206, %get3A_1226 : vector<16xf32>
        %add3A_1228 = arith.constant 50 : i32
        %add3A_1229 = arith.addi %add3A_1228, %mul3A_1210 : i32
        %add3A_1230 = arith.constant 0 : i32
        %add3A_1231 = arith.addi %add3A_1229, %add3A_1230 : i32
        %get3A_1232 = arith.constant 13 : i32
        %get3A_1233 = arith.index_cast %get3A_1232 : i32 to index
        %get3A_1234 = arith.index_cast %add3A_1231 : i32 to index
        %get3A_1235 = arith.constant 0 : index
        %get3A_1236 = tpu.vector_load %arg6[%get3A_1233, %get3A_1234, %get3A_1235] {strides = array<i32>} : memref<16x100x32xf32, #tpu.memory_space<vmem>>, vector<1x1x16xf32>,
        %get3A_1237 = vector.shape_cast %get3A_1236 : vector<1x1x16xf32> to vector<16xf32>
        %add3A_1238 = arith.addf %scan3A_1207, %get3A_1237 : vector<16xf32>
        %add3A_1239 = arith.constant 50 : i32
        %add3A_1240 = arith.addi %add3A_1239, %mul3A_1210 : i32
        %add3A_1241 = arith.constant 0 : i32
        %add3A_1242 = arith.addi %add3A_1240, %add3A_1241 : i32
        %get3A_1243 = arith.constant 13 : i32
        %get3A_1244 = arith.index_cast %get3A_1243 : i32 to index
        %get3A_1245 = arith.index_cast %add3A_1242 : i32 to index
        %get3A_1246 = arith.constant 16 : index
        %get3A_1247 = tpu.vector_load %arg6[%get3A_1244, %get3A_1245, %get3A_1246] {strides = array<i32>} : memref<16x100x32xf32, #tpu.memory_space<vmem>>, vector<1x1x16xf32>,
        %get3A_1248 = vector.shape_cast %get3A_1247 : vector<1x1x16xf32> to vector<16xf32>
        %add3A_1249 = arith.addf %scan3A_1208, %get3A_1248 : vector<16xf32>
        %add3A_1250 = arith.constant 1 : i32
        %add3A_1251 = arith.addi %mul3A_1210, %add3A_1250 : i32
        %get3A_1252 = arith.constant 13 : i32
        %get3A_1253 = arith.index_cast %get3A_1252 : i32 to index
        %get3A_1254 = arith.index_cast %add3A_1251 : i32 to index
        %get3A_1255 = arith.constant 0 : index
        %get3A_1256 = tpu.vector_load %arg6[%get3A_1253, %get3A_1254, %get3A_1255] {strides = array<i32>} : memref<16x100x32xf32, #tpu.memory_space<vmem>>, vector<1x1x16xf32>,
        %get3A_1257 = vector.shape_cast %get3A_1256 : vector<1x1x16xf32> to vector<16xf32>
        %add3A_1258 = arith.addf %add3A_1218, %get3A_1257 : vector<16xf32>
        %add3A_1259 = arith.constant 1 : i32
        %add3A_1260 = arith.addi %mul3A_1210, %add3A_1259 : i32
        %get3A_1261 = arith.constant 13 : i32
        %get3A_1262 = arith.index_cast %get3A_1261 : i32 to index
        %get3A_1263 = arith.index_cast %add3A_1260 : i32 to index
        %get3A_1264 = arith.constant 16 : index
        %get3A_1265 = tpu.vector_load %arg6[%get3A_1262, %get3A_1263, %get3A_1264] {strides = array<i32>} : memref<16x100x32xf32, #tpu.memory_space<vmem>>, vector<1x1x16xf32>,
        %get3A_1266 = vector.shape_cast %get3A_1265 : vector<1x1x16xf32> to vector<16xf32>
        %add3A_1267 = arith.addf %add3A_1227, %get3A_1266 : vector<16xf32>
        %add3A_1268 = arith.constant 50 : i32
        %add3A_1269 = arith.addi %add3A_1268, %mul3A_1210 : i32
        %add3A_1270 = arith.constant 1 : i32
        %add3A_1271 = arith.addi %add3A_1269, %add3A_1270 : i32
        %get3A_1272 = arith.constant 13 : i32
        %get3A_1273 = arith.index_cast %get3A_1272 : i32 to index
        %get3A_1274 = arith.index_cast %add3A_1271 : i32 to index
        %get3A_1275 = arith.constant 0 : index
        %get3A_1276 = tpu.vector_load %arg6[%get3A_1273, %get3A_1274, %get3A_1275] {strides = array<i32>} : memref<16x100x32xf32, #tpu.memory_space<vmem>>, vector<1x1x16xf32>,
        %get3A_1277 = vector.shape_cast %get3A_1276 : vector<1x1x16xf32> to vector<16xf32>
        %add3A_1278 = arith.addf %add3A_1238, %get3A_1277 : vector<16xf32>
        %add3A_1279 = arith.constant 50 : i32
        %add3A_1280 = arith.addi %add3A_1279, %mul3A_1210 : i32
        %add3A_1281 = arith.constant 1 : i32
        %add3A_1282 = arith.addi %add3A_1280, %add3A_1281 : i32
        %get3A_1283 = arith.constant 13 : i32
        %get3A_1284 = arith.index_cast %get3A_1283 : i32 to index
        %get3A_1285 = arith.index_cast %add3A_1282 : i32 to index
        %get3A_1286 = arith.constant 16 : index
        %get3A_1287 = tpu.vector_load %arg6[%get3A_1284, %get3A_1285, %get3A_1286] {strides = array<i32>} : memref<16x100x32xf32, #tpu.memory_space<vmem>>, vector<1x1x16xf32>,
        %get3A_1288 = vector.shape_cast %get3A_1287 : vector<1x1x16xf32> to vector<16xf32>
        %add3A_1289 = arith.addf %add3A_1249, %get3A_1288 : vector<16xf32>
        %add3A_1290 = arith.constant 2 : i32
        %add3A_1291 = arith.addi %mul3A_1210, %add3A_1290 : i32
        %get3A_1292 = arith.constant 13 : i32
        %get3A_1293 = arith.index_cast %get3A_1292 : i32 to index
        %get3A_1294 = arith.index_cast %add3A_1291 : i32 to index
        %get3A_1295 = arith.constant 0 : index
        %get3A_1296 = tpu.vector_load %arg6[%get3A_1293, %get3A_1294, %get3A_1295] {strides = array<i32>} : memref<16x100x32xf32, #tpu.memory_space<vmem>>, vector<1x1x16xf32>,
        %get3A_1297 = vector.shape_cast %get3A_1296 : vector<1x1x16xf32> to vector<16xf32>
        %add3A_1298 = arith.addf %add3A_1258, %get3A_1297 : vector<16xf32>
        %add3A_1299 = arith.constant 2 : i32
        %add3A_1300 = arith.addi %mul3A_1210, %add3A_1299 : i32
        %get3A_1301 = arith.constant 13 : i32
        %get3A_1302 = arith.index_cast %get3A_1301 : i32 to index
        %get3A_1303 = arith.index_cast %add3A_1300 : i32 to index
        %get3A_1304 = arith.constant 16 : index
        %get3A_1305 = tpu.vector_load %arg6[%get3A_1302, %get3A_1303, %get3A_1304] {strides = array<i32>} : memref<16x100x32xf32, #tpu.memory_space<vmem>>, vector<1x1x16xf32>,
        %get3A_1306 = vector.shape_cast %get3A_1305 : vector<1x1x16xf32> to vector<16xf32>
        %add3A_1307 = arith.addf %add3A_1267, %get3A_1306 : vector<16xf32>
        %add3A_1308 = arith.constant 50 : i32
        %add3A_1309 = arith.addi %add3A_1308, %mul3A_1210 : i32
        %add3A_1310 = arith.constant 2 : i32
        %add3A_1311 = arith.addi %add3A_1309, %add3A_1310 : i32
        %get3A_1312 = arith.constant 13 : i32
        %get3A_1313 = arith.index_cast %get3A_1312 : i32 to index
        %get3A_1314 = arith.index_cast %add3A_1311 : i32 to index
        %get3A_1315 = arith.constant 0 : index
        %get3A_1316 = tpu.vector_load %arg6[%get3A_1313, %get3A_1314, %get3A_1315] {strides = array<i32>} : memref<16x100x32xf32, #tpu.memory_space<vmem>>, vector<1x1x16xf32>,
        %get3A_1317 = vector.shape_cast %get3A_1316 : vector<1x1x16xf32> to vector<16xf32>
        %add3A_1318 = arith.addf %add3A_1278, %get3A_1317 : vector<16xf32>
        %add3A_1319 = arith.constant 50 : i32
        %add3A_1320 = arith.addi %add3A_1319, %mul3A_1210 : i32
        %add3A_1321 = arith.constant 2 : i32
        %add3A_1322 = arith.addi %add3A_1320, %add3A_1321 : i32
        %get3A_1323 = arith.constant 13 : i32
        %get3A_1324 = arith.index_cast %get3A_1323 : i32 to index
        %get3A_1325 = arith.index_cast %add3A_1322 : i32 to index
        %get3A_1326 = arith.constant 16 : index
        %get3A_1327 = tpu.vector_load %arg6[%get3A_1324, %get3A_1325, %get3A_1326] {strides = array<i32>} : memref<16x100x32xf32, #tpu.memory_space<vmem>>, vector<1x1x16xf32>,
        %get3A_1328 = vector.shape_cast %get3A_1327 : vector<1x1x16xf32> to vector<16xf32>
        %add3A_1329 = arith.addf %add3A_1289, %get3A_1328 : vector<16xf32>
        %add3A_1330 = arith.constant 3 : i32
        %add3A_1331 = arith.addi %mul3A_1210, %add3A_1330 : i32
        %get3A_1332 = arith.constant 13 : i32
        %get3A_1333 = arith.index_cast %get3A_1332 : i32 to index
        %get3A_1334 = arith.index_cast %add3A_1331 : i32 to index
        %get3A_1335 = arith.constant 0 : index
        %get3A_1336 = tpu.vector_load %arg6[%get3A_1333, %get3A_1334, %get3A_1335] {strides = array<i32>} : memref<16x100x32xf32, #tpu.memory_space<vmem>>, vector<1x1x16xf32>,
        %get3A_1337 = vector.shape_cast %get3A_1336 : vector<1x1x16xf32> to vector<16xf32>
        %add3A_1338 = arith.addf %add3A_1298, %get3A_1337 : vector<16xf32>
        %add3A_1339 = arith.constant 3 : i32
        %add3A_1340 = arith.addi %mul3A_1210, %add3A_1339 : i32
        %get3A_1341 = arith.constant 13 : i32
        %get3A_1342 = arith.index_cast %get3A_1341 : i32 to index
        %get3A_1343 = arith.index_cast %add3A_1340 : i32 to index
        %get3A_1344 = arith.constant 16 : index
        %get3A_1345 = tpu.vector_load %arg6[%get3A_1342, %get3A_1343, %get3A_1344] {strides = array<i32>} : memref<16x100x32xf32, #tpu.memory_space<vmem>>, vector<1x1x16xf32>,
        %get3A_1346 = vector.shape_cast %get3A_1345 : vector<1x1x16xf32> to vector<16xf32>
        %add3A_1347 = arith.addf %add3A_1307, %get3A_1346 : vector<16xf32>
        %add3A_1348 = arith.constant 50 : i32
        %add3A_1349 = arith.addi %add3A_1348, %mul3A_1210 : i32
        %add3A_1350 = arith.constant 3 : i32
        %add3A_1351 = arith.addi %add3A_1349, %add3A_1350 : i32
        %get3A_1352 = arith.constant 13 : i32
        %get3A_1353 = arith.index_cast %get3A_1352 : i32 to index
        %get3A_1354 = arith.index_cast %add3A_1351 : i32 to index
        %get3A_1355 = arith.constant 0 : index
        %get3A_1356 = tpu.vector_load %arg6[%get3A_1353, %get3A_1354, %get3A_1355] {strides = array<i32>} : memref<16x100x32xf32, #tpu.memory_space<vmem>>, vector<1x1x16xf32>,
        %get3A_1357 = vector.shape_cast %get3A_1356 : vector<1x1x16xf32> to vector<16xf32>
        %add3A_1358 = arith.addf %add3A_1318, %get3A_1357 : vector<16xf32>
        %add3A_1359 = arith.constant 50 : i32
        %add3A_1360 = arith.addi %add3A_1359, %mul3A_1210 : i32
        %add3A_1361 = arith.constant 3 : i32
        %add3A_1362 = arith.addi %add3A_1360, %add3A_1361 : i32
        %get3A_1363 = arith.constant 13 : i32
        %get3A_1364 = arith.index_cast %get3A_1363 : i32 to index
        %get3A_1365 = arith.index_cast %add3A_1362 : i32 to index
        %get3A_1366 = arith.constant 16 : index
        %get3A_1367 = tpu.vector_load %arg6[%get3A_1364, %get3A_1365, %get3A_1366] {strides = array<i32>} : memref<16x100x32xf32, #tpu.memory_space<vmem>>, vector<1x1x16xf32>,
        %get3A_1368 = vector.shape_cast %get3A_1367 : vector<1x1x16xf32> to vector<16xf32>
        %add3A_1369 = arith.addf %add3A_1329, %get3A_1368 : vector<16xf32>
        %add3A_1370 = arith.constant 4 : i32
        %add3A_1371 = arith.addi %mul3A_1210, %add3A_1370 : i32
        %get3A_1372 = arith.constant 13 : i32
        %get3A_1373 = arith.index_cast %get3A_1372 : i32 to index
        %get3A_1374 = arith.index_cast %add3A_1371 : i32 to index
        %get3A_1375 = arith.constant 0 : index
        %get3A_1376 = tpu.vector_load %arg6[%get3A_1373, %get3A_1374, %get3A_1375] {strides = array<i32>} : memref<16x100x32xf32, #tpu.memory_space<vmem>>, vector<1x1x16xf32>,
        %get3A_1377 = vector.shape_cast %get3A_1376 : vector<1x1x16xf32> to vector<16xf32>
        %add3A_1378 = arith.addf %add3A_1338, %get3A_1377 : vector<16xf32>
        %add3A_1379 = arith.constant 4 : i32
        %add3A_1380 = arith.addi %mul3A_1210, %add3A_1379 : i32
        %get3A_1381 = arith.constant 13 : i32
        %get3A_1382 = arith.index_cast %get3A_1381 : i32 to index
        %get3A_1383 = arith.index_cast %add3A_1380 : i32 to index
        %get3A_1384 = arith.constant 16 : index
        %get3A_1385 = tpu.vector_load %arg6[%get3A_1382, %get3A_1383, %get3A_1384] {strides = array<i32>} : memref<16x100x32xf32, #tpu.memory_space<vmem>>, vector<1x1x16xf32>,
        %get3A_1386 = vector.shape_cast %get3A_1385 : vector<1x1x16xf32> to vector<16xf32>
        %add3A_1387 = arith.addf %add3A_1347, %get3A_1386 : vector<16xf32>
        %add3A_1388 = arith.constant 50 : i32
        %add3A_1389 = arith.addi %add3A_1388, %mul3A_1210 : i32
        %add3A_1390 = arith.constant 4 : i32
        %add3A_1391 = arith.addi %add3A_1389, %add3A_1390 : i32
        %get3A_1392 = arith.constant 13 : i32
        %get3A_1393 = arith.index_cast %get3A_1392 : i32 to index
        %get3A_1394 = arith.index_cast %add3A_1391 : i32 to index
        %get3A_1395 = arith.constant 0 : index
        %get3A_1396 = tpu.vector_load %arg6[%get3A_1393, %get3A_1394, %get3A_1395] {strides = array<i32>} : memref<16x100x32xf32, #tpu.memory_space<vmem>>, vector<1x1x16xf32>,
        %get3A_1397 = vector.shape_cast %get3A_1396 : vector<1x1x16xf32> to vector<16xf32>
        %add3A_1398 = arith.addf %add3A_1358, %get3A_1397 : vector<16xf32>
        %add3A_1399 = arith.constant 50 : i32
        %add3A_1400 = arith.addi %add3A_1399, %mul3A_1210 : i32
        %add3A_1401 = arith.constant 4 : i32
        %add3A_1402 = arith.addi %add3A_1400, %add3A_1401 : i32
        %get3A_1403 = arith.constant 13 : i32
        %get3A_1404 = arith.index_cast %get3A_1403 : i32 to index
        %get3A_1405 = arith.index_cast %add3A_1402 : i32 to index
        %get3A_1406 = arith.constant 16 : index
        %get3A_1407 = tpu.vector_load %arg6[%get3A_1404, %get3A_1405, %get3A_1406] {strides = array<i32>} : memref<16x100x32xf32, #tpu.memory_space<vmem>>, vector<1x1x16xf32>,
        %get3A_1408 = vector.shape_cast %get3A_1407 : vector<1x1x16xf32> to vector<16xf32>
        %add3A_1409 = arith.addf %add3A_1369, %get3A_1408 : vector<16xf32>
        scf.yield %add3A_1378, %add3A_1387, %add3A_1398, %add3A_1409 : vector<16xf32>, vector<16xf32>, vector<16xf32>, vector<16xf32>
      }
      %scan3A_1066 = arith.constant 10 : i32
      %mul3A_1067 = arith.constant 2.000000e-02 : f32
      %mul3A_1068 = vector.broadcast %mul3A_1067 : f32 to vector<16xf32>
      %mul3A_1069 = arith.mulf %scan3A_1065#0, %mul3A_1068 : vector<16xf32>
      %swap3A_1070 = arith.index_cast %mul3A_1058 : i32 to index
      %swap3A_1071 = arith.constant 0 : index
      %swap3A_1072 = tpu.vector_load %arg7[%swap3A_1070, %swap3A_1071] {strides = array<i32>} : memref<512x32xf32, #tpu.memory_space<vmem>>, vector<1x16xf32>,
      %swap3A_1073 = vector.shape_cast %swap3A_1072 : vector<1x16xf32> to vector<16xf32>
      %swap3A_1074 = vector.shape_cast %mul3A_1069 : vector<16xf32> to vector<1x16xf32>
      tpu.vector_store %arg7[%swap3A_1070, %swap3A_1071], %swap3A_1074 {strides = array<i32>} : memref<512x32xf32, #tpu.memory_space<vmem>>, vector<1x16xf32>,
      %mul3A_1075 = arith.constant 2.000000e-02 : f32
      %mul3A_1076 = vector.broadcast %mul3A_1075 : f32 to vector<16xf32>
      %mul3A_1077 = arith.mulf %scan3A_1065#1, %mul3A_1076 : vector<16xf32>
      %swap3A_1078 = arith.index_cast %mul3A_1058 : i32 to index
      %swap3A_1079 = arith.constant 16 : index
      %swap3A_1080 = tpu.vector_load %arg7[%swap3A_1078, %swap3A_1079] {strides = array<i32>} : memref<512x32xf32, #tpu.memory_space<vmem>>, vector<1x16xf32>,
      %swap3A_1081 = vector.shape_cast %swap3A_1080 : vector<1x16xf32> to vector<16xf32>
      %swap3A_1082 = vector.shape_cast %mul3A_1077 : vector<16xf32> to vector<1x16xf32>
      tpu.vector_store %arg7[%swap3A_1078, %swap3A_1079], %swap3A_1082 {strides = array<i32>} : memref<512x32xf32, #tpu.memory_space<vmem>>, vector<1x16xf32>,
      %mul3A_1083 = arith.constant 2.000000e-02 : f32
      %mul3A_1084 = vector.broadcast %mul3A_1083 : f32 to vector<16xf32>
      %mul3A_1085 = arith.mulf %scan3A_1065#2, %mul3A_1084 : vector<16xf32>
      %add3A_1086 = arith.constant 1 : i32
      %add3A_1087 = arith.addi %mul3A_1058, %add3A_1086 : i32
      %swap3A_1088 = arith.index_cast %add3A_1087 : i32 to index
      %swap3A_1089 = arith.constant 0 : index
      %swap3A_1090 = tpu.vector_load %arg7[%swap3A_1088, %swap3A_1089] {strides = array<i32>} : memref<512x32xf32, #tpu.memory_space<vmem>>, vector<1x16xf32>,
      %swap3A_1091 = vector.shape_cast %swap3A_1090 : vector<1x16xf32> to vector<16xf32>
      %swap3A_1092 = vector.shape_cast %mul3A_1085 : vector<16xf32> to vector<1x16xf32>
      tpu.vector_store %arg7[%swap3A_1088, %swap3A_1089], %swap3A_1092 {strides = array<i32>} : memref<512x32xf32, #tpu.memory_space<vmem>>, vector<1x16xf32>,
      %mul3A_1093 = arith.constant 2.000000e-02 : f32
      %mul3A_1094 = vector.broadcast %mul3A_1093 : f32 to vector<16xf32>
      %mul3A_1095 = arith.mulf %scan3A_1065#3, %mul3A_1094 : vector<16xf32>
      %add3A_1096 = arith.constant 1 : i32
      %add3A_1097 = arith.addi %mul3A_1058, %add3A_1096 : i32
      %swap3A_1098 = arith.index_cast %add3A_1097 : i32 to index
      %swap3A_1099 = arith.constant 16 : index
      %swap3A_1100 = tpu.vector_load %arg7[%swap3A_1098, %swap3A_1099] {strides = array<i32>} : memref<512x32xf32, #tpu.memory_space<vmem>>, vector<1x16xf32>,
      %swap3A_1101 = vector.shape_cast %swap3A_1100 : vector<1x16xf32> to vector<16xf32>
      %swap3A_1102 = vector.shape_cast %mul3A_1095 : vector<16xf32> to vector<1x16xf32>
      tpu.vector_store %arg7[%swap3A_1098, %swap3A_1099], %swap3A_1102 {strides = array<i32>} : memref<512x32xf32, #tpu.memory_space<vmem>>, vector<1x16xf32>,
      %add3A_1103 = arith.constant 8 : i32
      %add3A_1104 = arith.addi %mul3A_107, %add3A_1103 : i32
      %add3A_1105 = arith.constant 6 : i32
      %add3A_1106 = arith.addi %add3A_1104, %add3A_1105 : i32
      %mul3A_1107 = arith.constant 2 : i32
      %mul3A_1108 = arith.muli %add3A_1106, %mul3A_1107 : i32
      %broadcast_in_dim3A_1109 = arith.constant 0.000000e+00 : f32
      %broadcast_in_dim3A_1110 = vector.broadcast %broadcast_in_dim3A_1109 : f32 to vector<16xf32>
      %scan3A_1111 = arith.constant 0 : i32
      %scan3A_1112 = arith.constant 10 : i32
      %scan3A_1113 = arith.addi %scan3A_1111, %scan3A_1112 : i32
      %scan3A_1114 = arith.constant 1 : i32
      %scan3A_1115:4 = scf.for %scan3A_1204 = %scan3A_1111 to %scan3A_1113 step %scan3A_1114 iter_args(%scan3A_1205 = %broadcast_in_dim3A_1110, %scan3A_1206 = %broadcast_in_dim3A_1110, %scan3A_1207 = %broadcast_in_dim3A_1110, %scan3A_1208 = %broadcast_in_dim3A_1110) -> (vector<16xf32>, vector<16xf32>, vector<16xf32>, vector<16xf32>)  : i32 {
        %mul3A_1209 = arith.constant 5 : i32
        %mul3A_1210 = arith.muli %mul3A_1209, %scan3A_1204 : i32
        %add3A_1211 = arith.constant 0 : i32
        %add3A_1212 = arith.addi %mul3A_1210, %add3A_1211 : i32
        %get3A = arith.constant 14 : i32
        %get3A_1213 = arith.index_cast %get3A : i32 to index
        %get3A_1214 = arith.index_cast %add3A_1212 : i32 to index
        %get3A_1215 = arith.constant 0 : index
        %get3A_1216 = tpu.vector_load %arg6[%get3A_1213, %get3A_1214, %get3A_1215] {strides = array<i32>} : memref<16x100x32xf32, #tpu.memory_space<vmem>>, vector<1x1x16xf32>,
        %get3A_1217 = vector.shape_cast %get3A_1216 : vector<1x1x16xf32> to vector<16xf32>
        %add3A_1218 = arith.addf %scan3A_1205, %get3A_1217 : vector<16xf32>
        %add3A_1219 = arith.constant 0 : i32
        %add3A_1220 = arith.addi %mul3A_1210, %add3A_1219 : i32
        %get3A_1221 = arith.constant 14 : i32
        %get3A_1222 = arith.index_cast %get3A_1221 : i32 to index
        %get3A_1223 = arith.index_cast %add3A_1220 : i32 to index
        %get3A_1224 = arith.constant 16 : index
        %get3A_1225 = tpu.vector_load %arg6[%get3A_1222, %get3A_1223, %get3A_1224] {strides = array<i32>} : memref<16x100x32xf32, #tpu.memory_space<vmem>>, vector<1x1x16xf32>,
        %get3A_1226 = vector.shape_cast %get3A_1225 : vector<1x1x16xf32> to vector<16xf32>
        %add3A_1227 = arith.addf %scan3A_1206, %get3A_1226 : vector<16xf32>
        %add3A_1228 = arith.constant 50 : i32
        %add3A_1229 = arith.addi %add3A_1228, %mul3A_1210 : i32
        %add3A_1230 = arith.constant 0 : i32
        %add3A_1231 = arith.addi %add3A_1229, %add3A_1230 : i32
        %get3A_1232 = arith.constant 14 : i32
        %get3A_1233 = arith.index_cast %get3A_1232 : i32 to index
        %get3A_1234 = arith.index_cast %add3A_1231 : i32 to index
        %get3A_1235 = arith.constant 0 : index
        %get3A_1236 = tpu.vector_load %arg6[%get3A_1233, %get3A_1234, %get3A_1235] {strides = array<i32>} : memref<16x100x32xf32, #tpu.memory_space<vmem>>, vector<1x1x16xf32>,
        %get3A_1237 = vector.shape_cast %get3A_1236 : vector<1x1x16xf32> to vector<16xf32>
        %add3A_1238 = arith.addf %scan3A_1207, %get3A_1237 : vector<16xf32>
        %add3A_1239 = arith.constant 50 : i32
        %add3A_1240 = arith.addi %add3A_1239, %mul3A_1210 : i32
        %add3A_1241 = arith.constant 0 : i32
        %add3A_1242 = arith.addi %add3A_1240, %add3A_1241 : i32
        %get3A_1243 = arith.constant 14 : i32
        %get3A_1244 = arith.index_cast %get3A_1243 : i32 to index
        %get3A_1245 = arith.index_cast %add3A_1242 : i32 to index
        %get3A_1246 = arith.constant 16 : index
        %get3A_1247 = tpu.vector_load %arg6[%get3A_1244, %get3A_1245, %get3A_1246] {strides = array<i32>} : memref<16x100x32xf32, #tpu.memory_space<vmem>>, vector<1x1x16xf32>,
        %get3A_1248 = vector.shape_cast %get3A_1247 : vector<1x1x16xf32> to vector<16xf32>
        %add3A_1249 = arith.addf %scan3A_1208, %get3A_1248 : vector<16xf32>
        %add3A_1250 = arith.constant 1 : i32
        %add3A_1251 = arith.addi %mul3A_1210, %add3A_1250 : i32
        %get3A_1252 = arith.constant 14 : i32
        %get3A_1253 = arith.index_cast %get3A_1252 : i32 to index
        %get3A_1254 = arith.index_cast %add3A_1251 : i32 to index
        %get3A_1255 = arith.constant 0 : index
        %get3A_1256 = tpu.vector_load %arg6[%get3A_1253, %get3A_1254, %get3A_1255] {strides = array<i32>} : memref<16x100x32xf32, #tpu.memory_space<vmem>>, vector<1x1x16xf32>,
        %get3A_1257 = vector.shape_cast %get3A_1256 : vector<1x1x16xf32> to vector<16xf32>
        %add3A_1258 = arith.addf %add3A_1218, %get3A_1257 : vector<16xf32>
        %add3A_1259 = arith.constant 1 : i32
        %add3A_1260 = arith.addi %mul3A_1210, %add3A_1259 : i32
        %get3A_1261 = arith.constant 14 : i32
        %get3A_1262 = arith.index_cast %get3A_1261 : i32 to index
        %get3A_1263 = arith.index_cast %add3A_1260 : i32 to index
        %get3A_1264 = arith.constant 16 : index
        %get3A_1265 = tpu.vector_load %arg6[%get3A_1262, %get3A_1263, %get3A_1264] {strides = array<i32>} : memref<16x100x32xf32, #tpu.memory_space<vmem>>, vector<1x1x16xf32>,
        %get3A_1266 = vector.shape_cast %get3A_1265 : vector<1x1x16xf32> to vector<16xf32>
        %add3A_1267 = arith.addf %add3A_1227, %get3A_1266 : vector<16xf32>
        %add3A_1268 = arith.constant 50 : i32
        %add3A_1269 = arith.addi %add3A_1268, %mul3A_1210 : i32
        %add3A_1270 = arith.constant 1 : i32
        %add3A_1271 = arith.addi %add3A_1269, %add3A_1270 : i32
        %get3A_1272 = arith.constant 14 : i32
        %get3A_1273 = arith.index_cast %get3A_1272 : i32 to index
        %get3A_1274 = arith.index_cast %add3A_1271 : i32 to index
        %get3A_1275 = arith.constant 0 : index
        %get3A_1276 = tpu.vector_load %arg6[%get3A_1273, %get3A_1274, %get3A_1275] {strides = array<i32>} : memref<16x100x32xf32, #tpu.memory_space<vmem>>, vector<1x1x16xf32>,
        %get3A_1277 = vector.shape_cast %get3A_1276 : vector<1x1x16xf32> to vector<16xf32>
        %add3A_1278 = arith.addf %add3A_1238, %get3A_1277 : vector<16xf32>
        %add3A_1279 = arith.constant 50 : i32
        %add3A_1280 = arith.addi %add3A_1279, %mul3A_1210 : i32
        %add3A_1281 = arith.constant 1 : i32
        %add3A_1282 = arith.addi %add3A_1280, %add3A_1281 : i32
        %get3A_1283 = arith.constant 14 : i32
        %get3A_1284 = arith.index_cast %get3A_1283 : i32 to index
        %get3A_1285 = arith.index_cast %add3A_1282 : i32 to index
        %get3A_1286 = arith.constant 16 : index
        %get3A_1287 = tpu.vector_load %arg6[%get3A_1284, %get3A_1285, %get3A_1286] {strides = array<i32>} : memref<16x100x32xf32, #tpu.memory_space<vmem>>, vector<1x1x16xf32>,
        %get3A_1288 = vector.shape_cast %get3A_1287 : vector<1x1x16xf32> to vector<16xf32>
        %add3A_1289 = arith.addf %add3A_1249, %get3A_1288 : vector<16xf32>
        %add3A_1290 = arith.constant 2 : i32
        %add3A_1291 = arith.addi %mul3A_1210, %add3A_1290 : i32
        %get3A_1292 = arith.constant 14 : i32
        %get3A_1293 = arith.index_cast %get3A_1292 : i32 to index
        %get3A_1294 = arith.index_cast %add3A_1291 : i32 to index
        %get3A_1295 = arith.constant 0 : index
        %get3A_1296 = tpu.vector_load %arg6[%get3A_1293, %get3A_1294, %get3A_1295] {strides = array<i32>} : memref<16x100x32xf32, #tpu.memory_space<vmem>>, vector<1x1x16xf32>,
        %get3A_1297 = vector.shape_cast %get3A_1296 : vector<1x1x16xf32> to vector<16xf32>
        %add3A_1298 = arith.addf %add3A_1258, %get3A_1297 : vector<16xf32>
        %add3A_1299 = arith.constant 2 : i32
        %add3A_1300 = arith.addi %mul3A_1210, %add3A_1299 : i32
        %get3A_1301 = arith.constant 14 : i32
        %get3A_1302 = arith.index_cast %get3A_1301 : i32 to index
        %get3A_1303 = arith.index_cast %add3A_1300 : i32 to index
        %get3A_1304 = arith.constant 16 : index
        %get3A_1305 = tpu.vector_load %arg6[%get3A_1302, %get3A_1303, %get3A_1304] {strides = array<i32>} : memref<16x100x32xf32, #tpu.memory_space<vmem>>, vector<1x1x16xf32>,
        %get3A_1306 = vector.shape_cast %get3A_1305 : vector<1x1x16xf32> to vector<16xf32>
        %add3A_1307 = arith.addf %add3A_1267, %get3A_1306 : vector<16xf32>
        %add3A_1308 = arith.constant 50 : i32
        %add3A_1309 = arith.addi %add3A_1308, %mul3A_1210 : i32
        %add3A_1310 = arith.constant 2 : i32
        %add3A_1311 = arith.addi %add3A_1309, %add3A_1310 : i32
        %get3A_1312 = arith.constant 14 : i32
        %get3A_1313 = arith.index_cast %get3A_1312 : i32 to index
        %get3A_1314 = arith.index_cast %add3A_1311 : i32 to index
        %get3A_1315 = arith.constant 0 : index
        %get3A_1316 = tpu.vector_load %arg6[%get3A_1313, %get3A_1314, %get3A_1315] {strides = array<i32>} : memref<16x100x32xf32, #tpu.memory_space<vmem>>, vector<1x1x16xf32>,
        %get3A_1317 = vector.shape_cast %get3A_1316 : vector<1x1x16xf32> to vector<16xf32>
        %add3A_1318 = arith.addf %add3A_1278, %get3A_1317 : vector<16xf32>
        %add3A_1319 = arith.constant 50 : i32
        %add3A_1320 = arith.addi %add3A_1319, %mul3A_1210 : i32
        %add3A_1321 = arith.constant 2 : i32
        %add3A_1322 = arith.addi %add3A_1320, %add3A_1321 : i32
        %get3A_1323 = arith.constant 14 : i32
        %get3A_1324 = arith.index_cast %get3A_1323 : i32 to index
        %get3A_1325 = arith.index_cast %add3A_1322 : i32 to index
        %get3A_1326 = arith.constant 16 : index
        %get3A_1327 = tpu.vector_load %arg6[%get3A_1324, %get3A_1325, %get3A_1326] {strides = array<i32>} : memref<16x100x32xf32, #tpu.memory_space<vmem>>, vector<1x1x16xf32>,
        %get3A_1328 = vector.shape_cast %get3A_1327 : vector<1x1x16xf32> to vector<16xf32>
        %add3A_1329 = arith.addf %add3A_1289, %get3A_1328 : vector<16xf32>
        %add3A_1330 = arith.constant 3 : i32
        %add3A_1331 = arith.addi %mul3A_1210, %add3A_1330 : i32
        %get3A_1332 = arith.constant 14 : i32
        %get3A_1333 = arith.index_cast %get3A_1332 : i32 to index
        %get3A_1334 = arith.index_cast %add3A_1331 : i32 to index
        %get3A_1335 = arith.constant 0 : index
        %get3A_1336 = tpu.vector_load %arg6[%get3A_1333, %get3A_1334, %get3A_1335] {strides = array<i32>} : memref<16x100x32xf32, #tpu.memory_space<vmem>>, vector<1x1x16xf32>,
        %get3A_1337 = vector.shape_cast %get3A_1336 : vector<1x1x16xf32> to vector<16xf32>
        %add3A_1338 = arith.addf %add3A_1298, %get3A_1337 : vector<16xf32>
        %add3A_1339 = arith.constant 3 : i32
        %add3A_1340 = arith.addi %mul3A_1210, %add3A_1339 : i32
        %get3A_1341 = arith.constant 14 : i32
        %get3A_1342 = arith.index_cast %get3A_1341 : i32 to index
        %get3A_1343 = arith.index_cast %add3A_1340 : i32 to index
        %get3A_1344 = arith.constant 16 : index
        %get3A_1345 = tpu.vector_load %arg6[%get3A_1342, %get3A_1343, %get3A_1344] {strides = array<i32>} : memref<16x100x32xf32, #tpu.memory_space<vmem>>, vector<1x1x16xf32>,
        %get3A_1346 = vector.shape_cast %get3A_1345 : vector<1x1x16xf32> to vector<16xf32>
        %add3A_1347 = arith.addf %add3A_1307, %get3A_1346 : vector<16xf32>
        %add3A_1348 = arith.constant 50 : i32
        %add3A_1349 = arith.addi %add3A_1348, %mul3A_1210 : i32
        %add3A_1350 = arith.constant 3 : i32
        %add3A_1351 = arith.addi %add3A_1349, %add3A_1350 : i32
        %get3A_1352 = arith.constant 14 : i32
        %get3A_1353 = arith.index_cast %get3A_1352 : i32 to index
        %get3A_1354 = arith.index_cast %add3A_1351 : i32 to index
        %get3A_1355 = arith.constant 0 : index
        %get3A_1356 = tpu.vector_load %arg6[%get3A_1353, %get3A_1354, %get3A_1355] {strides = array<i32>} : memref<16x100x32xf32, #tpu.memory_space<vmem>>, vector<1x1x16xf32>,
        %get3A_1357 = vector.shape_cast %get3A_1356 : vector<1x1x16xf32> to vector<16xf32>
        %add3A_1358 = arith.addf %add3A_1318, %get3A_1357 : vector<16xf32>
        %add3A_1359 = arith.constant 50 : i32
        %add3A_1360 = arith.addi %add3A_1359, %mul3A_1210 : i32
        %add3A_1361 = arith.constant 3 : i32
        %add3A_1362 = arith.addi %add3A_1360, %add3A_1361 : i32
        %get3A_1363 = arith.constant 14 : i32
        %get3A_1364 = arith.index_cast %get3A_1363 : i32 to index
        %get3A_1365 = arith.index_cast %add3A_1362 : i32 to index
        %get3A_1366 = arith.constant 16 : index
        %get3A_1367 = tpu.vector_load %arg6[%get3A_1364, %get3A_1365, %get3A_1366] {strides = array<i32>} : memref<16x100x32xf32, #tpu.memory_space<vmem>>, vector<1x1x16xf32>,
        %get3A_1368 = vector.shape_cast %get3A_1367 : vector<1x1x16xf32> to vector<16xf32>
        %add3A_1369 = arith.addf %add3A_1329, %get3A_1368 : vector<16xf32>
        %add3A_1370 = arith.constant 4 : i32
        %add3A_1371 = arith.addi %mul3A_1210, %add3A_1370 : i32
        %get3A_1372 = arith.constant 14 : i32
        %get3A_1373 = arith.index_cast %get3A_1372 : i32 to index
        %get3A_1374 = arith.index_cast %add3A_1371 : i32 to index
        %get3A_1375 = arith.constant 0 : index
        %get3A_1376 = tpu.vector_load %arg6[%get3A_1373, %get3A_1374, %get3A_1375] {strides = array<i32>} : memref<16x100x32xf32, #tpu.memory_space<vmem>>, vector<1x1x16xf32>,
        %get3A_1377 = vector.shape_cast %get3A_1376 : vector<1x1x16xf32> to vector<16xf32>
        %add3A_1378 = arith.addf %add3A_1338, %get3A_1377 : vector<16xf32>
        %add3A_1379 = arith.constant 4 : i32
        %add3A_1380 = arith.addi %mul3A_1210, %add3A_1379 : i32
        %get3A_1381 = arith.constant 14 : i32
        %get3A_1382 = arith.index_cast %get3A_1381 : i32 to index
        %get3A_1383 = arith.index_cast %add3A_1380 : i32 to index
        %get3A_1384 = arith.constant 16 : index
        %get3A_1385 = tpu.vector_load %arg6[%get3A_1382, %get3A_1383, %get3A_1384] {strides = array<i32>} : memref<16x100x32xf32, #tpu.memory_space<vmem>>, vector<1x1x16xf32>,
        %get3A_1386 = vector.shape_cast %get3A_1385 : vector<1x1x16xf32> to vector<16xf32>
        %add3A_1387 = arith.addf %add3A_1347, %get3A_1386 : vector<16xf32>
        %add3A_1388 = arith.constant 50 : i32
        %add3A_1389 = arith.addi %add3A_1388, %mul3A_1210 : i32
        %add3A_1390 = arith.constant 4 : i32
        %add3A_1391 = arith.addi %add3A_1389, %add3A_1390 : i32
        %get3A_1392 = arith.constant 14 : i32
        %get3A_1393 = arith.index_cast %get3A_1392 : i32 to index
        %get3A_1394 = arith.index_cast %add3A_1391 : i32 to index
        %get3A_1395 = arith.constant 0 : index
        %get3A_1396 = tpu.vector_load %arg6[%get3A_1393, %get3A_1394, %get3A_1395] {strides = array<i32>} : memref<16x100x32xf32, #tpu.memory_space<vmem>>, vector<1x1x16xf32>,
        %get3A_1397 = vector.shape_cast %get3A_1396 : vector<1x1x16xf32> to vector<16xf32>
        %add3A_1398 = arith.addf %add3A_1358, %get3A_1397 : vector<16xf32>
        %add3A_1399 = arith.constant 50 : i32
        %add3A_1400 = arith.addi %add3A_1399, %mul3A_1210 : i32
        %add3A_1401 = arith.constant 4 : i32
        %add3A_1402 = arith.addi %add3A_1400, %add3A_1401 : i32
        %get3A_1403 = arith.constant 14 : i32
        %get3A_1404 = arith.index_cast %get3A_1403 : i32 to index
        %get3A_1405 = arith.index_cast %add3A_1402 : i32 to index
        %get3A_1406 = arith.constant 16 : index
        %get3A_1407 = tpu.vector_load %arg6[%get3A_1404, %get3A_1405, %get3A_1406] {strides = array<i32>} : memref<16x100x32xf32, #tpu.memory_space<vmem>>, vector<1x1x16xf32>,
        %get3A_1408 = vector.shape_cast %get3A_1407 : vector<1x1x16xf32> to vector<16xf32>
        %add3A_1409 = arith.addf %add3A_1369, %get3A_1408 : vector<16xf32>
        scf.yield %add3A_1378, %add3A_1387, %add3A_1398, %add3A_1409 : vector<16xf32>, vector<16xf32>, vector<16xf32>, vector<16xf32>
      }
      %scan3A_1116 = arith.constant 10 : i32
      %mul3A_1117 = arith.constant 2.000000e-02 : f32
      %mul3A_1118 = vector.broadcast %mul3A_1117 : f32 to vector<16xf32>
      %mul3A_1119 = arith.mulf %scan3A_1115#0, %mul3A_1118 : vector<16xf32>
      %swap3A_1120 = arith.index_cast %mul3A_1108 : i32 to index
      %swap3A_1121 = arith.constant 0 : index
      %swap3A_1122 = tpu.vector_load %arg7[%swap3A_1120, %swap3A_1121] {strides = array<i32>} : memref<512x32xf32, #tpu.memory_space<vmem>>, vector<1x16xf32>,
      %swap3A_1123 = vector.shape_cast %swap3A_1122 : vector<1x16xf32> to vector<16xf32>
      %swap3A_1124 = vector.shape_cast %mul3A_1119 : vector<16xf32> to vector<1x16xf32>
      tpu.vector_store %arg7[%swap3A_1120, %swap3A_1121], %swap3A_1124 {strides = array<i32>} : memref<512x32xf32, #tpu.memory_space<vmem>>, vector<1x16xf32>,
      %mul3A_1125 = arith.constant 2.000000e-02 : f32
      %mul3A_1126 = vector.broadcast %mul3A_1125 : f32 to vector<16xf32>
      %mul3A_1127 = arith.mulf %scan3A_1115#1, %mul3A_1126 : vector<16xf32>
      %swap3A_1128 = arith.index_cast %mul3A_1108 : i32 to index
      %swap3A_1129 = arith.constant 16 : index
      %swap3A_1130 = tpu.vector_load %arg7[%swap3A_1128, %swap3A_1129] {strides = array<i32>} : memref<512x32xf32, #tpu.memory_space<vmem>>, vector<1x16xf32>,
      %swap3A_1131 = vector.shape_cast %swap3A_1130 : vector<1x16xf32> to vector<16xf32>
      %swap3A_1132 = vector.shape_cast %mul3A_1127 : vector<16xf32> to vector<1x16xf32>
      tpu.vector_store %arg7[%swap3A_1128, %swap3A_1129], %swap3A_1132 {strides = array<i32>} : memref<512x32xf32, #tpu.memory_space<vmem>>, vector<1x16xf32>,
      %mul3A_1133 = arith.constant 2.000000e-02 : f32
      %mul3A_1134 = vector.broadcast %mul3A_1133 : f32 to vector<16xf32>
      %mul3A_1135 = arith.mulf %scan3A_1115#2, %mul3A_1134 : vector<16xf32>
      %add3A_1136 = arith.constant 1 : i32
      %add3A_1137 = arith.addi %mul3A_1108, %add3A_1136 : i32
      %swap3A_1138 = arith.index_cast %add3A_1137 : i32 to index
      %swap3A_1139 = arith.constant 0 : index
      %swap3A_1140 = tpu.vector_load %arg7[%swap3A_1138, %swap3A_1139] {strides = array<i32>} : memref<512x32xf32, #tpu.memory_space<vmem>>, vector<1x16xf32>,
      %swap3A_1141 = vector.shape_cast %swap3A_1140 : vector<1x16xf32> to vector<16xf32>
      %swap3A_1142 = vector.shape_cast %mul3A_1135 : vector<16xf32> to vector<1x16xf32>
      tpu.vector_store %arg7[%swap3A_1138, %swap3A_1139], %swap3A_1142 {strides = array<i32>} : memref<512x32xf32, #tpu.memory_space<vmem>>, vector<1x16xf32>,
      %mul3A_1143 = arith.constant 2.000000e-02 : f32
      %mul3A_1144 = vector.broadcast %mul3A_1143 : f32 to vector<16xf32>
      %mul3A_1145 = arith.mulf %scan3A_1115#3, %mul3A_1144 : vector<16xf32>
      %add3A_1146 = arith.constant 1 : i32
      %add3A_1147 = arith.addi %mul3A_1108, %add3A_1146 : i32
      %swap3A_1148 = arith.index_cast %add3A_1147 : i32 to index
      %swap3A_1149 = arith.constant 16 : index
      %swap3A_1150 = tpu.vector_load %arg7[%swap3A_1148, %swap3A_1149] {strides = array<i32>} : memref<512x32xf32, #tpu.memory_space<vmem>>, vector<1x16xf32>,
      %swap3A_1151 = vector.shape_cast %swap3A_1150 : vector<1x16xf32> to vector<16xf32>
      %swap3A_1152 = vector.shape_cast %mul3A_1145 : vector<16xf32> to vector<1x16xf32>
      tpu.vector_store %arg7[%swap3A_1148, %swap3A_1149], %swap3A_1152 {strides = array<i32>} : memref<512x32xf32, #tpu.memory_space<vmem>>, vector<1x16xf32>,
      %add3A_1153 = arith.constant 8 : i32
      %add3A_1154 = arith.addi %mul3A_107, %add3A_1153 : i32
      %add3A_1155 = arith.constant 7 : i32
      %add3A_1156 = arith.addi %add3A_1154, %add3A_1155 : i32
      %mul3A_1157 = arith.constant 2 : i32
      %mul3A_1158 = arith.muli %add3A_1156, %mul3A_1157 : i32
      %broadcast_in_dim3A_1159 = arith.constant 0.000000e+00 : f32
      %broadcast_in_dim3A_1160 = vector.broadcast %broadcast_in_dim3A_1159 : f32 to vector<16xf32>
      %scan3A_1161 = arith.constant 0 : i32
      %scan3A_1162 = arith.constant 10 : i32
      %scan3A_1163 = arith.addi %scan3A_1161, %scan3A_1162 : i32
      %scan3A_1164 = arith.constant 1 : i32
      %scan3A_1165:4 = scf.for %scan3A_1204 = %scan3A_1161 to %scan3A_1163 step %scan3A_1164 iter_args(%scan3A_1205 = %broadcast_in_dim3A_1160, %scan3A_1206 = %broadcast_in_dim3A_1160, %scan3A_1207 = %broadcast_in_dim3A_1160, %scan3A_1208 = %broadcast_in_dim3A_1160) -> (vector<16xf32>, vector<16xf32>, vector<16xf32>, vector<16xf32>)  : i32 {
        %mul3A_1209 = arith.constant 5 : i32
        %mul3A_1210 = arith.muli %mul3A_1209, %scan3A_1204 : i32
        %add3A_1211 = arith.constant 0 : i32
        %add3A_1212 = arith.addi %mul3A_1210, %add3A_1211 : i32
        %get3A = arith.constant 15 : i32
        %get3A_1213 = arith.index_cast %get3A : i32 to index
        %get3A_1214 = arith.index_cast %add3A_1212 : i32 to index
        %get3A_1215 = arith.constant 0 : index
        %get3A_1216 = tpu.vector_load %arg6[%get3A_1213, %get3A_1214, %get3A_1215] {strides = array<i32>} : memref<16x100x32xf32, #tpu.memory_space<vmem>>, vector<1x1x16xf32>,
        %get3A_1217 = vector.shape_cast %get3A_1216 : vector<1x1x16xf32> to vector<16xf32>
        %add3A_1218 = arith.addf %scan3A_1205, %get3A_1217 : vector<16xf32>
        %add3A_1219 = arith.constant 0 : i32
        %add3A_1220 = arith.addi %mul3A_1210, %add3A_1219 : i32
        %get3A_1221 = arith.constant 15 : i32
        %get3A_1222 = arith.index_cast %get3A_1221 : i32 to index
        %get3A_1223 = arith.index_cast %add3A_1220 : i32 to index
        %get3A_1224 = arith.constant 16 : index
        %get3A_1225 = tpu.vector_load %arg6[%get3A_1222, %get3A_1223, %get3A_1224] {strides = array<i32>} : memref<16x100x32xf32, #tpu.memory_space<vmem>>, vector<1x1x16xf32>,
        %get3A_1226 = vector.shape_cast %get3A_1225 : vector<1x1x16xf32> to vector<16xf32>
        %add3A_1227 = arith.addf %scan3A_1206, %get3A_1226 : vector<16xf32>
        %add3A_1228 = arith.constant 50 : i32
        %add3A_1229 = arith.addi %add3A_1228, %mul3A_1210 : i32
        %add3A_1230 = arith.constant 0 : i32
        %add3A_1231 = arith.addi %add3A_1229, %add3A_1230 : i32
        %get3A_1232 = arith.constant 15 : i32
        %get3A_1233 = arith.index_cast %get3A_1232 : i32 to index
        %get3A_1234 = arith.index_cast %add3A_1231 : i32 to index
        %get3A_1235 = arith.constant 0 : index
        %get3A_1236 = tpu.vector_load %arg6[%get3A_1233, %get3A_1234, %get3A_1235] {strides = array<i32>} : memref<16x100x32xf32, #tpu.memory_space<vmem>>, vector<1x1x16xf32>,
        %get3A_1237 = vector.shape_cast %get3A_1236 : vector<1x1x16xf32> to vector<16xf32>
        %add3A_1238 = arith.addf %scan3A_1207, %get3A_1237 : vector<16xf32>
        %add3A_1239 = arith.constant 50 : i32
        %add3A_1240 = arith.addi %add3A_1239, %mul3A_1210 : i32
        %add3A_1241 = arith.constant 0 : i32
        %add3A_1242 = arith.addi %add3A_1240, %add3A_1241 : i32
        %get3A_1243 = arith.constant 15 : i32
        %get3A_1244 = arith.index_cast %get3A_1243 : i32 to index
        %get3A_1245 = arith.index_cast %add3A_1242 : i32 to index
        %get3A_1246 = arith.constant 16 : index
        %get3A_1247 = tpu.vector_load %arg6[%get3A_1244, %get3A_1245, %get3A_1246] {strides = array<i32>} : memref<16x100x32xf32, #tpu.memory_space<vmem>>, vector<1x1x16xf32>,
        %get3A_1248 = vector.shape_cast %get3A_1247 : vector<1x1x16xf32> to vector<16xf32>
        %add3A_1249 = arith.addf %scan3A_1208, %get3A_1248 : vector<16xf32>
        %add3A_1250 = arith.constant 1 : i32
        %add3A_1251 = arith.addi %mul3A_1210, %add3A_1250 : i32
        %get3A_1252 = arith.constant 15 : i32
        %get3A_1253 = arith.index_cast %get3A_1252 : i32 to index
        %get3A_1254 = arith.index_cast %add3A_1251 : i32 to index
        %get3A_1255 = arith.constant 0 : index
        %get3A_1256 = tpu.vector_load %arg6[%get3A_1253, %get3A_1254, %get3A_1255] {strides = array<i32>} : memref<16x100x32xf32, #tpu.memory_space<vmem>>, vector<1x1x16xf32>,
        %get3A_1257 = vector.shape_cast %get3A_1256 : vector<1x1x16xf32> to vector<16xf32>
        %add3A_1258 = arith.addf %add3A_1218, %get3A_1257 : vector<16xf32>
        %add3A_1259 = arith.constant 1 : i32
        %add3A_1260 = arith.addi %mul3A_1210, %add3A_1259 : i32
        %get3A_1261 = arith.constant 15 : i32
        %get3A_1262 = arith.index_cast %get3A_1261 : i32 to index
        %get3A_1263 = arith.index_cast %add3A_1260 : i32 to index
        %get3A_1264 = arith.constant 16 : index
        %get3A_1265 = tpu.vector_load %arg6[%get3A_1262, %get3A_1263, %get3A_1264] {strides = array<i32>} : memref<16x100x32xf32, #tpu.memory_space<vmem>>, vector<1x1x16xf32>,
        %get3A_1266 = vector.shape_cast %get3A_1265 : vector<1x1x16xf32> to vector<16xf32>
        %add3A_1267 = arith.addf %add3A_1227, %get3A_1266 : vector<16xf32>
        %add3A_1268 = arith.constant 50 : i32
        %add3A_1269 = arith.addi %add3A_1268, %mul3A_1210 : i32
        %add3A_1270 = arith.constant 1 : i32
        %add3A_1271 = arith.addi %add3A_1269, %add3A_1270 : i32
        %get3A_1272 = arith.constant 15 : i32
        %get3A_1273 = arith.index_cast %get3A_1272 : i32 to index
        %get3A_1274 = arith.index_cast %add3A_1271 : i32 to index
        %get3A_1275 = arith.constant 0 : index
        %get3A_1276 = tpu.vector_load %arg6[%get3A_1273, %get3A_1274, %get3A_1275] {strides = array<i32>} : memref<16x100x32xf32, #tpu.memory_space<vmem>>, vector<1x1x16xf32>,
        %get3A_1277 = vector.shape_cast %get3A_1276 : vector<1x1x16xf32> to vector<16xf32>
        %add3A_1278 = arith.addf %add3A_1238, %get3A_1277 : vector<16xf32>
        %add3A_1279 = arith.constant 50 : i32
        %add3A_1280 = arith.addi %add3A_1279, %mul3A_1210 : i32
        %add3A_1281 = arith.constant 1 : i32
        %add3A_1282 = arith.addi %add3A_1280, %add3A_1281 : i32
        %get3A_1283 = arith.constant 15 : i32
        %get3A_1284 = arith.index_cast %get3A_1283 : i32 to index
        %get3A_1285 = arith.index_cast %add3A_1282 : i32 to index
        %get3A_1286 = arith.constant 16 : index
        %get3A_1287 = tpu.vector_load %arg6[%get3A_1284, %get3A_1285, %get3A_1286] {strides = array<i32>} : memref<16x100x32xf32, #tpu.memory_space<vmem>>, vector<1x1x16xf32>,
        %get3A_1288 = vector.shape_cast %get3A_1287 : vector<1x1x16xf32> to vector<16xf32>
        %add3A_1289 = arith.addf %add3A_1249, %get3A_1288 : vector<16xf32>
        %add3A_1290 = arith.constant 2 : i32
        %add3A_1291 = arith.addi %mul3A_1210, %add3A_1290 : i32
        %get3A_1292 = arith.constant 15 : i32
        %get3A_1293 = arith.index_cast %get3A_1292 : i32 to index
        %get3A_1294 = arith.index_cast %add3A_1291 : i32 to index
        %get3A_1295 = arith.constant 0 : index
        %get3A_1296 = tpu.vector_load %arg6[%get3A_1293, %get3A_1294, %get3A_1295] {strides = array<i32>} : memref<16x100x32xf32, #tpu.memory_space<vmem>>, vector<1x1x16xf32>,
        %get3A_1297 = vector.shape_cast %get3A_1296 : vector<1x1x16xf32> to vector<16xf32>
        %add3A_1298 = arith.addf %add3A_1258, %get3A_1297 : vector<16xf32>
        %add3A_1299 = arith.constant 2 : i32
        %add3A_1300 = arith.addi %mul3A_1210, %add3A_1299 : i32
        %get3A_1301 = arith.constant 15 : i32
        %get3A_1302 = arith.index_cast %get3A_1301 : i32 to index
        %get3A_1303 = arith.index_cast %add3A_1300 : i32 to index
        %get3A_1304 = arith.constant 16 : index
        %get3A_1305 = tpu.vector_load %arg6[%get3A_1302, %get3A_1303, %get3A_1304] {strides = array<i32>} : memref<16x100x32xf32, #tpu.memory_space<vmem>>, vector<1x1x16xf32>,
        %get3A_1306 = vector.shape_cast %get3A_1305 : vector<1x1x16xf32> to vector<16xf32>
        %add3A_1307 = arith.addf %add3A_1267, %get3A_1306 : vector<16xf32>
        %add3A_1308 = arith.constant 50 : i32
        %add3A_1309 = arith.addi %add3A_1308, %mul3A_1210 : i32
        %add3A_1310 = arith.constant 2 : i32
        %add3A_1311 = arith.addi %add3A_1309, %add3A_1310 : i32
        %get3A_1312 = arith.constant 15 : i32
        %get3A_1313 = arith.index_cast %get3A_1312 : i32 to index
        %get3A_1314 = arith.index_cast %add3A_1311 : i32 to index
        %get3A_1315 = arith.constant 0 : index
        %get3A_1316 = tpu.vector_load %arg6[%get3A_1313, %get3A_1314, %get3A_1315] {strides = array<i32>} : memref<16x100x32xf32, #tpu.memory_space<vmem>>, vector<1x1x16xf32>,
        %get3A_1317 = vector.shape_cast %get3A_1316 : vector<1x1x16xf32> to vector<16xf32>
        %add3A_1318 = arith.addf %add3A_1278, %get3A_1317 : vector<16xf32>
        %add3A_1319 = arith.constant 50 : i32
        %add3A_1320 = arith.addi %add3A_1319, %mul3A_1210 : i32
        %add3A_1321 = arith.constant 2 : i32
        %add3A_1322 = arith.addi %add3A_1320, %add3A_1321 : i32
        %get3A_1323 = arith.constant 15 : i32
        %get3A_1324 = arith.index_cast %get3A_1323 : i32 to index
        %get3A_1325 = arith.index_cast %add3A_1322 : i32 to index
        %get3A_1326 = arith.constant 16 : index
        %get3A_1327 = tpu.vector_load %arg6[%get3A_1324, %get3A_1325, %get3A_1326] {strides = array<i32>} : memref<16x100x32xf32, #tpu.memory_space<vmem>>, vector<1x1x16xf32>,
        %get3A_1328 = vector.shape_cast %get3A_1327 : vector<1x1x16xf32> to vector<16xf32>
        %add3A_1329 = arith.addf %add3A_1289, %get3A_1328 : vector<16xf32>
        %add3A_1330 = arith.constant 3 : i32
        %add3A_1331 = arith.addi %mul3A_1210, %add3A_1330 : i32
        %get3A_1332 = arith.constant 15 : i32
        %get3A_1333 = arith.index_cast %get3A_1332 : i32 to index
        %get3A_1334 = arith.index_cast %add3A_1331 : i32 to index
        %get3A_1335 = arith.constant 0 : index
        %get3A_1336 = tpu.vector_load %arg6[%get3A_1333, %get3A_1334, %get3A_1335] {strides = array<i32>} : memref<16x100x32xf32, #tpu.memory_space<vmem>>, vector<1x1x16xf32>,
        %get3A_1337 = vector.shape_cast %get3A_1336 : vector<1x1x16xf32> to vector<16xf32>
        %add3A_1338 = arith.addf %add3A_1298, %get3A_1337 : vector<16xf32>
        %add3A_1339 = arith.constant 3 : i32
        %add3A_1340 = arith.addi %mul3A_1210, %add3A_1339 : i32
        %get3A_1341 = arith.constant 15 : i32
        %get3A_1342 = arith.index_cast %get3A_1341 : i32 to index
        %get3A_1343 = arith.index_cast %add3A_1340 : i32 to index
        %get3A_1344 = arith.constant 16 : index
        %get3A_1345 = tpu.vector_load %arg6[%get3A_1342, %get3A_1343, %get3A_1344] {strides = array<i32>} : memref<16x100x32xf32, #tpu.memory_space<vmem>>, vector<1x1x16xf32>,
        %get3A_1346 = vector.shape_cast %get3A_1345 : vector<1x1x16xf32> to vector<16xf32>
        %add3A_1347 = arith.addf %add3A_1307, %get3A_1346 : vector<16xf32>
        %add3A_1348 = arith.constant 50 : i32
        %add3A_1349 = arith.addi %add3A_1348, %mul3A_1210 : i32
        %add3A_1350 = arith.constant 3 : i32
        %add3A_1351 = arith.addi %add3A_1349, %add3A_1350 : i32
        %get3A_1352 = arith.constant 15 : i32
        %get3A_1353 = arith.index_cast %get3A_1352 : i32 to index
        %get3A_1354 = arith.index_cast %add3A_1351 : i32 to index
        %get3A_1355 = arith.constant 0 : index
        %get3A_1356 = tpu.vector_load %arg6[%get3A_1353, %get3A_1354, %get3A_1355] {strides = array<i32>} : memref<16x100x32xf32, #tpu.memory_space<vmem>>, vector<1x1x16xf32>,
        %get3A_1357 = vector.shape_cast %get3A_1356 : vector<1x1x16xf32> to vector<16xf32>
        %add3A_1358 = arith.addf %add3A_1318, %get3A_1357 : vector<16xf32>
        %add3A_1359 = arith.constant 50 : i32
        %add3A_1360 = arith.addi %add3A_1359, %mul3A_1210 : i32
        %add3A_1361 = arith.constant 3 : i32
        %add3A_1362 = arith.addi %add3A_1360, %add3A_1361 : i32
        %get3A_1363 = arith.constant 15 : i32
        %get3A_1364 = arith.index_cast %get3A_1363 : i32 to index
        %get3A_1365 = arith.index_cast %add3A_1362 : i32 to index
        %get3A_1366 = arith.constant 16 : index
        %get3A_1367 = tpu.vector_load %arg6[%get3A_1364, %get3A_1365, %get3A_1366] {strides = array<i32>} : memref<16x100x32xf32, #tpu.memory_space<vmem>>, vector<1x1x16xf32>,
        %get3A_1368 = vector.shape_cast %get3A_1367 : vector<1x1x16xf32> to vector<16xf32>
        %add3A_1369 = arith.addf %add3A_1329, %get3A_1368 : vector<16xf32>
        %add3A_1370 = arith.constant 4 : i32
        %add3A_1371 = arith.addi %mul3A_1210, %add3A_1370 : i32
        %get3A_1372 = arith.constant 15 : i32
        %get3A_1373 = arith.index_cast %get3A_1372 : i32 to index
        %get3A_1374 = arith.index_cast %add3A_1371 : i32 to index
        %get3A_1375 = arith.constant 0 : index
        %get3A_1376 = tpu.vector_load %arg6[%get3A_1373, %get3A_1374, %get3A_1375] {strides = array<i32>} : memref<16x100x32xf32, #tpu.memory_space<vmem>>, vector<1x1x16xf32>,
        %get3A_1377 = vector.shape_cast %get3A_1376 : vector<1x1x16xf32> to vector<16xf32>
        %add3A_1378 = arith.addf %add3A_1338, %get3A_1377 : vector<16xf32>
        %add3A_1379 = arith.constant 4 : i32
        %add3A_1380 = arith.addi %mul3A_1210, %add3A_1379 : i32
        %get3A_1381 = arith.constant 15 : i32
        %get3A_1382 = arith.index_cast %get3A_1381 : i32 to index
        %get3A_1383 = arith.index_cast %add3A_1380 : i32 to index
        %get3A_1384 = arith.constant 16 : index
        %get3A_1385 = tpu.vector_load %arg6[%get3A_1382, %get3A_1383, %get3A_1384] {strides = array<i32>} : memref<16x100x32xf32, #tpu.memory_space<vmem>>, vector<1x1x16xf32>,
        %get3A_1386 = vector.shape_cast %get3A_1385 : vector<1x1x16xf32> to vector<16xf32>
        %add3A_1387 = arith.addf %add3A_1347, %get3A_1386 : vector<16xf32>
        %add3A_1388 = arith.constant 50 : i32
        %add3A_1389 = arith.addi %add3A_1388, %mul3A_1210 : i32
        %add3A_1390 = arith.constant 4 : i32
        %add3A_1391 = arith.addi %add3A_1389, %add3A_1390 : i32
        %get3A_1392 = arith.constant 15 : i32
        %get3A_1393 = arith.index_cast %get3A_1392 : i32 to index
        %get3A_1394 = arith.index_cast %add3A_1391 : i32 to index
        %get3A_1395 = arith.constant 0 : index
        %get3A_1396 = tpu.vector_load %arg6[%get3A_1393, %get3A_1394, %get3A_1395] {strides = array<i32>} : memref<16x100x32xf32, #tpu.memory_space<vmem>>, vector<1x1x16xf32>,
        %get3A_1397 = vector.shape_cast %get3A_1396 : vector<1x1x16xf32> to vector<16xf32>
        %add3A_1398 = arith.addf %add3A_1358, %get3A_1397 : vector<16xf32>
        %add3A_1399 = arith.constant 50 : i32
        %add3A_1400 = arith.addi %add3A_1399, %mul3A_1210 : i32
        %add3A_1401 = arith.constant 4 : i32
        %add3A_1402 = arith.addi %add3A_1400, %add3A_1401 : i32
        %get3A_1403 = arith.constant 15 : i32
        %get3A_1404 = arith.index_cast %get3A_1403 : i32 to index
        %get3A_1405 = arith.index_cast %add3A_1402 : i32 to index
        %get3A_1406 = arith.constant 16 : index
        %get3A_1407 = tpu.vector_load %arg6[%get3A_1404, %get3A_1405, %get3A_1406] {strides = array<i32>} : memref<16x100x32xf32, #tpu.memory_space<vmem>>, vector<1x1x16xf32>,
        %get3A_1408 = vector.shape_cast %get3A_1407 : vector<1x1x16xf32> to vector<16xf32>
        %add3A_1409 = arith.addf %add3A_1369, %get3A_1408 : vector<16xf32>
        scf.yield %add3A_1378, %add3A_1387, %add3A_1398, %add3A_1409 : vector<16xf32>, vector<16xf32>, vector<16xf32>, vector<16xf32>
      }
      %scan3A_1166 = arith.constant 10 : i32
      %mul3A_1167 = arith.constant 2.000000e-02 : f32
      %mul3A_1168 = vector.broadcast %mul3A_1167 : f32 to vector<16xf32>
      %mul3A_1169 = arith.mulf %scan3A_1165#0, %mul3A_1168 : vector<16xf32>
      %swap3A_1170 = arith.index_cast %mul3A_1158 : i32 to index
      %swap3A_1171 = arith.constant 0 : index
      %swap3A_1172 = tpu.vector_load %arg7[%swap3A_1170, %swap3A_1171] {strides = array<i32>} : memref<512x32xf32, #tpu.memory_space<vmem>>, vector<1x16xf32>,
      %swap3A_1173 = vector.shape_cast %swap3A_1172 : vector<1x16xf32> to vector<16xf32>
      %swap3A_1174 = vector.shape_cast %mul3A_1169 : vector<16xf32> to vector<1x16xf32>
      tpu.vector_store %arg7[%swap3A_1170, %swap3A_1171], %swap3A_1174 {strides = array<i32>} : memref<512x32xf32, #tpu.memory_space<vmem>>, vector<1x16xf32>,
      %mul3A_1175 = arith.constant 2.000000e-02 : f32
      %mul3A_1176 = vector.broadcast %mul3A_1175 : f32 to vector<16xf32>
      %mul3A_1177 = arith.mulf %scan3A_1165#1, %mul3A_1176 : vector<16xf32>
      %swap3A_1178 = arith.index_cast %mul3A_1158 : i32 to index
      %swap3A_1179 = arith.constant 16 : index
      %swap3A_1180 = tpu.vector_load %arg7[%swap3A_1178, %swap3A_1179] {strides = array<i32>} : memref<512x32xf32, #tpu.memory_space<vmem>>, vector<1x16xf32>,
      %swap3A_1181 = vector.shape_cast %swap3A_1180 : vector<1x16xf32> to vector<16xf32>
      %swap3A_1182 = vector.shape_cast %mul3A_1177 : vector<16xf32> to vector<1x16xf32>
      tpu.vector_store %arg7[%swap3A_1178, %swap3A_1179], %swap3A_1182 {strides = array<i32>} : memref<512x32xf32, #tpu.memory_space<vmem>>, vector<1x16xf32>,
      %mul3A_1183 = arith.constant 2.000000e-02 : f32
      %mul3A_1184 = vector.broadcast %mul3A_1183 : f32 to vector<16xf32>
      %mul3A_1185 = arith.mulf %scan3A_1165#2, %mul3A_1184 : vector<16xf32>
      %add3A_1186 = arith.constant 1 : i32
      %add3A_1187 = arith.addi %mul3A_1158, %add3A_1186 : i32
      %swap3A_1188 = arith.index_cast %add3A_1187 : i32 to index
      %swap3A_1189 = arith.constant 0 : index
      %swap3A_1190 = tpu.vector_load %arg7[%swap3A_1188, %swap3A_1189] {strides = array<i32>} : memref<512x32xf32, #tpu.memory_space<vmem>>, vector<1x16xf32>,
      %swap3A_1191 = vector.shape_cast %swap3A_1190 : vector<1x16xf32> to vector<16xf32>
      %swap3A_1192 = vector.shape_cast %mul3A_1185 : vector<16xf32> to vector<1x16xf32>
      tpu.vector_store %arg7[%swap3A_1188, %swap3A_1189], %swap3A_1192 {strides = array<i32>} : memref<512x32xf32, #tpu.memory_space<vmem>>, vector<1x16xf32>,
      %mul3A_1193 = arith.constant 2.000000e-02 : f32
      %mul3A_1194 = vector.broadcast %mul3A_1193 : f32 to vector<16xf32>
      %mul3A_1195 = arith.mulf %scan3A_1165#3, %mul3A_1194 : vector<16xf32>
      %add3A_1196 = arith.constant 1 : i32
      %add3A_1197 = arith.addi %mul3A_1158, %add3A_1196 : i32
      %swap3A_1198 = arith.index_cast %add3A_1197 : i32 to index
      %swap3A_1199 = arith.constant 16 : index
      %swap3A_1200 = tpu.vector_load %arg7[%swap3A_1198, %swap3A_1199] {strides = array<i32>} : memref<512x32xf32, #tpu.memory_space<vmem>>, vector<1x16xf32>,
      %swap3A_1201 = vector.shape_cast %swap3A_1200 : vector<1x16xf32> to vector<16xf32>
      %swap3A_1202 = vector.shape_cast %mul3A_1195 : vector<16xf32> to vector<1x16xf32>
      tpu.vector_store %arg7[%swap3A_1198, %swap3A_1199], %swap3A_1202 {strides = array<i32>} : memref<512x32xf32, #tpu.memory_space<vmem>>, vector<1x16xf32>,
      %scan3A_1203 = arith.constant 0 : i32
      scf.yield %scan3A_1203 : i32
    }
    %scan3A_101 = arith.constant 16 : i32
    %mul3A_102 = arith.constant 512 : i32
    %mul3A_103 = arith.muli %add3A, %mul3A_102 : i32
    "tpu.region"() ({
      %run_scoped3A = tpu.sem_alloc : memref<!tpu.dma_semaphore, #tpu.memory_space<semaphore_mem>>
      %dma_start3A_104 = arith.constant 0 : i32
      %dma_start3A_105 = tpu.memref_slice %arg4[%mul3A_103, %dma_start3A_104] : memref<16384x32xf32, #tpu.memory_space<hbm>> -> memref<512x32xf32, #tpu.memory_space<hbm>>
      %dma_start3A_106 = arith.constant 0 : i32
      %dma_start3A_107 = tpu.memref_slice %arg4[%mul3A_103, %dma_start3A_106] : memref<16384x32xf32, #tpu.memory_space<hbm>> -> memref<512x32xf32, #tpu.memory_space<hbm>>
      tpu.enqueue_dma source(%arg7 : memref<512x32xf32, #tpu.memory_space<vmem>>) target(%dma_start3A_107 : memref<512x32xf32, #tpu.memory_space<hbm>>) target_semaphore(%run_scoped3A : memref<!tpu.dma_semaphore, #tpu.memory_space<semaphore_mem>>)
      %dma_wait3A = arith.constant 0 : i32
      %dma_wait3A_108 = tpu.memref_slice %arg4[%mul3A_103, %dma_wait3A] : memref<16384x32xf32, #tpu.memory_space<hbm>> -> memref<512x32xf32, #tpu.memory_space<hbm>>
      %dma_wait3A_109 = arith.constant 0 : i32
      %dma_wait3A_110 = tpu.memref_slice %arg4[%mul3A_103, %dma_wait3A_109] : memref<16384x32xf32, #tpu.memory_space<hbm>> -> memref<512x32xf32, #tpu.memory_space<hbm>>
      tpu.wait_dma2 semaphore(%run_scoped3A : memref<!tpu.dma_semaphore, #tpu.memory_space<semaphore_mem>>) src(%arg7 : memref<512x32xf32, #tpu.memory_space<vmem>>) dst(%dma_wait3A_110 : memref<512x32xf32, #tpu.memory_space<hbm>>)
      tpu.yield
    }) : () -> ()
    return
  }
}

module attributes {stable_mosaic.version = 14 : i64} {
  func.func @_tc_transpose_body(%arg0: i32, %arg1: memref<32x8192xf32, #tpu.memory_space<vmem>>, %arg2: memref<32x8192xf32, #tpu.memory_space<vmem>>, %arg3: memref<32x8192xf32, #tpu.memory_space<vmem>>, %arg4: memref<32x8192xf32, #tpu.memory_space<vmem>>, %arg5: memref<8192x128xf32, #tpu.memory_space<vmem>>) attributes {dimension_semantics = [#tpu.dimension_semantics<arbitrary>], iteration_bounds = array<i64: 32>, scalar_prefetch = 0 : i64, scratch_operands = 0 : i64, tpu.core_type = #tpu.core_type<tc>, window_params = [{transform_indices = @transform_0, window_bounds = array<i64: 32, 8192>}, {transform_indices = @transform_1, window_bounds = array<i64: 32, 8192>}, {transform_indices = @transform_2, window_bounds = array<i64: 32, 8192>}, {transform_indices = @transform_3, window_bounds = array<i64: 32, 8192>}, {transform_indices = @transform_4, window_bounds = array<i64: 8192, 128>}]} {
    %get3A = arith.constant 0 : index
    %get3A_0 = arith.constant 0 : index
    %get3A_1 = vector.load %arg1[%get3A, %get3A_0] : memref<32x8192xf32, #tpu.memory_space<vmem>>, vector<32x8192xf32>
    %get3A_2 = arith.constant 0 : index
    %get3A_3 = arith.constant 0 : index
    %get3A_4 = vector.load %arg2[%get3A_2, %get3A_3] : memref<32x8192xf32, #tpu.memory_space<vmem>>, vector<32x8192xf32>
    %get3A_5 = arith.constant 0 : index
    %get3A_6 = arith.constant 0 : index
    %get3A_7 = vector.load %arg3[%get3A_5, %get3A_6] : memref<32x8192xf32, #tpu.memory_space<vmem>>, vector<32x8192xf32>
    %get3A_8 = arith.constant 0 : index
    %get3A_9 = arith.constant 0 : index
    %get3A_10 = vector.load %arg4[%get3A_8, %get3A_9] : memref<32x8192xf32, #tpu.memory_space<vmem>>, vector<32x8192xf32>
    %concatenate3A = tpu.concatenate %get3A_1, %get3A_4, %get3A_7, %get3A_10 in 0 : vector<32x8192xf32>, vector<32x8192xf32>, vector<32x8192xf32>, vector<32x8192xf32> -> vector<128x8192xf32>
    %iota3A = tpu.iota {dimensions = array<i32: 0>} : vector<128x128xi32>
    %iota3A_11 = tpu.iota {dimensions = array<i32: 1>} : vector<128x128xi32>
    %add3A = arith.constant 0 : i32
    %add3A_12 = vector.broadcast %add3A : i32 to vector<128x128xi32>
    %add3A_13 = arith.addi %iota3A, %add3A_12 : vector<128x128xi32>
    %eq3A = arith.cmpi eq, %add3A_13, %iota3A_11 : vector<128x128xi32>
    %convert_element_type3A = arith.extui %eq3A : vector<128x128xi1> to vector<128x128xi32>
    %convert_element_type3A_14 = arith.sitofp %convert_element_type3A : vector<128x128xi32> to vector<128x128xf32>
    %dot_general3A = arith.constant dense<0.000000e+00> : vector<8192x128xf32>
    %dot_general3A_15 = tpu.matmul %concatenate3A, %convert_element_type3A_14, %dot_general3A {dimension_numbers = #tpu.dot_dimension_numbers<[0], [0], [1], [1], [0, 1, 1, 1], [], []>, transpose_lhs_hint = false} : vector<128x8192xf32>, vector<128x128xf32>, vector<8192x128xf32> -> vector<8192x128xf32>
    %swap3A = arith.constant 0 : index
    %swap3A_16 = arith.constant 0 : index
    %swap3A_17 = vector.load %arg5[%swap3A, %swap3A_16] : memref<8192x128xf32, #tpu.memory_space<vmem>>, vector<8192x128xf32>
    tpu.vector_store %arg5[%swap3A, %swap3A_16], %dot_general3A_15 {strides = array<i32>} : memref<8192x128xf32, #tpu.memory_space<vmem>>, vector<8192x128xf32>,
    return
  }
  func.func @transform_0(%arg0: i32) -> (i32, i32) {
    %add3A = arith.constant 0 : i32
    %add3A_0 = arith.addi %add3A, %arg0 : i32
    %min3A = arith.constant 122 : i32
    %min3A_1 = arith.minsi %add3A_0, %min3A : i32
    %c0_i32 = arith.constant 0 : i32
    %c0_i32_2 = arith.constant 0 : i32
    return %c0_i32, %min3A_1 : i32, i32
  }
  func.func @transform_1(%arg0: i32) -> (i32, i32) {
    %add3A = arith.constant 32 : i32
    %add3A_0 = arith.addi %add3A, %arg0 : i32
    %min3A = arith.constant 122 : i32
    %min3A_1 = arith.minsi %add3A_0, %min3A : i32
    %c0_i32 = arith.constant 0 : i32
    %c0_i32_2 = arith.constant 0 : i32
    return %c0_i32, %min3A_1 : i32, i32
  }
  func.func @transform_2(%arg0: i32) -> (i32, i32) {
    %add3A = arith.constant 64 : i32
    %add3A_0 = arith.addi %add3A, %arg0 : i32
    %min3A = arith.constant 122 : i32
    %min3A_1 = arith.minsi %add3A_0, %min3A : i32
    %c0_i32 = arith.constant 0 : i32
    %c0_i32_2 = arith.constant 0 : i32
    return %c0_i32, %min3A_1 : i32, i32
  }
  func.func @transform_3(%arg0: i32) -> (i32, i32) {
    %add3A = arith.constant 96 : i32
    %add3A_0 = arith.addi %add3A, %arg0 : i32
    %min3A = arith.constant 122 : i32
    %min3A_1 = arith.minsi %add3A_0, %min3A : i32
    %c0_i32 = arith.constant 0 : i32
    %c0_i32_2 = arith.constant 0 : i32
    return %c0_i32, %min3A_1 : i32, i32
  }
  func.func @transform_4(%arg0: i32) -> (i32, i32) {
    %c0_i32 = arith.constant 0 : i32
    %c0_i32_0 = arith.constant 0 : i32
    return %arg0, %c0_i32 : i32, i32
  }
}

module attributes {stable_mosaic.version = 14 : i64} {
  func.func @_tc_loss_body(%arg0: i32, %arg1: memref<2048x32xf32, #tpu.memory_space<vmem>>, %arg2: memref<128x32xf32, #tpu.memory_space<vmem>>, %arg3: memref<1x128xf32, #tpu.memory_space<vmem>>, %arg4: memref<2048x1xi32, #tpu.memory_space<vmem>>, %arg5: memref<1x1xf32, #tpu.memory_space<smem>>) attributes {dimension_semantics = [#tpu.dimension_semantics<arbitrary>], iteration_bounds = array<i64: 8>, scalar_prefetch = 0 : i64, scratch_operands = 0 : i64, tpu.core_type = #tpu.core_type<tc>, window_params = [{transform_indices = @transform_0, window_bounds = array<i64: 2048, 32>}, {pipeline_mode = #tpu.pipeline_mode<synchronous>, transform_indices = @transform_1, window_bounds = array<i64: 128, 32>}, {pipeline_mode = #tpu.pipeline_mode<synchronous>, transform_indices = @transform_2, window_bounds = array<i64: 1, 128>}, {transform_indices = @transform_3, window_bounds = array<i64: 2048, 1>}, {transform_indices = @transform_4, window_bounds = array<i64: 1, 1>}]} {
    %get3A = arith.constant 0 : index
    %get3A_0 = arith.constant 0 : index
    %get3A_1 = vector.load %arg1[%get3A, %get3A_0] : memref<2048x32xf32, #tpu.memory_space<vmem>>, vector<2048x32xf32>
    %get3A_2 = arith.constant 0 : index
    %get3A_3 = arith.constant 0 : index
    %get3A_4 = vector.load %arg2[%get3A_2, %get3A_3] : memref<128x32xf32, #tpu.memory_space<vmem>>, vector<128x32xf32>
    %dot_general3A = arith.constant dense<0.000000e+00> : vector<2048x128xf32>
    %dot_general3A_5 = tpu.matmul %get3A_1, %get3A_4, %dot_general3A {dimension_numbers = #tpu.dot_dimension_numbers<[1], [1], [0], [0], [0, 0, 1, 0], [], []>, transpose_lhs_hint = false} : vector<2048x32xf32>, vector<128x32xf32>, vector<2048x128xf32> -> vector<2048x128xf32>
    %get3A_6 = arith.constant 0 : index
    %get3A_7 = arith.constant 0 : index
    %get3A_8 = vector.load %arg3[%get3A_6, %get3A_7] : memref<1x128xf32, #tpu.memory_space<vmem>>, vector<1x128xf32>
    %add3A = vector.broadcast %get3A_8 : vector<1x128xf32> to vector<2048x128xf32>
    %add3A_9 = arith.addf %dot_general3A_5, %add3A : vector<2048x128xf32>
    %reduce_max3A = arith.constant dense<0xFF800000> : vector<2048xf32>
    %reduce_max3A_10 = vector.multi_reduction <maximumf>, %add3A_9, %reduce_max3A [1] : vector<2048x128xf32> to vector<2048xf32>
    %broadcast_in_dim3A = vector.shape_cast %reduce_max3A_10 : vector<2048xf32> to vector<2048x1xf32>
    %squeeze3A = vector.shape_cast %broadcast_in_dim3A : vector<2048x1xf32> to vector<2048xf32>
    %sub3A = vector.broadcast %broadcast_in_dim3A : vector<2048x1xf32> to vector<2048x128xf32>
    %sub3A_11 = arith.subf %add3A_9, %sub3A : vector<2048x128xf32>
    %exp3A = math.exp %sub3A_11 : vector<2048x128xf32>
    %reduce_sum3A = arith.constant dense<0.000000e+00> : vector<2048xf32>
    %reduce_sum3A_12 = vector.multi_reduction <add>, %exp3A, %reduce_sum3A [1] : vector<2048x128xf32> to vector<2048xf32>
    %log3A = math.log %reduce_sum3A_12 : vector<2048xf32>
    %add3A_13 = arith.addf %squeeze3A, %log3A : vector<2048xf32>
    %iota3A = tpu.iota {dimensions = array<i32: 1>} : vector<2048x128xi32>
    %get3A_14 = arith.constant 0 : index
    %get3A_15 = arith.constant 0 : index
    %get3A_16 = vector.load %arg4[%get3A_14, %get3A_15] : memref<2048x1xi32, #tpu.memory_space<vmem>>, vector<2048x1xi32>
    %eq3A = vector.broadcast %get3A_16 : vector<2048x1xi32> to vector<2048x128xi32>
    %eq3A_17 = arith.cmpi eq, %iota3A, %eq3A : vector<2048x128xi32>
    %jit3A = arith.constant 0.000000e+00 : f32
    %broadcast_in_dim3A_18 = vector.broadcast %jit3A : f32 to vector<2048x128xf32>
    %select_n3A = arith.select %eq3A_17, %add3A_9, %broadcast_in_dim3A_18 : vector<2048x128xi1>, vector<2048x128xf32>
    %reduce_sum3A_19 = arith.constant dense<0.000000e+00> : vector<2048xf32>
    %reduce_sum3A_20 = vector.multi_reduction <add>, %select_n3A, %reduce_sum3A_19 [1] : vector<2048x128xf32> to vector<2048xf32>
    %sub3A_21 = arith.subf %add3A_13, %reduce_sum3A_20 : vector<2048xf32>
    %reduce_sum3A_22 = vector.shape_cast %sub3A_21 : vector<2048xf32> to vector<1x2048xf32>
    %reduce_sum3A_23 = arith.constant dense<0.000000e+00> : vector<1xf32>
    %reduce_sum3A_24 = vector.multi_reduction <add>, %reduce_sum3A_22, %reduce_sum3A_23 [1] : vector<1x2048xf32> to vector<1xf32>
    %reduce_sum3A_25 = vector.shape_cast %reduce_sum3A_24 : vector<1xf32> to vector<1x1xf32>
    %reduce_sum3A_26 = vector.extract %reduce_sum3A_25[0, 0] : f32 from vector<1x1xf32>
    %mul3A = arith.constant 6.10351563E-5 : f32
    %mul3A_27 = arith.mulf %reduce_sum3A_26, %mul3A : f32
    %eq3A_28 = arith.constant 0 : i32
    %eq3A_29 = arith.cmpi eq, %arg0, %eq3A_28 : i32
    %convert_element_type3A = arith.extui %eq3A_29 : i1 to i32
    %cond3A = arith.constant 0 : i32
    %cond3A_30 = arith.cmpi ne, %convert_element_type3A, %cond3A : i32
    scf.if %cond3A_30 {
      %swap3A_37 = arith.constant 0.000000e+00 : f32
      %swap3A_38 = arith.constant 0 : index
      %swap3A_39 = arith.constant 0 : index
      %swap3A_40 = memref.load %arg5[%swap3A_38, %swap3A_39] : memref<1x1xf32, #tpu.memory_space<smem>>
      memref.store %swap3A_37, %arg5[%swap3A_38, %swap3A_39] : memref<1x1xf32, #tpu.memory_space<smem>>
    } else {
    }
    %get3A_31 = arith.constant 0 : index
    %get3A_32 = arith.constant 0 : index
    %get3A_33 = memref.load %arg5[%get3A_31, %get3A_32] : memref<1x1xf32, #tpu.memory_space<smem>>
    %add3A_34 = arith.addf %get3A_33, %mul3A_27 : f32
    %swap3A = arith.constant 0 : index
    %swap3A_35 = arith.constant 0 : index
    %swap3A_36 = memref.load %arg5[%swap3A, %swap3A_35] : memref<1x1xf32, #tpu.memory_space<smem>>
    memref.store %add3A_34, %arg5[%swap3A, %swap3A_35] : memref<1x1xf32, #tpu.memory_space<smem>>
    return
  }
  func.func @transform_0(%arg0: i32) -> (i32, i32) {
    %c0_i32 = arith.constant 0 : i32
    %c0_i32_0 = arith.constant 0 : i32
    return %arg0, %c0_i32 : i32, i32
  }
  func.func @transform_1(%arg0: i32) -> (i32, i32) {
    %c0_i32 = arith.constant 0 : i32
    %c0_i32_0 = arith.constant 0 : i32
    %c0_i32_1 = arith.constant 0 : i32
    return %c0_i32, %c0_i32_0 : i32, i32
  }
  func.func @transform_2(%arg0: i32) -> (i32, i32) {
    %c0_i32 = arith.constant 0 : i32
    %c0_i32_0 = arith.constant 0 : i32
    %c0_i32_1 = arith.constant 0 : i32
    return %c0_i32, %c0_i32_0 : i32, i32
  }
  func.func @transform_3(%arg0: i32) -> (i32, i32) {
    %c0_i32 = arith.constant 0 : i32
    %c0_i32_0 = arith.constant 0 : i32
    return %arg0, %c0_i32 : i32, i32
  }
  func.func @transform_4(%arg0: i32) -> (i32, i32) {
    %c0_i32 = arith.constant 0 : i32
    %c0_i32_0 = arith.constant 0 : i32
    %c0_i32_1 = arith.constant 0 : i32
    return %c0_i32, %c0_i32_0 : i32, i32
  }
}

</mosaic_0001>

<sc_bundles>
// kernel: kernel.5.cloned.1.call-start
scs
__scs_entry_jumppad:
0x0: {  	(pc) =	sbr.rel $0x88, $3  }
0x1: {  	(tag) =	ssettag $0x0;
	lr =	simm.s32 $0x1  }
0x2: {  	[smem:$0x3F9C] =	sst lr;
	_ =	strace $0xD0000000  }
0x3: {  	_ = 	snop  }
0x4: {  	_ = 	snop  }
0x5: {  	_ = 	snop  }
0x6: {  	_ = 	snop  }
0x7: {  	_ = 	snop  }
__scs_overlays_trampoline_lowered:
0x8: {  	[smem:$0x3FAB] =	sst s0  }
0x9: {  	[smem:$0x3FAC] =	sst s1  }
0xa: {  	[smem:$0x3FAD] =	sst s2  }
0xb: {  	[smem:$0x3FAE] =	sst s3  }
0xc: {  	[smem:$0x3FAF] =	sst s4  }
0xd: {  	[smem:$0x3FB0] =	sst s5  }
0xe: {  	[smem:$0x3FB1] =	sst s6  }
0xf: {  	[smem:$0x3FB2] =	sst s7  }
0x10: {  	[smem:$0x3FB3] =	sst s8  }
0x11: {  	[smem:$0x3FB4] =	sst s9;
	s0 =	simm.s32 @!p0 $0x0  }
0x12: {  	s1 =	sld [smem:$0x3F9A];
	s0 =	simm.s32 @p0 $0x1  }
0x13: {  	[smem:$0x3FB5] =	sst s0;
	s0 =	simm.s32 @!p1 $0x0  }
0x14: {  	s2 =	sld [smem:$0x3F99];
	s0 =	simm.s32 @p1 $0x1  }
0x15: {  	[smem:$0x3FB6] =	sst s0;
	s0 =	simm.s32 @!p2 $0x0  }
0x16: {  	s3 =	sld [smem:$0x3FDB];
	s0 =	simm.s32 @p2 $0x1  }
0x17: {  	s4 =	simm.s32 $0x1BF5;
	[smem:$0x3FB8] =	sst s0  }
0x18: {  	s0 =	sld [smem:$0x3F9B];
	_ =	swait.ge [sflag:s4], $0x0  }
0x19: {  	s7 =	sld [smem:$0x3F9C]  }
0x1a: {  	s8 =	sadd.s32 $0xFFFFE003, lr  }
0x1b: {  	s9 =	sadd.s32 $0xFFFFFEF7, lr;
	s5 =	simm.s32 $0xFFFFFFFF;
	p2 =	slt.u32 s8, $0xFFFFF086  }
0x1c: {  	p1 =	slt.u32 s9, $0xF7A;
	s5 =	simm.s32 @!p2 $0x0  }
0x1d: {  	s5 =	simm.s32 @p1 $0x1;
	p0 =	seq.s32 s7, s2  }
0x1e: {  	s7 =	smul.u32 @!p0 $0xF7A, s2;
	p2 =	seq.s32 @!p0 s5, $0x0  }
0x1f: {  	s9 =	smul.u32 $0xF7A, s1;
	s8 =	simm.s32 @!p0 $0x1BF5;
	p2 =	por !p2, p0  }
0x20: {  	[sflag:s8] =	ssyncset.s32 @!p0 $0xFFFFF086;
	s6 =	sadd.s32 @!p0 s3, s7;
	s7 =	simm.s32 @!p0 $0x108  }
0x21: {  	s3 =	sadd.s32 s3, s9;
	s6 =	sadd.s32 @!p0 $0x88, s6;
	s7 =	simm.s32 @p2 $0x1082  }
0x22: {  	[simem:s7], [sflag:s8] =	dma.local @!p0 [hbm:s6], $0xF7A  }
0x23: {  	s9 =	sor.u32 $0xD0000000, s2;
	s6 =	simm.s32 $0x108;
	_ =	swait.ge @!p0 [sflag:s8], $0x0  }
0x24: {  	s3 =	sadd.s32 $0x88, s3;
	s6 =	simm.s32 @!p1 $0x1082;
	[sflag:s4] =	ssyncset.s32 $0xFFFFF086  }
0x25: {  	[simem:s6], [sflag:s4] =	dma.local [hbm:s3], $0xF7A  }
0x26: {  	[smem:$0x3F9C] =	sst s1;
	(tag) =	ssettag s2;
	_ =	strace s9  }
0x27: {  	s1 =	sld [smem:$0x3FAC]  }
0x28: {  	s2 =	sld [smem:$0x3FAD]  }
0x29: {  	s4 =	sld [smem:$0x3FAF]  }
0x2a: {  	p0 =	seq.s32 s5, $0x0;
	s5 =	sld [smem:$0x3FB0]  }
0x2b: {  	s6 =	sld [smem:$0x3FB1]  }
0x2c: {  	s7 =	sld [smem:$0x3FB2]  }
0x2d: {  	s3 =	simm.s32 $0x108;
	s8 =	sld [smem:$0x3FB3]  }
0x2e: {  	s3 =	simm.s32 @!p0 $0x1082;
	s9 =	sld [smem:$0x3FB4]  }
0x2f: {  	lr =	sadd.s32 s0, s3;
	s0 =	sld [smem:$0x3FAB]  }
0x30: {  	s3 =	sld [smem:$0x3FAE]  }
0x31: {  	[smem:$0x3FB7] =	sst s10  }
0x32: {  	s10 =	sld [smem:$0x3FB5];
	_ =	sdelay $0x3  }
0x33: {  	p0 =	seq.s32 s10, $0x1;
	s10 =	sld [smem:$0x3FB7];
	_ =	sdelay $0x3  }
0x34: {  	[smem:$0x3FB7] =	sst s10  }
0x35: {  	s10 =	sld [smem:$0x3FB6];
	_ =	sdelay $0x3  }
0x36: {  	p1 =	seq.s32 s10, $0x1;
	s10 =	sld [smem:$0x3FB7];
	_ =	sdelay $0x3  }
0x37: {  	[smem:$0x3FB7] =	sst s10  }
0x38: {  	s10 =	sld [smem:$0x3FB8]  }
0x39: {  	_ = 	snop;
	(pc) =	sbr.ind lr, $3  }
0x3a: {  	_ = 	snop  }
0x3b: {  	_ = 	snop  }
0x3c: {  	p2 =	seq.s32 s10, $0x1;
	s10 =	sld [smem:$0x3FB7]  }
0x3d: {  	_ =	shalt  }
0x3e: {  	_ =	shalt  }
0x3f: {  	_ =	shalt  }
0x40: {  	_ =	shalt  }
0x41: {  	_ =	shalt  }
0x42: {  	_ =	shalt  }
0x43: {  	_ =	shalt  }
0x44: {  	_ =	shalt  }
0x45: {  	_ =	shalt  }
0x46: {  	_ =	shalt  }
0x47: {  	_ =	shalt  }
0x48: {  	_ =	shalt  }
0x49: {  	_ =	shalt  }
0x4a: {  	_ =	shalt  }
0x4b: {  	_ =	shalt  }
0x4c: {  	_ =	shalt  }
0x4d: {  	_ =	shalt  }
0x4e: {  	_ =	shalt  }
0x4f: {  	_ =	shalt  }
0x50: {  	_ =	shalt  }
0x51: {  	_ =	shalt  }
0x52: {  	_ =	shalt  }
0x53: {  	_ =	shalt  }
0x54: {  	_ =	shalt  }
0x55: {  	_ =	shalt  }
0x56: {  	_ =	shalt  }
0x57: {  	_ =	shalt  }
0x58: {  	_ =	shalt  }
0x59: {  	_ =	shalt  }
0x5a: {  	_ =	shalt  }
0x5b: {  	_ =	shalt  }
0x5c: {  	_ =	shalt  }
0x5d: {  	_ =	shalt  }
0x5e: {  	_ =	shalt  }
0x5f: {  	_ =	shalt  }
0x60: {  	_ =	shalt  }
0x61: {  	_ =	shalt  }
0x62: {  	_ =	shalt  }
0x63: {  	_ =	shalt  }
0x64: {  	_ =	shalt  }
0x65: {  	_ =	shalt  }
0x66: {  	_ =	shalt  }
0x67: {  	_ =	shalt  }
0x68: {  	_ =	shalt  }
0x69: {  	_ =	shalt  }
0x6a: {  	_ =	shalt  }
0x6b: {  	_ =	shalt  }
0x6c: {  	_ =	shalt  }
0x6d: {  	_ =	shalt  }
0x6e: {  	_ =	shalt  }
0x6f: {  	_ =	shalt  }
0x70: {  	_ =	shalt  }
0x71: {  	_ =	shalt  }
0x72: {  	_ =	shalt  }
0x73: {  	_ =	shalt  }
0x74: {  	_ =	shalt  }
0x75: {  	_ =	shalt  }
0x76: {  	_ =	shalt  }
0x77: {  	_ =	shalt  }
0x78: {  	_ =	shalt  }
0x79: {  	_ =	shalt  }
0x7a: {  	_ =	shalt  }
0x7b: {  	_ =	shalt  }
0x7c: {  	_ =	shalt  }
0x7d: {  	_ =	shalt  }
0x7e: {  	_ =	shalt  }
0x7f: {  	_ =	shalt  }
0x80: {  	_ =	shalt  }
0x81: {  	_ =	shalt  }
0x82: {  	_ =	shalt  }
0x83: {  	_ =	shalt  }
0x84: {  	_ =	shalt  }
0x85: {  	_ =	shalt  }
0x86: {  	_ =	shalt  }
0x87: {  	_ =	shalt  }
.Lfunc_end0:
.L_simem_size_0:
called_computation_lowered:
.L_overlay_start_0:
0x88: {  	s2 =	sld [smem:$0x3FD9]  }
0x89: {  	s3 =	sld [smem:$0x3FFE];
	_ =	sdelay $0x1  }
0x8a: {  	s1 =	srdreg.scid  }
0x8b: {  	s0 =	sand.u32 $0x1, s1  }
0x8c: {  	s16 =	sshll.u32 s0, $0xA;
	s2 =	sadd.s32 s3, s2  }
0x8d: {  	s2 =	sadd.s32 s2, s16  }
0x8e: {  	[smem:$0x3FC3] =	sst s2  }
0x8f: {  	_ = 	snop  }
0x90: {  	(tm) =	ssettm $0x1  }
0x91: {  	s17 =	sld [smem:$0x3FFB];
	_ =	sdelay $0x3  }
0x92: {  	_ =	strace s17  }
0x93: {  	s2 =	sld [smem:$0x3FFC];
	_ =	sdelay $0x3  }
0x94: {  	_ =	strace s2  }
0x95: {  	s2 =	sld [smem:$0x3FFD];
	_ =	sdelay $0x3  }
0x96: {  	_ =	strace s2  }
0x97: {  	_ =	strace $0x8FFFFFFF  }
0x98: {  	s18 =	sld [smem:$0x3FDB];
	_ =	sdelay $0x1  }
0x99: {  	s19 =	simm.s32 $_scs_section_size  }
0x9a: {  	s4 =	simm.s32 $_size__tile_overlayer_lowered;
	s5 =	simm.s32 $_tile_overlayer_lowered  }
0x9b: {  	s22 =	simm.s32 $0x1BFF;
	s21 =	sshll.u32 s5, $0x1;
	s2 =	sadd.s32 s19, s18  }
0x9c: {  	s6 =	simm.s32 $0x0;
	s20 =	sshll.u32 s4, $0x1;
	s4 =	sadd.s32 s21, s2  }
0x9d: {  	[timem:s6], [sflag:s22] =	dma.local [hbm:s4], s20  }
0x9e: {  	_ =	swait.ge [sflag:s22], s20  }
0x9f: {  	s3 =	ssub.s32 $0x0, s20;
	[sflag:s22] =	ssyncset.done $0x0  }
0xa0: {  	[sflag:s22] =	ssyncadd.s32 s3;
	_ =	sdelay $0x1  }
0xa1: {  	s23 =	simm.s32 $0x1B8B  }
0xa2: {  	_ =	swait.ge [sflag:s23], $0x1  }
0xa3: {  	[sflag:s23] =	ssyncset.done $0x0  }
0xa4: {  	s25 =	simm.s32 $0x1B8E;
	s24 =	sld [smem:$0x3FFE];
	[sflag:s23] =	ssyncadd.s32 $0xFFFFFFFF  }
0xa5: {  	s26 =	simm.s32 $execute0_lowered;
	[smem:$0x3FD2] =	sst s25  }
0xa6: {  	s4 =	sshll.u32 s26, $0x1;
	_ =	strace $0x80000046;
	[dreg:$0x1] =	wrdreg $0xFFFFFFFF  }
0xa7: {  	s28 =	simm.s32 $_size_execute0_lowered;
	s2 =	sadd.s32 s2, s4;
	[dreg:$0x0] =	wrdreg $0x0  }
0xa8: {  	s4 =	sshll.u32 s28, $0x1;
	[dreg:$0x2] =	wrdreg s2  }
0xa9: {  	[dreg:$0x3] =	wrdreg s4  }
0xaa: {  	[dreg:$0x4] =	wrdreg $0xC0  }
0xab: {  	_ =	task [dreg:s6], $0x5FFFF  }
0xac: {  	[dreg:$0x1] =	wrdreg $0xFFFFFFFF  }
0xad: {  	[dreg:$0x0] =	wrdreg $0x60  }
0xae: {  	[dreg:$0x2] =	wrdreg s24  }
0xaf: {  	[dreg:$0x3] =	wrdreg $0x9  }
0xb0: {  	_ =	task.clear_ibuf [dreg:s6], $0x4FFFF;
	_ =	strace $0x90000046  }
0xb1: {  	s29 =	simm.s32 $0x9;
	_ =	strace $0x80000048  }
0xb2: {  	_ =	swait.ge [sflag:s29], $0x1  }
0xb3: {  	[sflag:s29] =	ssyncadd.s32 $0xFFFFFFFF  }
0xb4: {  	_ =	strace $0x90000048  }
0xb5: {  	_ =	sfence  }
0xb6: {  	s30 =	sld [smem:$0x0];
	_ =	sdelay $0x2  }
0xb7: {  	s31 =	sshll.u32 s1, $0xD;
	s1 =	sshrl.u32 s1, $0x2  }
0xb8: {  	s3 =	sand.u32 $0x4000, s31;
	s1 =	sadd.s32 s1, s30  }
0xb9: {  	s0 =	sor.u32 s3, s0;
	s1 =	sshll.u32 s1, $0x11  }
0xba: {  	s0 =	sor.u32 s1, s0  }
0xbb: {  	s0 =	sadd.s32 $0x8F2B, s0  }
0xbc: {  	[sflag:s0] =	ssyncadd.remote.s32 $0x1  }
0xbd: {  	_ =	sfence.sel $0xFFFF  }
0xbe: {  	[dreg:$0x0] =	wrdreg $0xFFFFFFFF;
	(pc) =	sbr.abs _section_cstart, $3  }
0xbf: {  	[dreg:$0x1] =	wrdreg $0xFFFFFFFF  }
0xc0: {  	_ =	task.clear_ibuf [dreg:s6], $0x2FFFF;
	_ =	strace $0x9FFFFFFF  }
0xc1: {  	(tm) =	ssettm $0x7FFFFFFF  }
tec
execute0_lowered:
.L_overlay_start_1:
0x0: {  	(tag) =	ssettag $0x1  }
0x1: {  	s0 =	srdreg.scid  }
0x2: {  	s2 =	stileid.u32;
	s1 =	rddreg [dreg:$0x0]  }
0x3: {  	s7 =	simm.s32 $0x3;
	s8 =	simm.s32 $0x64;
	s24 =	simm.s32 $0xCC00  }
0x4: {  	s25 =	simm.s32 $0xD880;
	s28 =	simm.s32 $0xF180;
	s29 =	simm.s32 $0xFE00  }
0x5: {  	s30 =	simm.s32 $0x10A80;
	s31 =	simm.s32 $0x11700;
	s9 =	simm.s32 $0x2  }
0x6: {  	s0 =	sand.u32 $0x1, s0;
	s3 =	sshll.u32 s2, $0x1;
	s2 =	simm.s32 $0x0  }
0x7: {  	s11 =	simm.s32 $0x0;
	s3 =	sor.u32 s0, s3;
	[smem:$0x7FF] =	sst s2  }
0x8: {  	s0 =	ssub.s32 $0x2, s0;
	s4 =	smul.u32 $0xD00, s3;
	_ =	strace $0x80000047  }
0x9: {  	s5 =	sshll.u32 s3, $0xB;
	s3 =	sadd.s32 $0x1A600, s1;
	s26 =	sshrl.u32 s0, $0x1  }
0xa: {  	s0 =	ssub.s32 s0, s26;
	s26 =	simm.s32 $0xE500;
	s4 =	sadd.s32 s4, s1  }
0xb: {  	s1 =	sadd.s32 s5, s1;
	s6 =	smax.u32 s0, $0x1;
	s0 =	simm.s32 $0x1  }
0xc: {  	s4 =	sadd.s32 $0x600, s4;
	s5 =	sadd.s32 $0x41A600, s1;
	s1 =	simm.s32 $0x12380  }
.LBB2_1:
0xd: {  	[tilespmem:s2], [sflag:$0x3] =	stream.linear.gather [hbm4b:s4+s2], $0x6800, $0x38;
	[tilespmem:$0x17000] =	vst v63  }
0xe: {  	_ =	swait.ge [sflag:s7], $0x6800  }
0xf: {  	[sflag:s7] =	ssyncset.done $0x0  }
0x10: {  	s10 =	simm.s32 $0x6800;
	[sflag:s7] =	ssyncadd.s32 $0xFFFF9800  }
0x11: {  	[tilespmem:s10], [sflag:$0x1] =	stream.indirect.gather [hbm4b:s3+s8], $0x20, s2, s8, $0xb8;
	[tilespmem:$0x17000] =	vst v63  }
0x12: {  	s23 =	simm.s32 $0x68;
	s12 =	simm.s32 $0x7480  }
0x13: {  	[tilespmem:s12], [sflag:$0x1] =	stream.indirect.gather [hbm4b:s3+s8], $0x20, s23, s8, $0xb8;
	[tilespmem:$0x17000] =	vst v63  }
0x14: {  	s13 =	simm.s32 $0x8100;
	s12 =	simm.s32 $0xD0  }
0x15: {  	[tilespmem:s13], [sflag:$0x1] =	stream.indirect.gather [hbm4b:s3+s8], $0x20, s12, s8, $0xb8;
	[tilespmem:$0x17000] =	vst v63  }
0x16: {  	s14 =	simm.s32 $0x138;
	s15 =	simm.s32 $0x8D80  }
0x17: {  	[tilespmem:s15], [sflag:$0x1] =	stream.indirect.gather [hbm4b:s3+s8], $0x20, s14, s8, $0xb8;
	[tilespmem:$0x17000] =	vst v63  }
0x18: {  	s16 =	simm.s32 $0x1A0;
	s17 =	simm.s32 $0x9A00  }
0x19: {  	[tilespmem:s17], [sflag:$0x1] =	stream.indirect.gather [hbm4b:s3+s8], $0x20, s16, s8, $0xb8;
	[tilespmem:$0x17000] =	vst v63  }
0x1a: {  	s18 =	simm.s32 $0x208;
	s19 =	simm.s32 $0xA680  }
0x1b: {  	[tilespmem:s19], [sflag:$0x1] =	stream.indirect.gather [hbm4b:s3+s8], $0x20, s18, s8, $0xb8;
	[tilespmem:$0x17000] =	vst v63  }
0x1c: {  	s20 =	simm.s32 $0x270;
	s21 =	simm.s32 $0xB300  }
0x1d: {  	[tilespmem:s21], [sflag:$0x1] =	stream.indirect.gather [hbm4b:s3+s8], $0x20, s20, s8, $0xb8;
	[tilespmem:$0x17000] =	vst v63  }
0x1e: {  	s22 =	simm.s32 $0x2D8;
	s23 =	simm.s32 $0xBF80;
	s12 =	simm.s32 $0x0  }
0x1f: {  	[tilespmem:s23], [sflag:$0x1] =	stream.indirect.gather [hbm4b:s3+s8], $0x20, s22, s8, $0xb8;
	[tilespmem:$0x17000] =	vst v63  }
.LBB2_2:
0x20: {  	s13 =	sshll.u32 s12, $0x4  }
0x21: {  	s20 =	sor.u32 $0x8, s13  }
0x22: {  	s14 =	smul.u32 $0x1A0, s20  }
0x23: {  	s19 =	sor.u32 $0x9, s13  }
0x24: {  	s15 =	smul.u32 $0x1A0, s19;
	s14 =	sshra.s32 s14, $0x2  }
0x25: {  	[tilespmem:s24], [sflag:$0x2] =	stream.indirect.gather [hbm4b:s3+s8], $0x20, s14, s8, $0xb8;
	[tilespmem:$0x17000] =	vst v63  }
0x26: {  	s18 =	sshra.s32 s15, $0x2  }
0x27: {  	[tilespmem:s25], [sflag:$0x2] =	stream.indirect.gather [hbm4b:s3+s8], $0x20, s18, s8, $0xb8;
	[tilespmem:$0x17000] =	vst v63  }
0x28: {  	s18 =	sor.u32 $0xA, s13  }
0x29: {  	s21 =	smul.u32 $0x1A0, s18  }
0x2a: {  	s17 =	sor.u32 $0xB, s13  }
0x2b: {  	s16 =	sor.u32 $0xC, s13;
	s22 =	smul.u32 $0x1A0, s17;
	s14 =	sshra.s32 s21, $0x2  }
0x2c: {  	[tilespmem:s26], [sflag:$0x2] =	stream.indirect.gather [hbm4b:s3+s8], $0x20, s14, s8, $0xb8;
	[tilespmem:$0x17000] =	vst v63  }
0x2d: {  	s10 =	smul.u32 $0x1A0, s16;
	s23 =	sshra.s32 s22, $0x2;
	s15 =	sor.u32 $0xD, s13  }
0x2e: {  	[tilespmem:s28], [sflag:$0x2] =	stream.indirect.gather [hbm4b:s3+s8], $0x20, s23, s8, $0xb8;
	[tilespmem:$0x17000] =	vst v63  }
0x2f: {  	s21 =	smul.u32 $0x1A0, s15;
	s14 =	sshra.s32 s10, $0x2  }
0x30: {  	[tilespmem:s29], [sflag:$0x2] =	stream.indirect.gather [hbm4b:s3+s8], $0x20, s14, s8, $0xb8;
	[tilespmem:$0x17000] =	vst v63  }
0x31: {  	s14 =	sor.u32 $0xE, s13  }
0x32: {  	s21 =	sshra.s32 s21, $0x2;
	s13 =	sshllo.u32 s12, $0x4;
	s22 =	smul.u32 $0x1A0, s14  }
0x33: {  	[tilespmem:s30], [sflag:$0x2] =	stream.indirect.gather [hbm4b:s3+s8], $0x20, s21, s8, $0xb8;
	[tilespmem:$0x17000] =	vst v63  }
0x34: {  	s21 =	sshra.s32 s22, $0x2;
	s22 =	smul.u32 $0x1A0, s13  }
0x35: {  	[tilespmem:s31], [sflag:$0x2] =	stream.indirect.gather [hbm4b:s3+s8], $0x20, s21, s8, $0xb8;
	[tilespmem:$0x17000] =	vst v63  }
0x36: {  	s23 =	sshra.s32 s22, $0x2  }
0x37: {  	[tilespmem:s1], [sflag:$0x2] =	stream.indirect.gather [hbm4b:s3+s8], $0x20, s23, s8, $0xb8;
	[tilespmem:$0x17000] =	vst v63  }
0x38: {  	_ =	swait.ge [sflag:s0], $0xC80  }
0x39: {  	[sflag:s0] =	ssyncset.done $0x0  }
0x3a: {  	[sflag:s0] =	ssyncadd.s32 $0xFFFFF380  }
0x3b: {  	_ =	swait.ge [sflag:s0], $0xC80  }
0x3c: {  	[sflag:s0] =	ssyncset.done $0x0  }
0x3d: {  	[sflag:s0] =	ssyncadd.s32 $0xFFFFF380  }
0x3e: {  	_ =	swait.ge [sflag:s0], $0xC80  }
0x3f: {  	[sflag:s0] =	ssyncset.done $0x0  }
0x40: {  	[sflag:s0] =	ssyncadd.s32 $0xFFFFF380  }
0x41: {  	_ =	swait.ge [sflag:s0], $0xC80  }
0x42: {  	[sflag:s0] =	ssyncset.done $0x0  }
0x43: {  	[sflag:s0] =	ssyncadd.s32 $0xFFFFF380  }
0x44: {  	_ =	swait.ge [sflag:s0], $0xC80  }
0x45: {  	[sflag:s0] =	ssyncset.done $0x0  }
0x46: {  	[sflag:s0] =	ssyncadd.s32 $0xFFFFF380  }
0x47: {  	_ =	swait.ge [sflag:s0], $0xC80  }
0x48: {  	[sflag:s0] =	ssyncset.done $0x0  }
0x49: {  	[sflag:s0] =	ssyncadd.s32 $0xFFFFF380  }
0x4a: {  	_ =	swait.ge [sflag:s0], $0xC80  }
0x4b: {  	[sflag:s0] =	ssyncset.done $0x0  }
0x4c: {  	[sflag:s0] =	ssyncadd.s32 $0xFFFFF380  }
0x4d: {  	_ =	swait.ge [sflag:s0], $0xC80  }
0x4e: {  	[sflag:s0] =	ssyncset.done $0x0  }
0x4f: {  	s21 =	simm.s32 $0x50;
	[sflag:s0] =	ssyncadd.s32 $0xFFFFF380  }
0x50: {  	v0 =	vld [tilespmem:s21+$0x6830]  }
0x51: {  	v1 =	vld [tilespmem:s21+$0x6840]  }
0x52: {  	v2 =	vld [tilespmem:s21+$0x6810]  }
0x53: {  	v3 =	vld [tilespmem:s21+$0x6820]  }
0x54: {  	v4 =	vld [tilespmem:s21+$0x67F0]  }
0x55: {  	v5 =	vld [tilespmem:s21+$0x6800]  }
0x56: {  	v6 =	vld [tilespmem:s21+$0x67D0]  }
0x57: {  	v7 =	vld [tilespmem:s21+$0x67E0]  }
0x58: {  	v13 =	vld [tilespmem:s21+$0x67B0]  }
0x59: {  	v8 =	vimm.f32 $0.0e+00;
	v14 =	vld [tilespmem:s21+$0x67C0]  }
0x5a: {  	v11 =	vimm.f32 $0.0e+00;
	v10 =	vimm.f32 $0.0e+00;
	v9 =	vimm.f32 $0.0e+00;
	s22 =	simm.s32 $0x3C0;
	v12 =	vld [tilespmem:s21+$0x6DF0]  }
.LBB2_3:
0x5b: {  	p0 =	sne.s32 s22, $0x17C0;
	v15 =	vld [tilespmem:s21+$0x6E00]  }
0x5c: {  	v16 =	vld [tilespmem:s21+$0x6E10]  }
0x5d: {  	v17 =	vld [tilespmem:s21+$0x6E20]  }
0x5e: {  	v18 =	vld [tilespmem:s21+$0x6E30]  }
0x5f: {  	v8 =	vadd.f32 v13, v8;
	v11 =	vadd.f32 v14, v11;
	v13 =	vld [tilespmem:s21+$0x6E40]  }
0x60: {  	v10 =	vadd.f32 v12, v10;
	v9 =	vadd.f32 v15, v9;
	v12 =	vld [tilespmem:s21+$0x6E50]  }
0x61: {  	v6 =	vadd.f32 v6, v8;
	v7 =	vadd.f32 v7, v11;
	v8 =	vld [tilespmem:s21+$0x6E60]  }
0x62: {  	v10 =	vadd.f32 v16, v10;
	v9 =	vadd.f32 v17, v9;
	v14 =	vld [tilespmem:s21+$0x6E70]  }
0x63: {  	v4 =	vadd.f32 v4, v6;
	v5 =	vadd.f32 v5, v7;
	v6 =	vld [tilespmem:s21+$0x6E80];
	s21 =	sshra.s32 s22, $0x2  }
0x64: {  	v10 =	vadd.f32 v18, v10;
	v7 =	vld [tilespmem:s21+$0x6830];
	v9 =	vadd.f32 v13, v9  }
0x65: {  	v4 =	vadd.f32 v2, v4;
	v5 =	vadd.f32 v3, v5;
	v13 =	vld [tilespmem:s21+$0x6840]  }
0x66: {  	v10 =	vadd.f32 v12, v10;
	v2 =	vld [tilespmem:s21+$0x6810];
	v9 =	vadd.f32 v8, v9  }
0x67: {  	v8 =	vadd.f32 v0, v4;
	v11 =	vadd.f32 v1, v5;
	v3 =	vld [tilespmem:s21+$0x6820]  }
0x68: {  	v10 =	vadd.f32 v14, v10;
	v4 =	vld [tilespmem:s21+$0x67F0];
	v9 =	vadd.f32 v6, v9  }
0x69: {  	v5 =	vld [tilespmem:s21+$0x6800];
	v0 =	vmov v7  }
.Ltmp0:
0x6a: {  	v6 =	vld [tilespmem:s21+$0x67D0];
	v1 =	vmov v13;
	(pc) =	sbr.rel @p0 .LBB2_3-.Ltmp0, $4  }
0x6b: {  	v7 =	vld [tilespmem:s21+$0x67E0]  }
0x6c: {  	v13 =	vld [tilespmem:s21+$0x67B0]  }
0x6d: {  	v14 =	vld [tilespmem:s21+$0x67C0]  }
0x6e: {  	s22 =	sadd.s32 $0x280, s22;
	v12 =	vld [tilespmem:s21+$0x6DF0]  }
0x6f: {  	v15 =	vld [tilespmem:s21+$0x6E00]  }
0x70: {  	v16 =	vld [tilespmem:s21+$0x6E10]  }
0x71: {  	v17 =	vld [tilespmem:s21+$0x6E20];
	v8 =	vadd.f32 v13, v8  }
0x72: {  	v13 =	vld [tilespmem:s21+$0x6E30];
	v11 =	vadd.f32 v14, v11  }
0x73: {  	v14 =	vld [tilespmem:s21+$0x6E40];
	v10 =	vadd.f32 v12, v10;
	v6 =	vadd.f32 v6, v8  }
0x74: {  	v8 =	vadd.f32 v15, v9;
	v9 =	vld [tilespmem:s21+$0x6E50];
	v7 =	vadd.f32 v7, v11  }
0x75: {  	v11 =	vld [tilespmem:s21+$0x6E60];
	v10 =	vadd.f32 v16, v10;
	v4 =	vadd.f32 v4, v6  }
0x76: {  	v6 =	vadd.f32 v17, v8;
	v8 =	vld [tilespmem:s21+$0x6E70];
	v5 =	vadd.f32 v5, v7  }
0x77: {  	v7 =	vld [tilespmem:s21+$0x6E80];
	v10 =	vadd.f32 v13, v10;
	v2 =	vadd.f32 v2, v4  }
0x78: {  	v4 =	vadd.f32 v14, v6;
	v3 =	vadd.f32 v3, v5  }
0x79: {  	v5 =	vadd.f32 v9, v10;
	v0 =	vadd.f32 v0, v2  }
0x7a: {  	v2 =	vadd.f32 v11, v4;
	v1 =	vadd.f32 v1, v3  }
0x7b: {  	s23 =	sshll.u32 s12, $0xC;
	v3 =	vadd.f32 v8, v5;
	v0 =	vmul.f32 $1.999999960e-02, v0  }
0x7c: {  	s21 =	sshra.s32 s23, $0x2;
	v2 =	vadd.f32 v7, v2;
	v1 =	vmul.f32 $1.999999960e-02, v1  }
0x7d: {  	[tilespmem:s21+$0x13000] =	vst v0;
	v0 =	vmul.f32 $1.999999960e-02, v3  }
0x7e: {  	[tilespmem:s21+$0x13010] =	vst v1;
	v1 =	vmul.f32 $1.999999960e-02, v2  }
0x7f: {  	[tilespmem:s21+$0x13020] =	vst v0  }
0x80: {  	s22 =	simm.s32 $0xFFFFF9C0;
	[tilespmem:s21+$0x13030] =	vst v1  }
0x81: {  	v0 =	vld [tilespmem:s22+$0x7B40]  }
0x82: {  	v1 =	vld [tilespmem:s22+$0x7B50]  }
0x83: {  	v2 =	vld [tilespmem:s22+$0x7B20]  }
0x84: {  	v3 =	vld [tilespmem:s22+$0x7B30]  }
0x85: {  	v4 =	vld [tilespmem:s22+$0x7B00]  }
0x86: {  	v5 =	vld [tilespmem:s22+$0x7B10]  }
0x87: {  	v6 =	vld [tilespmem:s22+$0x7AE0]  }
0x88: {  	v7 =	vld [tilespmem:s22+$0x7AF0]  }
0x89: {  	v13 =	vld [tilespmem:s22+$0x7AC0]  }
0x8a: {  	v10 =	vimm.f32 $0.0e+00;
	v14 =	vld [tilespmem:s22+$0x7AD0]  }
0x8b: {  	s23 =	simm.s32 $0xFFFFE980;
	v9 =	vimm.f32 $0.0e+00;
	v11 =	vimm.f32 $0.0e+00;
	v8 =	vimm.f32 $0.0e+00;
	v12 =	vld [tilespmem:s22+$0x8100]  }
.LBB2_5:
0x8c: {  	p0 =	sne.s32 s23, $0xFFFFFD80;
	v15 =	vld [tilespmem:s22+$0x8110]  }
0x8d: {  	v16 =	vld [tilespmem:s22+$0x8120]  }
0x8e: {  	v17 =	vld [tilespmem:s22+$0x8130]  }
0x8f: {  	v18 =	vld [tilespmem:s22+$0x8140]  }
0x90: {  	v8 =	vadd.f32 v13, v8;
	v11 =	vadd.f32 v14, v11;
	v13 =	vld [tilespmem:s22+$0x8150]  }
0x91: {  	v10 =	vadd.f32 v12, v10;
	v9 =	vadd.f32 v15, v9;
	v12 =	vld [tilespmem:s22+$0x8160]  }
0x92: {  	v6 =	vadd.f32 v6, v8;
	v7 =	vadd.f32 v7, v11;
	v8 =	vld [tilespmem:s22+$0x8170]  }
0x93: {  	v10 =	vadd.f32 v16, v10;
	v9 =	vadd.f32 v17, v9;
	v14 =	vld [tilespmem:s22+$0x8180]  }
0x94: {  	v4 =	vadd.f32 v4, v6;
	v5 =	vadd.f32 v5, v7;
	v6 =	vld [tilespmem:s22+$0x8190];
	s22 =	sshra.s32 s23, $0x2  }
0x95: {  	v10 =	vadd.f32 v18, v10;
	v7 =	vld [tilespmem:s22+$0x7B40];
	v9 =	vadd.f32 v13, v9  }
0x96: {  	v4 =	vadd.f32 v2, v4;
	v5 =	vadd.f32 v3, v5;
	v13 =	vld [tilespmem:s22+$0x7B50]  }
0x97: {  	v10 =	vadd.f32 v12, v10;
	v2 =	vld [tilespmem:s22+$0x7B20];
	v9 =	vadd.f32 v8, v9  }
0x98: {  	v8 =	vadd.f32 v0, v4;
	v11 =	vadd.f32 v1, v5;
	v3 =	vld [tilespmem:s22+$0x7B30]  }
0x99: {  	v10 =	vadd.f32 v14, v10;
	v4 =	vld [tilespmem:s22+$0x7B00];
	v9 =	vadd.f32 v6, v9  }
0x9a: {  	v5 =	vld [tilespmem:s22+$0x7B10];
	v0 =	vmov v7  }
.Ltmp1:
0x9b: {  	v6 =	vld [tilespmem:s22+$0x7AE0];
	v1 =	vmov v13;
	(pc) =	sbr.rel @p0 .LBB2_5-.Ltmp1, $4  }
0x9c: {  	v7 =	vld [tilespmem:s22+$0x7AF0]  }
0x9d: {  	v13 =	vld [tilespmem:s22+$0x7AC0]  }
0x9e: {  	v14 =	vld [tilespmem:s22+$0x7AD0]  }
0x9f: {  	s23 =	sadd.s32 $0x280, s23;
	v12 =	vld [tilespmem:s22+$0x8100]  }
0xa0: {  	v15 =	vld [tilespmem:s22+$0x8110]  }
0xa1: {  	v16 =	vld [tilespmem:s22+$0x8120]  }
0xa2: {  	v17 =	vld [tilespmem:s22+$0x8130];
	v8 =	vadd.f32 v13, v8  }
0xa3: {  	v13 =	vld [tilespmem:s22+$0x8140];
	v11 =	vadd.f32 v14, v11  }
0xa4: {  	v14 =	vld [tilespmem:s22+$0x8150];
	v10 =	vadd.f32 v12, v10;
	v6 =	vadd.f32 v6, v8  }
0xa5: {  	v8 =	vadd.f32 v15, v9;
	v9 =	vld [tilespmem:s22+$0x8160];
	v7 =	vadd.f32 v7, v11  }
0xa6: {  	v11 =	vld [tilespmem:s22+$0x8170];
	v10 =	vadd.f32 v16, v10;
	v4 =	vadd.f32 v4, v6  }
0xa7: {  	v6 =	vadd.f32 v17, v8;
	v8 =	vld [tilespmem:s22+$0x8180];
	v5 =	vadd.f32 v5, v7  }
0xa8: {  	v7 =	vld [tilespmem:s22+$0x8190];
	v10 =	vadd.f32 v13, v10;
	v2 =	vadd.f32 v2, v4  }
0xa9: {  	v4 =	vadd.f32 v14, v6;
	v3 =	vadd.f32 v3, v5  }
0xaa: {  	v5 =	vadd.f32 v9, v10;
	v0 =	vadd.f32 v0, v2  }
0xab: {  	v2 =	vadd.f32 v11, v4;
	v1 =	vadd.f32 v1, v3  }
0xac: {  	v3 =	vadd.f32 v8, v5;
	v0 =	vmul.f32 $1.999999960e-02, v0  }
0xad: {  	v2 =	vadd.f32 v7, v2;
	v1 =	vmul.f32 $1.999999960e-02, v1  }
0xae: {  	[tilespmem:s21+$0x13040] =	vst v0;
	v0 =	vmul.f32 $1.999999960e-02, v3  }
0xaf: {  	[tilespmem:s21+$0x13050] =	vst v1;
	v1 =	vmul.f32 $1.999999960e-02, v2  }
0xb0: {  	[tilespmem:s21+$0x13060] =	vst v0  }
0xb1: {  	s22 =	simm.s32 $0xFFFFF9C0;
	[tilespmem:s21+$0x13070] =	vst v1  }
0xb2: {  	v0 =	vld [tilespmem:s22+$0x87C0]  }
0xb3: {  	v1 =	vld [tilespmem:s22+$0x87D0]  }
0xb4: {  	v2 =	vld [tilespmem:s22+$0x87A0]  }
0xb5: {  	v3 =	vld [tilespmem:s22+$0x87B0]  }
0xb6: {  	v4 =	vld [tilespmem:s22+$0x8780]  }
0xb7: {  	v5 =	vld [tilespmem:s22+$0x8790]  }
0xb8: {  	v6 =	vld [tilespmem:s22+$0x8760]  }
0xb9: {  	v7 =	vld [tilespmem:s22+$0x8770]  }
0xba: {  	v13 =	vld [tilespmem:s22+$0x8740]  }
0xbb: {  	v10 =	vimm.f32 $0.0e+00;
	v14 =	vld [tilespmem:s22+$0x8750]  }
0xbc: {  	s23 =	simm.s32 $0xFFFFE980;
	v9 =	vimm.f32 $0.0e+00;
	v11 =	vimm.f32 $0.0e+00;
	v8 =	vimm.f32 $0.0e+00;
	v12 =	vld [tilespmem:s22+$0x8D80]  }
.LBB2_7:
0xbd: {  	p0 =	sne.s32 s23, $0xFFFFFD80;
	v15 =	vld [tilespmem:s22+$0x8D90]  }
0xbe: {  	v16 =	vld [tilespmem:s22+$0x8DA0]  }
0xbf: {  	v17 =	vld [tilespmem:s22+$0x8DB0]  }
0xc0: {  	v18 =	vld [tilespmem:s22+$0x8DC0]  }
0xc1: {  	v8 =	vadd.f32 v13, v8;
	v11 =	vadd.f32 v14, v11;
	v13 =	vld [tilespmem:s22+$0x8DD0]  }
0xc2: {  	v10 =	vadd.f32 v12, v10;
	v9 =	vadd.f32 v15, v9;
	v12 =	vld [tilespmem:s22+$0x8DE0]  }
0xc3: {  	v6 =	vadd.f32 v6, v8;
	v7 =	vadd.f32 v7, v11;
	v8 =	vld [tilespmem:s22+$0x8DF0]  }
0xc4: {  	v10 =	vadd.f32 v16, v10;
	v9 =	vadd.f32 v17, v9;
	v14 =	vld [tilespmem:s22+$0x8E00]  }
0xc5: {  	v4 =	vadd.f32 v4, v6;
	v5 =	vadd.f32 v5, v7;
	v6 =	vld [tilespmem:s22+$0x8E10];
	s22 =	sshra.s32 s23, $0x2  }
0xc6: {  	v10 =	vadd.f32 v18, v10;
	v7 =	vld [tilespmem:s22+$0x87C0];
	v9 =	vadd.f32 v13, v9  }
0xc7: {  	v4 =	vadd.f32 v2, v4;
	v5 =	vadd.f32 v3, v5;
	v13 =	vld [tilespmem:s22+$0x87D0]  }
0xc8: {  	v10 =	vadd.f32 v12, v10;
	v2 =	vld [tilespmem:s22+$0x87A0];
	v9 =	vadd.f32 v8, v9  }
0xc9: {  	v8 =	vadd.f32 v0, v4;
	v11 =	vadd.f32 v1, v5;
	v3 =	vld [tilespmem:s22+$0x87B0]  }
0xca: {  	v10 =	vadd.f32 v14, v10;
	v4 =	vld [tilespmem:s22+$0x8780];
	v9 =	vadd.f32 v6, v9  }
0xcb: {  	v5 =	vld [tilespmem:s22+$0x8790];
	v0 =	vmov v7  }
.Ltmp2:
0xcc: {  	v6 =	vld [tilespmem:s22+$0x8760];
	v1 =	vmov v13;
	(pc) =	sbr.rel @p0 .LBB2_7-.Ltmp2, $4  }
0xcd: {  	v7 =	vld [tilespmem:s22+$0x8770]  }
0xce: {  	v13 =	vld [tilespmem:s22+$0x8740]  }
0xcf: {  	v14 =	vld [tilespmem:s22+$0x8750]  }
0xd0: {  	s23 =	sadd.s32 $0x280, s23;
	v12 =	vld [tilespmem:s22+$0x8D80]  }
0xd1: {  	v15 =	vld [tilespmem:s22+$0x8D90]  }
0xd2: {  	v16 =	vld [tilespmem:s22+$0x8DA0]  }
0xd3: {  	v17 =	vld [tilespmem:s22+$0x8DB0];
	v8 =	vadd.f32 v13, v8  }
0xd4: {  	v13 =	vld [tilespmem:s22+$0x8DC0];
	v11 =	vadd.f32 v14, v11  }
0xd5: {  	v14 =	vld [tilespmem:s22+$0x8DD0];
	v10 =	vadd.f32 v12, v10;
	v6 =	vadd.f32 v6, v8  }
0xd6: {  	v8 =	vadd.f32 v15, v9;
	v9 =	vld [tilespmem:s22+$0x8DE0];
	v7 =	vadd.f32 v7, v11  }
0xd7: {  	v11 =	vld [tilespmem:s22+$0x8DF0];
	v10 =	vadd.f32 v16, v10;
	v4 =	vadd.f32 v4, v6  }
0xd8: {  	v6 =	vadd.f32 v17, v8;
	v8 =	vld [tilespmem:s22+$0x8E00];
	v5 =	vadd.f32 v5, v7  }
0xd9: {  	v7 =	vld [tilespmem:s22+$0x8E10];
	v10 =	vadd.f32 v13, v10;
	v2 =	vadd.f32 v2, v4  }
0xda: {  	v4 =	vadd.f32 v14, v6;
	v3 =	vadd.f32 v3, v5  }
0xdb: {  	v5 =	vadd.f32 v9, v10;
	v0 =	vadd.f32 v0, v2  }
0xdc: {  	v2 =	vadd.f32 v11, v4;
	v1 =	vadd.f32 v1, v3  }
0xdd: {  	v3 =	vadd.f32 v8, v5;
	v0 =	vmul.f32 $1.999999960e-02, v0  }
0xde: {  	v2 =	vadd.f32 v7, v2;
	v1 =	vmul.f32 $1.999999960e-02, v1  }
0xdf: {  	[tilespmem:s21+$0x13080] =	vst v0;
	v0 =	vmul.f32 $1.999999960e-02, v3  }
0xe0: {  	[tilespmem:s21+$0x13090] =	vst v1;
	v1 =	vmul.f32 $1.999999960e-02, v2  }
0xe1: {  	[tilespmem:s21+$0x130A0] =	vst v0  }
0xe2: {  	s22 =	simm.s32 $0xFFFFF9C0;
	[tilespmem:s21+$0x130B0] =	vst v1  }
0xe3: {  	v0 =	vld [tilespmem:s22+$0x9440]  }
0xe4: {  	v1 =	vld [tilespmem:s22+$0x9450]  }
0xe5: {  	v2 =	vld [tilespmem:s22+$0x9420]  }
0xe6: {  	v3 =	vld [tilespmem:s22+$0x9430]  }
0xe7: {  	v4 =	vld [tilespmem:s22+$0x9400]  }
0xe8: {  	v5 =	vld [tilespmem:s22+$0x9410]  }
0xe9: {  	v6 =	vld [tilespmem:s22+$0x93E0]  }
0xea: {  	v7 =	vld [tilespmem:s22+$0x93F0]  }
0xeb: {  	v13 =	vld [tilespmem:s22+$0x93C0]  }
0xec: {  	v10 =	vimm.f32 $0.0e+00;
	v14 =	vld [tilespmem:s22+$0x93D0]  }
0xed: {  	s23 =	simm.s32 $0xFFFFE980;
	v9 =	vimm.f32 $0.0e+00;
	v11 =	vimm.f32 $0.0e+00;
	v8 =	vimm.f32 $0.0e+00;
	v12 =	vld [tilespmem:s22+$0x9A00]  }
.LBB2_9:
0xee: {  	p0 =	sne.s32 s23, $0xFFFFFD80;
	v15 =	vld [tilespmem:s22+$0x9A10]  }
0xef: {  	v16 =	vld [tilespmem:s22+$0x9A20]  }
0xf0: {  	v17 =	vld [tilespmem:s22+$0x9A30]  }
0xf1: {  	v18 =	vld [tilespmem:s22+$0x9A40]  }
0xf2: {  	v8 =	vadd.f32 v13, v8;
	v11 =	vadd.f32 v14, v11;
	v13 =	vld [tilespmem:s22+$0x9A50]  }
0xf3: {  	v10 =	vadd.f32 v12, v10;
	v9 =	vadd.f32 v15, v9;
	v12 =	vld [tilespmem:s22+$0x9A60]  }
0xf4: {  	v6 =	vadd.f32 v6, v8;
	v7 =	vadd.f32 v7, v11;
	v8 =	vld [tilespmem:s22+$0x9A70]  }
0xf5: {  	v10 =	vadd.f32 v16, v10;
	v9 =	vadd.f32 v17, v9;
	v14 =	vld [tilespmem:s22+$0x9A80]  }
0xf6: {  	v4 =	vadd.f32 v4, v6;
	v5 =	vadd.f32 v5, v7;
	v6 =	vld [tilespmem:s22+$0x9A90];
	s22 =	sshra.s32 s23, $0x2  }
0xf7: {  	v10 =	vadd.f32 v18, v10;
	v7 =	vld [tilespmem:s22+$0x9440];
	v9 =	vadd.f32 v13, v9  }
0xf8: {  	v4 =	vadd.f32 v2, v4;
	v5 =	vadd.f32 v3, v5;
	v13 =	vld [tilespmem:s22+$0x9450]  }
0xf9: {  	v10 =	vadd.f32 v12, v10;
	v2 =	vld [tilespmem:s22+$0x9420];
	v9 =	vadd.f32 v8, v9  }
0xfa: {  	v8 =	vadd.f32 v0, v4;
	v11 =	vadd.f32 v1, v5;
	v3 =	vld [tilespmem:s22+$0x9430]  }
0xfb: {  	v10 =	vadd.f32 v14, v10;
	v4 =	vld [tilespmem:s22+$0x9400];
	v9 =	vadd.f32 v6, v9  }
0xfc: {  	v5 =	vld [tilespmem:s22+$0x9410];
	v0 =	vmov v7  }
.Ltmp3:
0xfd: {  	v6 =	vld [tilespmem:s22+$0x93E0];
	v1 =	vmov v13;
	(pc) =	sbr.rel @p0 .LBB2_9-.Ltmp3, $4  }
0xfe: {  	v7 =	vld [tilespmem:s22+$0x93F0]  }
0xff: {  	v13 =	vld [tilespmem:s22+$0x93C0]  }
0x100: {  	v14 =	vld [tilespmem:s22+$0x93D0]  }
0x101: {  	s23 =	sadd.s32 $0x280, s23;
	v12 =	vld [tilespmem:s22+$0x9A00]  }
0x102: {  	v15 =	vld [tilespmem:s22+$0x9A10]  }
0x103: {  	v16 =	vld [tilespmem:s22+$0x9A20]  }
0x104: {  	v17 =	vld [tilespmem:s22+$0x9A30];
	v8 =	vadd.f32 v13, v8  }
0x105: {  	v13 =	vld [tilespmem:s22+$0x9A40];
	v11 =	vadd.f32 v14, v11  }
0x106: {  	v14 =	vld [tilespmem:s22+$0x9A50];
	v10 =	vadd.f32 v12, v10;
	v6 =	vadd.f32 v6, v8  }
0x107: {  	v8 =	vadd.f32 v15, v9;
	v9 =	vld [tilespmem:s22+$0x9A60];
	v7 =	vadd.f32 v7, v11  }
0x108: {  	v11 =	vld [tilespmem:s22+$0x9A70];
	v10 =	vadd.f32 v16, v10;
	v4 =	vadd.f32 v4, v6  }
0x109: {  	v6 =	vadd.f32 v17, v8;
	v8 =	vld [tilespmem:s22+$0x9A80];
	v5 =	vadd.f32 v5, v7  }
0x10a: {  	v7 =	vld [tilespmem:s22+$0x9A90];
	v10 =	vadd.f32 v13, v10;
	v2 =	vadd.f32 v2, v4  }
0x10b: {  	v4 =	vadd.f32 v14, v6;
	v3 =	vadd.f32 v3, v5  }
0x10c: {  	v5 =	vadd.f32 v9, v10;
	v0 =	vadd.f32 v0, v2  }
0x10d: {  	v2 =	vadd.f32 v11, v4;
	v1 =	vadd.f32 v1, v3  }
0x10e: {  	v3 =	vadd.f32 v8, v5;
	v0 =	vmul.f32 $1.999999960e-02, v0  }
0x10f: {  	v2 =	vadd.f32 v7, v2;
	v1 =	vmul.f32 $1.999999960e-02, v1  }
0x110: {  	[tilespmem:s21+$0x130C0] =	vst v0;
	v0 =	vmul.f32 $1.999999960e-02, v3  }
0x111: {  	[tilespmem:s21+$0x130D0] =	vst v1;
	v1 =	vmul.f32 $1.999999960e-02, v2  }
0x112: {  	[tilespmem:s21+$0x130E0] =	vst v0  }
0x113: {  	s22 =	simm.s32 $0xFFFFF9C0;
	[tilespmem:s21+$0x130F0] =	vst v1  }
0x114: {  	v0 =	vld [tilespmem:s22+$0xA0C0]  }
0x115: {  	v1 =	vld [tilespmem:s22+$0xA0D0]  }
0x116: {  	v2 =	vld [tilespmem:s22+$0xA0A0]  }
0x117: {  	v3 =	vld [tilespmem:s22+$0xA0B0]  }
0x118: {  	v4 =	vld [tilespmem:s22+$0xA080]  }
0x119: {  	v5 =	vld [tilespmem:s22+$0xA090]  }
0x11a: {  	v6 =	vld [tilespmem:s22+$0xA060]  }
0x11b: {  	v7 =	vld [tilespmem:s22+$0xA070]  }
0x11c: {  	v13 =	vld [tilespmem:s22+$0xA040]  }
0x11d: {  	v10 =	vimm.f32 $0.0e+00;
	v14 =	vld [tilespmem:s22+$0xA050]  }
0x11e: {  	s23 =	simm.s32 $0xFFFFE980;
	v9 =	vimm.f32 $0.0e+00;
	v11 =	vimm.f32 $0.0e+00;
	v8 =	vimm.f32 $0.0e+00;
	v12 =	vld [tilespmem:s22+$0xA680]  }
.LBB2_11:
0x11f: {  	p0 =	sne.s32 s23, $0xFFFFFD80;
	v15 =	vld [tilespmem:s22+$0xA690]  }
0x120: {  	v16 =	vld [tilespmem:s22+$0xA6A0]  }
0x121: {  	v17 =	vld [tilespmem:s22+$0xA6B0]  }
0x122: {  	v18 =	vld [tilespmem:s22+$0xA6C0]  }
0x123: {  	v8 =	vadd.f32 v13, v8;
	v11 =	vadd.f32 v14, v11;
	v13 =	vld [tilespmem:s22+$0xA6D0]  }
0x124: {  	v10 =	vadd.f32 v12, v10;
	v9 =	vadd.f32 v15, v9;
	v12 =	vld [tilespmem:s22+$0xA6E0]  }
0x125: {  	v6 =	vadd.f32 v6, v8;
	v7 =	vadd.f32 v7, v11;
	v8 =	vld [tilespmem:s22+$0xA6F0]  }
0x126: {  	v10 =	vadd.f32 v16, v10;
	v9 =	vadd.f32 v17, v9;
	v14 =	vld [tilespmem:s22+$0xA700]  }
0x127: {  	v4 =	vadd.f32 v4, v6;
	v5 =	vadd.f32 v5, v7;
	v6 =	vld [tilespmem:s22+$0xA710];
	s22 =	sshra.s32 s23, $0x2  }
0x128: {  	v10 =	vadd.f32 v18, v10;
	v7 =	vld [tilespmem:s22+$0xA0C0];
	v9 =	vadd.f32 v13, v9  }
0x129: {  	v4 =	vadd.f32 v2, v4;
	v5 =	vadd.f32 v3, v5;
	v13 =	vld [tilespmem:s22+$0xA0D0]  }
0x12a: {  	v10 =	vadd.f32 v12, v10;
	v2 =	vld [tilespmem:s22+$0xA0A0];
	v9 =	vadd.f32 v8, v9  }
0x12b: {  	v8 =	vadd.f32 v0, v4;
	v11 =	vadd.f32 v1, v5;
	v3 =	vld [tilespmem:s22+$0xA0B0]  }
0x12c: {  	v10 =	vadd.f32 v14, v10;
	v4 =	vld [tilespmem:s22+$0xA080];
	v9 =	vadd.f32 v6, v9  }
0x12d: {  	v5 =	vld [tilespmem:s22+$0xA090];
	v0 =	vmov v7  }
.Ltmp4:
0x12e: {  	v6 =	vld [tilespmem:s22+$0xA060];
	v1 =	vmov v13;
	(pc) =	sbr.rel @p0 .LBB2_11-.Ltmp4, $4  }
0x12f: {  	v7 =	vld [tilespmem:s22+$0xA070]  }
0x130: {  	v13 =	vld [tilespmem:s22+$0xA040]  }
0x131: {  	v14 =	vld [tilespmem:s22+$0xA050]  }
0x132: {  	s23 =	sadd.s32 $0x280, s23;
	v12 =	vld [tilespmem:s22+$0xA680]  }
0x133: {  	v15 =	vld [tilespmem:s22+$0xA690]  }
0x134: {  	v16 =	vld [tilespmem:s22+$0xA6A0]  }
0x135: {  	v17 =	vld [tilespmem:s22+$0xA6B0];
	v8 =	vadd.f32 v13, v8  }
0x136: {  	v13 =	vld [tilespmem:s22+$0xA6C0];
	v11 =	vadd.f32 v14, v11  }
0x137: {  	v14 =	vld [tilespmem:s22+$0xA6D0];
	v10 =	vadd.f32 v12, v10;
	v6 =	vadd.f32 v6, v8  }
0x138: {  	v8 =	vadd.f32 v15, v9;
	v9 =	vld [tilespmem:s22+$0xA6E0];
	v7 =	vadd.f32 v7, v11  }
0x139: {  	v11 =	vld [tilespmem:s22+$0xA6F0];
	v10 =	vadd.f32 v16, v10;
	v4 =	vadd.f32 v4, v6  }
0x13a: {  	v6 =	vadd.f32 v17, v8;
	v8 =	vld [tilespmem:s22+$0xA700];
	v5 =	vadd.f32 v5, v7  }
0x13b: {  	v7 =	vld [tilespmem:s22+$0xA710];
	v10 =	vadd.f32 v13, v10;
	v2 =	vadd.f32 v2, v4  }
0x13c: {  	v4 =	vadd.f32 v14, v6;
	v3 =	vadd.f32 v3, v5  }
0x13d: {  	v5 =	vadd.f32 v9, v10;
	v0 =	vadd.f32 v0, v2  }
0x13e: {  	v2 =	vadd.f32 v11, v4;
	v1 =	vadd.f32 v1, v3  }
0x13f: {  	v3 =	vadd.f32 v8, v5;
	v0 =	vmul.f32 $1.999999960e-02, v0  }
0x140: {  	v2 =	vadd.f32 v7, v2;
	v1 =	vmul.f32 $1.999999960e-02, v1  }
0x141: {  	[tilespmem:s21+$0x13100] =	vst v0;
	v0 =	vmul.f32 $1.999999960e-02, v3  }
0x142: {  	[tilespmem:s21+$0x13110] =	vst v1;
	v1 =	vmul.f32 $1.999999960e-02, v2  }
0x143: {  	[tilespmem:s21+$0x13120] =	vst v0  }
0x144: {  	s22 =	simm.s32 $0x0;
	[tilespmem:s21+$0x13130] =	vst v1  }
0x145: {  	v0 =	vld [tilespmem:s22+$0xA700]  }
0x146: {  	v1 =	vld [tilespmem:s22+$0xA710]  }
0x147: {  	v2 =	vld [tilespmem:s22+$0xA6E0]  }
0x148: {  	v3 =	vld [tilespmem:s22+$0xA6F0]  }
0x149: {  	v4 =	vld [tilespmem:s22+$0xA6C0]  }
0x14a: {  	v5 =	vld [tilespmem:s22+$0xA6D0]  }
0x14b: {  	v6 =	vld [tilespmem:s22+$0xA6A0]  }
0x14c: {  	v7 =	vld [tilespmem:s22+$0xA6B0]  }
0x14d: {  	v13 =	vld [tilespmem:s22+$0xA680]  }
0x14e: {  	v10 =	vimm.f32 $0.0e+00;
	v14 =	vld [tilespmem:s22+$0xA690]  }
0x14f: {  	s23 =	simm.s32 $0x280;
	v9 =	vimm.f32 $0.0e+00;
	v11 =	vimm.f32 $0.0e+00;
	v8 =	vimm.f32 $0.0e+00;
	v12 =	vld [tilespmem:s22+$0xACC0]  }
.LBB2_13:
0x150: {  	p0 =	sne.s32 s23, $0x1680;
	v15 =	vld [tilespmem:s22+$0xACD0]  }
0x151: {  	v16 =	vld [tilespmem:s22+$0xACE0]  }
0x152: {  	v17 =	vld [tilespmem:s22+$0xACF0]  }
0x153: {  	v18 =	vld [tilespmem:s22+$0xAD00]  }
0x154: {  	v8 =	vadd.f32 v13, v8;
	v11 =	vadd.f32 v14, v11;
	v13 =	vld [tilespmem:s22+$0xAD10]  }
0x155: {  	v10 =	vadd.f32 v12, v10;
	v9 =	vadd.f32 v15, v9;
	v12 =	vld [tilespmem:s22+$0xAD20]  }
0x156: {  	v6 =	vadd.f32 v6, v8;
	v7 =	vadd.f32 v7, v11;
	v8 =	vld [tilespmem:s22+$0xAD30]  }
0x157: {  	v10 =	vadd.f32 v16, v10;
	v9 =	vadd.f32 v17, v9;
	v14 =	vld [tilespmem:s22+$0xAD40]  }
0x158: {  	v4 =	vadd.f32 v4, v6;
	v5 =	vadd.f32 v5, v7;
	v6 =	vld [tilespmem:s22+$0xAD50];
	s22 =	sshra.s32 s23, $0x2  }
0x159: {  	v10 =	vadd.f32 v18, v10;
	v7 =	vld [tilespmem:s22+$0xA700];
	v9 =	vadd.f32 v13, v9  }
0x15a: {  	v4 =	vadd.f32 v2, v4;
	v5 =	vadd.f32 v3, v5;
	v13 =	vld [tilespmem:s22+$0xA710]  }
0x15b: {  	v10 =	vadd.f32 v12, v10;
	v2 =	vld [tilespmem:s22+$0xA6E0];
	v9 =	vadd.f32 v8, v9  }
0x15c: {  	v8 =	vadd.f32 v0, v4;
	v11 =	vadd.f32 v1, v5;
	v3 =	vld [tilespmem:s22+$0xA6F0]  }
0x15d: {  	v10 =	vadd.f32 v14, v10;
	v4 =	vld [tilespmem:s22+$0xA6C0];
	v9 =	vadd.f32 v6, v9  }
0x15e: {  	v5 =	vld [tilespmem:s22+$0xA6D0];
	v0 =	vmov v7  }
.Ltmp5:
0x15f: {  	v6 =	vld [tilespmem:s22+$0xA6A0];
	v1 =	vmov v13;
	(pc) =	sbr.rel @p0 .LBB2_13-.Ltmp5, $4  }
0x160: {  	v7 =	vld [tilespmem:s22+$0xA6B0]  }
0x161: {  	v13 =	vld [tilespmem:s22+$0xA680]  }
0x162: {  	v14 =	vld [tilespmem:s22+$0xA690]  }
0x163: {  	s23 =	sadd.s32 $0x280, s23;
	v12 =	vld [tilespmem:s22+$0xACC0]  }
0x164: {  	v15 =	vld [tilespmem:s22+$0xACD0]  }
0x165: {  	v16 =	vld [tilespmem:s22+$0xACE0]  }
0x166: {  	v17 =	vld [tilespmem:s22+$0xACF0];
	v8 =	vadd.f32 v13, v8  }
0x167: {  	v13 =	vld [tilespmem:s22+$0xAD00];
	v11 =	vadd.f32 v14, v11  }
0x168: {  	v14 =	vld [tilespmem:s22+$0xAD10];
	v10 =	vadd.f32 v12, v10;
	v6 =	vadd.f32 v6, v8  }
0x169: {  	v8 =	vadd.f32 v15, v9;
	v9 =	vld [tilespmem:s22+$0xAD20];
	v7 =	vadd.f32 v7, v11  }
0x16a: {  	v11 =	vld [tilespmem:s22+$0xAD30];
	v10 =	vadd.f32 v16, v10;
	v4 =	vadd.f32 v4, v6  }
0x16b: {  	v6 =	vadd.f32 v17, v8;
	v8 =	vld [tilespmem:s22+$0xAD40];
	v5 =	vadd.f32 v5, v7  }
0x16c: {  	v7 =	vld [tilespmem:s22+$0xAD50];
	v10 =	vadd.f32 v13, v10;
	v2 =	vadd.f32 v2, v4  }
0x16d: {  	v4 =	vadd.f32 v14, v6;
	v3 =	vadd.f32 v3, v5  }
0x16e: {  	v5 =	vadd.f32 v9, v10;
	v0 =	vadd.f32 v0, v2  }
0x16f: {  	v2 =	vadd.f32 v11, v4;
	v1 =	vadd.f32 v1, v3  }
0x170: {  	v3 =	vadd.f32 v8, v5;
	v0 =	vmul.f32 $1.999999960e-02, v0  }
0x171: {  	v2 =	vadd.f32 v7, v2;
	v1 =	vmul.f32 $1.999999960e-02, v1  }
0x172: {  	[tilespmem:s21+$0x13140] =	vst v0;
	v0 =	vmul.f32 $1.999999960e-02, v3  }
0x173: {  	[tilespmem:s21+$0x13150] =	vst v1;
	v1 =	vmul.f32 $1.999999960e-02, v2  }
0x174: {  	[tilespmem:s21+$0x13160] =	vst v0  }
0x175: {  	s22 =	simm.s32 $0x0;
	[tilespmem:s21+$0x13170] =	vst v1  }
0x176: {  	v0 =	vld [tilespmem:s22+$0xB380]  }
0x177: {  	v1 =	vld [tilespmem:s22+$0xB390]  }
0x178: {  	v2 =	vld [tilespmem:s22+$0xB360]  }
0x179: {  	v3 =	vld [tilespmem:s22+$0xB370]  }
0x17a: {  	v4 =	vld [tilespmem:s22+$0xB340]  }
0x17b: {  	v5 =	vld [tilespmem:s22+$0xB350]  }
0x17c: {  	v6 =	vld [tilespmem:s22+$0xB320]  }
0x17d: {  	v7 =	vld [tilespmem:s22+$0xB330]  }
0x17e: {  	v13 =	vld [tilespmem:s22+$0xB300]  }
0x17f: {  	v10 =	vimm.f32 $0.0e+00;
	v14 =	vld [tilespmem:s22+$0xB310]  }
0x180: {  	s23 =	simm.s32 $0x280;
	v9 =	vimm.f32 $0.0e+00;
	v11 =	vimm.f32 $0.0e+00;
	v8 =	vimm.f32 $0.0e+00;
	v12 =	vld [tilespmem:s22+$0xB940]  }
.LBB2_15:
0x181: {  	p0 =	sne.s32 s23, $0x1680;
	v15 =	vld [tilespmem:s22+$0xB950]  }
0x182: {  	v16 =	vld [tilespmem:s22+$0xB960]  }
0x183: {  	v17 =	vld [tilespmem:s22+$0xB970]  }
0x184: {  	v18 =	vld [tilespmem:s22+$0xB980]  }
0x185: {  	v8 =	vadd.f32 v13, v8;
	v11 =	vadd.f32 v14, v11;
	v13 =	vld [tilespmem:s22+$0xB990]  }
0x186: {  	v10 =	vadd.f32 v12, v10;
	v9 =	vadd.f32 v15, v9;
	v12 =	vld [tilespmem:s22+$0xB9A0]  }
0x187: {  	v6 =	vadd.f32 v6, v8;
	v7 =	vadd.f32 v7, v11;
	v8 =	vld [tilespmem:s22+$0xB9B0]  }
0x188: {  	v10 =	vadd.f32 v16, v10;
	v9 =	vadd.f32 v17, v9;
	v14 =	vld [tilespmem:s22+$0xB9C0]  }
0x189: {  	v4 =	vadd.f32 v4, v6;
	v5 =	vadd.f32 v5, v7;
	v6 =	vld [tilespmem:s22+$0xB9D0];
	s22 =	sshra.s32 s23, $0x2  }
0x18a: {  	v10 =	vadd.f32 v18, v10;
	v7 =	vld [tilespmem:s22+$0xB380];
	v9 =	vadd.f32 v13, v9  }
0x18b: {  	v4 =	vadd.f32 v2, v4;
	v5 =	vadd.f32 v3, v5;
	v13 =	vld [tilespmem:s22+$0xB390]  }
0x18c: {  	v10 =	vadd.f32 v12, v10;
	v2 =	vld [tilespmem:s22+$0xB360];
	v9 =	vadd.f32 v8, v9  }
0x18d: {  	v8 =	vadd.f32 v0, v4;
	v11 =	vadd.f32 v1, v5;
	v3 =	vld [tilespmem:s22+$0xB370]  }
0x18e: {  	v10 =	vadd.f32 v14, v10;
	v4 =	vld [tilespmem:s22+$0xB340];
	v9 =	vadd.f32 v6, v9  }
0x18f: {  	v5 =	vld [tilespmem:s22+$0xB350];
	v0 =	vmov v7  }
.Ltmp6:
0x190: {  	v6 =	vld [tilespmem:s22+$0xB320];
	v1 =	vmov v13;
	(pc) =	sbr.rel @p0 .LBB2_15-.Ltmp6, $4  }
0x191: {  	v7 =	vld [tilespmem:s22+$0xB330]  }
0x192: {  	v13 =	vld [tilespmem:s22+$0xB300]  }
0x193: {  	v14 =	vld [tilespmem:s22+$0xB310]  }
0x194: {  	s23 =	sadd.s32 $0x280, s23;
	v12 =	vld [tilespmem:s22+$0xB940]  }
0x195: {  	v15 =	vld [tilespmem:s22+$0xB950]  }
0x196: {  	v16 =	vld [tilespmem:s22+$0xB960]  }
0x197: {  	v17 =	vld [tilespmem:s22+$0xB970];
	v8 =	vadd.f32 v13, v8  }
0x198: {  	v13 =	vld [tilespmem:s22+$0xB980];
	v11 =	vadd.f32 v14, v11  }
0x199: {  	v14 =	vld [tilespmem:s22+$0xB990];
	v10 =	vadd.f32 v12, v10;
	v6 =	vadd.f32 v6, v8  }
0x19a: {  	v8 =	vadd.f32 v15, v9;
	v9 =	vld [tilespmem:s22+$0xB9A0];
	v7 =	vadd.f32 v7, v11  }
0x19b: {  	v11 =	vld [tilespmem:s22+$0xB9B0];
	v10 =	vadd.f32 v16, v10;
	v4 =	vadd.f32 v4, v6  }
0x19c: {  	v6 =	vadd.f32 v17, v8;
	v8 =	vld [tilespmem:s22+$0xB9C0];
	v5 =	vadd.f32 v5, v7  }
0x19d: {  	v7 =	vld [tilespmem:s22+$0xB9D0];
	v10 =	vadd.f32 v13, v10;
	v2 =	vadd.f32 v2, v4  }
0x19e: {  	v4 =	vadd.f32 v14, v6;
	v3 =	vadd.f32 v3, v5  }
0x19f: {  	v5 =	vadd.f32 v9, v10;
	v0 =	vadd.f32 v0, v2  }
0x1a0: {  	v2 =	vadd.f32 v11, v4;
	v1 =	vadd.f32 v1, v3  }
0x1a1: {  	v3 =	vadd.f32 v8, v5;
	v0 =	vmul.f32 $1.999999960e-02, v0  }
0x1a2: {  	v2 =	vadd.f32 v7, v2;
	v1 =	vmul.f32 $1.999999960e-02, v1  }
0x1a3: {  	[tilespmem:s21+$0x13180] =	vst v0;
	v0 =	vmul.f32 $1.999999960e-02, v3  }
0x1a4: {  	[tilespmem:s21+$0x13190] =	vst v1;
	v1 =	vmul.f32 $1.999999960e-02, v2  }
0x1a5: {  	[tilespmem:s21+$0x131A0] =	vst v0  }
0x1a6: {  	s22 =	simm.s32 $0x0;
	[tilespmem:s21+$0x131B0] =	vst v1  }
0x1a7: {  	v0 =	vld [tilespmem:s22+$0xC000]  }
0x1a8: {  	v1 =	vld [tilespmem:s22+$0xC010]  }
0x1a9: {  	v2 =	vld [tilespmem:s22+$0xBFE0]  }
0x1aa: {  	v3 =	vld [tilespmem:s22+$0xBFF0]  }
0x1ab: {  	v4 =	vld [tilespmem:s22+$0xBFC0]  }
0x1ac: {  	v5 =	vld [tilespmem:s22+$0xBFD0]  }
0x1ad: {  	v6 =	vld [tilespmem:s22+$0xBFA0]  }
0x1ae: {  	v7 =	vld [tilespmem:s22+$0xBFB0]  }
0x1af: {  	v13 =	vld [tilespmem:s22+$0xBF80]  }
0x1b0: {  	v10 =	vimm.f32 $0.0e+00;
	v14 =	vld [tilespmem:s22+$0xBF90]  }
0x1b1: {  	s23 =	simm.s32 $0x280;
	v9 =	vimm.f32 $0.0e+00;
	v11 =	vimm.f32 $0.0e+00;
	v8 =	vimm.f32 $0.0e+00;
	v12 =	vld [tilespmem:s22+$0xC5C0]  }
.LBB2_17:
0x1b2: {  	p0 =	sne.s32 s23, $0x1680;
	v15 =	vld [tilespmem:s22+$0xC5D0]  }
0x1b3: {  	v16 =	vld [tilespmem:s22+$0xC5E0]  }
0x1b4: {  	v17 =	vld [tilespmem:s22+$0xC5F0]  }
0x1b5: {  	v18 =	vld [tilespmem:s22+$0xC600]  }
0x1b6: {  	v8 =	vadd.f32 v13, v8;
	v11 =	vadd.f32 v14, v11;
	v13 =	vld [tilespmem:s22+$0xC610]  }
0x1b7: {  	v10 =	vadd.f32 v12, v10;
	v9 =	vadd.f32 v15, v9;
	v12 =	vld [tilespmem:s22+$0xC620]  }
0x1b8: {  	v6 =	vadd.f32 v6, v8;
	v7 =	vadd.f32 v7, v11;
	v8 =	vld [tilespmem:s22+$0xC630]  }
0x1b9: {  	v10 =	vadd.f32 v16, v10;
	v9 =	vadd.f32 v17, v9;
	v14 =	vld [tilespmem:s22+$0xC640]  }
0x1ba: {  	v4 =	vadd.f32 v4, v6;
	v5 =	vadd.f32 v5, v7;
	v6 =	vld [tilespmem:s22+$0xC650];
	s22 =	sshra.s32 s23, $0x2  }
0x1bb: {  	v10 =	vadd.f32 v18, v10;
	v7 =	vld [tilespmem:s22+$0xC000];
	v9 =	vadd.f32 v13, v9  }
0x1bc: {  	v4 =	vadd.f32 v2, v4;
	v5 =	vadd.f32 v3, v5;
	v13 =	vld [tilespmem:s22+$0xC010]  }
0x1bd: {  	v10 =	vadd.f32 v12, v10;
	v2 =	vld [tilespmem:s22+$0xBFE0];
	v9 =	vadd.f32 v8, v9  }
0x1be: {  	v8 =	vadd.f32 v0, v4;
	v11 =	vadd.f32 v1, v5;
	v3 =	vld [tilespmem:s22+$0xBFF0]  }
0x1bf: {  	v10 =	vadd.f32 v14, v10;
	v4 =	vld [tilespmem:s22+$0xBFC0];
	v9 =	vadd.f32 v6, v9  }
0x1c0: {  	v5 =	vld [tilespmem:s22+$0xBFD0];
	v0 =	vmov v7  }
.Ltmp7:
0x1c1: {  	v6 =	vld [tilespmem:s22+$0xBFA0];
	v1 =	vmov v13;
	(pc) =	sbr.rel @p0 .LBB2_17-.Ltmp7, $4  }
0x1c2: {  	v7 =	vld [tilespmem:s22+$0xBFB0]  }
0x1c3: {  	v13 =	vld [tilespmem:s22+$0xBF80]  }
0x1c4: {  	v14 =	vld [tilespmem:s22+$0xBF90]  }
0x1c5: {  	s23 =	sadd.s32 $0x280, s23;
	v12 =	vld [tilespmem:s22+$0xC5C0]  }
0x1c6: {  	v15 =	vld [tilespmem:s22+$0xC5D0]  }
0x1c7: {  	v16 =	vld [tilespmem:s22+$0xC5E0]  }
0x1c8: {  	v17 =	vld [tilespmem:s22+$0xC5F0];
	v8 =	vadd.f32 v13, v8  }
0x1c9: {  	v13 =	vld [tilespmem:s22+$0xC600];
	v11 =	vadd.f32 v14, v11  }
0x1ca: {  	v14 =	vld [tilespmem:s22+$0xC610];
	v10 =	vadd.f32 v12, v10;
	v6 =	vadd.f32 v6, v8  }
0x1cb: {  	v8 =	vadd.f32 v15, v9;
	v9 =	vld [tilespmem:s22+$0xC620];
	v7 =	vadd.f32 v7, v11  }
0x1cc: {  	v11 =	vld [tilespmem:s22+$0xC630];
	v10 =	vadd.f32 v16, v10;
	v4 =	vadd.f32 v4, v6  }
0x1cd: {  	v6 =	vadd.f32 v17, v8;
	v8 =	vld [tilespmem:s22+$0xC640];
	v5 =	vadd.f32 v5, v7  }
0x1ce: {  	v7 =	vld [tilespmem:s22+$0xC650];
	v10 =	vadd.f32 v13, v10;
	v2 =	vadd.f32 v2, v4  }
0x1cf: {  	v4 =	vadd.f32 v14, v6;
	v3 =	vadd.f32 v3, v5  }
0x1d0: {  	v5 =	vadd.f32 v9, v10;
	v0 =	vadd.f32 v0, v2  }
0x1d1: {  	v2 =	vadd.f32 v11, v4;
	v1 =	vadd.f32 v1, v3  }
0x1d2: {  	v3 =	vadd.f32 v8, v5;
	v0 =	vmul.f32 $1.999999960e-02, v0  }
0x1d3: {  	p0 =	seq.s32 s12, $0xF;
	v2 =	vadd.f32 v7, v2;
	v1 =	vmul.f32 $1.999999960e-02, v1  }
0x1d4: {  	s22 =	smul.u32 @!p0 $0x1A00, s12;
	[tilespmem:s21+$0x131C0] =	vst v0;
	v0 =	vmul.f32 $1.999999960e-02, v3  }
0x1d5: {  	[tilespmem:s21+$0x131D0] =	vst v1;
	v1 =	vmul.f32 $1.999999960e-02, v2  }
0x1d6: {  	s22 =	sshra.s32 @!p0 s22, $0x2;
	[tilespmem:s21+$0x131E0] =	vst v0  }
0x1d7: {  	s23 =	simm.s32 @!p0 $0x64;
	s10 =	simm.s32 @!p0 $0x6800;
	[tilespmem:s21+$0x131F0] =	vst v1;
	s21 =	sadd.s32 @!p0 $0x680, s22  }
0x1d8: {  	[tilespmem:s10], [sflag:$0x1] =	stream.indirect.gather @!p0 [hbm4b:s3+s23], $0x20, s21, s23, $0xb8;
	[tilespmem:$0x17000] =	vst v63  }
0x1d9: {  	s10 =	sadd.s32 @!p0 $0x6E8, s22;
	s21 =	simm.s32 @!p0 $0x7480  }
0x1da: {  	[tilespmem:s21], [sflag:$0x1] =	stream.indirect.gather @!p0 [hbm4b:s3+s23], $0x20, s10, s23, $0xb8;
	[tilespmem:$0x17000] =	vst v63  }
0x1db: {  	s10 =	sadd.s32 @!p0 $0x750, s22;
	s21 =	simm.s32 @!p0 $0x8100  }
0x1dc: {  	[tilespmem:s21], [sflag:$0x1] =	stream.indirect.gather @!p0 [hbm4b:s3+s23], $0x20, s10, s23, $0xb8;
	[tilespmem:$0x17000] =	vst v63  }
0x1dd: {  	s10 =	sadd.s32 @!p0 $0x7B8, s22;
	s21 =	simm.s32 @!p0 $0x8D80  }
0x1de: {  	[tilespmem:s21], [sflag:$0x1] =	stream.indirect.gather @!p0 [hbm4b:s3+s23], $0x20, s10, s23, $0xb8;
	[tilespmem:$0x17000] =	vst v63  }
0x1df: {  	s10 =	sadd.s32 @!p0 $0x820, s22;
	s21 =	simm.s32 @!p0 $0x9A00  }
0x1e0: {  	[tilespmem:s21], [sflag:$0x1] =	stream.indirect.gather @!p0 [hbm4b:s3+s23], $0x20, s10, s23, $0xb8;
	[tilespmem:$0x17000] =	vst v63  }
0x1e1: {  	s10 =	sadd.s32 @!p0 $0x888, s22;
	s21 =	simm.s32 @!p0 $0xA680  }
0x1e2: {  	[tilespmem:s21], [sflag:$0x1] =	stream.indirect.gather @!p0 [hbm4b:s3+s23], $0x20, s10, s23, $0xb8;
	[tilespmem:$0x17000] =	vst v63  }
0x1e3: {  	s10 =	sadd.s32 @!p0 $0x8F0, s22;
	s21 =	simm.s32 @!p0 $0xB300  }
0x1e4: {  	[tilespmem:s21], [sflag:$0x1] =	stream.indirect.gather @!p0 [hbm4b:s3+s23], $0x20, s10, s23, $0xb8;
	[tilespmem:$0x17000] =	vst v63  }
0x1e5: {  	s10 =	sadd.s32 @!p0 $0x958, s22;
	s21 =	simm.s32 @!p0 $0xBF80  }
0x1e6: {  	[tilespmem:s21], [sflag:$0x1] =	stream.indirect.gather @!p0 [hbm4b:s3+s23], $0x20, s10, s23, $0xb8;
	[tilespmem:$0x17000] =	vst v63  }
0x1e7: {  	_ =	swait.ge [sflag:s9], $0xC80  }
0x1e8: {  	[sflag:s9] =	ssyncset.done $0x0  }
0x1e9: {  	[sflag:s9] =	ssyncadd.s32 $0xFFFFF380  }
0x1ea: {  	_ =	swait.ge [sflag:s9], $0xC80  }
0x1eb: {  	[sflag:s9] =	ssyncset.done $0x0  }
0x1ec: {  	[sflag:s9] =	ssyncadd.s32 $0xFFFFF380  }
0x1ed: {  	_ =	swait.ge [sflag:s9], $0xC80  }
0x1ee: {  	[sflag:s9] =	ssyncset.done $0x0  }
0x1ef: {  	[sflag:s9] =	ssyncadd.s32 $0xFFFFF380  }
0x1f0: {  	_ =	swait.ge [sflag:s9], $0xC80  }
0x1f1: {  	[sflag:s9] =	ssyncset.done $0x0  }
0x1f2: {  	[sflag:s9] =	ssyncadd.s32 $0xFFFFF380  }
0x1f3: {  	_ =	swait.ge [sflag:s9], $0xC80  }
0x1f4: {  	[sflag:s9] =	ssyncset.done $0x0  }
0x1f5: {  	[sflag:s9] =	ssyncadd.s32 $0xFFFFF380  }
0x1f6: {  	_ =	swait.ge [sflag:s9], $0xC80  }
0x1f7: {  	[sflag:s9] =	ssyncset.done $0x0  }
0x1f8: {  	[sflag:s9] =	ssyncadd.s32 $0xFFFFF380  }
0x1f9: {  	_ =	swait.ge [sflag:s9], $0xC80  }
0x1fa: {  	[sflag:s9] =	ssyncset.done $0x0  }
0x1fb: {  	[sflag:s9] =	ssyncadd.s32 $0xFFFFF380  }
0x1fc: {  	_ =	swait.ge [sflag:s9], $0xC80  }
0x1fd: {  	[sflag:s9] =	ssyncset.done $0x0  }
0x1fe: {  	s21 =	simm.s32 $0x0;
	[sflag:s9] =	ssyncadd.s32 $0xFFFFF380  }
0x1ff: {  	v0 =	vld [tilespmem:s21+$0xCC80]  }
0x200: {  	v1 =	vld [tilespmem:s21+$0xCC90]  }
0x201: {  	v2 =	vld [tilespmem:s21+$0xCC60]  }
0x202: {  	v3 =	vld [tilespmem:s21+$0xCC70]  }
0x203: {  	v4 =	vld [tilespmem:s21+$0xCC40]  }
0x204: {  	v5 =	vld [tilespmem:s21+$0xCC50]  }
0x205: {  	v6 =	vld [tilespmem:s21+$0xCC20]  }
0x206: {  	v7 =	vld [tilespmem:s21+$0xCC30]  }
0x207: {  	v13 =	vld [tilespmem:s21+$0xCC00]  }
0x208: {  	v10 =	vimm.f32 $0.0e+00;
	v14 =	vld [tilespmem:s21+$0xCC10]  }
0x209: {  	v9 =	vimm.f32 $0.0e+00;
	v11 =	vimm.f32 $0.0e+00;
	v8 =	vimm.f32 $0.0e+00;
	s22 =	simm.s32 $0x280;
	v12 =	vld [tilespmem:s21+$0xD240]  }
.LBB2_19:
0x20a: {  	p0 =	sne.s32 s22, $0x1680;
	v15 =	vld [tilespmem:s21+$0xD250]  }
0x20b: {  	v16 =	vld [tilespmem:s21+$0xD260]  }
0x20c: {  	v17 =	vld [tilespmem:s21+$0xD270]  }
0x20d: {  	v18 =	vld [tilespmem:s21+$0xD280]  }
0x20e: {  	v8 =	vadd.f32 v13, v8;
	v11 =	vadd.f32 v14, v11;
	v13 =	vld [tilespmem:s21+$0xD290]  }
0x20f: {  	v10 =	vadd.f32 v12, v10;
	v9 =	vadd.f32 v15, v9;
	v12 =	vld [tilespmem:s21+$0xD2A0]  }
0x210: {  	v6 =	vadd.f32 v6, v8;
	v7 =	vadd.f32 v7, v11;
	v8 =	vld [tilespmem:s21+$0xD2B0]  }
0x211: {  	v10 =	vadd.f32 v16, v10;
	v9 =	vadd.f32 v17, v9;
	v14 =	vld [tilespmem:s21+$0xD2C0]  }
0x212: {  	v4 =	vadd.f32 v4, v6;
	v5 =	vadd.f32 v5, v7;
	v6 =	vld [tilespmem:s21+$0xD2D0];
	s21 =	sshra.s32 s22, $0x2  }
0x213: {  	v10 =	vadd.f32 v18, v10;
	v7 =	vld [tilespmem:s21+$0xCC80];
	v9 =	vadd.f32 v13, v9  }
0x214: {  	v4 =	vadd.f32 v2, v4;
	v5 =	vadd.f32 v3, v5;
	v13 =	vld [tilespmem:s21+$0xCC90]  }
0x215: {  	v10 =	vadd.f32 v12, v10;
	v2 =	vld [tilespmem:s21+$0xCC60];
	v9 =	vadd.f32 v8, v9  }
0x216: {  	v8 =	vadd.f32 v0, v4;
	v11 =	vadd.f32 v1, v5;
	v3 =	vld [tilespmem:s21+$0xCC70]  }
0x217: {  	v10 =	vadd.f32 v14, v10;
	v4 =	vld [tilespmem:s21+$0xCC40];
	v9 =	vadd.f32 v6, v9  }
0x218: {  	v5 =	vld [tilespmem:s21+$0xCC50];
	v0 =	vmov v7  }
.Ltmp8:
0x219: {  	v6 =	vld [tilespmem:s21+$0xCC20];
	v1 =	vmov v13;
	(pc) =	sbr.rel @p0 .LBB2_19-.Ltmp8, $4  }
0x21a: {  	v7 =	vld [tilespmem:s21+$0xCC30]  }
0x21b: {  	v13 =	vld [tilespmem:s21+$0xCC00]  }
0x21c: {  	v14 =	vld [tilespmem:s21+$0xCC10]  }
0x21d: {  	s22 =	sadd.s32 $0x280, s22;
	v12 =	vld [tilespmem:s21+$0xD240]  }
0x21e: {  	v15 =	vld [tilespmem:s21+$0xD250]  }
0x21f: {  	v16 =	vld [tilespmem:s21+$0xD260]  }
0x220: {  	v17 =	vld [tilespmem:s21+$0xD270];
	v8 =	vadd.f32 v13, v8  }
0x221: {  	v13 =	vld [tilespmem:s21+$0xD280];
	v11 =	vadd.f32 v14, v11  }
0x222: {  	v14 =	vld [tilespmem:s21+$0xD290];
	v10 =	vadd.f32 v12, v10;
	v6 =	vadd.f32 v6, v8  }
0x223: {  	v8 =	vadd.f32 v15, v9;
	v9 =	vld [tilespmem:s21+$0xD2A0];
	v7 =	vadd.f32 v7, v11  }
0x224: {  	v11 =	vld [tilespmem:s21+$0xD2B0];
	v10 =	vadd.f32 v16, v10;
	v4 =	vadd.f32 v4, v6  }
0x225: {  	v6 =	vadd.f32 v17, v8;
	v8 =	vld [tilespmem:s21+$0xD2C0];
	v5 =	vadd.f32 v5, v7  }
0x226: {  	v7 =	vld [tilespmem:s21+$0xD2D0];
	v10 =	vadd.f32 v13, v10;
	v2 =	vadd.f32 v2, v4  }
0x227: {  	v4 =	vadd.f32 v14, v6;
	v3 =	vadd.f32 v3, v5  }
0x228: {  	v5 =	vadd.f32 v9, v10;
	v0 =	vadd.f32 v0, v2  }
0x229: {  	v2 =	vadd.f32 v11, v4;
	v1 =	vadd.f32 v1, v3  }
0x22a: {  	s10 =	sshll.u32 s20, $0x6;
	v3 =	vadd.f32 v8, v5;
	v0 =	vmul.f32 $1.999999960e-02, v0  }
0x22b: {  	s10 =	sand.u32 $0x3FFFFFC0, s10;
	v2 =	vadd.f32 v7, v2;
	v1 =	vmul.f32 $1.999999960e-02, v1  }
0x22c: {  	[tilespmem:s10+$0x13000] =	vst v0;
	v0 =	vmul.f32 $1.999999960e-02, v3  }
0x22d: {  	[tilespmem:s10+$0x13010] =	vst v1;
	v1 =	vmul.f32 $1.999999960e-02, v2  }
0x22e: {  	[tilespmem:s10+$0x13020] =	vst v0  }
0x22f: {  	s20 =	simm.s32 $0x0;
	[tilespmem:s10+$0x13030] =	vst v1  }
0x230: {  	v0 =	vld [tilespmem:s20+$0xD900]  }
0x231: {  	v1 =	vld [tilespmem:s20+$0xD910]  }
0x232: {  	v2 =	vld [tilespmem:s20+$0xD8E0]  }
0x233: {  	v3 =	vld [tilespmem:s20+$0xD8F0]  }
0x234: {  	v4 =	vld [tilespmem:s20+$0xD8C0]  }
0x235: {  	v5 =	vld [tilespmem:s20+$0xD8D0]  }
0x236: {  	v6 =	vld [tilespmem:s20+$0xD8A0]  }
0x237: {  	v7 =	vld [tilespmem:s20+$0xD8B0]  }
0x238: {  	v13 =	vld [tilespmem:s20+$0xD880]  }
0x239: {  	v10 =	vimm.f32 $0.0e+00;
	v14 =	vld [tilespmem:s20+$0xD890]  }
0x23a: {  	s21 =	simm.s32 $0x280;
	v9 =	vimm.f32 $0.0e+00;
	v11 =	vimm.f32 $0.0e+00;
	v8 =	vimm.f32 $0.0e+00;
	v12 =	vld [tilespmem:s20+$0xDEC0]  }
.LBB2_21:
0x23b: {  	p0 =	sne.s32 s21, $0x1680;
	v15 =	vld [tilespmem:s20+$0xDED0]  }
0x23c: {  	v16 =	vld [tilespmem:s20+$0xDEE0]  }
0x23d: {  	v17 =	vld [tilespmem:s20+$0xDEF0]  }
0x23e: {  	v18 =	vld [tilespmem:s20+$0xDF00]  }
0x23f: {  	v8 =	vadd.f32 v13, v8;
	v11 =	vadd.f32 v14, v11;
	v13 =	vld [tilespmem:s20+$0xDF10]  }
0x240: {  	v10 =	vadd.f32 v12, v10;
	v9 =	vadd.f32 v15, v9;
	v12 =	vld [tilespmem:s20+$0xDF20]  }
0x241: {  	v6 =	vadd.f32 v6, v8;
	v7 =	vadd.f32 v7, v11;
	v8 =	vld [tilespmem:s20+$0xDF30]  }
0x242: {  	v10 =	vadd.f32 v16, v10;
	v9 =	vadd.f32 v17, v9;
	v14 =	vld [tilespmem:s20+$0xDF40]  }
0x243: {  	v4 =	vadd.f32 v4, v6;
	v5 =	vadd.f32 v5, v7;
	v6 =	vld [tilespmem:s20+$0xDF50];
	s20 =	sshra.s32 s21, $0x2  }
0x244: {  	v10 =	vadd.f32 v18, v10;
	v7 =	vld [tilespmem:s20+$0xD900];
	v9 =	vadd.f32 v13, v9  }
0x245: {  	v4 =	vadd.f32 v2, v4;
	v5 =	vadd.f32 v3, v5;
	v13 =	vld [tilespmem:s20+$0xD910]  }
0x246: {  	v10 =	vadd.f32 v12, v10;
	v2 =	vld [tilespmem:s20+$0xD8E0];
	v9 =	vadd.f32 v8, v9  }
0x247: {  	v8 =	vadd.f32 v0, v4;
	v11 =	vadd.f32 v1, v5;
	v3 =	vld [tilespmem:s20+$0xD8F0]  }
0x248: {  	v10 =	vadd.f32 v14, v10;
	v4 =	vld [tilespmem:s20+$0xD8C0];
	v9 =	vadd.f32 v6, v9  }
0x249: {  	v5 =	vld [tilespmem:s20+$0xD8D0];
	v0 =	vmov v7  }
.Ltmp9:
0x24a: {  	v6 =	vld [tilespmem:s20+$0xD8A0];
	v1 =	vmov v13;
	(pc) =	sbr.rel @p0 .LBB2_21-.Ltmp9, $4  }
0x24b: {  	v7 =	vld [tilespmem:s20+$0xD8B0]  }
0x24c: {  	v13 =	vld [tilespmem:s20+$0xD880]  }
0x24d: {  	v14 =	vld [tilespmem:s20+$0xD890]  }
0x24e: {  	s21 =	sadd.s32 $0x280, s21;
	v12 =	vld [tilespmem:s20+$0xDEC0]  }
0x24f: {  	v15 =	vld [tilespmem:s20+$0xDED0]  }
0x250: {  	v16 =	vld [tilespmem:s20+$0xDEE0]  }
0x251: {  	v17 =	vld [tilespmem:s20+$0xDEF0];
	v8 =	vadd.f32 v13, v8  }
0x252: {  	v13 =	vld [tilespmem:s20+$0xDF00];
	v11 =	vadd.f32 v14, v11  }
0x253: {  	v14 =	vld [tilespmem:s20+$0xDF10];
	v10 =	vadd.f32 v12, v10;
	v6 =	vadd.f32 v6, v8  }
0x254: {  	v8 =	vadd.f32 v15, v9;
	v9 =	vld [tilespmem:s20+$0xDF20];
	v7 =	vadd.f32 v7, v11  }
0x255: {  	v11 =	vld [tilespmem:s20+$0xDF30];
	v10 =	vadd.f32 v16, v10;
	v4 =	vadd.f32 v4, v6  }
0x256: {  	v6 =	vadd.f32 v17, v8;
	v8 =	vld [tilespmem:s20+$0xDF40];
	v5 =	vadd.f32 v5, v7  }
0x257: {  	v7 =	vld [tilespmem:s20+$0xDF50];
	v10 =	vadd.f32 v13, v10;
	v2 =	vadd.f32 v2, v4  }
0x258: {  	v4 =	vadd.f32 v14, v6;
	v3 =	vadd.f32 v3, v5  }
0x259: {  	v5 =	vadd.f32 v9, v10;
	v0 =	vadd.f32 v0, v2  }
0x25a: {  	v2 =	vadd.f32 v11, v4;
	v1 =	vadd.f32 v1, v3  }
0x25b: {  	s10 =	sshll.u32 s19, $0x6;
	v3 =	vadd.f32 v8, v5;
	v0 =	vmul.f32 $1.999999960e-02, v0  }
0x25c: {  	s10 =	sand.u32 $0x3FFFFFC0, s10;
	v2 =	vadd.f32 v7, v2;
	v1 =	vmul.f32 $1.999999960e-02, v1  }
0x25d: {  	[tilespmem:s10+$0x13000] =	vst v0;
	v0 =	vmul.f32 $1.999999960e-02, v3  }
0x25e: {  	[tilespmem:s10+$0x13010] =	vst v1;
	v1 =	vmul.f32 $1.999999960e-02, v2  }
0x25f: {  	[tilespmem:s10+$0x13020] =	vst v0  }
0x260: {  	s19 =	simm.s32 $0x0;
	[tilespmem:s10+$0x13030] =	vst v1  }
0x261: {  	v0 =	vld [tilespmem:s19+$0xE580]  }
0x262: {  	v1 =	vld [tilespmem:s19+$0xE590]  }
0x263: {  	v2 =	vld [tilespmem:s19+$0xE560]  }
0x264: {  	v3 =	vld [tilespmem:s19+$0xE570]  }
0x265: {  	v4 =	vld [tilespmem:s19+$0xE540]  }
0x266: {  	v5 =	vld [tilespmem:s19+$0xE550]  }
0x267: {  	v6 =	vld [tilespmem:s19+$0xE520]  }
0x268: {  	v7 =	vld [tilespmem:s19+$0xE530]  }
0x269: {  	v13 =	vld [tilespmem:s19+$0xE500]  }
0x26a: {  	v10 =	vimm.f32 $0.0e+00;
	v14 =	vld [tilespmem:s19+$0xE510]  }
0x26b: {  	s20 =	simm.s32 $0x280;
	v9 =	vimm.f32 $0.0e+00;
	v11 =	vimm.f32 $0.0e+00;
	v8 =	vimm.f32 $0.0e+00;
	v12 =	vld [tilespmem:s19+$0xEB40]  }
.LBB2_23:
0x26c: {  	p0 =	sne.s32 s20, $0x1680;
	v15 =	vld [tilespmem:s19+$0xEB50]  }
0x26d: {  	v16 =	vld [tilespmem:s19+$0xEB60]  }
0x26e: {  	v17 =	vld [tilespmem:s19+$0xEB70]  }
0x26f: {  	v18 =	vld [tilespmem:s19+$0xEB80]  }
0x270: {  	v8 =	vadd.f32 v13, v8;
	v11 =	vadd.f32 v14, v11;
	v13 =	vld [tilespmem:s19+$0xEB90]  }
0x271: {  	v10 =	vadd.f32 v12, v10;
	v9 =	vadd.f32 v15, v9;
	v12 =	vld [tilespmem:s19+$0xEBA0]  }
0x272: {  	v6 =	vadd.f32 v6, v8;
	v7 =	vadd.f32 v7, v11;
	v8 =	vld [tilespmem:s19+$0xEBB0]  }
0x273: {  	v10 =	vadd.f32 v16, v10;
	v9 =	vadd.f32 v17, v9;
	v14 =	vld [tilespmem:s19+$0xEBC0]  }
0x274: {  	v4 =	vadd.f32 v4, v6;
	v5 =	vadd.f32 v5, v7;
	v6 =	vld [tilespmem:s19+$0xEBD0];
	s19 =	sshra.s32 s20, $0x2  }
0x275: {  	v10 =	vadd.f32 v18, v10;
	v7 =	vld [tilespmem:s19+$0xE580];
	v9 =	vadd.f32 v13, v9  }
0x276: {  	v4 =	vadd.f32 v2, v4;
	v5 =	vadd.f32 v3, v5;
	v13 =	vld [tilespmem:s19+$0xE590]  }
0x277: {  	v10 =	vadd.f32 v12, v10;
	v2 =	vld [tilespmem:s19+$0xE560];
	v9 =	vadd.f32 v8, v9  }
0x278: {  	v8 =	vadd.f32 v0, v4;
	v11 =	vadd.f32 v1, v5;
	v3 =	vld [tilespmem:s19+$0xE570]  }
0x279: {  	v10 =	vadd.f32 v14, v10;
	v4 =	vld [tilespmem:s19+$0xE540];
	v9 =	vadd.f32 v6, v9  }
0x27a: {  	v5 =	vld [tilespmem:s19+$0xE550];
	v0 =	vmov v7  }
.Ltmp10:
0x27b: {  	v6 =	vld [tilespmem:s19+$0xE520];
	v1 =	vmov v13;
	(pc) =	sbr.rel @p0 .LBB2_23-.Ltmp10, $4  }
0x27c: {  	v7 =	vld [tilespmem:s19+$0xE530]  }
0x27d: {  	v13 =	vld [tilespmem:s19+$0xE500]  }
0x27e: {  	v14 =	vld [tilespmem:s19+$0xE510]  }
0x27f: {  	s20 =	sadd.s32 $0x280, s20;
	v12 =	vld [tilespmem:s19+$0xEB40]  }
0x280: {  	v15 =	vld [tilespmem:s19+$0xEB50]  }
0x281: {  	v16 =	vld [tilespmem:s19+$0xEB60]  }
0x282: {  	v17 =	vld [tilespmem:s19+$0xEB70];
	v8 =	vadd.f32 v13, v8  }
0x283: {  	v13 =	vld [tilespmem:s19+$0xEB80];
	v11 =	vadd.f32 v14, v11  }
0x284: {  	v14 =	vld [tilespmem:s19+$0xEB90];
	v10 =	vadd.f32 v12, v10;
	v6 =	vadd.f32 v6, v8  }
0x285: {  	v8 =	vadd.f32 v15, v9;
	v9 =	vld [tilespmem:s19+$0xEBA0];
	v7 =	vadd.f32 v7, v11  }
0x286: {  	v11 =	vld [tilespmem:s19+$0xEBB0];
	v10 =	vadd.f32 v16, v10;
	v4 =	vadd.f32 v4, v6  }
0x287: {  	v6 =	vadd.f32 v17, v8;
	v8 =	vld [tilespmem:s19+$0xEBC0];
	v5 =	vadd.f32 v5, v7  }
0x288: {  	v7 =	vld [tilespmem:s19+$0xEBD0];
	v10 =	vadd.f32 v13, v10;
	v2 =	vadd.f32 v2, v4  }
0x289: {  	v4 =	vadd.f32 v14, v6;
	v3 =	vadd.f32 v3, v5  }
0x28a: {  	v5 =	vadd.f32 v9, v10;
	v0 =	vadd.f32 v0, v2  }
0x28b: {  	v2 =	vadd.f32 v11, v4;
	v1 =	vadd.f32 v1, v3  }
0x28c: {  	s10 =	sshll.u32 s18, $0x6;
	v3 =	vadd.f32 v8, v5;
	v0 =	vmul.f32 $1.999999960e-02, v0  }
0x28d: {  	s10 =	sand.u32 $0x3FFFFFC0, s10;
	v2 =	vadd.f32 v7, v2;
	v1 =	vmul.f32 $1.999999960e-02, v1  }
0x28e: {  	[tilespmem:s10+$0x13000] =	vst v0;
	v0 =	vmul.f32 $1.999999960e-02, v3  }
0x28f: {  	[tilespmem:s10+$0x13010] =	vst v1;
	v1 =	vmul.f32 $1.999999960e-02, v2  }
0x290: {  	[tilespmem:s10+$0x13020] =	vst v0  }
0x291: {  	s18 =	simm.s32 $0x0;
	[tilespmem:s10+$0x13030] =	vst v1  }
0x292: {  	v0 =	vld [tilespmem:s18+$0xF200]  }
0x293: {  	v1 =	vld [tilespmem:s18+$0xF210]  }
0x294: {  	v2 =	vld [tilespmem:s18+$0xF1E0]  }
0x295: {  	v3 =	vld [tilespmem:s18+$0xF1F0]  }
0x296: {  	v4 =	vld [tilespmem:s18+$0xF1C0]  }
0x297: {  	v5 =	vld [tilespmem:s18+$0xF1D0]  }
0x298: {  	v6 =	vld [tilespmem:s18+$0xF1A0]  }
0x299: {  	v7 =	vld [tilespmem:s18+$0xF1B0]  }
0x29a: {  	v13 =	vld [tilespmem:s18+$0xF180]  }
0x29b: {  	v10 =	vimm.f32 $0.0e+00;
	v14 =	vld [tilespmem:s18+$0xF190]  }
0x29c: {  	s19 =	simm.s32 $0x280;
	v9 =	vimm.f32 $0.0e+00;
	v11 =	vimm.f32 $0.0e+00;
	v8 =	vimm.f32 $0.0e+00;
	v12 =	vld [tilespmem:s18+$0xF7C0]  }
.LBB2_25:
0x29d: {  	p0 =	sne.s32 s19, $0x1680;
	v15 =	vld [tilespmem:s18+$0xF7D0]  }
0x29e: {  	v16 =	vld [tilespmem:s18+$0xF7E0]  }
0x29f: {  	v17 =	vld [tilespmem:s18+$0xF7F0]  }
0x2a0: {  	v18 =	vld [tilespmem:s18+$0xF800]  }
0x2a1: {  	v8 =	vadd.f32 v13, v8;
	v11 =	vadd.f32 v14, v11;
	v13 =	vld [tilespmem:s18+$0xF810]  }
0x2a2: {  	v10 =	vadd.f32 v12, v10;
	v9 =	vadd.f32 v15, v9;
	v12 =	vld [tilespmem:s18+$0xF820]  }
0x2a3: {  	v6 =	vadd.f32 v6, v8;
	v7 =	vadd.f32 v7, v11;
	v8 =	vld [tilespmem:s18+$0xF830]  }
0x2a4: {  	v10 =	vadd.f32 v16, v10;
	v9 =	vadd.f32 v17, v9;
	v14 =	vld [tilespmem:s18+$0xF840]  }
0x2a5: {  	v4 =	vadd.f32 v4, v6;
	v5 =	vadd.f32 v5, v7;
	v6 =	vld [tilespmem:s18+$0xF850];
	s18 =	sshra.s32 s19, $0x2  }
0x2a6: {  	v10 =	vadd.f32 v18, v10;
	v7 =	vld [tilespmem:s18+$0xF200];
	v9 =	vadd.f32 v13, v9  }
0x2a7: {  	v4 =	vadd.f32 v2, v4;
	v5 =	vadd.f32 v3, v5;
	v13 =	vld [tilespmem:s18+$0xF210]  }
0x2a8: {  	v10 =	vadd.f32 v12, v10;
	v2 =	vld [tilespmem:s18+$0xF1E0];
	v9 =	vadd.f32 v8, v9  }
0x2a9: {  	v8 =	vadd.f32 v0, v4;
	v11 =	vadd.f32 v1, v5;
	v3 =	vld [tilespmem:s18+$0xF1F0]  }
0x2aa: {  	v10 =	vadd.f32 v14, v10;
	v4 =	vld [tilespmem:s18+$0xF1C0];
	v9 =	vadd.f32 v6, v9  }
0x2ab: {  	v5 =	vld [tilespmem:s18+$0xF1D0];
	v0 =	vmov v7  }
.Ltmp11:
0x2ac: {  	v6 =	vld [tilespmem:s18+$0xF1A0];
	v1 =	vmov v13;
	(pc) =	sbr.rel @p0 .LBB2_25-.Ltmp11, $4  }
0x2ad: {  	v7 =	vld [tilespmem:s18+$0xF1B0]  }
0x2ae: {  	v13 =	vld [tilespmem:s18+$0xF180]  }
0x2af: {  	v14 =	vld [tilespmem:s18+$0xF190]  }
0x2b0: {  	s19 =	sadd.s32 $0x280, s19;
	v12 =	vld [tilespmem:s18+$0xF7C0]  }
0x2b1: {  	v15 =	vld [tilespmem:s18+$0xF7D0]  }
0x2b2: {  	v16 =	vld [tilespmem:s18+$0xF7E0]  }
0x2b3: {  	v17 =	vld [tilespmem:s18+$0xF7F0];
	v8 =	vadd.f32 v13, v8  }
0x2b4: {  	v13 =	vld [tilespmem:s18+$0xF800];
	v11 =	vadd.f32 v14, v11  }
0x2b5: {  	v14 =	vld [tilespmem:s18+$0xF810];
	v10 =	vadd.f32 v12, v10;
	v6 =	vadd.f32 v6, v8  }
0x2b6: {  	v8 =	vadd.f32 v15, v9;
	v9 =	vld [tilespmem:s18+$0xF820];
	v7 =	vadd.f32 v7, v11  }
0x2b7: {  	v11 =	vld [tilespmem:s18+$0xF830];
	v10 =	vadd.f32 v16, v10;
	v4 =	vadd.f32 v4, v6  }
0x2b8: {  	v6 =	vadd.f32 v17, v8;
	v8 =	vld [tilespmem:s18+$0xF840];
	v5 =	vadd.f32 v5, v7  }
0x2b9: {  	v7 =	vld [tilespmem:s18+$0xF850];
	v10 =	vadd.f32 v13, v10;
	v2 =	vadd.f32 v2, v4  }
0x2ba: {  	v4 =	vadd.f32 v14, v6;
	v3 =	vadd.f32 v3, v5  }
0x2bb: {  	v5 =	vadd.f32 v9, v10;
	v0 =	vadd.f32 v0, v2  }
0x2bc: {  	v2 =	vadd.f32 v11, v4;
	v1 =	vadd.f32 v1, v3  }
0x2bd: {  	s10 =	sshll.u32 s17, $0x6;
	v3 =	vadd.f32 v8, v5;
	v0 =	vmul.f32 $1.999999960e-02, v0  }
0x2be: {  	s10 =	sand.u32 $0x3FFFFFC0, s10;
	v2 =	vadd.f32 v7, v2;
	v1 =	vmul.f32 $1.999999960e-02, v1  }
0x2bf: {  	[tilespmem:s10+$0x13000] =	vst v0;
	v0 =	vmul.f32 $1.999999960e-02, v3  }
0x2c0: {  	[tilespmem:s10+$0x13010] =	vst v1;
	v1 =	vmul.f32 $1.999999960e-02, v2  }
0x2c1: {  	[tilespmem:s10+$0x13020] =	vst v0  }
0x2c2: {  	s17 =	simm.s32 $0x0;
	[tilespmem:s10+$0x13030] =	vst v1  }
0x2c3: {  	v0 =	vld [tilespmem:s17+$0xFE80]  }
0x2c4: {  	v1 =	vld [tilespmem:s17+$0xFE90]  }
0x2c5: {  	v2 =	vld [tilespmem:s17+$0xFE60]  }
0x2c6: {  	v3 =	vld [tilespmem:s17+$0xFE70]  }
0x2c7: {  	v4 =	vld [tilespmem:s17+$0xFE40]  }
0x2c8: {  	v5 =	vld [tilespmem:s17+$0xFE50]  }
0x2c9: {  	v6 =	vld [tilespmem:s17+$0xFE20]  }
0x2ca: {  	v7 =	vld [tilespmem:s17+$0xFE30]  }
0x2cb: {  	v13 =	vld [tilespmem:s17+$0xFE00]  }
0x2cc: {  	v10 =	vimm.f32 $0.0e+00;
	v14 =	vld [tilespmem:s17+$0xFE10]  }
0x2cd: {  	s18 =	simm.s32 $0x280;
	v9 =	vimm.f32 $0.0e+00;
	v11 =	vimm.f32 $0.0e+00;
	v8 =	vimm.f32 $0.0e+00;
	v12 =	vld [tilespmem:s17+$0x10440]  }
.LBB2_27:
0x2ce: {  	p0 =	sne.s32 s18, $0x1680;
	v15 =	vld [tilespmem:s17+$0x10450]  }
0x2cf: {  	v16 =	vld [tilespmem:s17+$0x10460]  }
0x2d0: {  	v17 =	vld [tilespmem:s17+$0x10470]  }
0x2d1: {  	v18 =	vld [tilespmem:s17+$0x10480]  }
0x2d2: {  	v8 =	vadd.f32 v13, v8;
	v11 =	vadd.f32 v14, v11;
	v13 =	vld [tilespmem:s17+$0x10490]  }
0x2d3: {  	v10 =	vadd.f32 v12, v10;
	v9 =	vadd.f32 v15, v9;
	v12 =	vld [tilespmem:s17+$0x104A0]  }
0x2d4: {  	v6 =	vadd.f32 v6, v8;
	v7 =	vadd.f32 v7, v11;
	v8 =	vld [tilespmem:s17+$0x104B0]  }
0x2d5: {  	v10 =	vadd.f32 v16, v10;
	v9 =	vadd.f32 v17, v9;
	v14 =	vld [tilespmem:s17+$0x104C0]  }
0x2d6: {  	v4 =	vadd.f32 v4, v6;
	v5 =	vadd.f32 v5, v7;
	v6 =	vld [tilespmem:s17+$0x104D0];
	s17 =	sshra.s32 s18, $0x2  }
0x2d7: {  	v10 =	vadd.f32 v18, v10;
	v7 =	vld [tilespmem:s17+$0xFE80];
	v9 =	vadd.f32 v13, v9  }
0x2d8: {  	v4 =	vadd.f32 v2, v4;
	v5 =	vadd.f32 v3, v5;
	v13 =	vld [tilespmem:s17+$0xFE90]  }
0x2d9: {  	v10 =	vadd.f32 v12, v10;
	v2 =	vld [tilespmem:s17+$0xFE60];
	v9 =	vadd.f32 v8, v9  }
0x2da: {  	v8 =	vadd.f32 v0, v4;
	v11 =	vadd.f32 v1, v5;
	v3 =	vld [tilespmem:s17+$0xFE70]  }
0x2db: {  	v10 =	vadd.f32 v14, v10;
	v4 =	vld [tilespmem:s17+$0xFE40];
	v9 =	vadd.f32 v6, v9  }
0x2dc: {  	v5 =	vld [tilespmem:s17+$0xFE50];
	v0 =	vmov v7  }
.Ltmp12:
0x2dd: {  	v6 =	vld [tilespmem:s17+$0xFE20];
	v1 =	vmov v13;
	(pc) =	sbr.rel @p0 .LBB2_27-.Ltmp12, $4  }
0x2de: {  	v7 =	vld [tilespmem:s17+$0xFE30]  }
0x2df: {  	v13 =	vld [tilespmem:s17+$0xFE00]  }
0x2e0: {  	v14 =	vld [tilespmem:s17+$0xFE10]  }
0x2e1: {  	s18 =	sadd.s32 $0x280, s18;
	v12 =	vld [tilespmem:s17+$0x10440]  }
0x2e2: {  	v15 =	vld [tilespmem:s17+$0x10450]  }
0x2e3: {  	v16 =	vld [tilespmem:s17+$0x10460]  }
0x2e4: {  	v17 =	vld [tilespmem:s17+$0x10470];
	v8 =	vadd.f32 v13, v8  }
0x2e5: {  	v13 =	vld [tilespmem:s17+$0x10480];
	v11 =	vadd.f32 v14, v11  }
0x2e6: {  	v14 =	vld [tilespmem:s17+$0x10490];
	v10 =	vadd.f32 v12, v10;
	v6 =	vadd.f32 v6, v8  }
0x2e7: {  	v8 =	vadd.f32 v15, v9;
	v9 =	vld [tilespmem:s17+$0x104A0];
	v7 =	vadd.f32 v7, v11  }
0x2e8: {  	v11 =	vld [tilespmem:s17+$0x104B0];
	v10 =	vadd.f32 v16, v10;
	v4 =	vadd.f32 v4, v6  }
0x2e9: {  	v6 =	vadd.f32 v17, v8;
	v8 =	vld [tilespmem:s17+$0x104C0];
	v5 =	vadd.f32 v5, v7  }
0x2ea: {  	v7 =	vld [tilespmem:s17+$0x104D0];
	v10 =	vadd.f32 v13, v10;
	v2 =	vadd.f32 v2, v4  }
0x2eb: {  	v4 =	vadd.f32 v14, v6;
	v3 =	vadd.f32 v3, v5  }
0x2ec: {  	v5 =	vadd.f32 v9, v10;
	v0 =	vadd.f32 v0, v2  }
0x2ed: {  	v2 =	vadd.f32 v11, v4;
	v1 =	vadd.f32 v1, v3  }
0x2ee: {  	s10 =	sshll.u32 s16, $0x6;
	v3 =	vadd.f32 v8, v5;
	v0 =	vmul.f32 $1.999999960e-02, v0  }
0x2ef: {  	s10 =	sand.u32 $0x3FFFFFC0, s10;
	v2 =	vadd.f32 v7, v2;
	v1 =	vmul.f32 $1.999999960e-02, v1  }
0x2f0: {  	[tilespmem:s10+$0x13000] =	vst v0;
	v0 =	vmul.f32 $1.999999960e-02, v3  }
0x2f1: {  	[tilespmem:s10+$0x13010] =	vst v1;
	v1 =	vmul.f32 $1.999999960e-02, v2  }
0x2f2: {  	[tilespmem:s10+$0x13020] =	vst v0  }
0x2f3: {  	s16 =	simm.s32 $0x0;
	[tilespmem:s10+$0x13030] =	vst v1  }
0x2f4: {  	v0 =	vld [tilespmem:s16+$0x10B00]  }
0x2f5: {  	v1 =	vld [tilespmem:s16+$0x10B10]  }
0x2f6: {  	v2 =	vld [tilespmem:s16+$0x10AE0]  }
0x2f7: {  	v3 =	vld [tilespmem:s16+$0x10AF0]  }
0x2f8: {  	v4 =	vld [tilespmem:s16+$0x10AC0]  }
0x2f9: {  	v5 =	vld [tilespmem:s16+$0x10AD0]  }
0x2fa: {  	v6 =	vld [tilespmem:s16+$0x10AA0]  }
0x2fb: {  	v7 =	vld [tilespmem:s16+$0x10AB0]  }
0x2fc: {  	v13 =	vld [tilespmem:s16+$0x10A80]  }
0x2fd: {  	v10 =	vimm.f32 $0.0e+00;
	v14 =	vld [tilespmem:s16+$0x10A90]  }
0x2fe: {  	s17 =	simm.s32 $0x280;
	v9 =	vimm.f32 $0.0e+00;
	v11 =	vimm.f32 $0.0e+00;
	v8 =	vimm.f32 $0.0e+00;
	v12 =	vld [tilespmem:s16+$0x110C0]  }
.LBB2_29:
0x2ff: {  	p0 =	sne.s32 s17, $0x1680;
	v15 =	vld [tilespmem:s16+$0x110D0]  }
0x300: {  	v16 =	vld [tilespmem:s16+$0x110E0]  }
0x301: {  	v17 =	vld [tilespmem:s16+$0x110F0]  }
0x302: {  	v18 =	vld [tilespmem:s16+$0x11100]  }
0x303: {  	v8 =	vadd.f32 v13, v8;
	v11 =	vadd.f32 v14, v11;
	v13 =	vld [tilespmem:s16+$0x11110]  }
0x304: {  	v10 =	vadd.f32 v12, v10;
	v9 =	vadd.f32 v15, v9;
	v12 =	vld [tilespmem:s16+$0x11120]  }
0x305: {  	v6 =	vadd.f32 v6, v8;
	v7 =	vadd.f32 v7, v11;
	v8 =	vld [tilespmem:s16+$0x11130]  }
0x306: {  	v10 =	vadd.f32 v16, v10;
	v9 =	vadd.f32 v17, v9;
	v14 =	vld [tilespmem:s16+$0x11140]  }
0x307: {  	v4 =	vadd.f32 v4, v6;
	v5 =	vadd.f32 v5, v7;
	v6 =	vld [tilespmem:s16+$0x11150];
	s16 =	sshra.s32 s17, $0x2  }
0x308: {  	v10 =	vadd.f32 v18, v10;
	v7 =	vld [tilespmem:s16+$0x10B00];
	v9 =	vadd.f32 v13, v9  }
0x309: {  	v4 =	vadd.f32 v2, v4;
	v5 =	vadd.f32 v3, v5;
	v13 =	vld [tilespmem:s16+$0x10B10]  }
0x30a: {  	v10 =	vadd.f32 v12, v10;
	v2 =	vld [tilespmem:s16+$0x10AE0];
	v9 =	vadd.f32 v8, v9  }
0x30b: {  	v8 =	vadd.f32 v0, v4;
	v11 =	vadd.f32 v1, v5;
	v3 =	vld [tilespmem:s16+$0x10AF0]  }
0x30c: {  	v10 =	vadd.f32 v14, v10;
	v4 =	vld [tilespmem:s16+$0x10AC0];
	v9 =	vadd.f32 v6, v9  }
0x30d: {  	v5 =	vld [tilespmem:s16+$0x10AD0];
	v0 =	vmov v7  }
.Ltmp13:
0x30e: {  	v6 =	vld [tilespmem:s16+$0x10AA0];
	v1 =	vmov v13;
	(pc) =	sbr.rel @p0 .LBB2_29-.Ltmp13, $4  }
0x30f: {  	v7 =	vld [tilespmem:s16+$0x10AB0]  }
0x310: {  	v13 =	vld [tilespmem:s16+$0x10A80]  }
0x311: {  	v14 =	vld [tilespmem:s16+$0x10A90]  }
0x312: {  	s17 =	sadd.s32 $0x280, s17;
	v12 =	vld [tilespmem:s16+$0x110C0]  }
0x313: {  	v15 =	vld [tilespmem:s16+$0x110D0]  }
0x314: {  	v16 =	vld [tilespmem:s16+$0x110E0]  }
0x315: {  	v17 =	vld [tilespmem:s16+$0x110F0];
	v8 =	vadd.f32 v13, v8  }
0x316: {  	v13 =	vld [tilespmem:s16+$0x11100];
	v11 =	vadd.f32 v14, v11  }
0x317: {  	v14 =	vld [tilespmem:s16+$0x11110];
	v10 =	vadd.f32 v12, v10;
	v6 =	vadd.f32 v6, v8  }
0x318: {  	v8 =	vadd.f32 v15, v9;
	v9 =	vld [tilespmem:s16+$0x11120];
	v7 =	vadd.f32 v7, v11  }
0x319: {  	v11 =	vld [tilespmem:s16+$0x11130];
	v10 =	vadd.f32 v16, v10;
	v4 =	vadd.f32 v4, v6  }
0x31a: {  	v6 =	vadd.f32 v17, v8;
	v8 =	vld [tilespmem:s16+$0x11140];
	v5 =	vadd.f32 v5, v7  }
0x31b: {  	v7 =	vld [tilespmem:s16+$0x11150];
	v10 =	vadd.f32 v13, v10;
	v2 =	vadd.f32 v2, v4  }
0x31c: {  	v4 =	vadd.f32 v14, v6;
	v3 =	vadd.f32 v3, v5  }
0x31d: {  	v5 =	vadd.f32 v9, v10;
	v0 =	vadd.f32 v0, v2  }
0x31e: {  	v2 =	vadd.f32 v11, v4;
	v1 =	vadd.f32 v1, v3  }
0x31f: {  	s10 =	sshll.u32 s15, $0x6;
	v3 =	vadd.f32 v8, v5;
	v0 =	vmul.f32 $1.999999960e-02, v0  }
0x320: {  	s10 =	sand.u32 $0x3FFFFFC0, s10;
	v2 =	vadd.f32 v7, v2;
	v1 =	vmul.f32 $1.999999960e-02, v1  }
0x321: {  	[tilespmem:s10+$0x13000] =	vst v0;
	v0 =	vmul.f32 $1.999999960e-02, v3  }
0x322: {  	[tilespmem:s10+$0x13010] =	vst v1;
	v1 =	vmul.f32 $1.999999960e-02, v2  }
0x323: {  	[tilespmem:s10+$0x13020] =	vst v0  }
0x324: {  	s15 =	simm.s32 $0x0;
	[tilespmem:s10+$0x13030] =	vst v1  }
0x325: {  	v0 =	vld [tilespmem:s15+$0x11780]  }
0x326: {  	v1 =	vld [tilespmem:s15+$0x11790]  }
0x327: {  	v2 =	vld [tilespmem:s15+$0x11760]  }
0x328: {  	v3 =	vld [tilespmem:s15+$0x11770]  }
0x329: {  	v4 =	vld [tilespmem:s15+$0x11740]  }
0x32a: {  	v5 =	vld [tilespmem:s15+$0x11750]  }
0x32b: {  	v6 =	vld [tilespmem:s15+$0x11720]  }
0x32c: {  	v7 =	vld [tilespmem:s15+$0x11730]  }
0x32d: {  	v13 =	vld [tilespmem:s15+$0x11700]  }
0x32e: {  	v10 =	vimm.f32 $0.0e+00;
	v14 =	vld [tilespmem:s15+$0x11710]  }
0x32f: {  	s16 =	simm.s32 $0x280;
	v9 =	vimm.f32 $0.0e+00;
	v11 =	vimm.f32 $0.0e+00;
	v8 =	vimm.f32 $0.0e+00;
	v12 =	vld [tilespmem:s15+$0x11D40]  }
.LBB2_31:
0x330: {  	p0 =	sne.s32 s16, $0x1680;
	v15 =	vld [tilespmem:s15+$0x11D50]  }
0x331: {  	v16 =	vld [tilespmem:s15+$0x11D60]  }
0x332: {  	v17 =	vld [tilespmem:s15+$0x11D70]  }
0x333: {  	v18 =	vld [tilespmem:s15+$0x11D80]  }
0x334: {  	v8 =	vadd.f32 v13, v8;
	v11 =	vadd.f32 v14, v11;
	v13 =	vld [tilespmem:s15+$0x11D90]  }
0x335: {  	v10 =	vadd.f32 v12, v10;
	v9 =	vadd.f32 v15, v9;
	v12 =	vld [tilespmem:s15+$0x11DA0]  }
0x336: {  	v6 =	vadd.f32 v6, v8;
	v7 =	vadd.f32 v7, v11;
	v8 =	vld [tilespmem:s15+$0x11DB0]  }
0x337: {  	v10 =	vadd.f32 v16, v10;
	v9 =	vadd.f32 v17, v9;
	v14 =	vld [tilespmem:s15+$0x11DC0]  }
0x338: {  	v4 =	vadd.f32 v4, v6;
	v5 =	vadd.f32 v5, v7;
	v6 =	vld [tilespmem:s15+$0x11DD0];
	s15 =	sshra.s32 s16, $0x2  }
0x339: {  	v10 =	vadd.f32 v18, v10;
	v7 =	vld [tilespmem:s15+$0x11780];
	v9 =	vadd.f32 v13, v9  }
0x33a: {  	v4 =	vadd.f32 v2, v4;
	v5 =	vadd.f32 v3, v5;
	v13 =	vld [tilespmem:s15+$0x11790]  }
0x33b: {  	v10 =	vadd.f32 v12, v10;
	v2 =	vld [tilespmem:s15+$0x11760];
	v9 =	vadd.f32 v8, v9  }
0x33c: {  	v8 =	vadd.f32 v0, v4;
	v11 =	vadd.f32 v1, v5;
	v3 =	vld [tilespmem:s15+$0x11770]  }
0x33d: {  	v10 =	vadd.f32 v14, v10;
	v4 =	vld [tilespmem:s15+$0x11740];
	v9 =	vadd.f32 v6, v9  }
0x33e: {  	v5 =	vld [tilespmem:s15+$0x11750];
	v0 =	vmov v7  }
.Ltmp14:
0x33f: {  	v6 =	vld [tilespmem:s15+$0x11720];
	v1 =	vmov v13;
	(pc) =	sbr.rel @p0 .LBB2_31-.Ltmp14, $4  }
0x340: {  	v7 =	vld [tilespmem:s15+$0x11730]  }
0x341: {  	v13 =	vld [tilespmem:s15+$0x11700]  }
0x342: {  	v14 =	vld [tilespmem:s15+$0x11710]  }
0x343: {  	s16 =	sadd.s32 $0x280, s16;
	v12 =	vld [tilespmem:s15+$0x11D40]  }
0x344: {  	v15 =	vld [tilespmem:s15+$0x11D50]  }
0x345: {  	v16 =	vld [tilespmem:s15+$0x11D60]  }
0x346: {  	v17 =	vld [tilespmem:s15+$0x11D70];
	v8 =	vadd.f32 v13, v8  }
0x347: {  	v13 =	vld [tilespmem:s15+$0x11D80];
	v11 =	vadd.f32 v14, v11  }
0x348: {  	v14 =	vld [tilespmem:s15+$0x11D90];
	v10 =	vadd.f32 v12, v10;
	v6 =	vadd.f32 v6, v8  }
0x349: {  	v8 =	vadd.f32 v15, v9;
	v9 =	vld [tilespmem:s15+$0x11DA0];
	v7 =	vadd.f32 v7, v11  }
0x34a: {  	v11 =	vld [tilespmem:s15+$0x11DB0];
	v10 =	vadd.f32 v16, v10;
	v4 =	vadd.f32 v4, v6  }
0x34b: {  	v6 =	vadd.f32 v17, v8;
	v8 =	vld [tilespmem:s15+$0x11DC0];
	v5 =	vadd.f32 v5, v7  }
0x34c: {  	v7 =	vld [tilespmem:s15+$0x11DD0];
	v10 =	vadd.f32 v13, v10;
	v2 =	vadd.f32 v2, v4  }
0x34d: {  	v4 =	vadd.f32 v14, v6;
	v3 =	vadd.f32 v3, v5  }
0x34e: {  	v5 =	vadd.f32 v9, v10;
	v0 =	vadd.f32 v0, v2  }
0x34f: {  	v2 =	vadd.f32 v11, v4;
	v1 =	vadd.f32 v1, v3  }
0x350: {  	s10 =	sshll.u32 s14, $0x6;
	v3 =	vadd.f32 v8, v5;
	v0 =	vmul.f32 $1.999999960e-02, v0  }
0x351: {  	s10 =	sand.u32 $0x3FFFFFC0, s10;
	v2 =	vadd.f32 v7, v2;
	v1 =	vmul.f32 $1.999999960e-02, v1  }
0x352: {  	[tilespmem:s10+$0x13000] =	vst v0;
	v0 =	vmul.f32 $1.999999960e-02, v3  }
0x353: {  	[tilespmem:s10+$0x13010] =	vst v1;
	v1 =	vmul.f32 $1.999999960e-02, v2  }
0x354: {  	[tilespmem:s10+$0x13020] =	vst v0  }
0x355: {  	s14 =	simm.s32 $0x0;
	[tilespmem:s10+$0x13030] =	vst v1  }
0x356: {  	v0 =	vld [tilespmem:s14+$0x12400]  }
0x357: {  	v1 =	vld [tilespmem:s14+$0x12410]  }
0x358: {  	v2 =	vld [tilespmem:s14+$0x123E0]  }
0x359: {  	v3 =	vld [tilespmem:s14+$0x123F0]  }
0x35a: {  	v4 =	vld [tilespmem:s14+$0x123C0]  }
0x35b: {  	v5 =	vld [tilespmem:s14+$0x123D0]  }
0x35c: {  	v6 =	vld [tilespmem:s14+$0x123A0]  }
0x35d: {  	v7 =	vld [tilespmem:s14+$0x123B0]  }
0x35e: {  	v13 =	vld [tilespmem:s14+$0x12380]  }
0x35f: {  	v10 =	vimm.f32 $0.0e+00;
	v14 =	vld [tilespmem:s14+$0x12390]  }
0x360: {  	s15 =	simm.s32 $0x280;
	v9 =	vimm.f32 $0.0e+00;
	v11 =	vimm.f32 $0.0e+00;
	v8 =	vimm.f32 $0.0e+00;
	v12 =	vld [tilespmem:s14+$0x129C0]  }
.LBB2_33:
0x361: {  	p0 =	sne.s32 s15, $0x1680;
	v15 =	vld [tilespmem:s14+$0x129D0]  }
0x362: {  	v16 =	vld [tilespmem:s14+$0x129E0]  }
0x363: {  	v17 =	vld [tilespmem:s14+$0x129F0]  }
0x364: {  	v18 =	vld [tilespmem:s14+$0x12A00]  }
0x365: {  	v8 =	vadd.f32 v13, v8;
	v11 =	vadd.f32 v14, v11;
	v13 =	vld [tilespmem:s14+$0x12A10]  }
0x366: {  	v10 =	vadd.f32 v12, v10;
	v9 =	vadd.f32 v15, v9;
	v12 =	vld [tilespmem:s14+$0x12A20]  }
0x367: {  	v6 =	vadd.f32 v6, v8;
	v7 =	vadd.f32 v7, v11;
	v8 =	vld [tilespmem:s14+$0x12A30]  }
0x368: {  	v10 =	vadd.f32 v16, v10;
	v9 =	vadd.f32 v17, v9;
	v14 =	vld [tilespmem:s14+$0x12A40]  }
0x369: {  	v4 =	vadd.f32 v4, v6;
	v5 =	vadd.f32 v5, v7;
	v6 =	vld [tilespmem:s14+$0x12A50];
	s14 =	sshra.s32 s15, $0x2  }
0x36a: {  	v10 =	vadd.f32 v18, v10;
	v7 =	vld [tilespmem:s14+$0x12400];
	v9 =	vadd.f32 v13, v9  }
0x36b: {  	v4 =	vadd.f32 v2, v4;
	v5 =	vadd.f32 v3, v5;
	v13 =	vld [tilespmem:s14+$0x12410]  }
0x36c: {  	v10 =	vadd.f32 v12, v10;
	v2 =	vld [tilespmem:s14+$0x123E0];
	v9 =	vadd.f32 v8, v9  }
0x36d: {  	v8 =	vadd.f32 v0, v4;
	v11 =	vadd.f32 v1, v5;
	v3 =	vld [tilespmem:s14+$0x123F0]  }
0x36e: {  	v10 =	vadd.f32 v14, v10;
	v4 =	vld [tilespmem:s14+$0x123C0];
	v9 =	vadd.f32 v6, v9  }
0x36f: {  	v5 =	vld [tilespmem:s14+$0x123D0];
	v0 =	vmov v7  }
.Ltmp15:
0x370: {  	v6 =	vld [tilespmem:s14+$0x123A0];
	v1 =	vmov v13;
	(pc) =	sbr.rel @p0 .LBB2_33-.Ltmp15, $4  }
0x371: {  	v7 =	vld [tilespmem:s14+$0x123B0]  }
0x372: {  	v13 =	vld [tilespmem:s14+$0x12380]  }
0x373: {  	v14 =	vld [tilespmem:s14+$0x12390]  }
0x374: {  	s15 =	sadd.s32 $0x280, s15;
	v12 =	vld [tilespmem:s14+$0x129C0]  }
0x375: {  	v15 =	vld [tilespmem:s14+$0x129D0]  }
0x376: {  	v16 =	vld [tilespmem:s14+$0x129E0]  }
0x377: {  	v17 =	vld [tilespmem:s14+$0x129F0];
	v8 =	vadd.f32 v13, v8  }
0x378: {  	v50 =	vld [tilespmem:s14+$0x12A00];
	v11 =	vadd.f32 v14, v11  }
0x379: {  	v51 =	vld [tilespmem:s14+$0x12A10];
	v10 =	vadd.f32 v12, v10;
	v6 =	vadd.f32 v6, v8  }
0x37a: {  	v53 =	vld [tilespmem:s14+$0x12A20];
	v52 =	vadd.f32 v15, v9;
	v7 =	vadd.f32 v7, v11  }
0x37b: {  	v54 =	vld [tilespmem:s14+$0x12A30];
	v10 =	vadd.f32 v16, v10;
	v4 =	vadd.f32 v4, v6  }
0x37c: {  	v56 =	vld [tilespmem:s14+$0x12A40];
	v55 =	vadd.f32 v17, v52;
	v5 =	vadd.f32 v5, v7  }
0x37d: {  	v57 =	vld [tilespmem:s14+$0x12A50];
	v10 =	vadd.f32 v50, v10;
	v2 =	vadd.f32 v2, v4  }
0x37e: {  	v58 =	vadd.f32 v51, v55;
	v3 =	vadd.f32 v3, v5  }
0x37f: {  	v59 =	vadd.f32 v53, v10;
	v0 =	vadd.f32 v0, v2  }
0x380: {  	s12 =	sadd.s32 $0x1, s12;
	v60 =	vadd.f32 v54, v58;
	v1 =	vadd.f32 v1, v3  }
0x381: {  	s10 =	sshll.u32 s13, $0x6;
	p0 =	sne.s32 s12, $0x10;
	v61 =	vadd.f32 v56, v59;
	v0 =	vmul.f32 $1.999999960e-02, v0  }
.Ltmp16:
0x382: {  	s10 =	sand.u32 $0x3FFFFFC0, s10;
	v2 =	vadd.f32 v57, v60;
	v1 =	vmul.f32 $1.999999960e-02, v1;
	(pc) =	sbr.rel @p0 .LBB2_2-.Ltmp16, $4  }
0x383: {  	[tilespmem:s10+$0x13000] =	vst v0;
	v62 =	vmul.f32 $1.999999960e-02, v61  }
0x384: {  	[tilespmem:s10+$0x13010] =	vst v1;
	v63 =	vmul.f32 $1.999999960e-02, v2  }
0x385: {  	[tilespmem:s10+$0x13020] =	vst v62  }
0x386: {  	[tilespmem:s10+$0x13030] =	vst v63  }
0x387: {  	s11 =	sadd.s32 $0x1, s11  }
0x388: {  	p0 =	sne.s32 s11, s6  }
.Ltmp17:
0x389: {  	s10 =	simm.s32 $0x13000;
	(pc) =	sbr.rel @p0 .LBB2_1-.Ltmp17, $4  }
0x38a: {  	[hbm4b:s5+s2] =	stream.linear.scatter [tilespmem:s10], [sflag:$0x3], $0x4000, $0x38;
	[tilespmem:$0x17000] =	vst v63  }
0x38b: {  	_ =	swait.ge [sflag:s7], $0x4000  }
0x38c: {  	[sflag:s7] =	ssyncset.done $0x0  }
0x38d: {  	[sflag:s7] =	ssyncadd.s32 $0xFFFFC000  }
0x38e: {  	_ =	sfence.sel $0x180000  }
0x38f: {  	[bflag:$0x0] =	sbarrier.arrive $0xFFFF  }
0x390: {  	_ =	strace $0x90000047  }
0x391: {  	s0 =	stileid.u32;
	[bflag:$0x2] =	sbarrier.arrive $0xFFFF  }
0x392: {  	p0 =	sne.s32 s0, $0x0;
	s0 =	rddreg [dreg:$0x1]  }
0x393: {  	s0 =	sadd.s32 @!p0 $0x100000, s0  }
0x394: {  	[sflag:s0] =	ssyncadd.tile.s32 @!p0 $0x1;
	_ =	shalt  }
.Lfunc_end2:
_tile_overlayer_lowered:
.L_overlay_start_2:
0x395: {  	(tag) =	ssettag $0x2  }
0x396: {  	s0 =	rddreg [dreg:$0x0];
	s2 =	stileid.u32  }
0x397: {  	s1 =	rddreg [dreg:$0x1];
	p0 =	sne.s32 s2, $0x0  }
0x398: {  	s3 =	rddreg [dreg:$0x2];
	[bflag:$0x3] =	sbarrier.arrive $0xFFFF;
	s2 =	simm.s32 @!p0 $0x1C03  }
0x399: {  	[timem:s3], [sflag:s2] =	dma.local @!p0 [hbm:s0], s1  }
0x39a: {  	s0 =	simm.s32 @!p0 $0x3  }
0x39b: {  	_ =	swait.ge @!p0 [sflag:s0], s1  }
0x39c: {  	s1 =	ssub.s32 @!p0 $0x0, s1;
	[sflag:s0] =	ssyncset.done @!p0 $0x0  }
0x39d: {  	[sflag:s0] =	ssyncadd.s32 @!p0 s1  }
0x39e: {  	[bflag:$0x3] =	sbarrier.arrive $0xFFFF  }
0x39f: {  	_ =	shalt  }

</sc_bundles>
